<compile_context>
chip_gen: v7x
topology: tpu7x:2x2x1
jax: 0.10.2.dev20260603
libtpu: 0.0.44.dev20260713+nightly
codegen_flags: <defaults>
</compile_context>

<pallas_src>
import functools

import jax
import jax.numpy as jnp
from jax import lax
from jax.experimental import pallas as pl
from jax.experimental.pallas import tpu as pltpu
from jax.experimental.pallas import tpu_sc as plsc

N = 65536
C = 80
TOTAL = N * C
L = 16

R_SC = 8192
R_TC = N - R_SC
NW = 32
CK = R_SC // NW
NV = CK // L

SUBC = 512

_LOG1P_C = (1.6936626598407223e-06, 0.9998325947816316, -0.49720333122019134,
            0.31504127990864345, -0.18901954822291905, 0.08152317761736225,
            -0.017029610589052675)


def _log1p01(u):
    p = jnp.float32(_LOG1P_C[6])
    for c in _LOG1P_C[5::-1]:
        p = p * u + jnp.float32(c)
    return p


def _pow15_sc(a):
    i = lax.bitcast_convert_type(a, jnp.int32)
    y = lax.bitcast_convert_type(
        jnp.int32(0x5F3759DF) - lax.shift_right_arithmetic(i, 1), jnp.float32)
    y = y * (1.5 - 0.5 * a * y * y)
    y = y * (1.5 - 0.5 * a * y * y)
    return a * a * y


def _loss_tc(x, pos, sc):
    ax = jnp.abs(x)
    u = jnp.exp(-ax)
    d = 1.0 / (1.0 + u)
    sp = jnp.maximum(x, 0.0) + jnp.log1p(u)
    s = jnp.where(x >= 0.0, d, 1.0 - d)
    scm = jnp.where(pos, sc, 0.0)
    a = jnp.where(pos, jnp.abs(sc - s), s)
    return (sp - x * scm) * (a * lax.sqrt(a))


def _loss_sc(x, pos, sc):
    ax = jnp.abs(x)
    u = jnp.exp(-ax)
    d = 1.0 / (1.0 + u)
    sp = jnp.maximum(x, 0.0) + _log1p01(u)
    s = jnp.where(x >= 0.0, d, 1.0 - d)
    scm = jnp.where(pos, sc, 0.0)
    a = jnp.where(pos, jnp.abs(sc - s), s)
    return (sp - x * scm) * _pow15_sc(a)



def _sc_body(pred_h, lab_h, scb_h, out_h, pb, lb, sc_v, acc_v, sem, sem2):
    wid = lax.axis_index("s") * 2 + lax.axis_index("c")
    col0 = wid * CK

    pltpu.sync_copy(scb_h, sc_v)
    cp_p = pltpu.async_copy(pred_h.at[:, pl.ds(col0, CK)], pb, sem)
    cp_l = pltpu.async_copy(lab_h.at[:, pl.ds(col0, CK)], lb, sem2)
    cp_p.wait()
    cp_l.wait()

    def cls(c, acc):
        sc = sc_v[c, :]

        def vec(k, acc):
            for kk in range(4):
                x = pb[c, pl.ds((k * 4 + kk) * L, L)]
                lv = lb[c, pl.ds((k * 4 + kk) * L, L)]
                acc = acc + _loss_sc(x, lv > 0, sc)
            return acc

        return lax.fori_loop(0, NV // 4, vec, acc)

    acc = lax.fori_loop(0, C, cls, jnp.zeros((L,), jnp.float32))

    acc_v[...] = acc
    pltpu.sync_copy(acc_v, out_h.at[pl.ds(wid * L, L)])


def _sc_call(pred_sc, lab_sc, score_b):
    mesh = plsc.VectorSubcoreMesh(core_axis_name="c", subcore_axis_name="s")
    f = functools.partial(
        pl.kernel,
        mesh=mesh,
        out_type=jax.ShapeDtypeStruct((NW * L,), jnp.float32),
        scratch_types=[
            pltpu.VMEM((C, CK), jnp.float32),
            pltpu.VMEM((C, CK), jnp.int32),
            pltpu.VMEM((C, L), jnp.float32),
            pltpu.VMEM((L,), jnp.float32),
            pltpu.SemaphoreType.DMA,
            pltpu.SemaphoreType.DMA,
        ],
    )(_sc_body)
    return f(pred_sc, lab_sc, score_b)



def _tc_body(score_ref, pred_ref, lab_ref, out_ref):
    sc = score_ref[...]
    acc = jnp.zeros((8, SUBC), jnp.float32)
    for k in range(R_TC // SUBC):
        x = pred_ref[:, pl.ds(k * SUBC, SUBC)]
        pos = lab_ref[:, pl.ds(k * SUBC, SUBC)] > 0
        acc = acc + _loss_tc(x, pos, sc)

    @pl.when(pl.program_id(0) == 0)
    def _():
        out_ref[0, 0] = 0.0

    out_ref[0, 0] += jnp.sum(acc)


def _tc_call(predT, labT, score):
    return pl.pallas_call(
        _tc_body,
        grid=(C // 8,),
        in_specs=[
            pl.BlockSpec((8, 1), lambda i: (i, 0)),
            pl.BlockSpec((8, R_TC), lambda i: (i, 0)),
            pl.BlockSpec((8, R_TC), lambda i: (i, 0)),
        ],
        out_specs=pl.BlockSpec((1, 1), lambda i: (0, 0),
                               memory_space=pltpu.SMEM),
        out_shape=jax.ShapeDtypeStruct((1, 1), jnp.float32),
    )(score.reshape(C, 1), predT, labT)


@jax.jit
def kernel(pred, label, score):
    predT = pred.T
    labT = label.T
    score_b = jnp.tile(score.reshape(C, 1), (1, L))
    sc_part = _sc_call(predT[:, R_TC:], labT[:, R_TC:], score_b)
    tc_part = _tc_call(predT, labT, score)
    return (jnp.sum(tc_part) + jnp.sum(sc_part)) / jnp.float32(TOTAL)

# --- scband reference (transcript-rebuilt; emitter-appended) ---
"""Pipeline reference for scband-qfocal-loss-t-18305150616382 (READ-ONLY COPY).

The authoritative reference and input builder live on the scoring server;
editing this copy changes nothing except your own understanding.
"""

import jax, jax.numpy as jnp
import numpy as np

GAMMA = 1.5

def _bce_with_logits(logits, targets):
    # numerically stable binary_cross_entropy_with_logits, reduction='none'
    return jnp.maximum(logits, 0.0) - logits * targets + jnp.log1p(jnp.exp(-jnp.abs(logits)))

def setup_inputs(seed: int = 0) -> dict:
    key = jax.random.key(seed)
    k1, k2, k3 = jax.random.split(key, 3)
    pred = jax.random.normal(k1, (65536, 80), dtype=jnp.float32)
    label = jax.random.randint(k2, (65536, 80), 0, 2, dtype=jnp.int32)
    score = jax.random.uniform(k3, (80,), dtype=jnp.float32)
    return {"pred": pred, "label": label, "score": score}

def reference(pred, label, score):
    # QFocalLoss: quality focal loss over [N, C] logits.
    pred_sigmoid = jax.nn.sigmoid(pred)
    zerolabel = jnp.zeros_like(pred)
    # negative branch: BCE against zero label, modulated by sigmoid(pred)^gamma
    loss = _bce_with_logits(pred, zerolabel) * jnp.power(pred_sigmoid, GAMMA)
    # positive branch: at positions where label > 0, overwrite with
    # BCE(pred[i,j], score[j]) * |score[j] - sigmoid(pred[i,j])|^gamma
    score_b = jnp.broadcast_to(score[None, :], pred.shape)
    scale = score_b - pred_sigmoid
    pos_loss = _bce_with_logits(pred, score_b) * jnp.power(jnp.abs(scale), GAMMA)
    mask = label > 0
    loss = jnp.where(mask, pos_loss, loss)
    n = pred.shape[0] * pred.shape[1]
    loss = jnp.sum(loss, axis=1)
    loss = jnp.sum(loss, axis=0) / n
    return loss

if __name__ == "__main__":
    import jax
    _d = setup_inputs()
    print(jax.jit(kernel)(*tuple(_d.values())))

</pallas_src>

<mosaic_0001>
#map = affine_map<(d0, d1) -> (0, 0)>
#map1 = affine_map<(d0, d1) -> (0)>
module attributes {stable_mosaic.version = 14 : i64} {
  func.func @_sc_body(%arg0: i32, %arg1: i32, %arg2: memref<80x8192xf32, #tpu.memory_space<hbm>>, %arg3: memref<80x8192xi32, #tpu.memory_space<hbm>>, %arg4: memref<80x16xf32, #tpu.memory_space<hbm>>, %arg5: memref<512xf32, #tpu.memory_space<hbm>>, %arg6: memref<80x256xf32, #tpu.memory_space<vmem>>, %arg7: memref<80x256xi32, #tpu.memory_space<vmem>>, %arg8: memref<80x16xf32, #tpu.memory_space<vmem>>, %arg9: memref<16xf32, #tpu.memory_space<vmem>>, %arg10: memref<!tpu.dma_semaphore, #tpu.memory_space<semaphore_mem>>, %arg11: memref<!tpu.dma_semaphore, #tpu.memory_space<semaphore_mem>>) attributes {dimension_semantics = [#tpu.dimension_semantics<core_parallel>, #tpu.dimension_semantics<subcore_parallel>], iteration_bounds = array<i64: 2, 16>, scalar_prefetch = 0 : i64, scratch_operands = 6 : i64, tpu.core_type = #tpu.core_type<sc_vector_subcore>, window_params = [{transform_indices = #map}, {transform_indices = #map}, {transform_indices = #map}, {transform_indices = #map1}]} {
    %mul3A = arith.constant 2 : i32
    %mul3A_0 = arith.muli %arg1, %mul3A : i32
    %add3A = arith.addi %mul3A_0, %arg0 : i32
    %mul3A_1 = arith.constant 256 : i32
    %mul3A_2 = arith.muli %add3A, %mul3A_1 : i32
    "tpu.region"() ({
      %run_scoped3A = tpu.sem_alloc : memref<!tpu.dma_semaphore, #tpu.memory_space<semaphore_mem>>
      tpu.enqueue_dma source(%arg4 : memref<80x16xf32, #tpu.memory_space<hbm>>) target(%arg8 : memref<80x16xf32, #tpu.memory_space<vmem>>) target_semaphore(%run_scoped3A : memref<!tpu.dma_semaphore, #tpu.memory_space<semaphore_mem>>)
      tpu.wait_dma2 semaphore(%run_scoped3A : memref<!tpu.dma_semaphore, #tpu.memory_space<semaphore_mem>>) src(%arg4 : memref<80x16xf32, #tpu.memory_space<hbm>>) dst(%arg8 : memref<80x16xf32, #tpu.memory_space<vmem>>)
      tpu.yield
    }) : () -> ()
    %dma_start3A = arith.constant 0 : i32
    %dma_start3A_3 = tpu.memref_slice %arg2[%dma_start3A, %mul3A_2] : memref<80x8192xf32, #tpu.memory_space<hbm>> -> memref<80x256xf32, #tpu.memory_space<hbm>>
    %dma_start3A_4 = arith.constant 0 : i32
    %dma_start3A_5 = tpu.memref_slice %arg2[%dma_start3A_4, %mul3A_2] : memref<80x8192xf32, #tpu.memory_space<hbm>> -> memref<80x256xf32, #tpu.memory_space<hbm>>
    tpu.enqueue_dma source(%dma_start3A_5 : memref<80x256xf32, #tpu.memory_space<hbm>>) target(%arg6 : memref<80x256xf32, #tpu.memory_space<vmem>>) target_semaphore(%arg10 : memref<!tpu.dma_semaphore, #tpu.memory_space<semaphore_mem>>)
    %dma_start3A_6 = arith.constant 0 : i32
    %dma_start3A_7 = tpu.memref_slice %arg3[%dma_start3A_6, %mul3A_2] : memref<80x8192xi32, #tpu.memory_space<hbm>> -> memref<80x256xi32, #tpu.memory_space<hbm>>
    %dma_start3A_8 = arith.constant 0 : i32
    %dma_start3A_9 = tpu.memref_slice %arg3[%dma_start3A_8, %mul3A_2] : memref<80x8192xi32, #tpu.memory_space<hbm>> -> memref<80x256xi32, #tpu.memory_space<hbm>>
    tpu.enqueue_dma source(%dma_start3A_9 : memref<80x256xi32, #tpu.memory_space<hbm>>) target(%arg7 : memref<80x256xi32, #tpu.memory_space<vmem>>) target_semaphore(%arg11 : memref<!tpu.dma_semaphore, #tpu.memory_space<semaphore_mem>>)
    %dma_wait3A = arith.constant 0 : i32
    %dma_wait3A_10 = tpu.memref_slice %arg2[%dma_wait3A, %mul3A_2] : memref<80x8192xf32, #tpu.memory_space<hbm>> -> memref<80x256xf32, #tpu.memory_space<hbm>>
    %dma_wait3A_11 = arith.constant 0 : i32
    %dma_wait3A_12 = tpu.memref_slice %arg2[%dma_wait3A_11, %mul3A_2] : memref<80x8192xf32, #tpu.memory_space<hbm>> -> memref<80x256xf32, #tpu.memory_space<hbm>>
    tpu.wait_dma2 semaphore(%arg10 : memref<!tpu.dma_semaphore, #tpu.memory_space<semaphore_mem>>) src(%dma_wait3A_12 : memref<80x256xf32, #tpu.memory_space<hbm>>) dst(%arg6 : memref<80x256xf32, #tpu.memory_space<vmem>>)
    %dma_wait3A_13 = arith.constant 0 : i32
    %dma_wait3A_14 = tpu.memref_slice %arg3[%dma_wait3A_13, %mul3A_2] : memref<80x8192xi32, #tpu.memory_space<hbm>> -> memref<80x256xi32, #tpu.memory_space<hbm>>
    %dma_wait3A_15 = arith.constant 0 : i32
    %dma_wait3A_16 = tpu.memref_slice %arg3[%dma_wait3A_15, %mul3A_2] : memref<80x8192xi32, #tpu.memory_space<hbm>> -> memref<80x256xi32, #tpu.memory_space<hbm>>
    tpu.wait_dma2 semaphore(%arg11 : memref<!tpu.dma_semaphore, #tpu.memory_space<semaphore_mem>>) src(%dma_wait3A_16 : memref<80x256xi32, #tpu.memory_space<hbm>>) dst(%arg7 : memref<80x256xi32, #tpu.memory_space<vmem>>)
    %broadcast_in_dim3A = arith.constant 0.000000e+00 : f32
    %broadcast_in_dim3A_17 = vector.broadcast %broadcast_in_dim3A : f32 to vector<16xf32>
    %scan3A = arith.constant 0 : i32
    %scan3A_18 = arith.constant 80 : i32
    %scan3A_19 = arith.addi %scan3A, %scan3A_18 : i32
    %scan3A_20 = arith.constant 1 : i32
    %scan3A_21 = scf.for %scan3A_28 = %scan3A to %scan3A_19 step %scan3A_20 iter_args(%scan3A_29 = %broadcast_in_dim3A_17) -> (vector<16xf32>)  : i32 {
      %get3A = arith.index_cast %scan3A_28 : i32 to index
      %get3A_30 = arith.constant 0 : index
      %get3A_31 = tpu.vector_load %arg8[%get3A, %get3A_30] {strides = array<i32>} : memref<80x16xf32, #tpu.memory_space<vmem>>, vector<1x16xf32>,
      %get3A_32 = vector.shape_cast %get3A_31 : vector<1x16xf32> to vector<16xf32>
      %scan3A_33 = arith.constant 0 : i32
      %scan3A_34 = arith.constant 4 : i32
      %scan3A_35 = arith.addi %scan3A_33, %scan3A_34 : i32
      %scan3A_36 = arith.constant 1 : i32
      %scan3A_37 = scf.for %scan3A_39 = %scan3A_33 to %scan3A_35 step %scan3A_36 iter_args(%scan3A_40 = %scan3A_29) -> (vector<16xf32>)  : i32 {
        %mul3A_41 = arith.constant 4 : i32
        %mul3A_42 = arith.muli %scan3A_39, %mul3A_41 : i32
        %add3A_43 = arith.constant 0 : i32
        %add3A_44 = arith.addi %mul3A_42, %add3A_43 : i32
        %mul3A_45 = arith.constant 16 : i32
        %mul3A_46 = arith.muli %add3A_44, %mul3A_45 : i32
        %get3A_47 = arith.index_cast %scan3A_28 : i32 to index
        %get3A_48 = arith.index_cast %mul3A_46 : i32 to index
        %get3A_49 = tpu.vector_load %arg6[%get3A_47, %get3A_48] {strides = array<i32>} : memref<80x256xf32, #tpu.memory_space<vmem>>, vector<1x16xf32>,
        %get3A_50 = vector.shape_cast %get3A_49 : vector<1x16xf32> to vector<16xf32>
        %mul3A_51 = arith.constant 4 : i32
        %mul3A_52 = arith.muli %scan3A_39, %mul3A_51 : i32
        %add3A_53 = arith.constant 0 : i32
        %add3A_54 = arith.addi %mul3A_52, %add3A_53 : i32
        %mul3A_55 = arith.constant 16 : i32
        %mul3A_56 = arith.muli %add3A_54, %mul3A_55 : i32
        %get3A_57 = arith.index_cast %scan3A_28 : i32 to index
        %get3A_58 = arith.index_cast %mul3A_56 : i32 to index
        %get3A_59 = tpu.vector_load %arg7[%get3A_57, %get3A_58] {strides = array<i32>} : memref<80x256xi32, #tpu.memory_space<vmem>>, vector<1x16xi32>,
        %get3A_60 = vector.shape_cast %get3A_59 : vector<1x16xi32> to vector<16xi32>
        %gt3A = arith.constant 0 : i32
        %gt3A_61 = vector.broadcast %gt3A : i32 to vector<16xi32>
        %gt3A_62 = arith.cmpi sgt, %get3A_60, %gt3A_61 : vector<16xi32>
        %abs3A = math.absf %get3A_50 : vector<16xf32>
        %neg3A = arith.constant 0.000000e+00 : f32
        %neg3A_63 = vector.broadcast %neg3A : f32 to vector<16xf32>
        %neg3A_64 = arith.subf %neg3A_63, %abs3A : vector<16xf32>
        %exp3A = math.exp %neg3A_64 : vector<16xf32>
        %add3A_65 = arith.constant 1.000000e+00 : f32
        %add3A_66 = vector.broadcast %add3A_65 : f32 to vector<16xf32>
        %add3A_67 = arith.addf %add3A_66, %exp3A : vector<16xf32>
        %div3A = arith.constant 1.000000e+00 : f32
        %div3A_68 = vector.broadcast %div3A : f32 to vector<16xf32>
        %div3A_69 = arith.divf %div3A_68, %add3A_67 : vector<16xf32>
        %max3A = arith.constant 0.000000e+00 : f32
        %max3A_70 = vector.broadcast %max3A : f32 to vector<16xf32>
        %max3A_71 = arith.maximumf %get3A_50, %max3A_70 : vector<16xf32>
        %mul3A_72 = arith.constant -0.0170296114 : f32
        %mul3A_73 = vector.broadcast %mul3A_72 : f32 to vector<16xf32>
        %mul3A_74 = arith.mulf %mul3A_73, %exp3A : vector<16xf32>
        %add3A_75 = arith.constant 0.08152318 : f32
        %add3A_76 = vector.broadcast %add3A_75 : f32 to vector<16xf32>
        %add3A_77 = arith.addf %mul3A_74, %add3A_76 : vector<16xf32>
        %mul3A_78 = arith.mulf %add3A_77, %exp3A : vector<16xf32>
        %add3A_79 = arith.constant -0.189019546 : f32
        %add3A_80 = vector.broadcast %add3A_79 : f32 to vector<16xf32>
        %add3A_81 = arith.addf %mul3A_78, %add3A_80 : vector<16xf32>
        %mul3A_82 = arith.mulf %add3A_81, %exp3A : vector<16xf32>
        %add3A_83 = arith.constant 0.315041274 : f32
        %add3A_84 = vector.broadcast %add3A_83 : f32 to vector<16xf32>
        %add3A_85 = arith.addf %mul3A_82, %add3A_84 : vector<16xf32>
        %mul3A_86 = arith.mulf %add3A_85, %exp3A : vector<16xf32>
        %add3A_87 = arith.constant -0.49720332 : f32
        %add3A_88 = vector.broadcast %add3A_87 : f32 to vector<16xf32>
        %add3A_89 = arith.addf %mul3A_86, %add3A_88 : vector<16xf32>
        %mul3A_90 = arith.mulf %add3A_89, %exp3A : vector<16xf32>
        %add3A_91 = arith.constant 0.99983257 : f32
        %add3A_92 = vector.broadcast %add3A_91 : f32 to vector<16xf32>
        %add3A_93 = arith.addf %mul3A_90, %add3A_92 : vector<16xf32>
        %mul3A_94 = arith.mulf %add3A_93, %exp3A : vector<16xf32>
        %add3A_95 = arith.constant 1.69366263E-6 : f32
        %add3A_96 = vector.broadcast %add3A_95 : f32 to vector<16xf32>
        %add3A_97 = arith.addf %mul3A_94, %add3A_96 : vector<16xf32>
        %add3A_98 = arith.addf %max3A_71, %add3A_97 : vector<16xf32>
        %ge3A = arith.constant 0.000000e+00 : f32
        %ge3A_99 = vector.broadcast %ge3A : f32 to vector<16xf32>
        %ge3A_100 = arith.cmpf oge, %get3A_50, %ge3A_99 : vector<16xf32>
        %sub3A = arith.constant 1.000000e+00 : f32
        %sub3A_101 = vector.broadcast %sub3A : f32 to vector<16xf32>
        %sub3A_102 = arith.subf %sub3A_101, %div3A_69 : vector<16xf32>
        %select_n3A = arith.select %ge3A_100, %div3A_69, %sub3A_102 : vector<16xi1>, vector<16xf32>
        %jit3A = arith.constant 0.000000e+00 : f32
        %broadcast_in_dim3A_103 = vector.broadcast %jit3A : f32 to vector<16xf32>
        %select_n3A_104 = arith.select %gt3A_62, %get3A_32, %broadcast_in_dim3A_103 : vector<16xi1>, vector<16xf32>
        %sub3A_105 = arith.subf %get3A_32, %select_n3A : vector<16xf32>
        %abs3A_106 = math.absf %sub3A_105 : vector<16xf32>
        %select_n3A_107 = arith.select %gt3A_62, %abs3A_106, %select_n3A : vector<16xi1>, vector<16xf32>
        %mul3A_108 = arith.mulf %get3A_50, %select_n3A_104 : vector<16xf32>
        %sub3A_109 = arith.subf %add3A_98, %mul3A_108 : vector<16xf32>
        %bitcast_convert_type3A = tpu.bitcast %select_n3A_107 : vector<16xf32> -> vector<16xi32>
        %shift_right_arithmetic3A = arith.constant 1 : i32
        %shift_right_arithmetic3A_110 = vector.broadcast %shift_right_arithmetic3A : i32 to vector<16xi32>
        %shift_right_arithmetic3A_111 = arith.shrsi %bitcast_convert_type3A, %shift_right_arithmetic3A_110 : vector<16xi32>
        %sub3A_112 = arith.constant 1597463007 : i32
        %sub3A_113 = vector.broadcast %sub3A_112 : i32 to vector<16xi32>
        %sub3A_114 = arith.subi %sub3A_113, %shift_right_arithmetic3A_111 : vector<16xi32>
        %bitcast_convert_type3A_115 = tpu.bitcast %sub3A_114 : vector<16xi32> -> vector<16xf32>
        %mul3A_116 = arith.constant 5.000000e-01 : f32
        %mul3A_117 = vector.broadcast %mul3A_116 : f32 to vector<16xf32>
        %mul3A_118 = arith.mulf %mul3A_117, %select_n3A_107 : vector<16xf32>
        %mul3A_119 = arith.mulf %mul3A_118, %bitcast_convert_type3A_115 : vector<16xf32>
        %mul3A_120 = arith.mulf %mul3A_119, %bitcast_convert_type3A_115 : vector<16xf32>
        %sub3A_121 = arith.constant 1.500000e+00 : f32
        %sub3A_122 = vector.broadcast %sub3A_121 : f32 to vector<16xf32>
        %sub3A_123 = arith.subf %sub3A_122, %mul3A_120 : vector<16xf32>
        %mul3A_124 = arith.mulf %bitcast_convert_type3A_115, %sub3A_123 : vector<16xf32>
        %mul3A_125 = arith.constant 5.000000e-01 : f32
        %mul3A_126 = vector.broadcast %mul3A_125 : f32 to vector<16xf32>
        %mul3A_127 = arith.mulf %mul3A_126, %select_n3A_107 : vector<16xf32>
        %mul3A_128 = arith.mulf %mul3A_127, %mul3A_124 : vector<16xf32>
        %mul3A_129 = arith.mulf %mul3A_128, %mul3A_124 : vector<16xf32>
        %sub3A_130 = arith.constant 1.500000e+00 : f32
        %sub3A_131 = vector.broadcast %sub3A_130 : f32 to vector<16xf32>
        %sub3A_132 = arith.subf %sub3A_131, %mul3A_129 : vector<16xf32>
        %mul3A_133 = arith.mulf %mul3A_124, %sub3A_132 : vector<16xf32>
        %mul3A_134 = arith.mulf %select_n3A_107, %select_n3A_107 : vector<16xf32>
        %mul3A_135 = arith.mulf %mul3A_134, %mul3A_133 : vector<16xf32>
        %mul3A_136 = arith.mulf %sub3A_109, %mul3A_135 : vector<16xf32>
        %add3A_137 = arith.addf %scan3A_40, %mul3A_136 : vector<16xf32>
        %mul3A_138 = arith.constant 4 : i32
        %mul3A_139 = arith.muli %scan3A_39, %mul3A_138 : i32
        %add3A_140 = arith.constant 1 : i32
        %add3A_141 = arith.addi %mul3A_139, %add3A_140 : i32
        %mul3A_142 = arith.constant 16 : i32
        %mul3A_143 = arith.muli %add3A_141, %mul3A_142 : i32
        %get3A_144 = arith.index_cast %scan3A_28 : i32 to index
        %get3A_145 = arith.index_cast %mul3A_143 : i32 to index
        %get3A_146 = tpu.vector_load %arg6[%get3A_144, %get3A_145] {strides = array<i32>} : memref<80x256xf32, #tpu.memory_space<vmem>>, vector<1x16xf32>,
        %get3A_147 = vector.shape_cast %get3A_146 : vector<1x16xf32> to vector<16xf32>
        %mul3A_148 = arith.constant 4 : i32
        %mul3A_149 = arith.muli %scan3A_39, %mul3A_148 : i32
        %add3A_150 = arith.constant 1 : i32
        %add3A_151 = arith.addi %mul3A_149, %add3A_150 : i32
        %mul3A_152 = arith.constant 16 : i32
        %mul3A_153 = arith.muli %add3A_151, %mul3A_152 : i32
        %get3A_154 = arith.index_cast %scan3A_28 : i32 to index
        %get3A_155 = arith.index_cast %mul3A_153 : i32 to index
        %get3A_156 = tpu.vector_load %arg7[%get3A_154, %get3A_155] {strides = array<i32>} : memref<80x256xi32, #tpu.memory_space<vmem>>, vector<1x16xi32>,
        %get3A_157 = vector.shape_cast %get3A_156 : vector<1x16xi32> to vector<16xi32>
        %gt3A_158 = arith.constant 0 : i32
        %gt3A_159 = vector.broadcast %gt3A_158 : i32 to vector<16xi32>
        %gt3A_160 = arith.cmpi sgt, %get3A_157, %gt3A_159 : vector<16xi32>
        %abs3A_161 = math.absf %get3A_147 : vector<16xf32>
        %neg3A_162 = arith.constant 0.000000e+00 : f32
        %neg3A_163 = vector.broadcast %neg3A_162 : f32 to vector<16xf32>
        %neg3A_164 = arith.subf %neg3A_163, %abs3A_161 : vector<16xf32>
        %exp3A_165 = math.exp %neg3A_164 : vector<16xf32>
        %add3A_166 = arith.constant 1.000000e+00 : f32
        %add3A_167 = vector.broadcast %add3A_166 : f32 to vector<16xf32>
        %add3A_168 = arith.addf %add3A_167, %exp3A_165 : vector<16xf32>
        %div3A_169 = arith.constant 1.000000e+00 : f32
        %div3A_170 = vector.broadcast %div3A_169 : f32 to vector<16xf32>
        %div3A_171 = arith.divf %div3A_170, %add3A_168 : vector<16xf32>
        %max3A_172 = arith.constant 0.000000e+00 : f32
        %max3A_173 = vector.broadcast %max3A_172 : f32 to vector<16xf32>
        %max3A_174 = arith.maximumf %get3A_147, %max3A_173 : vector<16xf32>
        %mul3A_175 = arith.constant -0.0170296114 : f32
        %mul3A_176 = vector.broadcast %mul3A_175 : f32 to vector<16xf32>
        %mul3A_177 = arith.mulf %mul3A_176, %exp3A_165 : vector<16xf32>
        %add3A_178 = arith.constant 0.08152318 : f32
        %add3A_179 = vector.broadcast %add3A_178 : f32 to vector<16xf32>
        %add3A_180 = arith.addf %mul3A_177, %add3A_179 : vector<16xf32>
        %mul3A_181 = arith.mulf %add3A_180, %exp3A_165 : vector<16xf32>
        %add3A_182 = arith.constant -0.189019546 : f32
        %add3A_183 = vector.broadcast %add3A_182 : f32 to vector<16xf32>
        %add3A_184 = arith.addf %mul3A_181, %add3A_183 : vector<16xf32>
        %mul3A_185 = arith.mulf %add3A_184, %exp3A_165 : vector<16xf32>
        %add3A_186 = arith.constant 0.315041274 : f32
        %add3A_187 = vector.broadcast %add3A_186 : f32 to vector<16xf32>
        %add3A_188 = arith.addf %mul3A_185, %add3A_187 : vector<16xf32>
        %mul3A_189 = arith.mulf %add3A_188, %exp3A_165 : vector<16xf32>
        %add3A_190 = arith.constant -0.49720332 : f32
        %add3A_191 = vector.broadcast %add3A_190 : f32 to vector<16xf32>
        %add3A_192 = arith.addf %mul3A_189, %add3A_191 : vector<16xf32>
        %mul3A_193 = arith.mulf %add3A_192, %exp3A_165 : vector<16xf32>
        %add3A_194 = arith.constant 0.99983257 : f32
        %add3A_195 = vector.broadcast %add3A_194 : f32 to vector<16xf32>
        %add3A_196 = arith.addf %mul3A_193, %add3A_195 : vector<16xf32>
        %mul3A_197 = arith.mulf %add3A_196, %exp3A_165 : vector<16xf32>
        %add3A_198 = arith.constant 1.69366263E-6 : f32
        %add3A_199 = vector.broadcast %add3A_198 : f32 to vector<16xf32>
        %add3A_200 = arith.addf %mul3A_197, %add3A_199 : vector<16xf32>
        %add3A_201 = arith.addf %max3A_174, %add3A_200 : vector<16xf32>
        %ge3A_202 = arith.constant 0.000000e+00 : f32
        %ge3A_203 = vector.broadcast %ge3A_202 : f32 to vector<16xf32>
        %ge3A_204 = arith.cmpf oge, %get3A_147, %ge3A_203 : vector<16xf32>
        %sub3A_205 = arith.constant 1.000000e+00 : f32
        %sub3A_206 = vector.broadcast %sub3A_205 : f32 to vector<16xf32>
        %sub3A_207 = arith.subf %sub3A_206, %div3A_171 : vector<16xf32>
        %select_n3A_208 = arith.select %ge3A_204, %div3A_171, %sub3A_207 : vector<16xi1>, vector<16xf32>
        %jit3A_209 = arith.constant 0.000000e+00 : f32
        %broadcast_in_dim3A_210 = vector.broadcast %jit3A_209 : f32 to vector<16xf32>
        %select_n3A_211 = arith.select %gt3A_160, %get3A_32, %broadcast_in_dim3A_210 : vector<16xi1>, vector<16xf32>
        %sub3A_212 = arith.subf %get3A_32, %select_n3A_208 : vector<16xf32>
        %abs3A_213 = math.absf %sub3A_212 : vector<16xf32>
        %select_n3A_214 = arith.select %gt3A_160, %abs3A_213, %select_n3A_208 : vector<16xi1>, vector<16xf32>
        %mul3A_215 = arith.mulf %get3A_147, %select_n3A_211 : vector<16xf32>
        %sub3A_216 = arith.subf %add3A_201, %mul3A_215 : vector<16xf32>
        %bitcast_convert_type3A_217 = tpu.bitcast %select_n3A_214 : vector<16xf32> -> vector<16xi32>
        %shift_right_arithmetic3A_218 = arith.constant 1 : i32
        %shift_right_arithmetic3A_219 = vector.broadcast %shift_right_arithmetic3A_218 : i32 to vector<16xi32>
        %shift_right_arithmetic3A_220 = arith.shrsi %bitcast_convert_type3A_217, %shift_right_arithmetic3A_219 : vector<16xi32>
        %sub3A_221 = arith.constant 1597463007 : i32
        %sub3A_222 = vector.broadcast %sub3A_221 : i32 to vector<16xi32>
        %sub3A_223 = arith.subi %sub3A_222, %shift_right_arithmetic3A_220 : vector<16xi32>
        %bitcast_convert_type3A_224 = tpu.bitcast %sub3A_223 : vector<16xi32> -> vector<16xf32>
        %mul3A_225 = arith.constant 5.000000e-01 : f32
        %mul3A_226 = vector.broadcast %mul3A_225 : f32 to vector<16xf32>
        %mul3A_227 = arith.mulf %mul3A_226, %select_n3A_214 : vector<16xf32>
        %mul3A_228 = arith.mulf %mul3A_227, %bitcast_convert_type3A_224 : vector<16xf32>
        %mul3A_229 = arith.mulf %mul3A_228, %bitcast_convert_type3A_224 : vector<16xf32>
        %sub3A_230 = arith.constant 1.500000e+00 : f32
        %sub3A_231 = vector.broadcast %sub3A_230 : f32 to vector<16xf32>
        %sub3A_232 = arith.subf %sub3A_231, %mul3A_229 : vector<16xf32>
        %mul3A_233 = arith.mulf %bitcast_convert_type3A_224, %sub3A_232 : vector<16xf32>
        %mul3A_234 = arith.constant 5.000000e-01 : f32
        %mul3A_235 = vector.broadcast %mul3A_234 : f32 to vector<16xf32>
        %mul3A_236 = arith.mulf %mul3A_235, %select_n3A_214 : vector<16xf32>
        %mul3A_237 = arith.mulf %mul3A_236, %mul3A_233 : vector<16xf32>
        %mul3A_238 = arith.mulf %mul3A_237, %mul3A_233 : vector<16xf32>
        %sub3A_239 = arith.constant 1.500000e+00 : f32
        %sub3A_240 = vector.broadcast %sub3A_239 : f32 to vector<16xf32>
        %sub3A_241 = arith.subf %sub3A_240, %mul3A_238 : vector<16xf32>
        %mul3A_242 = arith.mulf %mul3A_233, %sub3A_241 : vector<16xf32>
        %mul3A_243 = arith.mulf %select_n3A_214, %select_n3A_214 : vector<16xf32>
        %mul3A_244 = arith.mulf %mul3A_243, %mul3A_242 : vector<16xf32>
        %mul3A_245 = arith.mulf %sub3A_216, %mul3A_244 : vector<16xf32>
        %add3A_246 = arith.addf %add3A_137, %mul3A_245 : vector<16xf32>
        %mul3A_247 = arith.constant 4 : i32
        %mul3A_248 = arith.muli %scan3A_39, %mul3A_247 : i32
        %add3A_249 = arith.constant 2 : i32
        %add3A_250 = arith.addi %mul3A_248, %add3A_249 : i32
        %mul3A_251 = arith.constant 16 : i32
        %mul3A_252 = arith.muli %add3A_250, %mul3A_251 : i32
        %get3A_253 = arith.index_cast %scan3A_28 : i32 to index
        %get3A_254 = arith.index_cast %mul3A_252 : i32 to index
        %get3A_255 = tpu.vector_load %arg6[%get3A_253, %get3A_254] {strides = array<i32>} : memref<80x256xf32, #tpu.memory_space<vmem>>, vector<1x16xf32>,
        %get3A_256 = vector.shape_cast %get3A_255 : vector<1x16xf32> to vector<16xf32>
        %mul3A_257 = arith.constant 4 : i32
        %mul3A_258 = arith.muli %scan3A_39, %mul3A_257 : i32
        %add3A_259 = arith.constant 2 : i32
        %add3A_260 = arith.addi %mul3A_258, %add3A_259 : i32
        %mul3A_261 = arith.constant 16 : i32
        %mul3A_262 = arith.muli %add3A_260, %mul3A_261 : i32
        %get3A_263 = arith.index_cast %scan3A_28 : i32 to index
        %get3A_264 = arith.index_cast %mul3A_262 : i32 to index
        %get3A_265 = tpu.vector_load %arg7[%get3A_263, %get3A_264] {strides = array<i32>} : memref<80x256xi32, #tpu.memory_space<vmem>>, vector<1x16xi32>,
        %get3A_266 = vector.shape_cast %get3A_265 : vector<1x16xi32> to vector<16xi32>
        %gt3A_267 = arith.constant 0 : i32
        %gt3A_268 = vector.broadcast %gt3A_267 : i32 to vector<16xi32>
        %gt3A_269 = arith.cmpi sgt, %get3A_266, %gt3A_268 : vector<16xi32>
        %abs3A_270 = math.absf %get3A_256 : vector<16xf32>
        %neg3A_271 = arith.constant 0.000000e+00 : f32
        %neg3A_272 = vector.broadcast %neg3A_271 : f32 to vector<16xf32>
        %neg3A_273 = arith.subf %neg3A_272, %abs3A_270 : vector<16xf32>
        %exp3A_274 = math.exp %neg3A_273 : vector<16xf32>
        %add3A_275 = arith.constant 1.000000e+00 : f32
        %add3A_276 = vector.broadcast %add3A_275 : f32 to vector<16xf32>
        %add3A_277 = arith.addf %add3A_276, %exp3A_274 : vector<16xf32>
        %div3A_278 = arith.constant 1.000000e+00 : f32
        %div3A_279 = vector.broadcast %div3A_278 : f32 to vector<16xf32>
        %div3A_280 = arith.divf %div3A_279, %add3A_277 : vector<16xf32>
        %max3A_281 = arith.constant 0.000000e+00 : f32
        %max3A_282 = vector.broadcast %max3A_281 : f32 to vector<16xf32>
        %max3A_283 = arith.maximumf %get3A_256, %max3A_282 : vector<16xf32>
        %mul3A_284 = arith.constant -0.0170296114 : f32
        %mul3A_285 = vector.broadcast %mul3A_284 : f32 to vector<16xf32>
        %mul3A_286 = arith.mulf %mul3A_285, %exp3A_274 : vector<16xf32>
        %add3A_287 = arith.constant 0.08152318 : f32
        %add3A_288 = vector.broadcast %add3A_287 : f32 to vector<16xf32>
        %add3A_289 = arith.addf %mul3A_286, %add3A_288 : vector<16xf32>
        %mul3A_290 = arith.mulf %add3A_289, %exp3A_274 : vector<16xf32>
        %add3A_291 = arith.constant -0.189019546 : f32
        %add3A_292 = vector.broadcast %add3A_291 : f32 to vector<16xf32>
        %add3A_293 = arith.addf %mul3A_290, %add3A_292 : vector<16xf32>
        %mul3A_294 = arith.mulf %add3A_293, %exp3A_274 : vector<16xf32>
        %add3A_295 = arith.constant 0.315041274 : f32
        %add3A_296 = vector.broadcast %add3A_295 : f32 to vector<16xf32>
        %add3A_297 = arith.addf %mul3A_294, %add3A_296 : vector<16xf32>
        %mul3A_298 = arith.mulf %add3A_297, %exp3A_274 : vector<16xf32>
        %add3A_299 = arith.constant -0.49720332 : f32
        %add3A_300 = vector.broadcast %add3A_299 : f32 to vector<16xf32>
        %add3A_301 = arith.addf %mul3A_298, %add3A_300 : vector<16xf32>
        %mul3A_302 = arith.mulf %add3A_301, %exp3A_274 : vector<16xf32>
        %add3A_303 = arith.constant 0.99983257 : f32
        %add3A_304 = vector.broadcast %add3A_303 : f32 to vector<16xf32>
        %add3A_305 = arith.addf %mul3A_302, %add3A_304 : vector<16xf32>
        %mul3A_306 = arith.mulf %add3A_305, %exp3A_274 : vector<16xf32>
        %add3A_307 = arith.constant 1.69366263E-6 : f32
        %add3A_308 = vector.broadcast %add3A_307 : f32 to vector<16xf32>
        %add3A_309 = arith.addf %mul3A_306, %add3A_308 : vector<16xf32>
        %add3A_310 = arith.addf %max3A_283, %add3A_309 : vector<16xf32>
        %ge3A_311 = arith.constant 0.000000e+00 : f32
        %ge3A_312 = vector.broadcast %ge3A_311 : f32 to vector<16xf32>
        %ge3A_313 = arith.cmpf oge, %get3A_256, %ge3A_312 : vector<16xf32>
        %sub3A_314 = arith.constant 1.000000e+00 : f32
        %sub3A_315 = vector.broadcast %sub3A_314 : f32 to vector<16xf32>
        %sub3A_316 = arith.subf %sub3A_315, %div3A_280 : vector<16xf32>
        %select_n3A_317 = arith.select %ge3A_313, %div3A_280, %sub3A_316 : vector<16xi1>, vector<16xf32>
        %jit3A_318 = arith.constant 0.000000e+00 : f32
        %broadcast_in_dim3A_319 = vector.broadcast %jit3A_318 : f32 to vector<16xf32>
        %select_n3A_320 = arith.select %gt3A_269, %get3A_32, %broadcast_in_dim3A_319 : vector<16xi1>, vector<16xf32>
        %sub3A_321 = arith.subf %get3A_32, %select_n3A_317 : vector<16xf32>
        %abs3A_322 = math.absf %sub3A_321 : vector<16xf32>
        %select_n3A_323 = arith.select %gt3A_269, %abs3A_322, %select_n3A_317 : vector<16xi1>, vector<16xf32>
        %mul3A_324 = arith.mulf %get3A_256, %select_n3A_320 : vector<16xf32>
        %sub3A_325 = arith.subf %add3A_310, %mul3A_324 : vector<16xf32>
        %bitcast_convert_type3A_326 = tpu.bitcast %select_n3A_323 : vector<16xf32> -> vector<16xi32>
        %shift_right_arithmetic3A_327 = arith.constant 1 : i32
        %shift_right_arithmetic3A_328 = vector.broadcast %shift_right_arithmetic3A_327 : i32 to vector<16xi32>
        %shift_right_arithmetic3A_329 = arith.shrsi %bitcast_convert_type3A_326, %shift_right_arithmetic3A_328 : vector<16xi32>
        %sub3A_330 = arith.constant 1597463007 : i32
        %sub3A_331 = vector.broadcast %sub3A_330 : i32 to vector<16xi32>
        %sub3A_332 = arith.subi %sub3A_331, %shift_right_arithmetic3A_329 : vector<16xi32>
        %bitcast_convert_type3A_333 = tpu.bitcast %sub3A_332 : vector<16xi32> -> vector<16xf32>
        %mul3A_334 = arith.constant 5.000000e-01 : f32
        %mul3A_335 = vector.broadcast %mul3A_334 : f32 to vector<16xf32>
        %mul3A_336 = arith.mulf %mul3A_335, %select_n3A_323 : vector<16xf32>
        %mul3A_337 = arith.mulf %mul3A_336, %bitcast_convert_type3A_333 : vector<16xf32>
        %mul3A_338 = arith.mulf %mul3A_337, %bitcast_convert_type3A_333 : vector<16xf32>
        %sub3A_339 = arith.constant 1.500000e+00 : f32
        %sub3A_340 = vector.broadcast %sub3A_339 : f32 to vector<16xf32>
        %sub3A_341 = arith.subf %sub3A_340, %mul3A_338 : vector<16xf32>
        %mul3A_342 = arith.mulf %bitcast_convert_type3A_333, %sub3A_341 : vector<16xf32>
        %mul3A_343 = arith.constant 5.000000e-01 : f32
        %mul3A_344 = vector.broadcast %mul3A_343 : f32 to vector<16xf32>
        %mul3A_345 = arith.mulf %mul3A_344, %select_n3A_323 : vector<16xf32>
        %mul3A_346 = arith.mulf %mul3A_345, %mul3A_342 : vector<16xf32>
        %mul3A_347 = arith.mulf %mul3A_346, %mul3A_342 : vector<16xf32>
        %sub3A_348 = arith.constant 1.500000e+00 : f32
        %sub3A_349 = vector.broadcast %sub3A_348 : f32 to vector<16xf32>
        %sub3A_350 = arith.subf %sub3A_349, %mul3A_347 : vector<16xf32>
        %mul3A_351 = arith.mulf %mul3A_342, %sub3A_350 : vector<16xf32>
        %mul3A_352 = arith.mulf %select_n3A_323, %select_n3A_323 : vector<16xf32>
        %mul3A_353 = arith.mulf %mul3A_352, %mul3A_351 : vector<16xf32>
        %mul3A_354 = arith.mulf %sub3A_325, %mul3A_353 : vector<16xf32>
        %add3A_355 = arith.addf %add3A_246, %mul3A_354 : vector<16xf32>
        %mul3A_356 = arith.constant 4 : i32
        %mul3A_357 = arith.muli %scan3A_39, %mul3A_356 : i32
        %add3A_358 = arith.constant 3 : i32
        %add3A_359 = arith.addi %mul3A_357, %add3A_358 : i32
        %mul3A_360 = arith.constant 16 : i32
        %mul3A_361 = arith.muli %add3A_359, %mul3A_360 : i32
        %get3A_362 = arith.index_cast %scan3A_28 : i32 to index
        %get3A_363 = arith.index_cast %mul3A_361 : i32 to index
        %get3A_364 = tpu.vector_load %arg6[%get3A_362, %get3A_363] {strides = array<i32>} : memref<80x256xf32, #tpu.memory_space<vmem>>, vector<1x16xf32>,
        %get3A_365 = vector.shape_cast %get3A_364 : vector<1x16xf32> to vector<16xf32>
        %mul3A_366 = arith.constant 4 : i32
        %mul3A_367 = arith.muli %scan3A_39, %mul3A_366 : i32
        %add3A_368 = arith.constant 3 : i32
        %add3A_369 = arith.addi %mul3A_367, %add3A_368 : i32
        %mul3A_370 = arith.constant 16 : i32
        %mul3A_371 = arith.muli %add3A_369, %mul3A_370 : i32
        %get3A_372 = arith.index_cast %scan3A_28 : i32 to index
        %get3A_373 = arith.index_cast %mul3A_371 : i32 to index
        %get3A_374 = tpu.vector_load %arg7[%get3A_372, %get3A_373] {strides = array<i32>} : memref<80x256xi32, #tpu.memory_space<vmem>>, vector<1x16xi32>,
        %get3A_375 = vector.shape_cast %get3A_374 : vector<1x16xi32> to vector<16xi32>
        %gt3A_376 = arith.constant 0 : i32
        %gt3A_377 = vector.broadcast %gt3A_376 : i32 to vector<16xi32>
        %gt3A_378 = arith.cmpi sgt, %get3A_375, %gt3A_377 : vector<16xi32>
        %abs3A_379 = math.absf %get3A_365 : vector<16xf32>
        %neg3A_380 = arith.constant 0.000000e+00 : f32
        %neg3A_381 = vector.broadcast %neg3A_380 : f32 to vector<16xf32>
        %neg3A_382 = arith.subf %neg3A_381, %abs3A_379 : vector<16xf32>
        %exp3A_383 = math.exp %neg3A_382 : vector<16xf32>
        %add3A_384 = arith.constant 1.000000e+00 : f32
        %add3A_385 = vector.broadcast %add3A_384 : f32 to vector<16xf32>
        %add3A_386 = arith.addf %add3A_385, %exp3A_383 : vector<16xf32>
        %div3A_387 = arith.constant 1.000000e+00 : f32
        %div3A_388 = vector.broadcast %div3A_387 : f32 to vector<16xf32>
        %div3A_389 = arith.divf %div3A_388, %add3A_386 : vector<16xf32>
        %max3A_390 = arith.constant 0.000000e+00 : f32
        %max3A_391 = vector.broadcast %max3A_390 : f32 to vector<16xf32>
        %max3A_392 = arith.maximumf %get3A_365, %max3A_391 : vector<16xf32>
        %mul3A_393 = arith.constant -0.0170296114 : f32
        %mul3A_394 = vector.broadcast %mul3A_393 : f32 to vector<16xf32>
        %mul3A_395 = arith.mulf %mul3A_394, %exp3A_383 : vector<16xf32>
        %add3A_396 = arith.constant 0.08152318 : f32
        %add3A_397 = vector.broadcast %add3A_396 : f32 to vector<16xf32>
        %add3A_398 = arith.addf %mul3A_395, %add3A_397 : vector<16xf32>
        %mul3A_399 = arith.mulf %add3A_398, %exp3A_383 : vector<16xf32>
        %add3A_400 = arith.constant -0.189019546 : f32
        %add3A_401 = vector.broadcast %add3A_400 : f32 to vector<16xf32>
        %add3A_402 = arith.addf %mul3A_399, %add3A_401 : vector<16xf32>
        %mul3A_403 = arith.mulf %add3A_402, %exp3A_383 : vector<16xf32>
        %add3A_404 = arith.constant 0.315041274 : f32
        %add3A_405 = vector.broadcast %add3A_404 : f32 to vector<16xf32>
        %add3A_406 = arith.addf %mul3A_403, %add3A_405 : vector<16xf32>
        %mul3A_407 = arith.mulf %add3A_406, %exp3A_383 : vector<16xf32>
        %add3A_408 = arith.constant -0.49720332 : f32
        %add3A_409 = vector.broadcast %add3A_408 : f32 to vector<16xf32>
        %add3A_410 = arith.addf %mul3A_407, %add3A_409 : vector<16xf32>
        %mul3A_411 = arith.mulf %add3A_410, %exp3A_383 : vector<16xf32>
        %add3A_412 = arith.constant 0.99983257 : f32
        %add3A_413 = vector.broadcast %add3A_412 : f32 to vector<16xf32>
        %add3A_414 = arith.addf %mul3A_411, %add3A_413 : vector<16xf32>
        %mul3A_415 = arith.mulf %add3A_414, %exp3A_383 : vector<16xf32>
        %add3A_416 = arith.constant 1.69366263E-6 : f32
        %add3A_417 = vector.broadcast %add3A_416 : f32 to vector<16xf32>
        %add3A_418 = arith.addf %mul3A_415, %add3A_417 : vector<16xf32>
        %add3A_419 = arith.addf %max3A_392, %add3A_418 : vector<16xf32>
        %ge3A_420 = arith.constant 0.000000e+00 : f32
        %ge3A_421 = vector.broadcast %ge3A_420 : f32 to vector<16xf32>
        %ge3A_422 = arith.cmpf oge, %get3A_365, %ge3A_421 : vector<16xf32>
        %sub3A_423 = arith.constant 1.000000e+00 : f32
        %sub3A_424 = vector.broadcast %sub3A_423 : f32 to vector<16xf32>
        %sub3A_425 = arith.subf %sub3A_424, %div3A_389 : vector<16xf32>
        %select_n3A_426 = arith.select %ge3A_422, %div3A_389, %sub3A_425 : vector<16xi1>, vector<16xf32>
        %jit3A_427 = arith.constant 0.000000e+00 : f32
        %broadcast_in_dim3A_428 = vector.broadcast %jit3A_427 : f32 to vector<16xf32>
        %select_n3A_429 = arith.select %gt3A_378, %get3A_32, %broadcast_in_dim3A_428 : vector<16xi1>, vector<16xf32>
        %sub3A_430 = arith.subf %get3A_32, %select_n3A_426 : vector<16xf32>
        %abs3A_431 = math.absf %sub3A_430 : vector<16xf32>
        %select_n3A_432 = arith.select %gt3A_378, %abs3A_431, %select_n3A_426 : vector<16xi1>, vector<16xf32>
        %mul3A_433 = arith.mulf %get3A_365, %select_n3A_429 : vector<16xf32>
        %sub3A_434 = arith.subf %add3A_419, %mul3A_433 : vector<16xf32>
        %bitcast_convert_type3A_435 = tpu.bitcast %select_n3A_432 : vector<16xf32> -> vector<16xi32>
        %shift_right_arithmetic3A_436 = arith.constant 1 : i32
        %shift_right_arithmetic3A_437 = vector.broadcast %shift_right_arithmetic3A_436 : i32 to vector<16xi32>
        %shift_right_arithmetic3A_438 = arith.shrsi %bitcast_convert_type3A_435, %shift_right_arithmetic3A_437 : vector<16xi32>
        %sub3A_439 = arith.constant 1597463007 : i32
        %sub3A_440 = vector.broadcast %sub3A_439 : i32 to vector<16xi32>
        %sub3A_441 = arith.subi %sub3A_440, %shift_right_arithmetic3A_438 : vector<16xi32>
        %bitcast_convert_type3A_442 = tpu.bitcast %sub3A_441 : vector<16xi32> -> vector<16xf32>
        %mul3A_443 = arith.constant 5.000000e-01 : f32
        %mul3A_444 = vector.broadcast %mul3A_443 : f32 to vector<16xf32>
        %mul3A_445 = arith.mulf %mul3A_444, %select_n3A_432 : vector<16xf32>
        %mul3A_446 = arith.mulf %mul3A_445, %bitcast_convert_type3A_442 : vector<16xf32>
        %mul3A_447 = arith.mulf %mul3A_446, %bitcast_convert_type3A_442 : vector<16xf32>
        %sub3A_448 = arith.constant 1.500000e+00 : f32
        %sub3A_449 = vector.broadcast %sub3A_448 : f32 to vector<16xf32>
        %sub3A_450 = arith.subf %sub3A_449, %mul3A_447 : vector<16xf32>
        %mul3A_451 = arith.mulf %bitcast_convert_type3A_442, %sub3A_450 : vector<16xf32>
        %mul3A_452 = arith.constant 5.000000e-01 : f32
        %mul3A_453 = vector.broadcast %mul3A_452 : f32 to vector<16xf32>
        %mul3A_454 = arith.mulf %mul3A_453, %select_n3A_432 : vector<16xf32>
        %mul3A_455 = arith.mulf %mul3A_454, %mul3A_451 : vector<16xf32>
        %mul3A_456 = arith.mulf %mul3A_455, %mul3A_451 : vector<16xf32>
        %sub3A_457 = arith.constant 1.500000e+00 : f32
        %sub3A_458 = vector.broadcast %sub3A_457 : f32 to vector<16xf32>
        %sub3A_459 = arith.subf %sub3A_458, %mul3A_456 : vector<16xf32>
        %mul3A_460 = arith.mulf %mul3A_451, %sub3A_459 : vector<16xf32>
        %mul3A_461 = arith.mulf %select_n3A_432, %select_n3A_432 : vector<16xf32>
        %mul3A_462 = arith.mulf %mul3A_461, %mul3A_460 : vector<16xf32>
        %mul3A_463 = arith.mulf %sub3A_434, %mul3A_462 : vector<16xf32>
        %add3A_464 = arith.addf %add3A_355, %mul3A_463 : vector<16xf32>
        scf.yield %add3A_464 : vector<16xf32>
      }
      %scan3A_38 = arith.constant 4 : i32
      scf.yield %scan3A_37 : vector<16xf32>
    }
    %scan3A_22 = arith.constant 80 : i32
    %swap3A = arith.constant 0 : index
    %swap3A_23 = tpu.vector_load %arg9[%swap3A] {strides = array<i32>} : memref<16xf32, #tpu.memory_space<vmem>>, vector<16xf32>,
    %swap3A_24 = vector.shape_cast %swap3A_23 : vector<16xf32> to vector<16xf32>
    %swap3A_25 = vector.shape_cast %scan3A_21 : vector<16xf32> to vector<16xf32>
    tpu.vector_store %arg9[%swap3A], %swap3A_25 {strides = array<i32>} : memref<16xf32, #tpu.memory_space<vmem>>, vector<16xf32>,
    %mul3A_26 = arith.constant 16 : i32
    %mul3A_27 = arith.muli %add3A, %mul3A_26 : i32
    "tpu.region"() ({
      %run_scoped3A = tpu.sem_alloc : memref<!tpu.dma_semaphore, #tpu.memory_space<semaphore_mem>>
      %dma_start3A_28 = tpu.memref_slice %arg5[%mul3A_27] : memref<512xf32, #tpu.memory_space<hbm>> -> memref<16xf32, #tpu.memory_space<hbm>>
      %dma_start3A_29 = tpu.memref_slice %arg5[%mul3A_27] : memref<512xf32, #tpu.memory_space<hbm>> -> memref<16xf32, #tpu.memory_space<hbm>>
      tpu.enqueue_dma source(%arg9 : memref<16xf32, #tpu.memory_space<vmem>>) target(%dma_start3A_29 : memref<16xf32, #tpu.memory_space<hbm>>) target_semaphore(%run_scoped3A : memref<!tpu.dma_semaphore, #tpu.memory_space<semaphore_mem>>)
      %dma_wait3A_30 = tpu.memref_slice %arg5[%mul3A_27] : memref<512xf32, #tpu.memory_space<hbm>> -> memref<16xf32, #tpu.memory_space<hbm>>
      %dma_wait3A_31 = tpu.memref_slice %arg5[%mul3A_27] : memref<512xf32, #tpu.memory_space<hbm>> -> memref<16xf32, #tpu.memory_space<hbm>>
      tpu.wait_dma2 semaphore(%run_scoped3A : memref<!tpu.dma_semaphore, #tpu.memory_space<semaphore_mem>>) src(%arg9 : memref<16xf32, #tpu.memory_space<vmem>>) dst(%dma_wait3A_31 : memref<16xf32, #tpu.memory_space<hbm>>)
      tpu.yield
    }) : () -> ()
    return
  }
}

module attributes {stable_mosaic.version = 14 : i64} {
  func.func @_tc_body(%arg0: i32, %arg1: memref<8x1xf32, #tpu.memory_space<vmem>>, %arg2: memref<8x57344xf32, #tpu.memory_space<vmem>>, %arg3: memref<8x57344xi32, #tpu.memory_space<vmem>>, %arg4: memref<1x1xf32, #tpu.memory_space<smem>>) attributes {dimension_semantics = [#tpu.dimension_semantics<arbitrary>], iteration_bounds = array<i64: 10>, scalar_prefetch = 0 : i64, scratch_operands = 0 : i64, tpu.core_type = #tpu.core_type<tc>, window_params = [{transform_indices = @transform_0, window_bounds = array<i64: 8, 1>}, {transform_indices = @transform_1, window_bounds = array<i64: 8, 57344>}, {transform_indices = @transform_2, window_bounds = array<i64: 8, 57344>}, {transform_indices = @transform_3, window_bounds = array<i64: 1, 1>}]} {
    %get3A = arith.constant 0 : index
    %get3A_0 = arith.constant 0 : index
    %get3A_1 = vector.load %arg1[%get3A, %get3A_0] : memref<8x1xf32, #tpu.memory_space<vmem>>, vector<8x1xf32>
    %broadcast_in_dim3A = arith.constant 0.000000e+00 : f32
    %broadcast_in_dim3A_2 = vector.broadcast %broadcast_in_dim3A : f32 to vector<8x512xf32>
    %get3A_3 = arith.constant 0 : index
    %get3A_4 = arith.constant 0 : index
    %get3A_5 = vector.load %arg2[%get3A_3, %get3A_4] : memref<8x57344xf32, #tpu.memory_space<vmem>>, vector<8x512xf32>
    %get3A_6 = arith.constant 0 : index
    %get3A_7 = arith.constant 0 : index
    %get3A_8 = vector.load %arg3[%get3A_6, %get3A_7] : memref<8x57344xi32, #tpu.memory_space<vmem>>, vector<8x512xi32>
    %gt3A = arith.constant 0 : i32
    %gt3A_9 = vector.broadcast %gt3A : i32 to vector<8x512xi32>
    %gt3A_10 = arith.cmpi sgt, %get3A_8, %gt3A_9 : vector<8x512xi32>
    %abs3A = math.absf %get3A_5 : vector<8x512xf32>
    %neg3A = arith.constant 0.000000e+00 : f32
    %neg3A_11 = vector.broadcast %neg3A : f32 to vector<8x512xf32>
    %neg3A_12 = arith.subf %neg3A_11, %abs3A : vector<8x512xf32>
    %exp3A = math.exp %neg3A_12 : vector<8x512xf32>
    %add3A = arith.constant 1.000000e+00 : f32
    %add3A_13 = vector.broadcast %add3A : f32 to vector<8x512xf32>
    %add3A_14 = arith.addf %add3A_13, %exp3A : vector<8x512xf32>
    %div3A = arith.constant 1.000000e+00 : f32
    %div3A_15 = vector.broadcast %div3A : f32 to vector<8x512xf32>
    %div3A_16 = arith.divf %div3A_15, %add3A_14 : vector<8x512xf32>
    %max3A = arith.constant 0.000000e+00 : f32
    %max3A_17 = vector.broadcast %max3A : f32 to vector<8x512xf32>
    %max3A_18 = arith.maximumf %get3A_5, %max3A_17 : vector<8x512xf32>
    %log1p3A = math.log1p %exp3A : vector<8x512xf32>
    %add3A_19 = arith.addf %max3A_18, %log1p3A : vector<8x512xf32>
    %ge3A = arith.constant 0.000000e+00 : f32
    %ge3A_20 = vector.broadcast %ge3A : f32 to vector<8x512xf32>
    %ge3A_21 = arith.cmpf oge, %get3A_5, %ge3A_20 : vector<8x512xf32>
    %sub3A = arith.constant 1.000000e+00 : f32
    %sub3A_22 = vector.broadcast %sub3A : f32 to vector<8x512xf32>
    %sub3A_23 = arith.subf %sub3A_22, %div3A_16 : vector<8x512xf32>
    %select_n3A = arith.select %ge3A_21, %div3A_16, %sub3A_23 : vector<8x512xi1>, vector<8x512xf32>
    %jit3A = arith.constant 0.000000e+00 : f32
    %broadcast_in_dim3A_24 = vector.shape_cast %get3A_1 : vector<8x1xf32> to vector<8x1xf32>
    %broadcast_in_dim3A_25 = vector.broadcast %broadcast_in_dim3A_24 : vector<8x1xf32> to vector<8x512xf32>
    %broadcast_in_dim3A_26 = vector.broadcast %jit3A : f32 to vector<8x512xf32>
    %select_n3A_27 = arith.select %gt3A_10, %broadcast_in_dim3A_25, %broadcast_in_dim3A_26 : vector<8x512xi1>, vector<8x512xf32>
    %sub3A_28 = vector.broadcast %get3A_1 : vector<8x1xf32> to vector<8x512xf32>
    %sub3A_29 = arith.subf %sub3A_28, %select_n3A : vector<8x512xf32>
    %abs3A_30 = math.absf %sub3A_29 : vector<8x512xf32>
    %select_n3A_31 = arith.select %gt3A_10, %abs3A_30, %select_n3A : vector<8x512xi1>, vector<8x512xf32>
    %mul3A = arith.mulf %get3A_5, %select_n3A_27 : vector<8x512xf32>
    %sub3A_32 = arith.subf %add3A_19, %mul3A : vector<8x512xf32>
    %sqrt3A = math.sqrt %select_n3A_31 : vector<8x512xf32>
    %mul3A_33 = arith.mulf %select_n3A_31, %sqrt3A : vector<8x512xf32>
    %mul3A_34 = arith.mulf %sub3A_32, %mul3A_33 : vector<8x512xf32>
    %add3A_35 = arith.addf %broadcast_in_dim3A_2, %mul3A_34 : vector<8x512xf32>
    %get3A_36 = arith.constant 0 : index
    %get3A_37 = arith.constant 512 : index
    %get3A_38 = vector.load %arg2[%get3A_36, %get3A_37] : memref<8x57344xf32, #tpu.memory_space<vmem>>, vector<8x512xf32>
    %get3A_39 = arith.constant 0 : index
    %get3A_40 = arith.constant 512 : index
    %get3A_41 = vector.load %arg3[%get3A_39, %get3A_40] : memref<8x57344xi32, #tpu.memory_space<vmem>>, vector<8x512xi32>
    %gt3A_42 = arith.constant 0 : i32
    %gt3A_43 = vector.broadcast %gt3A_42 : i32 to vector<8x512xi32>
    %gt3A_44 = arith.cmpi sgt, %get3A_41, %gt3A_43 : vector<8x512xi32>
    %abs3A_45 = math.absf %get3A_38 : vector<8x512xf32>
    %neg3A_46 = arith.constant 0.000000e+00 : f32
    %neg3A_47 = vector.broadcast %neg3A_46 : f32 to vector<8x512xf32>
    %neg3A_48 = arith.subf %neg3A_47, %abs3A_45 : vector<8x512xf32>
    %exp3A_49 = math.exp %neg3A_48 : vector<8x512xf32>
    %add3A_50 = arith.constant 1.000000e+00 : f32
    %add3A_51 = vector.broadcast %add3A_50 : f32 to vector<8x512xf32>
    %add3A_52 = arith.addf %add3A_51, %exp3A_49 : vector<8x512xf32>
    %div3A_53 = arith.constant 1.000000e+00 : f32
    %div3A_54 = vector.broadcast %div3A_53 : f32 to vector<8x512xf32>
    %div3A_55 = arith.divf %div3A_54, %add3A_52 : vector<8x512xf32>
    %max3A_56 = arith.constant 0.000000e+00 : f32
    %max3A_57 = vector.broadcast %max3A_56 : f32 to vector<8x512xf32>
    %max3A_58 = arith.maximumf %get3A_38, %max3A_57 : vector<8x512xf32>
    %log1p3A_59 = math.log1p %exp3A_49 : vector<8x512xf32>
    %add3A_60 = arith.addf %max3A_58, %log1p3A_59 : vector<8x512xf32>
    %ge3A_61 = arith.constant 0.000000e+00 : f32
    %ge3A_62 = vector.broadcast %ge3A_61 : f32 to vector<8x512xf32>
    %ge3A_63 = arith.cmpf oge, %get3A_38, %ge3A_62 : vector<8x512xf32>
    %sub3A_64 = arith.constant 1.000000e+00 : f32
    %sub3A_65 = vector.broadcast %sub3A_64 : f32 to vector<8x512xf32>
    %sub3A_66 = arith.subf %sub3A_65, %div3A_55 : vector<8x512xf32>
    %select_n3A_67 = arith.select %ge3A_63, %div3A_55, %sub3A_66 : vector<8x512xi1>, vector<8x512xf32>
    %jit3A_68 = arith.constant 0.000000e+00 : f32
    %broadcast_in_dim3A_69 = vector.shape_cast %get3A_1 : vector<8x1xf32> to vector<8x1xf32>
    %broadcast_in_dim3A_70 = vector.broadcast %broadcast_in_dim3A_69 : vector<8x1xf32> to vector<8x512xf32>
    %broadcast_in_dim3A_71 = vector.broadcast %jit3A_68 : f32 to vector<8x512xf32>
    %select_n3A_72 = arith.select %gt3A_44, %broadcast_in_dim3A_70, %broadcast_in_dim3A_71 : vector<8x512xi1>, vector<8x512xf32>
    %sub3A_73 = vector.broadcast %get3A_1 : vector<8x1xf32> to vector<8x512xf32>
    %sub3A_74 = arith.subf %sub3A_73, %select_n3A_67 : vector<8x512xf32>
    %abs3A_75 = math.absf %sub3A_74 : vector<8x512xf32>
    %select_n3A_76 = arith.select %gt3A_44, %abs3A_75, %select_n3A_67 : vector<8x512xi1>, vector<8x512xf32>
    %mul3A_77 = arith.mulf %get3A_38, %select_n3A_72 : vector<8x512xf32>
    %sub3A_78 = arith.subf %add3A_60, %mul3A_77 : vector<8x512xf32>
    %sqrt3A_79 = math.sqrt %select_n3A_76 : vector<8x512xf32>
    %mul3A_80 = arith.mulf %select_n3A_76, %sqrt3A_79 : vector<8x512xf32>
    %mul3A_81 = arith.mulf %sub3A_78, %mul3A_80 : vector<8x512xf32>
    %add3A_82 = arith.addf %add3A_35, %mul3A_81 : vector<8x512xf32>
    %get3A_83 = arith.constant 0 : index
    %get3A_84 = arith.constant 1024 : index
    %get3A_85 = vector.load %arg2[%get3A_83, %get3A_84] : memref<8x57344xf32, #tpu.memory_space<vmem>>, vector<8x512xf32>
    %get3A_86 = arith.constant 0 : index
    %get3A_87 = arith.constant 1024 : index
    %get3A_88 = vector.load %arg3[%get3A_86, %get3A_87] : memref<8x57344xi32, #tpu.memory_space<vmem>>, vector<8x512xi32>
    %gt3A_89 = arith.constant 0 : i32
    %gt3A_90 = vector.broadcast %gt3A_89 : i32 to vector<8x512xi32>
    %gt3A_91 = arith.cmpi sgt, %get3A_88, %gt3A_90 : vector<8x512xi32>
    %abs3A_92 = math.absf %get3A_85 : vector<8x512xf32>
    %neg3A_93 = arith.constant 0.000000e+00 : f32
    %neg3A_94 = vector.broadcast %neg3A_93 : f32 to vector<8x512xf32>
    %neg3A_95 = arith.subf %neg3A_94, %abs3A_92 : vector<8x512xf32>
    %exp3A_96 = math.exp %neg3A_95 : vector<8x512xf32>
    %add3A_97 = arith.constant 1.000000e+00 : f32
    %add3A_98 = vector.broadcast %add3A_97 : f32 to vector<8x512xf32>
    %add3A_99 = arith.addf %add3A_98, %exp3A_96 : vector<8x512xf32>
    %div3A_100 = arith.constant 1.000000e+00 : f32
    %div3A_101 = vector.broadcast %div3A_100 : f32 to vector<8x512xf32>
    %div3A_102 = arith.divf %div3A_101, %add3A_99 : vector<8x512xf32>
    %max3A_103 = arith.constant 0.000000e+00 : f32
    %max3A_104 = vector.broadcast %max3A_103 : f32 to vector<8x512xf32>
    %max3A_105 = arith.maximumf %get3A_85, %max3A_104 : vector<8x512xf32>
    %log1p3A_106 = math.log1p %exp3A_96 : vector<8x512xf32>
    %add3A_107 = arith.addf %max3A_105, %log1p3A_106 : vector<8x512xf32>
    %ge3A_108 = arith.constant 0.000000e+00 : f32
    %ge3A_109 = vector.broadcast %ge3A_108 : f32 to vector<8x512xf32>
    %ge3A_110 = arith.cmpf oge, %get3A_85, %ge3A_109 : vector<8x512xf32>
    %sub3A_111 = arith.constant 1.000000e+00 : f32
    %sub3A_112 = vector.broadcast %sub3A_111 : f32 to vector<8x512xf32>
    %sub3A_113 = arith.subf %sub3A_112, %div3A_102 : vector<8x512xf32>
    %select_n3A_114 = arith.select %ge3A_110, %div3A_102, %sub3A_113 : vector<8x512xi1>, vector<8x512xf32>
    %jit3A_115 = arith.constant 0.000000e+00 : f32
    %broadcast_in_dim3A_116 = vector.shape_cast %get3A_1 : vector<8x1xf32> to vector<8x1xf32>
    %broadcast_in_dim3A_117 = vector.broadcast %broadcast_in_dim3A_116 : vector<8x1xf32> to vector<8x512xf32>
    %broadcast_in_dim3A_118 = vector.broadcast %jit3A_115 : f32 to vector<8x512xf32>
    %select_n3A_119 = arith.select %gt3A_91, %broadcast_in_dim3A_117, %broadcast_in_dim3A_118 : vector<8x512xi1>, vector<8x512xf32>
    %sub3A_120 = vector.broadcast %get3A_1 : vector<8x1xf32> to vector<8x512xf32>
    %sub3A_121 = arith.subf %sub3A_120, %select_n3A_114 : vector<8x512xf32>
    %abs3A_122 = math.absf %sub3A_121 : vector<8x512xf32>
    %select_n3A_123 = arith.select %gt3A_91, %abs3A_122, %select_n3A_114 : vector<8x512xi1>, vector<8x512xf32>
    %mul3A_124 = arith.mulf %get3A_85, %select_n3A_119 : vector<8x512xf32>
    %sub3A_125 = arith.subf %add3A_107, %mul3A_124 : vector<8x512xf32>
    %sqrt3A_126 = math.sqrt %select_n3A_123 : vector<8x512xf32>
    %mul3A_127 = arith.mulf %select_n3A_123, %sqrt3A_126 : vector<8x512xf32>
    %mul3A_128 = arith.mulf %sub3A_125, %mul3A_127 : vector<8x512xf32>
    %add3A_129 = arith.addf %add3A_82, %mul3A_128 : vector<8x512xf32>
    %get3A_130 = arith.constant 0 : index
    %get3A_131 = arith.constant 1536 : index
    %get3A_132 = vector.load %arg2[%get3A_130, %get3A_131] : memref<8x57344xf32, #tpu.memory_space<vmem>>, vector<8x512xf32>
    %get3A_133 = arith.constant 0 : index
    %get3A_134 = arith.constant 1536 : index
    %get3A_135 = vector.load %arg3[%get3A_133, %get3A_134] : memref<8x57344xi32, #tpu.memory_space<vmem>>, vector<8x512xi32>
    %gt3A_136 = arith.constant 0 : i32
    %gt3A_137 = vector.broadcast %gt3A_136 : i32 to vector<8x512xi32>
    %gt3A_138 = arith.cmpi sgt, %get3A_135, %gt3A_137 : vector<8x512xi32>
    %abs3A_139 = math.absf %get3A_132 : vector<8x512xf32>
    %neg3A_140 = arith.constant 0.000000e+00 : f32
    %neg3A_141 = vector.broadcast %neg3A_140 : f32 to vector<8x512xf32>
    %neg3A_142 = arith.subf %neg3A_141, %abs3A_139 : vector<8x512xf32>
    %exp3A_143 = math.exp %neg3A_142 : vector<8x512xf32>
    %add3A_144 = arith.constant 1.000000e+00 : f32
    %add3A_145 = vector.broadcast %add3A_144 : f32 to vector<8x512xf32>
    %add3A_146 = arith.addf %add3A_145, %exp3A_143 : vector<8x512xf32>
    %div3A_147 = arith.constant 1.000000e+00 : f32
    %div3A_148 = vector.broadcast %div3A_147 : f32 to vector<8x512xf32>
    %div3A_149 = arith.divf %div3A_148, %add3A_146 : vector<8x512xf32>
    %max3A_150 = arith.constant 0.000000e+00 : f32
    %max3A_151 = vector.broadcast %max3A_150 : f32 to vector<8x512xf32>
    %max3A_152 = arith.maximumf %get3A_132, %max3A_151 : vector<8x512xf32>
    %log1p3A_153 = math.log1p %exp3A_143 : vector<8x512xf32>
    %add3A_154 = arith.addf %max3A_152, %log1p3A_153 : vector<8x512xf32>
    %ge3A_155 = arith.constant 0.000000e+00 : f32
    %ge3A_156 = vector.broadcast %ge3A_155 : f32 to vector<8x512xf32>
    %ge3A_157 = arith.cmpf oge, %get3A_132, %ge3A_156 : vector<8x512xf32>
    %sub3A_158 = arith.constant 1.000000e+00 : f32
    %sub3A_159 = vector.broadcast %sub3A_158 : f32 to vector<8x512xf32>
    %sub3A_160 = arith.subf %sub3A_159, %div3A_149 : vector<8x512xf32>
    %select_n3A_161 = arith.select %ge3A_157, %div3A_149, %sub3A_160 : vector<8x512xi1>, vector<8x512xf32>
    %jit3A_162 = arith.constant 0.000000e+00 : f32
    %broadcast_in_dim3A_163 = vector.shape_cast %get3A_1 : vector<8x1xf32> to vector<8x1xf32>
    %broadcast_in_dim3A_164 = vector.broadcast %broadcast_in_dim3A_163 : vector<8x1xf32> to vector<8x512xf32>
    %broadcast_in_dim3A_165 = vector.broadcast %jit3A_162 : f32 to vector<8x512xf32>
    %select_n3A_166 = arith.select %gt3A_138, %broadcast_in_dim3A_164, %broadcast_in_dim3A_165 : vector<8x512xi1>, vector<8x512xf32>
    %sub3A_167 = vector.broadcast %get3A_1 : vector<8x1xf32> to vector<8x512xf32>
    %sub3A_168 = arith.subf %sub3A_167, %select_n3A_161 : vector<8x512xf32>
    %abs3A_169 = math.absf %sub3A_168 : vector<8x512xf32>
    %select_n3A_170 = arith.select %gt3A_138, %abs3A_169, %select_n3A_161 : vector<8x512xi1>, vector<8x512xf32>
    %mul3A_171 = arith.mulf %get3A_132, %select_n3A_166 : vector<8x512xf32>
    %sub3A_172 = arith.subf %add3A_154, %mul3A_171 : vector<8x512xf32>
    %sqrt3A_173 = math.sqrt %select_n3A_170 : vector<8x512xf32>
    %mul3A_174 = arith.mulf %select_n3A_170, %sqrt3A_173 : vector<8x512xf32>
    %mul3A_175 = arith.mulf %sub3A_172, %mul3A_174 : vector<8x512xf32>
    %add3A_176 = arith.addf %add3A_129, %mul3A_175 : vector<8x512xf32>
    %get3A_177 = arith.constant 0 : index
    %get3A_178 = arith.constant 2048 : index
    %get3A_179 = vector.load %arg2[%get3A_177, %get3A_178] : memref<8x57344xf32, #tpu.memory_space<vmem>>, vector<8x512xf32>
    %get3A_180 = arith.constant 0 : index
    %get3A_181 = arith.constant 2048 : index
    %get3A_182 = vector.load %arg3[%get3A_180, %get3A_181] : memref<8x57344xi32, #tpu.memory_space<vmem>>, vector<8x512xi32>
    %gt3A_183 = arith.constant 0 : i32
    %gt3A_184 = vector.broadcast %gt3A_183 : i32 to vector<8x512xi32>
    %gt3A_185 = arith.cmpi sgt, %get3A_182, %gt3A_184 : vector<8x512xi32>
    %abs3A_186 = math.absf %get3A_179 : vector<8x512xf32>
    %neg3A_187 = arith.constant 0.000000e+00 : f32
    %neg3A_188 = vector.broadcast %neg3A_187 : f32 to vector<8x512xf32>
    %neg3A_189 = arith.subf %neg3A_188, %abs3A_186 : vector<8x512xf32>
    %exp3A_190 = math.exp %neg3A_189 : vector<8x512xf32>
    %add3A_191 = arith.constant 1.000000e+00 : f32
    %add3A_192 = vector.broadcast %add3A_191 : f32 to vector<8x512xf32>
    %add3A_193 = arith.addf %add3A_192, %exp3A_190 : vector<8x512xf32>
    %div3A_194 = arith.constant 1.000000e+00 : f32
    %div3A_195 = vector.broadcast %div3A_194 : f32 to vector<8x512xf32>
    %div3A_196 = arith.divf %div3A_195, %add3A_193 : vector<8x512xf32>
    %max3A_197 = arith.constant 0.000000e+00 : f32
    %max3A_198 = vector.broadcast %max3A_197 : f32 to vector<8x512xf32>
    %max3A_199 = arith.maximumf %get3A_179, %max3A_198 : vector<8x512xf32>
    %log1p3A_200 = math.log1p %exp3A_190 : vector<8x512xf32>
    %add3A_201 = arith.addf %max3A_199, %log1p3A_200 : vector<8x512xf32>
    %ge3A_202 = arith.constant 0.000000e+00 : f32
    %ge3A_203 = vector.broadcast %ge3A_202 : f32 to vector<8x512xf32>
    %ge3A_204 = arith.cmpf oge, %get3A_179, %ge3A_203 : vector<8x512xf32>
    %sub3A_205 = arith.constant 1.000000e+00 : f32
    %sub3A_206 = vector.broadcast %sub3A_205 : f32 to vector<8x512xf32>
    %sub3A_207 = arith.subf %sub3A_206, %div3A_196 : vector<8x512xf32>
    %select_n3A_208 = arith.select %ge3A_204, %div3A_196, %sub3A_207 : vector<8x512xi1>, vector<8x512xf32>
    %jit3A_209 = arith.constant 0.000000e+00 : f32
    %broadcast_in_dim3A_210 = vector.shape_cast %get3A_1 : vector<8x1xf32> to vector<8x1xf32>
    %broadcast_in_dim3A_211 = vector.broadcast %broadcast_in_dim3A_210 : vector<8x1xf32> to vector<8x512xf32>
    %broadcast_in_dim3A_212 = vector.broadcast %jit3A_209 : f32 to vector<8x512xf32>
    %select_n3A_213 = arith.select %gt3A_185, %broadcast_in_dim3A_211, %broadcast_in_dim3A_212 : vector<8x512xi1>, vector<8x512xf32>
    %sub3A_214 = vector.broadcast %get3A_1 : vector<8x1xf32> to vector<8x512xf32>
    %sub3A_215 = arith.subf %sub3A_214, %select_n3A_208 : vector<8x512xf32>
    %abs3A_216 = math.absf %sub3A_215 : vector<8x512xf32>
    %select_n3A_217 = arith.select %gt3A_185, %abs3A_216, %select_n3A_208 : vector<8x512xi1>, vector<8x512xf32>
    %mul3A_218 = arith.mulf %get3A_179, %select_n3A_213 : vector<8x512xf32>
    %sub3A_219 = arith.subf %add3A_201, %mul3A_218 : vector<8x512xf32>
    %sqrt3A_220 = math.sqrt %select_n3A_217 : vector<8x512xf32>
    %mul3A_221 = arith.mulf %select_n3A_217, %sqrt3A_220 : vector<8x512xf32>
    %mul3A_222 = arith.mulf %sub3A_219, %mul3A_221 : vector<8x512xf32>
    %add3A_223 = arith.addf %add3A_176, %mul3A_222 : vector<8x512xf32>
    %get3A_224 = arith.constant 0 : index
    %get3A_225 = arith.constant 2560 : index
    %get3A_226 = vector.load %arg2[%get3A_224, %get3A_225] : memref<8x57344xf32, #tpu.memory_space<vmem>>, vector<8x512xf32>
    %get3A_227 = arith.constant 0 : index
    %get3A_228 = arith.constant 2560 : index
    %get3A_229 = vector.load %arg3[%get3A_227, %get3A_228] : memref<8x57344xi32, #tpu.memory_space<vmem>>, vector<8x512xi32>
    %gt3A_230 = arith.constant 0 : i32
    %gt3A_231 = vector.broadcast %gt3A_230 : i32 to vector<8x512xi32>
    %gt3A_232 = arith.cmpi sgt, %get3A_229, %gt3A_231 : vector<8x512xi32>
    %abs3A_233 = math.absf %get3A_226 : vector<8x512xf32>
    %neg3A_234 = arith.constant 0.000000e+00 : f32
    %neg3A_235 = vector.broadcast %neg3A_234 : f32 to vector<8x512xf32>
    %neg3A_236 = arith.subf %neg3A_235, %abs3A_233 : vector<8x512xf32>
    %exp3A_237 = math.exp %neg3A_236 : vector<8x512xf32>
    %add3A_238 = arith.constant 1.000000e+00 : f32
    %add3A_239 = vector.broadcast %add3A_238 : f32 to vector<8x512xf32>
    %add3A_240 = arith.addf %add3A_239, %exp3A_237 : vector<8x512xf32>
    %div3A_241 = arith.constant 1.000000e+00 : f32
    %div3A_242 = vector.broadcast %div3A_241 : f32 to vector<8x512xf32>
    %div3A_243 = arith.divf %div3A_242, %add3A_240 : vector<8x512xf32>
    %max3A_244 = arith.constant 0.000000e+00 : f32
    %max3A_245 = vector.broadcast %max3A_244 : f32 to vector<8x512xf32>
    %max3A_246 = arith.maximumf %get3A_226, %max3A_245 : vector<8x512xf32>
    %log1p3A_247 = math.log1p %exp3A_237 : vector<8x512xf32>
    %add3A_248 = arith.addf %max3A_246, %log1p3A_247 : vector<8x512xf32>
    %ge3A_249 = arith.constant 0.000000e+00 : f32
    %ge3A_250 = vector.broadcast %ge3A_249 : f32 to vector<8x512xf32>
    %ge3A_251 = arith.cmpf oge, %get3A_226, %ge3A_250 : vector<8x512xf32>
    %sub3A_252 = arith.constant 1.000000e+00 : f32
    %sub3A_253 = vector.broadcast %sub3A_252 : f32 to vector<8x512xf32>
    %sub3A_254 = arith.subf %sub3A_253, %div3A_243 : vector<8x512xf32>
    %select_n3A_255 = arith.select %ge3A_251, %div3A_243, %sub3A_254 : vector<8x512xi1>, vector<8x512xf32>
    %jit3A_256 = arith.constant 0.000000e+00 : f32
    %broadcast_in_dim3A_257 = vector.shape_cast %get3A_1 : vector<8x1xf32> to vector<8x1xf32>
    %broadcast_in_dim3A_258 = vector.broadcast %broadcast_in_dim3A_257 : vector<8x1xf32> to vector<8x512xf32>
    %broadcast_in_dim3A_259 = vector.broadcast %jit3A_256 : f32 to vector<8x512xf32>
    %select_n3A_260 = arith.select %gt3A_232, %broadcast_in_dim3A_258, %broadcast_in_dim3A_259 : vector<8x512xi1>, vector<8x512xf32>
    %sub3A_261 = vector.broadcast %get3A_1 : vector<8x1xf32> to vector<8x512xf32>
    %sub3A_262 = arith.subf %sub3A_261, %select_n3A_255 : vector<8x512xf32>
    %abs3A_263 = math.absf %sub3A_262 : vector<8x512xf32>
    %select_n3A_264 = arith.select %gt3A_232, %abs3A_263, %select_n3A_255 : vector<8x512xi1>, vector<8x512xf32>
    %mul3A_265 = arith.mulf %get3A_226, %select_n3A_260 : vector<8x512xf32>
    %sub3A_266 = arith.subf %add3A_248, %mul3A_265 : vector<8x512xf32>
    %sqrt3A_267 = math.sqrt %select_n3A_264 : vector<8x512xf32>
    %mul3A_268 = arith.mulf %select_n3A_264, %sqrt3A_267 : vector<8x512xf32>
    %mul3A_269 = arith.mulf %sub3A_266, %mul3A_268 : vector<8x512xf32>
    %add3A_270 = arith.addf %add3A_223, %mul3A_269 : vector<8x512xf32>
    %get3A_271 = arith.constant 0 : index
    %get3A_272 = arith.constant 3072 : index
    %get3A_273 = vector.load %arg2[%get3A_271, %get3A_272] : memref<8x57344xf32, #tpu.memory_space<vmem>>, vector<8x512xf32>
    %get3A_274 = arith.constant 0 : index
    %get3A_275 = arith.constant 3072 : index
    %get3A_276 = vector.load %arg3[%get3A_274, %get3A_275] : memref<8x57344xi32, #tpu.memory_space<vmem>>, vector<8x512xi32>
    %gt3A_277 = arith.constant 0 : i32
    %gt3A_278 = vector.broadcast %gt3A_277 : i32 to vector<8x512xi32>
    %gt3A_279 = arith.cmpi sgt, %get3A_276, %gt3A_278 : vector<8x512xi32>
    %abs3A_280 = math.absf %get3A_273 : vector<8x512xf32>
    %neg3A_281 = arith.constant 0.000000e+00 : f32
    %neg3A_282 = vector.broadcast %neg3A_281 : f32 to vector<8x512xf32>
    %neg3A_283 = arith.subf %neg3A_282, %abs3A_280 : vector<8x512xf32>
    %exp3A_284 = math.exp %neg3A_283 : vector<8x512xf32>
    %add3A_285 = arith.constant 1.000000e+00 : f32
    %add3A_286 = vector.broadcast %add3A_285 : f32 to vector<8x512xf32>
    %add3A_287 = arith.addf %add3A_286, %exp3A_284 : vector<8x512xf32>
    %div3A_288 = arith.constant 1.000000e+00 : f32
    %div3A_289 = vector.broadcast %div3A_288 : f32 to vector<8x512xf32>
    %div3A_290 = arith.divf %div3A_289, %add3A_287 : vector<8x512xf32>
    %max3A_291 = arith.constant 0.000000e+00 : f32
    %max3A_292 = vector.broadcast %max3A_291 : f32 to vector<8x512xf32>
    %max3A_293 = arith.maximumf %get3A_273, %max3A_292 : vector<8x512xf32>
    %log1p3A_294 = math.log1p %exp3A_284 : vector<8x512xf32>
    %add3A_295 = arith.addf %max3A_293, %log1p3A_294 : vector<8x512xf32>
    %ge3A_296 = arith.constant 0.000000e+00 : f32
    %ge3A_297 = vector.broadcast %ge3A_296 : f32 to vector<8x512xf32>
    %ge3A_298 = arith.cmpf oge, %get3A_273, %ge3A_297 : vector<8x512xf32>
    %sub3A_299 = arith.constant 1.000000e+00 : f32
    %sub3A_300 = vector.broadcast %sub3A_299 : f32 to vector<8x512xf32>
    %sub3A_301 = arith.subf %sub3A_300, %div3A_290 : vector<8x512xf32>
    %select_n3A_302 = arith.select %ge3A_298, %div3A_290, %sub3A_301 : vector<8x512xi1>, vector<8x512xf32>
    %jit3A_303 = arith.constant 0.000000e+00 : f32
    %broadcast_in_dim3A_304 = vector.shape_cast %get3A_1 : vector<8x1xf32> to vector<8x1xf32>
    %broadcast_in_dim3A_305 = vector.broadcast %broadcast_in_dim3A_304 : vector<8x1xf32> to vector<8x512xf32>
    %broadcast_in_dim3A_306 = vector.broadcast %jit3A_303 : f32 to vector<8x512xf32>
    %select_n3A_307 = arith.select %gt3A_279, %broadcast_in_dim3A_305, %broadcast_in_dim3A_306 : vector<8x512xi1>, vector<8x512xf32>
    %sub3A_308 = vector.broadcast %get3A_1 : vector<8x1xf32> to vector<8x512xf32>
    %sub3A_309 = arith.subf %sub3A_308, %select_n3A_302 : vector<8x512xf32>
    %abs3A_310 = math.absf %sub3A_309 : vector<8x512xf32>
    %select_n3A_311 = arith.select %gt3A_279, %abs3A_310, %select_n3A_302 : vector<8x512xi1>, vector<8x512xf32>
    %mul3A_312 = arith.mulf %get3A_273, %select_n3A_307 : vector<8x512xf32>
    %sub3A_313 = arith.subf %add3A_295, %mul3A_312 : vector<8x512xf32>
    %sqrt3A_314 = math.sqrt %select_n3A_311 : vector<8x512xf32>
    %mul3A_315 = arith.mulf %select_n3A_311, %sqrt3A_314 : vector<8x512xf32>
    %mul3A_316 = arith.mulf %sub3A_313, %mul3A_315 : vector<8x512xf32>
    %add3A_317 = arith.addf %add3A_270, %mul3A_316 : vector<8x512xf32>
    %get3A_318 = arith.constant 0 : index
    %get3A_319 = arith.constant 3584 : index
    %get3A_320 = vector.load %arg2[%get3A_318, %get3A_319] : memref<8x57344xf32, #tpu.memory_space<vmem>>, vector<8x512xf32>
    %get3A_321 = arith.constant 0 : index
    %get3A_322 = arith.constant 3584 : index
    %get3A_323 = vector.load %arg3[%get3A_321, %get3A_322] : memref<8x57344xi32, #tpu.memory_space<vmem>>, vector<8x512xi32>
    %gt3A_324 = arith.constant 0 : i32
    %gt3A_325 = vector.broadcast %gt3A_324 : i32 to vector<8x512xi32>
    %gt3A_326 = arith.cmpi sgt, %get3A_323, %gt3A_325 : vector<8x512xi32>
    %abs3A_327 = math.absf %get3A_320 : vector<8x512xf32>
    %neg3A_328 = arith.constant 0.000000e+00 : f32
    %neg3A_329 = vector.broadcast %neg3A_328 : f32 to vector<8x512xf32>
    %neg3A_330 = arith.subf %neg3A_329, %abs3A_327 : vector<8x512xf32>
    %exp3A_331 = math.exp %neg3A_330 : vector<8x512xf32>
    %add3A_332 = arith.constant 1.000000e+00 : f32
    %add3A_333 = vector.broadcast %add3A_332 : f32 to vector<8x512xf32>
    %add3A_334 = arith.addf %add3A_333, %exp3A_331 : vector<8x512xf32>
    %div3A_335 = arith.constant 1.000000e+00 : f32
    %div3A_336 = vector.broadcast %div3A_335 : f32 to vector<8x512xf32>
    %div3A_337 = arith.divf %div3A_336, %add3A_334 : vector<8x512xf32>
    %max3A_338 = arith.constant 0.000000e+00 : f32
    %max3A_339 = vector.broadcast %max3A_338 : f32 to vector<8x512xf32>
    %max3A_340 = arith.maximumf %get3A_320, %max3A_339 : vector<8x512xf32>
    %log1p3A_341 = math.log1p %exp3A_331 : vector<8x512xf32>
    %add3A_342 = arith.addf %max3A_340, %log1p3A_341 : vector<8x512xf32>
    %ge3A_343 = arith.constant 0.000000e+00 : f32
    %ge3A_344 = vector.broadcast %ge3A_343 : f32 to vector<8x512xf32>
    %ge3A_345 = arith.cmpf oge, %get3A_320, %ge3A_344 : vector<8x512xf32>
    %sub3A_346 = arith.constant 1.000000e+00 : f32
    %sub3A_347 = vector.broadcast %sub3A_346 : f32 to vector<8x512xf32>
    %sub3A_348 = arith.subf %sub3A_347, %div3A_337 : vector<8x512xf32>
    %select_n3A_349 = arith.select %ge3A_345, %div3A_337, %sub3A_348 : vector<8x512xi1>, vector<8x512xf32>
    %jit3A_350 = arith.constant 0.000000e+00 : f32
    %broadcast_in_dim3A_351 = vector.shape_cast %get3A_1 : vector<8x1xf32> to vector<8x1xf32>
    %broadcast_in_dim3A_352 = vector.broadcast %broadcast_in_dim3A_351 : vector<8x1xf32> to vector<8x512xf32>
    %broadcast_in_dim3A_353 = vector.broadcast %jit3A_350 : f32 to vector<8x512xf32>
    %select_n3A_354 = arith.select %gt3A_326, %broadcast_in_dim3A_352, %broadcast_in_dim3A_353 : vector<8x512xi1>, vector<8x512xf32>
    %sub3A_355 = vector.broadcast %get3A_1 : vector<8x1xf32> to vector<8x512xf32>
    %sub3A_356 = arith.subf %sub3A_355, %select_n3A_349 : vector<8x512xf32>
    %abs3A_357 = math.absf %sub3A_356 : vector<8x512xf32>
    %select_n3A_358 = arith.select %gt3A_326, %abs3A_357, %select_n3A_349 : vector<8x512xi1>, vector<8x512xf32>
    %mul3A_359 = arith.mulf %get3A_320, %select_n3A_354 : vector<8x512xf32>
    %sub3A_360 = arith.subf %add3A_342, %mul3A_359 : vector<8x512xf32>
    %sqrt3A_361 = math.sqrt %select_n3A_358 : vector<8x512xf32>
    %mul3A_362 = arith.mulf %select_n3A_358, %sqrt3A_361 : vector<8x512xf32>
    %mul3A_363 = arith.mulf %sub3A_360, %mul3A_362 : vector<8x512xf32>
    %add3A_364 = arith.addf %add3A_317, %mul3A_363 : vector<8x512xf32>
    %get3A_365 = arith.constant 0 : index
    %get3A_366 = arith.constant 4096 : index
    %get3A_367 = vector.load %arg2[%get3A_365, %get3A_366] : memref<8x57344xf32, #tpu.memory_space<vmem>>, vector<8x512xf32>
    %get3A_368 = arith.constant 0 : index
    %get3A_369 = arith.constant 4096 : index
    %get3A_370 = vector.load %arg3[%get3A_368, %get3A_369] : memref<8x57344xi32, #tpu.memory_space<vmem>>, vector<8x512xi32>
    %gt3A_371 = arith.constant 0 : i32
    %gt3A_372 = vector.broadcast %gt3A_371 : i32 to vector<8x512xi32>
    %gt3A_373 = arith.cmpi sgt, %get3A_370, %gt3A_372 : vector<8x512xi32>
    %abs3A_374 = math.absf %get3A_367 : vector<8x512xf32>
    %neg3A_375 = arith.constant 0.000000e+00 : f32
    %neg3A_376 = vector.broadcast %neg3A_375 : f32 to vector<8x512xf32>
    %neg3A_377 = arith.subf %neg3A_376, %abs3A_374 : vector<8x512xf32>
    %exp3A_378 = math.exp %neg3A_377 : vector<8x512xf32>
    %add3A_379 = arith.constant 1.000000e+00 : f32
    %add3A_380 = vector.broadcast %add3A_379 : f32 to vector<8x512xf32>
    %add3A_381 = arith.addf %add3A_380, %exp3A_378 : vector<8x512xf32>
    %div3A_382 = arith.constant 1.000000e+00 : f32
    %div3A_383 = vector.broadcast %div3A_382 : f32 to vector<8x512xf32>
    %div3A_384 = arith.divf %div3A_383, %add3A_381 : vector<8x512xf32>
    %max3A_385 = arith.constant 0.000000e+00 : f32
    %max3A_386 = vector.broadcast %max3A_385 : f32 to vector<8x512xf32>
    %max3A_387 = arith.maximumf %get3A_367, %max3A_386 : vector<8x512xf32>
    %log1p3A_388 = math.log1p %exp3A_378 : vector<8x512xf32>
    %add3A_389 = arith.addf %max3A_387, %log1p3A_388 : vector<8x512xf32>
    %ge3A_390 = arith.constant 0.000000e+00 : f32
    %ge3A_391 = vector.broadcast %ge3A_390 : f32 to vector<8x512xf32>
    %ge3A_392 = arith.cmpf oge, %get3A_367, %ge3A_391 : vector<8x512xf32>
    %sub3A_393 = arith.constant 1.000000e+00 : f32
    %sub3A_394 = vector.broadcast %sub3A_393 : f32 to vector<8x512xf32>
    %sub3A_395 = arith.subf %sub3A_394, %div3A_384 : vector<8x512xf32>
    %select_n3A_396 = arith.select %ge3A_392, %div3A_384, %sub3A_395 : vector<8x512xi1>, vector<8x512xf32>
    %jit3A_397 = arith.constant 0.000000e+00 : f32
    %broadcast_in_dim3A_398 = vector.shape_cast %get3A_1 : vector<8x1xf32> to vector<8x1xf32>
    %broadcast_in_dim3A_399 = vector.broadcast %broadcast_in_dim3A_398 : vector<8x1xf32> to vector<8x512xf32>
    %broadcast_in_dim3A_400 = vector.broadcast %jit3A_397 : f32 to vector<8x512xf32>
    %select_n3A_401 = arith.select %gt3A_373, %broadcast_in_dim3A_399, %broadcast_in_dim3A_400 : vector<8x512xi1>, vector<8x512xf32>
    %sub3A_402 = vector.broadcast %get3A_1 : vector<8x1xf32> to vector<8x512xf32>
    %sub3A_403 = arith.subf %sub3A_402, %select_n3A_396 : vector<8x512xf32>
    %abs3A_404 = math.absf %sub3A_403 : vector<8x512xf32>
    %select_n3A_405 = arith.select %gt3A_373, %abs3A_404, %select_n3A_396 : vector<8x512xi1>, vector<8x512xf32>
    %mul3A_406 = arith.mulf %get3A_367, %select_n3A_401 : vector<8x512xf32>
    %sub3A_407 = arith.subf %add3A_389, %mul3A_406 : vector<8x512xf32>
    %sqrt3A_408 = math.sqrt %select_n3A_405 : vector<8x512xf32>
    %mul3A_409 = arith.mulf %select_n3A_405, %sqrt3A_408 : vector<8x512xf32>
    %mul3A_410 = arith.mulf %sub3A_407, %mul3A_409 : vector<8x512xf32>
    %add3A_411 = arith.addf %add3A_364, %mul3A_410 : vector<8x512xf32>
    %get3A_412 = arith.constant 0 : index
    %get3A_413 = arith.constant 4608 : index
    %get3A_414 = vector.load %arg2[%get3A_412, %get3A_413] : memref<8x57344xf32, #tpu.memory_space<vmem>>, vector<8x512xf32>
    %get3A_415 = arith.constant 0 : index
    %get3A_416 = arith.constant 4608 : index
    %get3A_417 = vector.load %arg3[%get3A_415, %get3A_416] : memref<8x57344xi32, #tpu.memory_space<vmem>>, vector<8x512xi32>
    %gt3A_418 = arith.constant 0 : i32
    %gt3A_419 = vector.broadcast %gt3A_418 : i32 to vector<8x512xi32>
    %gt3A_420 = arith.cmpi sgt, %get3A_417, %gt3A_419 : vector<8x512xi32>
    %abs3A_421 = math.absf %get3A_414 : vector<8x512xf32>
    %neg3A_422 = arith.constant 0.000000e+00 : f32
    %neg3A_423 = vector.broadcast %neg3A_422 : f32 to vector<8x512xf32>
    %neg3A_424 = arith.subf %neg3A_423, %abs3A_421 : vector<8x512xf32>
    %exp3A_425 = math.exp %neg3A_424 : vector<8x512xf32>
    %add3A_426 = arith.constant 1.000000e+00 : f32
    %add3A_427 = vector.broadcast %add3A_426 : f32 to vector<8x512xf32>
    %add3A_428 = arith.addf %add3A_427, %exp3A_425 : vector<8x512xf32>
    %div3A_429 = arith.constant 1.000000e+00 : f32
    %div3A_430 = vector.broadcast %div3A_429 : f32 to vector<8x512xf32>
    %div3A_431 = arith.divf %div3A_430, %add3A_428 : vector<8x512xf32>
    %max3A_432 = arith.constant 0.000000e+00 : f32
    %max3A_433 = vector.broadcast %max3A_432 : f32 to vector<8x512xf32>
    %max3A_434 = arith.maximumf %get3A_414, %max3A_433 : vector<8x512xf32>
    %log1p3A_435 = math.log1p %exp3A_425 : vector<8x512xf32>
    %add3A_436 = arith.addf %max3A_434, %log1p3A_435 : vector<8x512xf32>
    %ge3A_437 = arith.constant 0.000000e+00 : f32
    %ge3A_438 = vector.broadcast %ge3A_437 : f32 to vector<8x512xf32>
    %ge3A_439 = arith.cmpf oge, %get3A_414, %ge3A_438 : vector<8x512xf32>
    %sub3A_440 = arith.constant 1.000000e+00 : f32
    %sub3A_441 = vector.broadcast %sub3A_440 : f32 to vector<8x512xf32>
    %sub3A_442 = arith.subf %sub3A_441, %div3A_431 : vector<8x512xf32>
    %select_n3A_443 = arith.select %ge3A_439, %div3A_431, %sub3A_442 : vector<8x512xi1>, vector<8x512xf32>
    %jit3A_444 = arith.constant 0.000000e+00 : f32
    %broadcast_in_dim3A_445 = vector.shape_cast %get3A_1 : vector<8x1xf32> to vector<8x1xf32>
    %broadcast_in_dim3A_446 = vector.broadcast %broadcast_in_dim3A_445 : vector<8x1xf32> to vector<8x512xf32>
    %broadcast_in_dim3A_447 = vector.broadcast %jit3A_444 : f32 to vector<8x512xf32>
    %select_n3A_448 = arith.select %gt3A_420, %broadcast_in_dim3A_446, %broadcast_in_dim3A_447 : vector<8x512xi1>, vector<8x512xf32>
    %sub3A_449 = vector.broadcast %get3A_1 : vector<8x1xf32> to vector<8x512xf32>
    %sub3A_450 = arith.subf %sub3A_449, %select_n3A_443 : vector<8x512xf32>
    %abs3A_451 = math.absf %sub3A_450 : vector<8x512xf32>
    %select_n3A_452 = arith.select %gt3A_420, %abs3A_451, %select_n3A_443 : vector<8x512xi1>, vector<8x512xf32>
    %mul3A_453 = arith.mulf %get3A_414, %select_n3A_448 : vector<8x512xf32>
    %sub3A_454 = arith.subf %add3A_436, %mul3A_453 : vector<8x512xf32>
    %sqrt3A_455 = math.sqrt %select_n3A_452 : vector<8x512xf32>
    %mul3A_456 = arith.mulf %select_n3A_452, %sqrt3A_455 : vector<8x512xf32>
    %mul3A_457 = arith.mulf %sub3A_454, %mul3A_456 : vector<8x512xf32>
    %add3A_458 = arith.addf %add3A_411, %mul3A_457 : vector<8x512xf32>
    %get3A_459 = arith.constant 0 : index
    %get3A_460 = arith.constant 5120 : index
    %get3A_461 = vector.load %arg2[%get3A_459, %get3A_460] : memref<8x57344xf32, #tpu.memory_space<vmem>>, vector<8x512xf32>
    %get3A_462 = arith.constant 0 : index
    %get3A_463 = arith.constant 5120 : index
    %get3A_464 = vector.load %arg3[%get3A_462, %get3A_463] : memref<8x57344xi32, #tpu.memory_space<vmem>>, vector<8x512xi32>
    %gt3A_465 = arith.constant 0 : i32
    %gt3A_466 = vector.broadcast %gt3A_465 : i32 to vector<8x512xi32>
    %gt3A_467 = arith.cmpi sgt, %get3A_464, %gt3A_466 : vector<8x512xi32>
    %abs3A_468 = math.absf %get3A_461 : vector<8x512xf32>
    %neg3A_469 = arith.constant 0.000000e+00 : f32
    %neg3A_470 = vector.broadcast %neg3A_469 : f32 to vector<8x512xf32>
    %neg3A_471 = arith.subf %neg3A_470, %abs3A_468 : vector<8x512xf32>
    %exp3A_472 = math.exp %neg3A_471 : vector<8x512xf32>
    %add3A_473 = arith.constant 1.000000e+00 : f32
    %add3A_474 = vector.broadcast %add3A_473 : f32 to vector<8x512xf32>
    %add3A_475 = arith.addf %add3A_474, %exp3A_472 : vector<8x512xf32>
    %div3A_476 = arith.constant 1.000000e+00 : f32
    %div3A_477 = vector.broadcast %div3A_476 : f32 to vector<8x512xf32>
    %div3A_478 = arith.divf %div3A_477, %add3A_475 : vector<8x512xf32>
    %max3A_479 = arith.constant 0.000000e+00 : f32
    %max3A_480 = vector.broadcast %max3A_479 : f32 to vector<8x512xf32>
    %max3A_481 = arith.maximumf %get3A_461, %max3A_480 : vector<8x512xf32>
    %log1p3A_482 = math.log1p %exp3A_472 : vector<8x512xf32>
    %add3A_483 = arith.addf %max3A_481, %log1p3A_482 : vector<8x512xf32>
    %ge3A_484 = arith.constant 0.000000e+00 : f32
    %ge3A_485 = vector.broadcast %ge3A_484 : f32 to vector<8x512xf32>
    %ge3A_486 = arith.cmpf oge, %get3A_461, %ge3A_485 : vector<8x512xf32>
    %sub3A_487 = arith.constant 1.000000e+00 : f32
    %sub3A_488 = vector.broadcast %sub3A_487 : f32 to vector<8x512xf32>
    %sub3A_489 = arith.subf %sub3A_488, %div3A_478 : vector<8x512xf32>
    %select_n3A_490 = arith.select %ge3A_486, %div3A_478, %sub3A_489 : vector<8x512xi1>, vector<8x512xf32>
    %jit3A_491 = arith.constant 0.000000e+00 : f32
    %broadcast_in_dim3A_492 = vector.shape_cast %get3A_1 : vector<8x1xf32> to vector<8x1xf32>
    %broadcast_in_dim3A_493 = vector.broadcast %broadcast_in_dim3A_492 : vector<8x1xf32> to vector<8x512xf32>
    %broadcast_in_dim3A_494 = vector.broadcast %jit3A_491 : f32 to vector<8x512xf32>
    %select_n3A_495 = arith.select %gt3A_467, %broadcast_in_dim3A_493, %broadcast_in_dim3A_494 : vector<8x512xi1>, vector<8x512xf32>
    %sub3A_496 = vector.broadcast %get3A_1 : vector<8x1xf32> to vector<8x512xf32>
    %sub3A_497 = arith.subf %sub3A_496, %select_n3A_490 : vector<8x512xf32>
    %abs3A_498 = math.absf %sub3A_497 : vector<8x512xf32>
    %select_n3A_499 = arith.select %gt3A_467, %abs3A_498, %select_n3A_490 : vector<8x512xi1>, vector<8x512xf32>
    %mul3A_500 = arith.mulf %get3A_461, %select_n3A_495 : vector<8x512xf32>
    %sub3A_501 = arith.subf %add3A_483, %mul3A_500 : vector<8x512xf32>
    %sqrt3A_502 = math.sqrt %select_n3A_499 : vector<8x512xf32>
    %mul3A_503 = arith.mulf %select_n3A_499, %sqrt3A_502 : vector<8x512xf32>
    %mul3A_504 = arith.mulf %sub3A_501, %mul3A_503 : vector<8x512xf32>
    %add3A_505 = arith.addf %add3A_458, %mul3A_504 : vector<8x512xf32>
    %get3A_506 = arith.constant 0 : index
    %get3A_507 = arith.constant 5632 : index
    %get3A_508 = vector.load %arg2[%get3A_506, %get3A_507] : memref<8x57344xf32, #tpu.memory_space<vmem>>, vector<8x512xf32>
    %get3A_509 = arith.constant 0 : index
    %get3A_510 = arith.constant 5632 : index
    %get3A_511 = vector.load %arg3[%get3A_509, %get3A_510] : memref<8x57344xi32, #tpu.memory_space<vmem>>, vector<8x512xi32>
    %gt3A_512 = arith.constant 0 : i32
    %gt3A_513 = vector.broadcast %gt3A_512 : i32 to vector<8x512xi32>
    %gt3A_514 = arith.cmpi sgt, %get3A_511, %gt3A_513 : vector<8x512xi32>
    %abs3A_515 = math.absf %get3A_508 : vector<8x512xf32>
    %neg3A_516 = arith.constant 0.000000e+00 : f32
    %neg3A_517 = vector.broadcast %neg3A_516 : f32 to vector<8x512xf32>
    %neg3A_518 = arith.subf %neg3A_517, %abs3A_515 : vector<8x512xf32>
    %exp3A_519 = math.exp %neg3A_518 : vector<8x512xf32>
    %add3A_520 = arith.constant 1.000000e+00 : f32
    %add3A_521 = vector.broadcast %add3A_520 : f32 to vector<8x512xf32>
    %add3A_522 = arith.addf %add3A_521, %exp3A_519 : vector<8x512xf32>
    %div3A_523 = arith.constant 1.000000e+00 : f32
    %div3A_524 = vector.broadcast %div3A_523 : f32 to vector<8x512xf32>
    %div3A_525 = arith.divf %div3A_524, %add3A_522 : vector<8x512xf32>
    %max3A_526 = arith.constant 0.000000e+00 : f32
    %max3A_527 = vector.broadcast %max3A_526 : f32 to vector<8x512xf32>
    %max3A_528 = arith.maximumf %get3A_508, %max3A_527 : vector<8x512xf32>
    %log1p3A_529 = math.log1p %exp3A_519 : vector<8x512xf32>
    %add3A_530 = arith.addf %max3A_528, %log1p3A_529 : vector<8x512xf32>
    %ge3A_531 = arith.constant 0.000000e+00 : f32
    %ge3A_532 = vector.broadcast %ge3A_531 : f32 to vector<8x512xf32>
    %ge3A_533 = arith.cmpf oge, %get3A_508, %ge3A_532 : vector<8x512xf32>
    %sub3A_534 = arith.constant 1.000000e+00 : f32
    %sub3A_535 = vector.broadcast %sub3A_534 : f32 to vector<8x512xf32>
    %sub3A_536 = arith.subf %sub3A_535, %div3A_525 : vector<8x512xf32>
    %select_n3A_537 = arith.select %ge3A_533, %div3A_525, %sub3A_536 : vector<8x512xi1>, vector<8x512xf32>
    %jit3A_538 = arith.constant 0.000000e+00 : f32
    %broadcast_in_dim3A_539 = vector.shape_cast %get3A_1 : vector<8x1xf32> to vector<8x1xf32>
    %broadcast_in_dim3A_540 = vector.broadcast %broadcast_in_dim3A_539 : vector<8x1xf32> to vector<8x512xf32>
    %broadcast_in_dim3A_541 = vector.broadcast %jit3A_538 : f32 to vector<8x512xf32>
    %select_n3A_542 = arith.select %gt3A_514, %broadcast_in_dim3A_540, %broadcast_in_dim3A_541 : vector<8x512xi1>, vector<8x512xf32>
    %sub3A_543 = vector.broadcast %get3A_1 : vector<8x1xf32> to vector<8x512xf32>
    %sub3A_544 = arith.subf %sub3A_543, %select_n3A_537 : vector<8x512xf32>
    %abs3A_545 = math.absf %sub3A_544 : vector<8x512xf32>
    %select_n3A_546 = arith.select %gt3A_514, %abs3A_545, %select_n3A_537 : vector<8x512xi1>, vector<8x512xf32>
    %mul3A_547 = arith.mulf %get3A_508, %select_n3A_542 : vector<8x512xf32>
    %sub3A_548 = arith.subf %add3A_530, %mul3A_547 : vector<8x512xf32>
    %sqrt3A_549 = math.sqrt %select_n3A_546 : vector<8x512xf32>
    %mul3A_550 = arith.mulf %select_n3A_546, %sqrt3A_549 : vector<8x512xf32>
    %mul3A_551 = arith.mulf %sub3A_548, %mul3A_550 : vector<8x512xf32>
    %add3A_552 = arith.addf %add3A_505, %mul3A_551 : vector<8x512xf32>
    %get3A_553 = arith.constant 0 : index
    %get3A_554 = arith.constant 6144 : index
    %get3A_555 = vector.load %arg2[%get3A_553, %get3A_554] : memref<8x57344xf32, #tpu.memory_space<vmem>>, vector<8x512xf32>
    %get3A_556 = arith.constant 0 : index
    %get3A_557 = arith.constant 6144 : index
    %get3A_558 = vector.load %arg3[%get3A_556, %get3A_557] : memref<8x57344xi32, #tpu.memory_space<vmem>>, vector<8x512xi32>
    %gt3A_559 = arith.constant 0 : i32
    %gt3A_560 = vector.broadcast %gt3A_559 : i32 to vector<8x512xi32>
    %gt3A_561 = arith.cmpi sgt, %get3A_558, %gt3A_560 : vector<8x512xi32>
    %abs3A_562 = math.absf %get3A_555 : vector<8x512xf32>
    %neg3A_563 = arith.constant 0.000000e+00 : f32
    %neg3A_564 = vector.broadcast %neg3A_563 : f32 to vector<8x512xf32>
    %neg3A_565 = arith.subf %neg3A_564, %abs3A_562 : vector<8x512xf32>
    %exp3A_566 = math.exp %neg3A_565 : vector<8x512xf32>
    %add3A_567 = arith.constant 1.000000e+00 : f32
    %add3A_568 = vector.broadcast %add3A_567 : f32 to vector<8x512xf32>
    %add3A_569 = arith.addf %add3A_568, %exp3A_566 : vector<8x512xf32>
    %div3A_570 = arith.constant 1.000000e+00 : f32
    %div3A_571 = vector.broadcast %div3A_570 : f32 to vector<8x512xf32>
    %div3A_572 = arith.divf %div3A_571, %add3A_569 : vector<8x512xf32>
    %max3A_573 = arith.constant 0.000000e+00 : f32
    %max3A_574 = vector.broadcast %max3A_573 : f32 to vector<8x512xf32>
    %max3A_575 = arith.maximumf %get3A_555, %max3A_574 : vector<8x512xf32>
    %log1p3A_576 = math.log1p %exp3A_566 : vector<8x512xf32>
    %add3A_577 = arith.addf %max3A_575, %log1p3A_576 : vector<8x512xf32>
    %ge3A_578 = arith.constant 0.000000e+00 : f32
    %ge3A_579 = vector.broadcast %ge3A_578 : f32 to vector<8x512xf32>
    %ge3A_580 = arith.cmpf oge, %get3A_555, %ge3A_579 : vector<8x512xf32>
    %sub3A_581 = arith.constant 1.000000e+00 : f32
    %sub3A_582 = vector.broadcast %sub3A_581 : f32 to vector<8x512xf32>
    %sub3A_583 = arith.subf %sub3A_582, %div3A_572 : vector<8x512xf32>
    %select_n3A_584 = arith.select %ge3A_580, %div3A_572, %sub3A_583 : vector<8x512xi1>, vector<8x512xf32>
    %jit3A_585 = arith.constant 0.000000e+00 : f32
    %broadcast_in_dim3A_586 = vector.shape_cast %get3A_1 : vector<8x1xf32> to vector<8x1xf32>
    %broadcast_in_dim3A_587 = vector.broadcast %broadcast_in_dim3A_586 : vector<8x1xf32> to vector<8x512xf32>
    %broadcast_in_dim3A_588 = vector.broadcast %jit3A_585 : f32 to vector<8x512xf32>
    %select_n3A_589 = arith.select %gt3A_561, %broadcast_in_dim3A_587, %broadcast_in_dim3A_588 : vector<8x512xi1>, vector<8x512xf32>
    %sub3A_590 = vector.broadcast %get3A_1 : vector<8x1xf32> to vector<8x512xf32>
    %sub3A_591 = arith.subf %sub3A_590, %select_n3A_584 : vector<8x512xf32>
    %abs3A_592 = math.absf %sub3A_591 : vector<8x512xf32>
    %select_n3A_593 = arith.select %gt3A_561, %abs3A_592, %select_n3A_584 : vector<8x512xi1>, vector<8x512xf32>
    %mul3A_594 = arith.mulf %get3A_555, %select_n3A_589 : vector<8x512xf32>
    %sub3A_595 = arith.subf %add3A_577, %mul3A_594 : vector<8x512xf32>
    %sqrt3A_596 = math.sqrt %select_n3A_593 : vector<8x512xf32>
    %mul3A_597 = arith.mulf %select_n3A_593, %sqrt3A_596 : vector<8x512xf32>
    %mul3A_598 = arith.mulf %sub3A_595, %mul3A_597 : vector<8x512xf32>
    %add3A_599 = arith.addf %add3A_552, %mul3A_598 : vector<8x512xf32>
    %get3A_600 = arith.constant 0 : index
    %get3A_601 = arith.constant 6656 : index
    %get3A_602 = vector.load %arg2[%get3A_600, %get3A_601] : memref<8x57344xf32, #tpu.memory_space<vmem>>, vector<8x512xf32>
    %get3A_603 = arith.constant 0 : index
    %get3A_604 = arith.constant 6656 : index
    %get3A_605 = vector.load %arg3[%get3A_603, %get3A_604] : memref<8x57344xi32, #tpu.memory_space<vmem>>, vector<8x512xi32>
    %gt3A_606 = arith.constant 0 : i32
    %gt3A_607 = vector.broadcast %gt3A_606 : i32 to vector<8x512xi32>
    %gt3A_608 = arith.cmpi sgt, %get3A_605, %gt3A_607 : vector<8x512xi32>
    %abs3A_609 = math.absf %get3A_602 : vector<8x512xf32>
    %neg3A_610 = arith.constant 0.000000e+00 : f32
    %neg3A_611 = vector.broadcast %neg3A_610 : f32 to vector<8x512xf32>
    %neg3A_612 = arith.subf %neg3A_611, %abs3A_609 : vector<8x512xf32>
    %exp3A_613 = math.exp %neg3A_612 : vector<8x512xf32>
    %add3A_614 = arith.constant 1.000000e+00 : f32
    %add3A_615 = vector.broadcast %add3A_614 : f32 to vector<8x512xf32>
    %add3A_616 = arith.addf %add3A_615, %exp3A_613 : vector<8x512xf32>
    %div3A_617 = arith.constant 1.000000e+00 : f32
    %div3A_618 = vector.broadcast %div3A_617 : f32 to vector<8x512xf32>
    %div3A_619 = arith.divf %div3A_618, %add3A_616 : vector<8x512xf32>
    %max3A_620 = arith.constant 0.000000e+00 : f32
    %max3A_621 = vector.broadcast %max3A_620 : f32 to vector<8x512xf32>
    %max3A_622 = arith.maximumf %get3A_602, %max3A_621 : vector<8x512xf32>
    %log1p3A_623 = math.log1p %exp3A_613 : vector<8x512xf32>
    %add3A_624 = arith.addf %max3A_622, %log1p3A_623 : vector<8x512xf32>
    %ge3A_625 = arith.constant 0.000000e+00 : f32
    %ge3A_626 = vector.broadcast %ge3A_625 : f32 to vector<8x512xf32>
    %ge3A_627 = arith.cmpf oge, %get3A_602, %ge3A_626 : vector<8x512xf32>
    %sub3A_628 = arith.constant 1.000000e+00 : f32
    %sub3A_629 = vector.broadcast %sub3A_628 : f32 to vector<8x512xf32>
    %sub3A_630 = arith.subf %sub3A_629, %div3A_619 : vector<8x512xf32>
    %select_n3A_631 = arith.select %ge3A_627, %div3A_619, %sub3A_630 : vector<8x512xi1>, vector<8x512xf32>
    %jit3A_632 = arith.constant 0.000000e+00 : f32
    %broadcast_in_dim3A_633 = vector.shape_cast %get3A_1 : vector<8x1xf32> to vector<8x1xf32>
    %broadcast_in_dim3A_634 = vector.broadcast %broadcast_in_dim3A_633 : vector<8x1xf32> to vector<8x512xf32>
    %broadcast_in_dim3A_635 = vector.broadcast %jit3A_632 : f32 to vector<8x512xf32>
    %select_n3A_636 = arith.select %gt3A_608, %broadcast_in_dim3A_634, %broadcast_in_dim3A_635 : vector<8x512xi1>, vector<8x512xf32>
    %sub3A_637 = vector.broadcast %get3A_1 : vector<8x1xf32> to vector<8x512xf32>
    %sub3A_638 = arith.subf %sub3A_637, %select_n3A_631 : vector<8x512xf32>
    %abs3A_639 = math.absf %sub3A_638 : vector<8x512xf32>
    %select_n3A_640 = arith.select %gt3A_608, %abs3A_639, %select_n3A_631 : vector<8x512xi1>, vector<8x512xf32>
    %mul3A_641 = arith.mulf %get3A_602, %select_n3A_636 : vector<8x512xf32>
    %sub3A_642 = arith.subf %add3A_624, %mul3A_641 : vector<8x512xf32>
    %sqrt3A_643 = math.sqrt %select_n3A_640 : vector<8x512xf32>
    %mul3A_644 = arith.mulf %select_n3A_640, %sqrt3A_643 : vector<8x512xf32>
    %mul3A_645 = arith.mulf %sub3A_642, %mul3A_644 : vector<8x512xf32>
    %add3A_646 = arith.addf %add3A_599, %mul3A_645 : vector<8x512xf32>
    %get3A_647 = arith.constant 0 : index
    %get3A_648 = arith.constant 7168 : index
    %get3A_649 = vector.load %arg2[%get3A_647, %get3A_648] : memref<8x57344xf32, #tpu.memory_space<vmem>>, vector<8x512xf32>
    %get3A_650 = arith.constant 0 : index
    %get3A_651 = arith.constant 7168 : index
    %get3A_652 = vector.load %arg3[%get3A_650, %get3A_651] : memref<8x57344xi32, #tpu.memory_space<vmem>>, vector<8x512xi32>
    %gt3A_653 = arith.constant 0 : i32
    %gt3A_654 = vector.broadcast %gt3A_653 : i32 to vector<8x512xi32>
    %gt3A_655 = arith.cmpi sgt, %get3A_652, %gt3A_654 : vector<8x512xi32>
    %abs3A_656 = math.absf %get3A_649 : vector<8x512xf32>
    %neg3A_657 = arith.constant 0.000000e+00 : f32
    %neg3A_658 = vector.broadcast %neg3A_657 : f32 to vector<8x512xf32>
    %neg3A_659 = arith.subf %neg3A_658, %abs3A_656 : vector<8x512xf32>
    %exp3A_660 = math.exp %neg3A_659 : vector<8x512xf32>
    %add3A_661 = arith.constant 1.000000e+00 : f32
    %add3A_662 = vector.broadcast %add3A_661 : f32 to vector<8x512xf32>
    %add3A_663 = arith.addf %add3A_662, %exp3A_660 : vector<8x512xf32>
    %div3A_664 = arith.constant 1.000000e+00 : f32
    %div3A_665 = vector.broadcast %div3A_664 : f32 to vector<8x512xf32>
    %div3A_666 = arith.divf %div3A_665, %add3A_663 : vector<8x512xf32>
    %max3A_667 = arith.constant 0.000000e+00 : f32
    %max3A_668 = vector.broadcast %max3A_667 : f32 to vector<8x512xf32>
    %max3A_669 = arith.maximumf %get3A_649, %max3A_668 : vector<8x512xf32>
    %log1p3A_670 = math.log1p %exp3A_660 : vector<8x512xf32>
    %add3A_671 = arith.addf %max3A_669, %log1p3A_670 : vector<8x512xf32>
    %ge3A_672 = arith.constant 0.000000e+00 : f32
    %ge3A_673 = vector.broadcast %ge3A_672 : f32 to vector<8x512xf32>
    %ge3A_674 = arith.cmpf oge, %get3A_649, %ge3A_673 : vector<8x512xf32>
    %sub3A_675 = arith.constant 1.000000e+00 : f32
    %sub3A_676 = vector.broadcast %sub3A_675 : f32 to vector<8x512xf32>
    %sub3A_677 = arith.subf %sub3A_676, %div3A_666 : vector<8x512xf32>
    %select_n3A_678 = arith.select %ge3A_674, %div3A_666, %sub3A_677 : vector<8x512xi1>, vector<8x512xf32>
    %jit3A_679 = arith.constant 0.000000e+00 : f32
    %broadcast_in_dim3A_680 = vector.shape_cast %get3A_1 : vector<8x1xf32> to vector<8x1xf32>
    %broadcast_in_dim3A_681 = vector.broadcast %broadcast_in_dim3A_680 : vector<8x1xf32> to vector<8x512xf32>
    %broadcast_in_dim3A_682 = vector.broadcast %jit3A_679 : f32 to vector<8x512xf32>
    %select_n3A_683 = arith.select %gt3A_655, %broadcast_in_dim3A_681, %broadcast_in_dim3A_682 : vector<8x512xi1>, vector<8x512xf32>
    %sub3A_684 = vector.broadcast %get3A_1 : vector<8x1xf32> to vector<8x512xf32>
    %sub3A_685 = arith.subf %sub3A_684, %select_n3A_678 : vector<8x512xf32>
    %abs3A_686 = math.absf %sub3A_685 : vector<8x512xf32>
    %select_n3A_687 = arith.select %gt3A_655, %abs3A_686, %select_n3A_678 : vector<8x512xi1>, vector<8x512xf32>
    %mul3A_688 = arith.mulf %get3A_649, %select_n3A_683 : vector<8x512xf32>
    %sub3A_689 = arith.subf %add3A_671, %mul3A_688 : vector<8x512xf32>
    %sqrt3A_690 = math.sqrt %select_n3A_687 : vector<8x512xf32>
    %mul3A_691 = arith.mulf %select_n3A_687, %sqrt3A_690 : vector<8x512xf32>
    %mul3A_692 = arith.mulf %sub3A_689, %mul3A_691 : vector<8x512xf32>
    %add3A_693 = arith.addf %add3A_646, %mul3A_692 : vector<8x512xf32>
    %get3A_694 = arith.constant 0 : index
    %get3A_695 = arith.constant 7680 : index
    %get3A_696 = vector.load %arg2[%get3A_694, %get3A_695] : memref<8x57344xf32, #tpu.memory_space<vmem>>, vector<8x512xf32>
    %get3A_697 = arith.constant 0 : index
    %get3A_698 = arith.constant 7680 : index
    %get3A_699 = vector.load %arg3[%get3A_697, %get3A_698] : memref<8x57344xi32, #tpu.memory_space<vmem>>, vector<8x512xi32>
    %gt3A_700 = arith.constant 0 : i32
    %gt3A_701 = vector.broadcast %gt3A_700 : i32 to vector<8x512xi32>
    %gt3A_702 = arith.cmpi sgt, %get3A_699, %gt3A_701 : vector<8x512xi32>
    %abs3A_703 = math.absf %get3A_696 : vector<8x512xf32>
    %neg3A_704 = arith.constant 0.000000e+00 : f32
    %neg3A_705 = vector.broadcast %neg3A_704 : f32 to vector<8x512xf32>
    %neg3A_706 = arith.subf %neg3A_705, %abs3A_703 : vector<8x512xf32>
    %exp3A_707 = math.exp %neg3A_706 : vector<8x512xf32>
    %add3A_708 = arith.constant 1.000000e+00 : f32
    %add3A_709 = vector.broadcast %add3A_708 : f32 to vector<8x512xf32>
    %add3A_710 = arith.addf %add3A_709, %exp3A_707 : vector<8x512xf32>
    %div3A_711 = arith.constant 1.000000e+00 : f32
    %div3A_712 = vector.broadcast %div3A_711 : f32 to vector<8x512xf32>
    %div3A_713 = arith.divf %div3A_712, %add3A_710 : vector<8x512xf32>
    %max3A_714 = arith.constant 0.000000e+00 : f32
    %max3A_715 = vector.broadcast %max3A_714 : f32 to vector<8x512xf32>
    %max3A_716 = arith.maximumf %get3A_696, %max3A_715 : vector<8x512xf32>
    %log1p3A_717 = math.log1p %exp3A_707 : vector<8x512xf32>
    %add3A_718 = arith.addf %max3A_716, %log1p3A_717 : vector<8x512xf32>
    %ge3A_719 = arith.constant 0.000000e+00 : f32
    %ge3A_720 = vector.broadcast %ge3A_719 : f32 to vector<8x512xf32>
    %ge3A_721 = arith.cmpf oge, %get3A_696, %ge3A_720 : vector<8x512xf32>
    %sub3A_722 = arith.constant 1.000000e+00 : f32
    %sub3A_723 = vector.broadcast %sub3A_722 : f32 to vector<8x512xf32>
    %sub3A_724 = arith.subf %sub3A_723, %div3A_713 : vector<8x512xf32>
    %select_n3A_725 = arith.select %ge3A_721, %div3A_713, %sub3A_724 : vector<8x512xi1>, vector<8x512xf32>
    %jit3A_726 = arith.constant 0.000000e+00 : f32
    %broadcast_in_dim3A_727 = vector.shape_cast %get3A_1 : vector<8x1xf32> to vector<8x1xf32>
    %broadcast_in_dim3A_728 = vector.broadcast %broadcast_in_dim3A_727 : vector<8x1xf32> to vector<8x512xf32>
    %broadcast_in_dim3A_729 = vector.broadcast %jit3A_726 : f32 to vector<8x512xf32>
    %select_n3A_730 = arith.select %gt3A_702, %broadcast_in_dim3A_728, %broadcast_in_dim3A_729 : vector<8x512xi1>, vector<8x512xf32>
    %sub3A_731 = vector.broadcast %get3A_1 : vector<8x1xf32> to vector<8x512xf32>
    %sub3A_732 = arith.subf %sub3A_731, %select_n3A_725 : vector<8x512xf32>
    %abs3A_733 = math.absf %sub3A_732 : vector<8x512xf32>
    %select_n3A_734 = arith.select %gt3A_702, %abs3A_733, %select_n3A_725 : vector<8x512xi1>, vector<8x512xf32>
    %mul3A_735 = arith.mulf %get3A_696, %select_n3A_730 : vector<8x512xf32>
    %sub3A_736 = arith.subf %add3A_718, %mul3A_735 : vector<8x512xf32>
    %sqrt3A_737 = math.sqrt %select_n3A_734 : vector<8x512xf32>
    %mul3A_738 = arith.mulf %select_n3A_734, %sqrt3A_737 : vector<8x512xf32>
    %mul3A_739 = arith.mulf %sub3A_736, %mul3A_738 : vector<8x512xf32>
    %add3A_740 = arith.addf %add3A_693, %mul3A_739 : vector<8x512xf32>
    %get3A_741 = arith.constant 0 : index
    %get3A_742 = arith.constant 8192 : index
    %get3A_743 = vector.load %arg2[%get3A_741, %get3A_742] : memref<8x57344xf32, #tpu.memory_space<vmem>>, vector<8x512xf32>
    %get3A_744 = arith.constant 0 : index
    %get3A_745 = arith.constant 8192 : index
    %get3A_746 = vector.load %arg3[%get3A_744, %get3A_745] : memref<8x57344xi32, #tpu.memory_space<vmem>>, vector<8x512xi32>
    %gt3A_747 = arith.constant 0 : i32
    %gt3A_748 = vector.broadcast %gt3A_747 : i32 to vector<8x512xi32>
    %gt3A_749 = arith.cmpi sgt, %get3A_746, %gt3A_748 : vector<8x512xi32>
    %abs3A_750 = math.absf %get3A_743 : vector<8x512xf32>
    %neg3A_751 = arith.constant 0.000000e+00 : f32
    %neg3A_752 = vector.broadcast %neg3A_751 : f32 to vector<8x512xf32>
    %neg3A_753 = arith.subf %neg3A_752, %abs3A_750 : vector<8x512xf32>
    %exp3A_754 = math.exp %neg3A_753 : vector<8x512xf32>
    %add3A_755 = arith.constant 1.000000e+00 : f32
    %add3A_756 = vector.broadcast %add3A_755 : f32 to vector<8x512xf32>
    %add3A_757 = arith.addf %add3A_756, %exp3A_754 : vector<8x512xf32>
    %div3A_758 = arith.constant 1.000000e+00 : f32
    %div3A_759 = vector.broadcast %div3A_758 : f32 to vector<8x512xf32>
    %div3A_760 = arith.divf %div3A_759, %add3A_757 : vector<8x512xf32>
    %max3A_761 = arith.constant 0.000000e+00 : f32
    %max3A_762 = vector.broadcast %max3A_761 : f32 to vector<8x512xf32>
    %max3A_763 = arith.maximumf %get3A_743, %max3A_762 : vector<8x512xf32>
    %log1p3A_764 = math.log1p %exp3A_754 : vector<8x512xf32>
    %add3A_765 = arith.addf %max3A_763, %log1p3A_764 : vector<8x512xf32>
    %ge3A_766 = arith.constant 0.000000e+00 : f32
    %ge3A_767 = vector.broadcast %ge3A_766 : f32 to vector<8x512xf32>
    %ge3A_768 = arith.cmpf oge, %get3A_743, %ge3A_767 : vector<8x512xf32>
    %sub3A_769 = arith.constant 1.000000e+00 : f32
    %sub3A_770 = vector.broadcast %sub3A_769 : f32 to vector<8x512xf32>
    %sub3A_771 = arith.subf %sub3A_770, %div3A_760 : vector<8x512xf32>
    %select_n3A_772 = arith.select %ge3A_768, %div3A_760, %sub3A_771 : vector<8x512xi1>, vector<8x512xf32>
    %jit3A_773 = arith.constant 0.000000e+00 : f32
    %broadcast_in_dim3A_774 = vector.shape_cast %get3A_1 : vector<8x1xf32> to vector<8x1xf32>
    %broadcast_in_dim3A_775 = vector.broadcast %broadcast_in_dim3A_774 : vector<8x1xf32> to vector<8x512xf32>
    %broadcast_in_dim3A_776 = vector.broadcast %jit3A_773 : f32 to vector<8x512xf32>
    %select_n3A_777 = arith.select %gt3A_749, %broadcast_in_dim3A_775, %broadcast_in_dim3A_776 : vector<8x512xi1>, vector<8x512xf32>
    %sub3A_778 = vector.broadcast %get3A_1 : vector<8x1xf32> to vector<8x512xf32>
    %sub3A_779 = arith.subf %sub3A_778, %select_n3A_772 : vector<8x512xf32>
    %abs3A_780 = math.absf %sub3A_779 : vector<8x512xf32>
    %select_n3A_781 = arith.select %gt3A_749, %abs3A_780, %select_n3A_772 : vector<8x512xi1>, vector<8x512xf32>
    %mul3A_782 = arith.mulf %get3A_743, %select_n3A_777 : vector<8x512xf32>
    %sub3A_783 = arith.subf %add3A_765, %mul3A_782 : vector<8x512xf32>
    %sqrt3A_784 = math.sqrt %select_n3A_781 : vector<8x512xf32>
    %mul3A_785 = arith.mulf %select_n3A_781, %sqrt3A_784 : vector<8x512xf32>
    %mul3A_786 = arith.mulf %sub3A_783, %mul3A_785 : vector<8x512xf32>
    %add3A_787 = arith.addf %add3A_740, %mul3A_786 : vector<8x512xf32>
    %get3A_788 = arith.constant 0 : index
    %get3A_789 = arith.constant 8704 : index
    %get3A_790 = vector.load %arg2[%get3A_788, %get3A_789] : memref<8x57344xf32, #tpu.memory_space<vmem>>, vector<8x512xf32>
    %get3A_791 = arith.constant 0 : index
    %get3A_792 = arith.constant 8704 : index
    %get3A_793 = vector.load %arg3[%get3A_791, %get3A_792] : memref<8x57344xi32, #tpu.memory_space<vmem>>, vector<8x512xi32>
    %gt3A_794 = arith.constant 0 : i32
    %gt3A_795 = vector.broadcast %gt3A_794 : i32 to vector<8x512xi32>
    %gt3A_796 = arith.cmpi sgt, %get3A_793, %gt3A_795 : vector<8x512xi32>
    %abs3A_797 = math.absf %get3A_790 : vector<8x512xf32>
    %neg3A_798 = arith.constant 0.000000e+00 : f32
    %neg3A_799 = vector.broadcast %neg3A_798 : f32 to vector<8x512xf32>
    %neg3A_800 = arith.subf %neg3A_799, %abs3A_797 : vector<8x512xf32>
    %exp3A_801 = math.exp %neg3A_800 : vector<8x512xf32>
    %add3A_802 = arith.constant 1.000000e+00 : f32
    %add3A_803 = vector.broadcast %add3A_802 : f32 to vector<8x512xf32>
    %add3A_804 = arith.addf %add3A_803, %exp3A_801 : vector<8x512xf32>
    %div3A_805 = arith.constant 1.000000e+00 : f32
    %div3A_806 = vector.broadcast %div3A_805 : f32 to vector<8x512xf32>
    %div3A_807 = arith.divf %div3A_806, %add3A_804 : vector<8x512xf32>
    %max3A_808 = arith.constant 0.000000e+00 : f32
    %max3A_809 = vector.broadcast %max3A_808 : f32 to vector<8x512xf32>
    %max3A_810 = arith.maximumf %get3A_790, %max3A_809 : vector<8x512xf32>
    %log1p3A_811 = math.log1p %exp3A_801 : vector<8x512xf32>
    %add3A_812 = arith.addf %max3A_810, %log1p3A_811 : vector<8x512xf32>
    %ge3A_813 = arith.constant 0.000000e+00 : f32
    %ge3A_814 = vector.broadcast %ge3A_813 : f32 to vector<8x512xf32>
    %ge3A_815 = arith.cmpf oge, %get3A_790, %ge3A_814 : vector<8x512xf32>
    %sub3A_816 = arith.constant 1.000000e+00 : f32
    %sub3A_817 = vector.broadcast %sub3A_816 : f32 to vector<8x512xf32>
    %sub3A_818 = arith.subf %sub3A_817, %div3A_807 : vector<8x512xf32>
    %select_n3A_819 = arith.select %ge3A_815, %div3A_807, %sub3A_818 : vector<8x512xi1>, vector<8x512xf32>
    %jit3A_820 = arith.constant 0.000000e+00 : f32
    %broadcast_in_dim3A_821 = vector.shape_cast %get3A_1 : vector<8x1xf32> to vector<8x1xf32>
    %broadcast_in_dim3A_822 = vector.broadcast %broadcast_in_dim3A_821 : vector<8x1xf32> to vector<8x512xf32>
    %broadcast_in_dim3A_823 = vector.broadcast %jit3A_820 : f32 to vector<8x512xf32>
    %select_n3A_824 = arith.select %gt3A_796, %broadcast_in_dim3A_822, %broadcast_in_dim3A_823 : vector<8x512xi1>, vector<8x512xf32>
    %sub3A_825 = vector.broadcast %get3A_1 : vector<8x1xf32> to vector<8x512xf32>
    %sub3A_826 = arith.subf %sub3A_825, %select_n3A_819 : vector<8x512xf32>
    %abs3A_827 = math.absf %sub3A_826 : vector<8x512xf32>
    %select_n3A_828 = arith.select %gt3A_796, %abs3A_827, %select_n3A_819 : vector<8x512xi1>, vector<8x512xf32>
    %mul3A_829 = arith.mulf %get3A_790, %select_n3A_824 : vector<8x512xf32>
    %sub3A_830 = arith.subf %add3A_812, %mul3A_829 : vector<8x512xf32>
    %sqrt3A_831 = math.sqrt %select_n3A_828 : vector<8x512xf32>
    %mul3A_832 = arith.mulf %select_n3A_828, %sqrt3A_831 : vector<8x512xf32>
    %mul3A_833 = arith.mulf %sub3A_830, %mul3A_832 : vector<8x512xf32>
    %add3A_834 = arith.addf %add3A_787, %mul3A_833 : vector<8x512xf32>
    %get3A_835 = arith.constant 0 : index
    %get3A_836 = arith.constant 9216 : index
    %get3A_837 = vector.load %arg2[%get3A_835, %get3A_836] : memref<8x57344xf32, #tpu.memory_space<vmem>>, vector<8x512xf32>
    %get3A_838 = arith.constant 0 : index
    %get3A_839 = arith.constant 9216 : index
    %get3A_840 = vector.load %arg3[%get3A_838, %get3A_839] : memref<8x57344xi32, #tpu.memory_space<vmem>>, vector<8x512xi32>
    %gt3A_841 = arith.constant 0 : i32
    %gt3A_842 = vector.broadcast %gt3A_841 : i32 to vector<8x512xi32>
    %gt3A_843 = arith.cmpi sgt, %get3A_840, %gt3A_842 : vector<8x512xi32>
    %abs3A_844 = math.absf %get3A_837 : vector<8x512xf32>
    %neg3A_845 = arith.constant 0.000000e+00 : f32
    %neg3A_846 = vector.broadcast %neg3A_845 : f32 to vector<8x512xf32>
    %neg3A_847 = arith.subf %neg3A_846, %abs3A_844 : vector<8x512xf32>
    %exp3A_848 = math.exp %neg3A_847 : vector<8x512xf32>
    %add3A_849 = arith.constant 1.000000e+00 : f32
    %add3A_850 = vector.broadcast %add3A_849 : f32 to vector<8x512xf32>
    %add3A_851 = arith.addf %add3A_850, %exp3A_848 : vector<8x512xf32>
    %div3A_852 = arith.constant 1.000000e+00 : f32
    %div3A_853 = vector.broadcast %div3A_852 : f32 to vector<8x512xf32>
    %div3A_854 = arith.divf %div3A_853, %add3A_851 : vector<8x512xf32>
    %max3A_855 = arith.constant 0.000000e+00 : f32
    %max3A_856 = vector.broadcast %max3A_855 : f32 to vector<8x512xf32>
    %max3A_857 = arith.maximumf %get3A_837, %max3A_856 : vector<8x512xf32>
    %log1p3A_858 = math.log1p %exp3A_848 : vector<8x512xf32>
    %add3A_859 = arith.addf %max3A_857, %log1p3A_858 : vector<8x512xf32>
    %ge3A_860 = arith.constant 0.000000e+00 : f32
    %ge3A_861 = vector.broadcast %ge3A_860 : f32 to vector<8x512xf32>
    %ge3A_862 = arith.cmpf oge, %get3A_837, %ge3A_861 : vector<8x512xf32>
    %sub3A_863 = arith.constant 1.000000e+00 : f32
    %sub3A_864 = vector.broadcast %sub3A_863 : f32 to vector<8x512xf32>
    %sub3A_865 = arith.subf %sub3A_864, %div3A_854 : vector<8x512xf32>
    %select_n3A_866 = arith.select %ge3A_862, %div3A_854, %sub3A_865 : vector<8x512xi1>, vector<8x512xf32>
    %jit3A_867 = arith.constant 0.000000e+00 : f32
    %broadcast_in_dim3A_868 = vector.shape_cast %get3A_1 : vector<8x1xf32> to vector<8x1xf32>
    %broadcast_in_dim3A_869 = vector.broadcast %broadcast_in_dim3A_868 : vector<8x1xf32> to vector<8x512xf32>
    %broadcast_in_dim3A_870 = vector.broadcast %jit3A_867 : f32 to vector<8x512xf32>
    %select_n3A_871 = arith.select %gt3A_843, %broadcast_in_dim3A_869, %broadcast_in_dim3A_870 : vector<8x512xi1>, vector<8x512xf32>
    %sub3A_872 = vector.broadcast %get3A_1 : vector<8x1xf32> to vector<8x512xf32>
    %sub3A_873 = arith.subf %sub3A_872, %select_n3A_866 : vector<8x512xf32>
    %abs3A_874 = math.absf %sub3A_873 : vector<8x512xf32>
    %select_n3A_875 = arith.select %gt3A_843, %abs3A_874, %select_n3A_866 : vector<8x512xi1>, vector<8x512xf32>
    %mul3A_876 = arith.mulf %get3A_837, %select_n3A_871 : vector<8x512xf32>
    %sub3A_877 = arith.subf %add3A_859, %mul3A_876 : vector<8x512xf32>
    %sqrt3A_878 = math.sqrt %select_n3A_875 : vector<8x512xf32>
    %mul3A_879 = arith.mulf %select_n3A_875, %sqrt3A_878 : vector<8x512xf32>
    %mul3A_880 = arith.mulf %sub3A_877, %mul3A_879 : vector<8x512xf32>
    %add3A_881 = arith.addf %add3A_834, %mul3A_880 : vector<8x512xf32>
    %get3A_882 = arith.constant 0 : index
    %get3A_883 = arith.constant 9728 : index
    %get3A_884 = vector.load %arg2[%get3A_882, %get3A_883] : memref<8x57344xf32, #tpu.memory_space<vmem>>, vector<8x512xf32>
    %get3A_885 = arith.constant 0 : index
    %get3A_886 = arith.constant 9728 : index
    %get3A_887 = vector.load %arg3[%get3A_885, %get3A_886] : memref<8x57344xi32, #tpu.memory_space<vmem>>, vector<8x512xi32>
    %gt3A_888 = arith.constant 0 : i32
    %gt3A_889 = vector.broadcast %gt3A_888 : i32 to vector<8x512xi32>
    %gt3A_890 = arith.cmpi sgt, %get3A_887, %gt3A_889 : vector<8x512xi32>
    %abs3A_891 = math.absf %get3A_884 : vector<8x512xf32>
    %neg3A_892 = arith.constant 0.000000e+00 : f32
    %neg3A_893 = vector.broadcast %neg3A_892 : f32 to vector<8x512xf32>
    %neg3A_894 = arith.subf %neg3A_893, %abs3A_891 : vector<8x512xf32>
    %exp3A_895 = math.exp %neg3A_894 : vector<8x512xf32>
    %add3A_896 = arith.constant 1.000000e+00 : f32
    %add3A_897 = vector.broadcast %add3A_896 : f32 to vector<8x512xf32>
    %add3A_898 = arith.addf %add3A_897, %exp3A_895 : vector<8x512xf32>
    %div3A_899 = arith.constant 1.000000e+00 : f32
    %div3A_900 = vector.broadcast %div3A_899 : f32 to vector<8x512xf32>
    %div3A_901 = arith.divf %div3A_900, %add3A_898 : vector<8x512xf32>
    %max3A_902 = arith.constant 0.000000e+00 : f32
    %max3A_903 = vector.broadcast %max3A_902 : f32 to vector<8x512xf32>
    %max3A_904 = arith.maximumf %get3A_884, %max3A_903 : vector<8x512xf32>
    %log1p3A_905 = math.log1p %exp3A_895 : vector<8x512xf32>
    %add3A_906 = arith.addf %max3A_904, %log1p3A_905 : vector<8x512xf32>
    %ge3A_907 = arith.constant 0.000000e+00 : f32
    %ge3A_908 = vector.broadcast %ge3A_907 : f32 to vector<8x512xf32>
    %ge3A_909 = arith.cmpf oge, %get3A_884, %ge3A_908 : vector<8x512xf32>
    %sub3A_910 = arith.constant 1.000000e+00 : f32
    %sub3A_911 = vector.broadcast %sub3A_910 : f32 to vector<8x512xf32>
    %sub3A_912 = arith.subf %sub3A_911, %div3A_901 : vector<8x512xf32>
    %select_n3A_913 = arith.select %ge3A_909, %div3A_901, %sub3A_912 : vector<8x512xi1>, vector<8x512xf32>
    %jit3A_914 = arith.constant 0.000000e+00 : f32
    %broadcast_in_dim3A_915 = vector.shape_cast %get3A_1 : vector<8x1xf32> to vector<8x1xf32>
    %broadcast_in_dim3A_916 = vector.broadcast %broadcast_in_dim3A_915 : vector<8x1xf32> to vector<8x512xf32>
    %broadcast_in_dim3A_917 = vector.broadcast %jit3A_914 : f32 to vector<8x512xf32>
    %select_n3A_918 = arith.select %gt3A_890, %broadcast_in_dim3A_916, %broadcast_in_dim3A_917 : vector<8x512xi1>, vector<8x512xf32>
    %sub3A_919 = vector.broadcast %get3A_1 : vector<8x1xf32> to vector<8x512xf32>
    %sub3A_920 = arith.subf %sub3A_919, %select_n3A_913 : vector<8x512xf32>
    %abs3A_921 = math.absf %sub3A_920 : vector<8x512xf32>
    %select_n3A_922 = arith.select %gt3A_890, %abs3A_921, %select_n3A_913 : vector<8x512xi1>, vector<8x512xf32>
    %mul3A_923 = arith.mulf %get3A_884, %select_n3A_918 : vector<8x512xf32>
    %sub3A_924 = arith.subf %add3A_906, %mul3A_923 : vector<8x512xf32>
    %sqrt3A_925 = math.sqrt %select_n3A_922 : vector<8x512xf32>
    %mul3A_926 = arith.mulf %select_n3A_922, %sqrt3A_925 : vector<8x512xf32>
    %mul3A_927 = arith.mulf %sub3A_924, %mul3A_926 : vector<8x512xf32>
    %add3A_928 = arith.addf %add3A_881, %mul3A_927 : vector<8x512xf32>
    %get3A_929 = arith.constant 0 : index
    %get3A_930 = arith.constant 10240 : index
    %get3A_931 = vector.load %arg2[%get3A_929, %get3A_930] : memref<8x57344xf32, #tpu.memory_space<vmem>>, vector<8x512xf32>
    %get3A_932 = arith.constant 0 : index
    %get3A_933 = arith.constant 10240 : index
    %get3A_934 = vector.load %arg3[%get3A_932, %get3A_933] : memref<8x57344xi32, #tpu.memory_space<vmem>>, vector<8x512xi32>
    %gt3A_935 = arith.constant 0 : i32
    %gt3A_936 = vector.broadcast %gt3A_935 : i32 to vector<8x512xi32>
    %gt3A_937 = arith.cmpi sgt, %get3A_934, %gt3A_936 : vector<8x512xi32>
    %abs3A_938 = math.absf %get3A_931 : vector<8x512xf32>
    %neg3A_939 = arith.constant 0.000000e+00 : f32
    %neg3A_940 = vector.broadcast %neg3A_939 : f32 to vector<8x512xf32>
    %neg3A_941 = arith.subf %neg3A_940, %abs3A_938 : vector<8x512xf32>
    %exp3A_942 = math.exp %neg3A_941 : vector<8x512xf32>
    %add3A_943 = arith.constant 1.000000e+00 : f32
    %add3A_944 = vector.broadcast %add3A_943 : f32 to vector<8x512xf32>
    %add3A_945 = arith.addf %add3A_944, %exp3A_942 : vector<8x512xf32>
    %div3A_946 = arith.constant 1.000000e+00 : f32
    %div3A_947 = vector.broadcast %div3A_946 : f32 to vector<8x512xf32>
    %div3A_948 = arith.divf %div3A_947, %add3A_945 : vector<8x512xf32>
    %max3A_949 = arith.constant 0.000000e+00 : f32
    %max3A_950 = vector.broadcast %max3A_949 : f32 to vector<8x512xf32>
    %max3A_951 = arith.maximumf %get3A_931, %max3A_950 : vector<8x512xf32>
    %log1p3A_952 = math.log1p %exp3A_942 : vector<8x512xf32>
    %add3A_953 = arith.addf %max3A_951, %log1p3A_952 : vector<8x512xf32>
    %ge3A_954 = arith.constant 0.000000e+00 : f32
    %ge3A_955 = vector.broadcast %ge3A_954 : f32 to vector<8x512xf32>
    %ge3A_956 = arith.cmpf oge, %get3A_931, %ge3A_955 : vector<8x512xf32>
    %sub3A_957 = arith.constant 1.000000e+00 : f32
    %sub3A_958 = vector.broadcast %sub3A_957 : f32 to vector<8x512xf32>
    %sub3A_959 = arith.subf %sub3A_958, %div3A_948 : vector<8x512xf32>
    %select_n3A_960 = arith.select %ge3A_956, %div3A_948, %sub3A_959 : vector<8x512xi1>, vector<8x512xf32>
    %jit3A_961 = arith.constant 0.000000e+00 : f32
    %broadcast_in_dim3A_962 = vector.shape_cast %get3A_1 : vector<8x1xf32> to vector<8x1xf32>
    %broadcast_in_dim3A_963 = vector.broadcast %broadcast_in_dim3A_962 : vector<8x1xf32> to vector<8x512xf32>
    %broadcast_in_dim3A_964 = vector.broadcast %jit3A_961 : f32 to vector<8x512xf32>
    %select_n3A_965 = arith.select %gt3A_937, %broadcast_in_dim3A_963, %broadcast_in_dim3A_964 : vector<8x512xi1>, vector<8x512xf32>
    %sub3A_966 = vector.broadcast %get3A_1 : vector<8x1xf32> to vector<8x512xf32>
    %sub3A_967 = arith.subf %sub3A_966, %select_n3A_960 : vector<8x512xf32>
    %abs3A_968 = math.absf %sub3A_967 : vector<8x512xf32>
    %select_n3A_969 = arith.select %gt3A_937, %abs3A_968, %select_n3A_960 : vector<8x512xi1>, vector<8x512xf32>
    %mul3A_970 = arith.mulf %get3A_931, %select_n3A_965 : vector<8x512xf32>
    %sub3A_971 = arith.subf %add3A_953, %mul3A_970 : vector<8x512xf32>
    %sqrt3A_972 = math.sqrt %select_n3A_969 : vector<8x512xf32>
    %mul3A_973 = arith.mulf %select_n3A_969, %sqrt3A_972 : vector<8x512xf32>
    %mul3A_974 = arith.mulf %sub3A_971, %mul3A_973 : vector<8x512xf32>
    %add3A_975 = arith.addf %add3A_928, %mul3A_974 : vector<8x512xf32>
    %get3A_976 = arith.constant 0 : index
    %get3A_977 = arith.constant 10752 : index
    %get3A_978 = vector.load %arg2[%get3A_976, %get3A_977] : memref<8x57344xf32, #tpu.memory_space<vmem>>, vector<8x512xf32>
    %get3A_979 = arith.constant 0 : index
    %get3A_980 = arith.constant 10752 : index
    %get3A_981 = vector.load %arg3[%get3A_979, %get3A_980] : memref<8x57344xi32, #tpu.memory_space<vmem>>, vector<8x512xi32>
    %gt3A_982 = arith.constant 0 : i32
    %gt3A_983 = vector.broadcast %gt3A_982 : i32 to vector<8x512xi32>
    %gt3A_984 = arith.cmpi sgt, %get3A_981, %gt3A_983 : vector<8x512xi32>
    %abs3A_985 = math.absf %get3A_978 : vector<8x512xf32>
    %neg3A_986 = arith.constant 0.000000e+00 : f32
    %neg3A_987 = vector.broadcast %neg3A_986 : f32 to vector<8x512xf32>
    %neg3A_988 = arith.subf %neg3A_987, %abs3A_985 : vector<8x512xf32>
    %exp3A_989 = math.exp %neg3A_988 : vector<8x512xf32>
    %add3A_990 = arith.constant 1.000000e+00 : f32
    %add3A_991 = vector.broadcast %add3A_990 : f32 to vector<8x512xf32>
    %add3A_992 = arith.addf %add3A_991, %exp3A_989 : vector<8x512xf32>
    %div3A_993 = arith.constant 1.000000e+00 : f32
    %div3A_994 = vector.broadcast %div3A_993 : f32 to vector<8x512xf32>
    %div3A_995 = arith.divf %div3A_994, %add3A_992 : vector<8x512xf32>
    %max3A_996 = arith.constant 0.000000e+00 : f32
    %max3A_997 = vector.broadcast %max3A_996 : f32 to vector<8x512xf32>
    %max3A_998 = arith.maximumf %get3A_978, %max3A_997 : vector<8x512xf32>
    %log1p3A_999 = math.log1p %exp3A_989 : vector<8x512xf32>
    %add3A_1000 = arith.addf %max3A_998, %log1p3A_999 : vector<8x512xf32>
    %ge3A_1001 = arith.constant 0.000000e+00 : f32
    %ge3A_1002 = vector.broadcast %ge3A_1001 : f32 to vector<8x512xf32>
    %ge3A_1003 = arith.cmpf oge, %get3A_978, %ge3A_1002 : vector<8x512xf32>
    %sub3A_1004 = arith.constant 1.000000e+00 : f32
    %sub3A_1005 = vector.broadcast %sub3A_1004 : f32 to vector<8x512xf32>
    %sub3A_1006 = arith.subf %sub3A_1005, %div3A_995 : vector<8x512xf32>
    %select_n3A_1007 = arith.select %ge3A_1003, %div3A_995, %sub3A_1006 : vector<8x512xi1>, vector<8x512xf32>
    %jit3A_1008 = arith.constant 0.000000e+00 : f32
    %broadcast_in_dim3A_1009 = vector.shape_cast %get3A_1 : vector<8x1xf32> to vector<8x1xf32>
    %broadcast_in_dim3A_1010 = vector.broadcast %broadcast_in_dim3A_1009 : vector<8x1xf32> to vector<8x512xf32>
    %broadcast_in_dim3A_1011 = vector.broadcast %jit3A_1008 : f32 to vector<8x512xf32>
    %select_n3A_1012 = arith.select %gt3A_984, %broadcast_in_dim3A_1010, %broadcast_in_dim3A_1011 : vector<8x512xi1>, vector<8x512xf32>
    %sub3A_1013 = vector.broadcast %get3A_1 : vector<8x1xf32> to vector<8x512xf32>
    %sub3A_1014 = arith.subf %sub3A_1013, %select_n3A_1007 : vector<8x512xf32>
    %abs3A_1015 = math.absf %sub3A_1014 : vector<8x512xf32>
    %select_n3A_1016 = arith.select %gt3A_984, %abs3A_1015, %select_n3A_1007 : vector<8x512xi1>, vector<8x512xf32>
    %mul3A_1017 = arith.mulf %get3A_978, %select_n3A_1012 : vector<8x512xf32>
    %sub3A_1018 = arith.subf %add3A_1000, %mul3A_1017 : vector<8x512xf32>
    %sqrt3A_1019 = math.sqrt %select_n3A_1016 : vector<8x512xf32>
    %mul3A_1020 = arith.mulf %select_n3A_1016, %sqrt3A_1019 : vector<8x512xf32>
    %mul3A_1021 = arith.mulf %sub3A_1018, %mul3A_1020 : vector<8x512xf32>
    %add3A_1022 = arith.addf %add3A_975, %mul3A_1021 : vector<8x512xf32>
    %get3A_1023 = arith.constant 0 : index
    %get3A_1024 = arith.constant 11264 : index
    %get3A_1025 = vector.load %arg2[%get3A_1023, %get3A_1024] : memref<8x57344xf32, #tpu.memory_space<vmem>>, vector<8x512xf32>
    %get3A_1026 = arith.constant 0 : index
    %get3A_1027 = arith.constant 11264 : index
    %get3A_1028 = vector.load %arg3[%get3A_1026, %get3A_1027] : memref<8x57344xi32, #tpu.memory_space<vmem>>, vector<8x512xi32>
    %gt3A_1029 = arith.constant 0 : i32
    %gt3A_1030 = vector.broadcast %gt3A_1029 : i32 to vector<8x512xi32>
    %gt3A_1031 = arith.cmpi sgt, %get3A_1028, %gt3A_1030 : vector<8x512xi32>
    %abs3A_1032 = math.absf %get3A_1025 : vector<8x512xf32>
    %neg3A_1033 = arith.constant 0.000000e+00 : f32
    %neg3A_1034 = vector.broadcast %neg3A_1033 : f32 to vector<8x512xf32>
    %neg3A_1035 = arith.subf %neg3A_1034, %abs3A_1032 : vector<8x512xf32>
    %exp3A_1036 = math.exp %neg3A_1035 : vector<8x512xf32>
    %add3A_1037 = arith.constant 1.000000e+00 : f32
    %add3A_1038 = vector.broadcast %add3A_1037 : f32 to vector<8x512xf32>
    %add3A_1039 = arith.addf %add3A_1038, %exp3A_1036 : vector<8x512xf32>
    %div3A_1040 = arith.constant 1.000000e+00 : f32
    %div3A_1041 = vector.broadcast %div3A_1040 : f32 to vector<8x512xf32>
    %div3A_1042 = arith.divf %div3A_1041, %add3A_1039 : vector<8x512xf32>
    %max3A_1043 = arith.constant 0.000000e+00 : f32
    %max3A_1044 = vector.broadcast %max3A_1043 : f32 to vector<8x512xf32>
    %max3A_1045 = arith.maximumf %get3A_1025, %max3A_1044 : vector<8x512xf32>
    %log1p3A_1046 = math.log1p %exp3A_1036 : vector<8x512xf32>
    %add3A_1047 = arith.addf %max3A_1045, %log1p3A_1046 : vector<8x512xf32>
    %ge3A_1048 = arith.constant 0.000000e+00 : f32
    %ge3A_1049 = vector.broadcast %ge3A_1048 : f32 to vector<8x512xf32>
    %ge3A_1050 = arith.cmpf oge, %get3A_1025, %ge3A_1049 : vector<8x512xf32>
    %sub3A_1051 = arith.constant 1.000000e+00 : f32
    %sub3A_1052 = vector.broadcast %sub3A_1051 : f32 to vector<8x512xf32>
    %sub3A_1053 = arith.subf %sub3A_1052, %div3A_1042 : vector<8x512xf32>
    %select_n3A_1054 = arith.select %ge3A_1050, %div3A_1042, %sub3A_1053 : vector<8x512xi1>, vector<8x512xf32>
    %jit3A_1055 = arith.constant 0.000000e+00 : f32
    %broadcast_in_dim3A_1056 = vector.shape_cast %get3A_1 : vector<8x1xf32> to vector<8x1xf32>
    %broadcast_in_dim3A_1057 = vector.broadcast %broadcast_in_dim3A_1056 : vector<8x1xf32> to vector<8x512xf32>
    %broadcast_in_dim3A_1058 = vector.broadcast %jit3A_1055 : f32 to vector<8x512xf32>
    %select_n3A_1059 = arith.select %gt3A_1031, %broadcast_in_dim3A_1057, %broadcast_in_dim3A_1058 : vector<8x512xi1>, vector<8x512xf32>
    %sub3A_1060 = vector.broadcast %get3A_1 : vector<8x1xf32> to vector<8x512xf32>
    %sub3A_1061 = arith.subf %sub3A_1060, %select_n3A_1054 : vector<8x512xf32>
    %abs3A_1062 = math.absf %sub3A_1061 : vector<8x512xf32>
    %select_n3A_1063 = arith.select %gt3A_1031, %abs3A_1062, %select_n3A_1054 : vector<8x512xi1>, vector<8x512xf32>
    %mul3A_1064 = arith.mulf %get3A_1025, %select_n3A_1059 : vector<8x512xf32>
    %sub3A_1065 = arith.subf %add3A_1047, %mul3A_1064 : vector<8x512xf32>
    %sqrt3A_1066 = math.sqrt %select_n3A_1063 : vector<8x512xf32>
    %mul3A_1067 = arith.mulf %select_n3A_1063, %sqrt3A_1066 : vector<8x512xf32>
    %mul3A_1068 = arith.mulf %sub3A_1065, %mul3A_1067 : vector<8x512xf32>
    %add3A_1069 = arith.addf %add3A_1022, %mul3A_1068 : vector<8x512xf32>
    %get3A_1070 = arith.constant 0 : index
    %get3A_1071 = arith.constant 11776 : index
    %get3A_1072 = vector.load %arg2[%get3A_1070, %get3A_1071] : memref<8x57344xf32, #tpu.memory_space<vmem>>, vector<8x512xf32>
    %get3A_1073 = arith.constant 0 : index
    %get3A_1074 = arith.constant 11776 : index
    %get3A_1075 = vector.load %arg3[%get3A_1073, %get3A_1074] : memref<8x57344xi32, #tpu.memory_space<vmem>>, vector<8x512xi32>
    %gt3A_1076 = arith.constant 0 : i32
    %gt3A_1077 = vector.broadcast %gt3A_1076 : i32 to vector<8x512xi32>
    %gt3A_1078 = arith.cmpi sgt, %get3A_1075, %gt3A_1077 : vector<8x512xi32>
    %abs3A_1079 = math.absf %get3A_1072 : vector<8x512xf32>
    %neg3A_1080 = arith.constant 0.000000e+00 : f32
    %neg3A_1081 = vector.broadcast %neg3A_1080 : f32 to vector<8x512xf32>
    %neg3A_1082 = arith.subf %neg3A_1081, %abs3A_1079 : vector<8x512xf32>
    %exp3A_1083 = math.exp %neg3A_1082 : vector<8x512xf32>
    %add3A_1084 = arith.constant 1.000000e+00 : f32
    %add3A_1085 = vector.broadcast %add3A_1084 : f32 to vector<8x512xf32>
    %add3A_1086 = arith.addf %add3A_1085, %exp3A_1083 : vector<8x512xf32>
    %div3A_1087 = arith.constant 1.000000e+00 : f32
    %div3A_1088 = vector.broadcast %div3A_1087 : f32 to vector<8x512xf32>
    %div3A_1089 = arith.divf %div3A_1088, %add3A_1086 : vector<8x512xf32>
    %max3A_1090 = arith.constant 0.000000e+00 : f32
    %max3A_1091 = vector.broadcast %max3A_1090 : f32 to vector<8x512xf32>
    %max3A_1092 = arith.maximumf %get3A_1072, %max3A_1091 : vector<8x512xf32>
    %log1p3A_1093 = math.log1p %exp3A_1083 : vector<8x512xf32>
    %add3A_1094 = arith.addf %max3A_1092, %log1p3A_1093 : vector<8x512xf32>
    %ge3A_1095 = arith.constant 0.000000e+00 : f32
    %ge3A_1096 = vector.broadcast %ge3A_1095 : f32 to vector<8x512xf32>
    %ge3A_1097 = arith.cmpf oge, %get3A_1072, %ge3A_1096 : vector<8x512xf32>
    %sub3A_1098 = arith.constant 1.000000e+00 : f32
    %sub3A_1099 = vector.broadcast %sub3A_1098 : f32 to vector<8x512xf32>
    %sub3A_1100 = arith.subf %sub3A_1099, %div3A_1089 : vector<8x512xf32>
    %select_n3A_1101 = arith.select %ge3A_1097, %div3A_1089, %sub3A_1100 : vector<8x512xi1>, vector<8x512xf32>
    %jit3A_1102 = arith.constant 0.000000e+00 : f32
    %broadcast_in_dim3A_1103 = vector.shape_cast %get3A_1 : vector<8x1xf32> to vector<8x1xf32>
    %broadcast_in_dim3A_1104 = vector.broadcast %broadcast_in_dim3A_1103 : vector<8x1xf32> to vector<8x512xf32>
    %broadcast_in_dim3A_1105 = vector.broadcast %jit3A_1102 : f32 to vector<8x512xf32>
    %select_n3A_1106 = arith.select %gt3A_1078, %broadcast_in_dim3A_1104, %broadcast_in_dim3A_1105 : vector<8x512xi1>, vector<8x512xf32>
    %sub3A_1107 = vector.broadcast %get3A_1 : vector<8x1xf32> to vector<8x512xf32>
    %sub3A_1108 = arith.subf %sub3A_1107, %select_n3A_1101 : vector<8x512xf32>
    %abs3A_1109 = math.absf %sub3A_1108 : vector<8x512xf32>
    %select_n3A_1110 = arith.select %gt3A_1078, %abs3A_1109, %select_n3A_1101 : vector<8x512xi1>, vector<8x512xf32>
    %mul3A_1111 = arith.mulf %get3A_1072, %select_n3A_1106 : vector<8x512xf32>
    %sub3A_1112 = arith.subf %add3A_1094, %mul3A_1111 : vector<8x512xf32>
    %sqrt3A_1113 = math.sqrt %select_n3A_1110 : vector<8x512xf32>
    %mul3A_1114 = arith.mulf %select_n3A_1110, %sqrt3A_1113 : vector<8x512xf32>
    %mul3A_1115 = arith.mulf %sub3A_1112, %mul3A_1114 : vector<8x512xf32>
    %add3A_1116 = arith.addf %add3A_1069, %mul3A_1115 : vector<8x512xf32>
    %get3A_1117 = arith.constant 0 : index
    %get3A_1118 = arith.constant 12288 : index
    %get3A_1119 = vector.load %arg2[%get3A_1117, %get3A_1118] : memref<8x57344xf32, #tpu.memory_space<vmem>>, vector<8x512xf32>
    %get3A_1120 = arith.constant 0 : index
    %get3A_1121 = arith.constant 12288 : index
    %get3A_1122 = vector.load %arg3[%get3A_1120, %get3A_1121] : memref<8x57344xi32, #tpu.memory_space<vmem>>, vector<8x512xi32>
    %gt3A_1123 = arith.constant 0 : i32
    %gt3A_1124 = vector.broadcast %gt3A_1123 : i32 to vector<8x512xi32>
    %gt3A_1125 = arith.cmpi sgt, %get3A_1122, %gt3A_1124 : vector<8x512xi32>
    %abs3A_1126 = math.absf %get3A_1119 : vector<8x512xf32>
    %neg3A_1127 = arith.constant 0.000000e+00 : f32
    %neg3A_1128 = vector.broadcast %neg3A_1127 : f32 to vector<8x512xf32>
    %neg3A_1129 = arith.subf %neg3A_1128, %abs3A_1126 : vector<8x512xf32>
    %exp3A_1130 = math.exp %neg3A_1129 : vector<8x512xf32>
    %add3A_1131 = arith.constant 1.000000e+00 : f32
    %add3A_1132 = vector.broadcast %add3A_1131 : f32 to vector<8x512xf32>
    %add3A_1133 = arith.addf %add3A_1132, %exp3A_1130 : vector<8x512xf32>
    %div3A_1134 = arith.constant 1.000000e+00 : f32
    %div3A_1135 = vector.broadcast %div3A_1134 : f32 to vector<8x512xf32>
    %div3A_1136 = arith.divf %div3A_1135, %add3A_1133 : vector<8x512xf32>
    %max3A_1137 = arith.constant 0.000000e+00 : f32
    %max3A_1138 = vector.broadcast %max3A_1137 : f32 to vector<8x512xf32>
    %max3A_1139 = arith.maximumf %get3A_1119, %max3A_1138 : vector<8x512xf32>
    %log1p3A_1140 = math.log1p %exp3A_1130 : vector<8x512xf32>
    %add3A_1141 = arith.addf %max3A_1139, %log1p3A_1140 : vector<8x512xf32>
    %ge3A_1142 = arith.constant 0.000000e+00 : f32
    %ge3A_1143 = vector.broadcast %ge3A_1142 : f32 to vector<8x512xf32>
    %ge3A_1144 = arith.cmpf oge, %get3A_1119, %ge3A_1143 : vector<8x512xf32>
    %sub3A_1145 = arith.constant 1.000000e+00 : f32
    %sub3A_1146 = vector.broadcast %sub3A_1145 : f32 to vector<8x512xf32>
    %sub3A_1147 = arith.subf %sub3A_1146, %div3A_1136 : vector<8x512xf32>
    %select_n3A_1148 = arith.select %ge3A_1144, %div3A_1136, %sub3A_1147 : vector<8x512xi1>, vector<8x512xf32>
    %jit3A_1149 = arith.constant 0.000000e+00 : f32
    %broadcast_in_dim3A_1150 = vector.shape_cast %get3A_1 : vector<8x1xf32> to vector<8x1xf32>
    %broadcast_in_dim3A_1151 = vector.broadcast %broadcast_in_dim3A_1150 : vector<8x1xf32> to vector<8x512xf32>
    %broadcast_in_dim3A_1152 = vector.broadcast %jit3A_1149 : f32 to vector<8x512xf32>
    %select_n3A_1153 = arith.select %gt3A_1125, %broadcast_in_dim3A_1151, %broadcast_in_dim3A_1152 : vector<8x512xi1>, vector<8x512xf32>
    %sub3A_1154 = vector.broadcast %get3A_1 : vector<8x1xf32> to vector<8x512xf32>
    %sub3A_1155 = arith.subf %sub3A_1154, %select_n3A_1148 : vector<8x512xf32>
    %abs3A_1156 = math.absf %sub3A_1155 : vector<8x512xf32>
    %select_n3A_1157 = arith.select %gt3A_1125, %abs3A_1156, %select_n3A_1148 : vector<8x512xi1>, vector<8x512xf32>
    %mul3A_1158 = arith.mulf %get3A_1119, %select_n3A_1153 : vector<8x512xf32>
    %sub3A_1159 = arith.subf %add3A_1141, %mul3A_1158 : vector<8x512xf32>
    %sqrt3A_1160 = math.sqrt %select_n3A_1157 : vector<8x512xf32>
    %mul3A_1161 = arith.mulf %select_n3A_1157, %sqrt3A_1160 : vector<8x512xf32>
    %mul3A_1162 = arith.mulf %sub3A_1159, %mul3A_1161 : vector<8x512xf32>
    %add3A_1163 = arith.addf %add3A_1116, %mul3A_1162 : vector<8x512xf32>
    %get3A_1164 = arith.constant 0 : index
    %get3A_1165 = arith.constant 12800 : index
    %get3A_1166 = vector.load %arg2[%get3A_1164, %get3A_1165] : memref<8x57344xf32, #tpu.memory_space<vmem>>, vector<8x512xf32>
    %get3A_1167 = arith.constant 0 : index
    %get3A_1168 = arith.constant 12800 : index
    %get3A_1169 = vector.load %arg3[%get3A_1167, %get3A_1168] : memref<8x57344xi32, #tpu.memory_space<vmem>>, vector<8x512xi32>
    %gt3A_1170 = arith.constant 0 : i32
    %gt3A_1171 = vector.broadcast %gt3A_1170 : i32 to vector<8x512xi32>
    %gt3A_1172 = arith.cmpi sgt, %get3A_1169, %gt3A_1171 : vector<8x512xi32>
    %abs3A_1173 = math.absf %get3A_1166 : vector<8x512xf32>
    %neg3A_1174 = arith.constant 0.000000e+00 : f32
    %neg3A_1175 = vector.broadcast %neg3A_1174 : f32 to vector<8x512xf32>
    %neg3A_1176 = arith.subf %neg3A_1175, %abs3A_1173 : vector<8x512xf32>
    %exp3A_1177 = math.exp %neg3A_1176 : vector<8x512xf32>
    %add3A_1178 = arith.constant 1.000000e+00 : f32
    %add3A_1179 = vector.broadcast %add3A_1178 : f32 to vector<8x512xf32>
    %add3A_1180 = arith.addf %add3A_1179, %exp3A_1177 : vector<8x512xf32>
    %div3A_1181 = arith.constant 1.000000e+00 : f32
    %div3A_1182 = vector.broadcast %div3A_1181 : f32 to vector<8x512xf32>
    %div3A_1183 = arith.divf %div3A_1182, %add3A_1180 : vector<8x512xf32>
    %max3A_1184 = arith.constant 0.000000e+00 : f32
    %max3A_1185 = vector.broadcast %max3A_1184 : f32 to vector<8x512xf32>
    %max3A_1186 = arith.maximumf %get3A_1166, %max3A_1185 : vector<8x512xf32>
    %log1p3A_1187 = math.log1p %exp3A_1177 : vector<8x512xf32>
    %add3A_1188 = arith.addf %max3A_1186, %log1p3A_1187 : vector<8x512xf32>
    %ge3A_1189 = arith.constant 0.000000e+00 : f32
    %ge3A_1190 = vector.broadcast %ge3A_1189 : f32 to vector<8x512xf32>
    %ge3A_1191 = arith.cmpf oge, %get3A_1166, %ge3A_1190 : vector<8x512xf32>
    %sub3A_1192 = arith.constant 1.000000e+00 : f32
    %sub3A_1193 = vector.broadcast %sub3A_1192 : f32 to vector<8x512xf32>
    %sub3A_1194 = arith.subf %sub3A_1193, %div3A_1183 : vector<8x512xf32>
    %select_n3A_1195 = arith.select %ge3A_1191, %div3A_1183, %sub3A_1194 : vector<8x512xi1>, vector<8x512xf32>
    %jit3A_1196 = arith.constant 0.000000e+00 : f32
    %broadcast_in_dim3A_1197 = vector.shape_cast %get3A_1 : vector<8x1xf32> to vector<8x1xf32>
    %broadcast_in_dim3A_1198 = vector.broadcast %broadcast_in_dim3A_1197 : vector<8x1xf32> to vector<8x512xf32>
    %broadcast_in_dim3A_1199 = vector.broadcast %jit3A_1196 : f32 to vector<8x512xf32>
    %select_n3A_1200 = arith.select %gt3A_1172, %broadcast_in_dim3A_1198, %broadcast_in_dim3A_1199 : vector<8x512xi1>, vector<8x512xf32>
    %sub3A_1201 = vector.broadcast %get3A_1 : vector<8x1xf32> to vector<8x512xf32>
    %sub3A_1202 = arith.subf %sub3A_1201, %select_n3A_1195 : vector<8x512xf32>
    %abs3A_1203 = math.absf %sub3A_1202 : vector<8x512xf32>
    %select_n3A_1204 = arith.select %gt3A_1172, %abs3A_1203, %select_n3A_1195 : vector<8x512xi1>, vector<8x512xf32>
    %mul3A_1205 = arith.mulf %get3A_1166, %select_n3A_1200 : vector<8x512xf32>
    %sub3A_1206 = arith.subf %add3A_1188, %mul3A_1205 : vector<8x512xf32>
    %sqrt3A_1207 = math.sqrt %select_n3A_1204 : vector<8x512xf32>
    %mul3A_1208 = arith.mulf %select_n3A_1204, %sqrt3A_1207 : vector<8x512xf32>
    %mul3A_1209 = arith.mulf %sub3A_1206, %mul3A_1208 : vector<8x512xf32>
    %add3A_1210 = arith.addf %add3A_1163, %mul3A_1209 : vector<8x512xf32>
    %get3A_1211 = arith.constant 0 : index
    %get3A_1212 = arith.constant 13312 : index
    %get3A_1213 = vector.load %arg2[%get3A_1211, %get3A_1212] : memref<8x57344xf32, #tpu.memory_space<vmem>>, vector<8x512xf32>
    %get3A_1214 = arith.constant 0 : index
    %get3A_1215 = arith.constant 13312 : index
    %get3A_1216 = vector.load %arg3[%get3A_1214, %get3A_1215] : memref<8x57344xi32, #tpu.memory_space<vmem>>, vector<8x512xi32>
    %gt3A_1217 = arith.constant 0 : i32
    %gt3A_1218 = vector.broadcast %gt3A_1217 : i32 to vector<8x512xi32>
    %gt3A_1219 = arith.cmpi sgt, %get3A_1216, %gt3A_1218 : vector<8x512xi32>
    %abs3A_1220 = math.absf %get3A_1213 : vector<8x512xf32>
    %neg3A_1221 = arith.constant 0.000000e+00 : f32
    %neg3A_1222 = vector.broadcast %neg3A_1221 : f32 to vector<8x512xf32>
    %neg3A_1223 = arith.subf %neg3A_1222, %abs3A_1220 : vector<8x512xf32>
    %exp3A_1224 = math.exp %neg3A_1223 : vector<8x512xf32>
    %add3A_1225 = arith.constant 1.000000e+00 : f32
    %add3A_1226 = vector.broadcast %add3A_1225 : f32 to vector<8x512xf32>
    %add3A_1227 = arith.addf %add3A_1226, %exp3A_1224 : vector<8x512xf32>
    %div3A_1228 = arith.constant 1.000000e+00 : f32
    %div3A_1229 = vector.broadcast %div3A_1228 : f32 to vector<8x512xf32>
    %div3A_1230 = arith.divf %div3A_1229, %add3A_1227 : vector<8x512xf32>
    %max3A_1231 = arith.constant 0.000000e+00 : f32
    %max3A_1232 = vector.broadcast %max3A_1231 : f32 to vector<8x512xf32>
    %max3A_1233 = arith.maximumf %get3A_1213, %max3A_1232 : vector<8x512xf32>
    %log1p3A_1234 = math.log1p %exp3A_1224 : vector<8x512xf32>
    %add3A_1235 = arith.addf %max3A_1233, %log1p3A_1234 : vector<8x512xf32>
    %ge3A_1236 = arith.constant 0.000000e+00 : f32
    %ge3A_1237 = vector.broadcast %ge3A_1236 : f32 to vector<8x512xf32>
    %ge3A_1238 = arith.cmpf oge, %get3A_1213, %ge3A_1237 : vector<8x512xf32>
    %sub3A_1239 = arith.constant 1.000000e+00 : f32
    %sub3A_1240 = vector.broadcast %sub3A_1239 : f32 to vector<8x512xf32>
    %sub3A_1241 = arith.subf %sub3A_1240, %div3A_1230 : vector<8x512xf32>
    %select_n3A_1242 = arith.select %ge3A_1238, %div3A_1230, %sub3A_1241 : vector<8x512xi1>, vector<8x512xf32>
    %jit3A_1243 = arith.constant 0.000000e+00 : f32
    %broadcast_in_dim3A_1244 = vector.shape_cast %get3A_1 : vector<8x1xf32> to vector<8x1xf32>
    %broadcast_in_dim3A_1245 = vector.broadcast %broadcast_in_dim3A_1244 : vector<8x1xf32> to vector<8x512xf32>
    %broadcast_in_dim3A_1246 = vector.broadcast %jit3A_1243 : f32 to vector<8x512xf32>
    %select_n3A_1247 = arith.select %gt3A_1219, %broadcast_in_dim3A_1245, %broadcast_in_dim3A_1246 : vector<8x512xi1>, vector<8x512xf32>
    %sub3A_1248 = vector.broadcast %get3A_1 : vector<8x1xf32> to vector<8x512xf32>
    %sub3A_1249 = arith.subf %sub3A_1248, %select_n3A_1242 : vector<8x512xf32>
    %abs3A_1250 = math.absf %sub3A_1249 : vector<8x512xf32>
    %select_n3A_1251 = arith.select %gt3A_1219, %abs3A_1250, %select_n3A_1242 : vector<8x512xi1>, vector<8x512xf32>
    %mul3A_1252 = arith.mulf %get3A_1213, %select_n3A_1247 : vector<8x512xf32>
    %sub3A_1253 = arith.subf %add3A_1235, %mul3A_1252 : vector<8x512xf32>
    %sqrt3A_1254 = math.sqrt %select_n3A_1251 : vector<8x512xf32>
    %mul3A_1255 = arith.mulf %select_n3A_1251, %sqrt3A_1254 : vector<8x512xf32>
    %mul3A_1256 = arith.mulf %sub3A_1253, %mul3A_1255 : vector<8x512xf32>
    %add3A_1257 = arith.addf %add3A_1210, %mul3A_1256 : vector<8x512xf32>
    %get3A_1258 = arith.constant 0 : index
    %get3A_1259 = arith.constant 13824 : index
    %get3A_1260 = vector.load %arg2[%get3A_1258, %get3A_1259] : memref<8x57344xf32, #tpu.memory_space<vmem>>, vector<8x512xf32>
    %get3A_1261 = arith.constant 0 : index
    %get3A_1262 = arith.constant 13824 : index
    %get3A_1263 = vector.load %arg3[%get3A_1261, %get3A_1262] : memref<8x57344xi32, #tpu.memory_space<vmem>>, vector<8x512xi32>
    %gt3A_1264 = arith.constant 0 : i32
    %gt3A_1265 = vector.broadcast %gt3A_1264 : i32 to vector<8x512xi32>
    %gt3A_1266 = arith.cmpi sgt, %get3A_1263, %gt3A_1265 : vector<8x512xi32>
    %abs3A_1267 = math.absf %get3A_1260 : vector<8x512xf32>
    %neg3A_1268 = arith.constant 0.000000e+00 : f32
    %neg3A_1269 = vector.broadcast %neg3A_1268 : f32 to vector<8x512xf32>
    %neg3A_1270 = arith.subf %neg3A_1269, %abs3A_1267 : vector<8x512xf32>
    %exp3A_1271 = math.exp %neg3A_1270 : vector<8x512xf32>
    %add3A_1272 = arith.constant 1.000000e+00 : f32
    %add3A_1273 = vector.broadcast %add3A_1272 : f32 to vector<8x512xf32>
    %add3A_1274 = arith.addf %add3A_1273, %exp3A_1271 : vector<8x512xf32>
    %div3A_1275 = arith.constant 1.000000e+00 : f32
    %div3A_1276 = vector.broadcast %div3A_1275 : f32 to vector<8x512xf32>
    %div3A_1277 = arith.divf %div3A_1276, %add3A_1274 : vector<8x512xf32>
    %max3A_1278 = arith.constant 0.000000e+00 : f32
    %max3A_1279 = vector.broadcast %max3A_1278 : f32 to vector<8x512xf32>
    %max3A_1280 = arith.maximumf %get3A_1260, %max3A_1279 : vector<8x512xf32>
    %log1p3A_1281 = math.log1p %exp3A_1271 : vector<8x512xf32>
    %add3A_1282 = arith.addf %max3A_1280, %log1p3A_1281 : vector<8x512xf32>
    %ge3A_1283 = arith.constant 0.000000e+00 : f32
    %ge3A_1284 = vector.broadcast %ge3A_1283 : f32 to vector<8x512xf32>
    %ge3A_1285 = arith.cmpf oge, %get3A_1260, %ge3A_1284 : vector<8x512xf32>
    %sub3A_1286 = arith.constant 1.000000e+00 : f32
    %sub3A_1287 = vector.broadcast %sub3A_1286 : f32 to vector<8x512xf32>
    %sub3A_1288 = arith.subf %sub3A_1287, %div3A_1277 : vector<8x512xf32>
    %select_n3A_1289 = arith.select %ge3A_1285, %div3A_1277, %sub3A_1288 : vector<8x512xi1>, vector<8x512xf32>
    %jit3A_1290 = arith.constant 0.000000e+00 : f32
    %broadcast_in_dim3A_1291 = vector.shape_cast %get3A_1 : vector<8x1xf32> to vector<8x1xf32>
    %broadcast_in_dim3A_1292 = vector.broadcast %broadcast_in_dim3A_1291 : vector<8x1xf32> to vector<8x512xf32>
    %broadcast_in_dim3A_1293 = vector.broadcast %jit3A_1290 : f32 to vector<8x512xf32>
    %select_n3A_1294 = arith.select %gt3A_1266, %broadcast_in_dim3A_1292, %broadcast_in_dim3A_1293 : vector<8x512xi1>, vector<8x512xf32>
    %sub3A_1295 = vector.broadcast %get3A_1 : vector<8x1xf32> to vector<8x512xf32>
    %sub3A_1296 = arith.subf %sub3A_1295, %select_n3A_1289 : vector<8x512xf32>
    %abs3A_1297 = math.absf %sub3A_1296 : vector<8x512xf32>
    %select_n3A_1298 = arith.select %gt3A_1266, %abs3A_1297, %select_n3A_1289 : vector<8x512xi1>, vector<8x512xf32>
    %mul3A_1299 = arith.mulf %get3A_1260, %select_n3A_1294 : vector<8x512xf32>
    %sub3A_1300 = arith.subf %add3A_1282, %mul3A_1299 : vector<8x512xf32>
    %sqrt3A_1301 = math.sqrt %select_n3A_1298 : vector<8x512xf32>
    %mul3A_1302 = arith.mulf %select_n3A_1298, %sqrt3A_1301 : vector<8x512xf32>
    %mul3A_1303 = arith.mulf %sub3A_1300, %mul3A_1302 : vector<8x512xf32>
    %add3A_1304 = arith.addf %add3A_1257, %mul3A_1303 : vector<8x512xf32>
    %get3A_1305 = arith.constant 0 : index
    %get3A_1306 = arith.constant 14336 : index
    %get3A_1307 = vector.load %arg2[%get3A_1305, %get3A_1306] : memref<8x57344xf32, #tpu.memory_space<vmem>>, vector<8x512xf32>
    %get3A_1308 = arith.constant 0 : index
    %get3A_1309 = arith.constant 14336 : index
    %get3A_1310 = vector.load %arg3[%get3A_1308, %get3A_1309] : memref<8x57344xi32, #tpu.memory_space<vmem>>, vector<8x512xi32>
    %gt3A_1311 = arith.constant 0 : i32
    %gt3A_1312 = vector.broadcast %gt3A_1311 : i32 to vector<8x512xi32>
    %gt3A_1313 = arith.cmpi sgt, %get3A_1310, %gt3A_1312 : vector<8x512xi32>
    %abs3A_1314 = math.absf %get3A_1307 : vector<8x512xf32>
    %neg3A_1315 = arith.constant 0.000000e+00 : f32
    %neg3A_1316 = vector.broadcast %neg3A_1315 : f32 to vector<8x512xf32>
    %neg3A_1317 = arith.subf %neg3A_1316, %abs3A_1314 : vector<8x512xf32>
    %exp3A_1318 = math.exp %neg3A_1317 : vector<8x512xf32>
    %add3A_1319 = arith.constant 1.000000e+00 : f32
    %add3A_1320 = vector.broadcast %add3A_1319 : f32 to vector<8x512xf32>
    %add3A_1321 = arith.addf %add3A_1320, %exp3A_1318 : vector<8x512xf32>
    %div3A_1322 = arith.constant 1.000000e+00 : f32
    %div3A_1323 = vector.broadcast %div3A_1322 : f32 to vector<8x512xf32>
    %div3A_1324 = arith.divf %div3A_1323, %add3A_1321 : vector<8x512xf32>
    %max3A_1325 = arith.constant 0.000000e+00 : f32
    %max3A_1326 = vector.broadcast %max3A_1325 : f32 to vector<8x512xf32>
    %max3A_1327 = arith.maximumf %get3A_1307, %max3A_1326 : vector<8x512xf32>
    %log1p3A_1328 = math.log1p %exp3A_1318 : vector<8x512xf32>
    %add3A_1329 = arith.addf %max3A_1327, %log1p3A_1328 : vector<8x512xf32>
    %ge3A_1330 = arith.constant 0.000000e+00 : f32
    %ge3A_1331 = vector.broadcast %ge3A_1330 : f32 to vector<8x512xf32>
    %ge3A_1332 = arith.cmpf oge, %get3A_1307, %ge3A_1331 : vector<8x512xf32>
    %sub3A_1333 = arith.constant 1.000000e+00 : f32
    %sub3A_1334 = vector.broadcast %sub3A_1333 : f32 to vector<8x512xf32>
    %sub3A_1335 = arith.subf %sub3A_1334, %div3A_1324 : vector<8x512xf32>
    %select_n3A_1336 = arith.select %ge3A_1332, %div3A_1324, %sub3A_1335 : vector<8x512xi1>, vector<8x512xf32>
    %jit3A_1337 = arith.constant 0.000000e+00 : f32
    %broadcast_in_dim3A_1338 = vector.shape_cast %get3A_1 : vector<8x1xf32> to vector<8x1xf32>
    %broadcast_in_dim3A_1339 = vector.broadcast %broadcast_in_dim3A_1338 : vector<8x1xf32> to vector<8x512xf32>
    %broadcast_in_dim3A_1340 = vector.broadcast %jit3A_1337 : f32 to vector<8x512xf32>
    %select_n3A_1341 = arith.select %gt3A_1313, %broadcast_in_dim3A_1339, %broadcast_in_dim3A_1340 : vector<8x512xi1>, vector<8x512xf32>
    %sub3A_1342 = vector.broadcast %get3A_1 : vector<8x1xf32> to vector<8x512xf32>
    %sub3A_1343 = arith.subf %sub3A_1342, %select_n3A_1336 : vector<8x512xf32>
    %abs3A_1344 = math.absf %sub3A_1343 : vector<8x512xf32>
    %select_n3A_1345 = arith.select %gt3A_1313, %abs3A_1344, %select_n3A_1336 : vector<8x512xi1>, vector<8x512xf32>
    %mul3A_1346 = arith.mulf %get3A_1307, %select_n3A_1341 : vector<8x512xf32>
    %sub3A_1347 = arith.subf %add3A_1329, %mul3A_1346 : vector<8x512xf32>
    %sqrt3A_1348 = math.sqrt %select_n3A_1345 : vector<8x512xf32>
    %mul3A_1349 = arith.mulf %select_n3A_1345, %sqrt3A_1348 : vector<8x512xf32>
    %mul3A_1350 = arith.mulf %sub3A_1347, %mul3A_1349 : vector<8x512xf32>
    %add3A_1351 = arith.addf %add3A_1304, %mul3A_1350 : vector<8x512xf32>
    %get3A_1352 = arith.constant 0 : index
    %get3A_1353 = arith.constant 14848 : index
    %get3A_1354 = vector.load %arg2[%get3A_1352, %get3A_1353] : memref<8x57344xf32, #tpu.memory_space<vmem>>, vector<8x512xf32>
    %get3A_1355 = arith.constant 0 : index
    %get3A_1356 = arith.constant 14848 : index
    %get3A_1357 = vector.load %arg3[%get3A_1355, %get3A_1356] : memref<8x57344xi32, #tpu.memory_space<vmem>>, vector<8x512xi32>
    %gt3A_1358 = arith.constant 0 : i32
    %gt3A_1359 = vector.broadcast %gt3A_1358 : i32 to vector<8x512xi32>
    %gt3A_1360 = arith.cmpi sgt, %get3A_1357, %gt3A_1359 : vector<8x512xi32>
    %abs3A_1361 = math.absf %get3A_1354 : vector<8x512xf32>
    %neg3A_1362 = arith.constant 0.000000e+00 : f32
    %neg3A_1363 = vector.broadcast %neg3A_1362 : f32 to vector<8x512xf32>
    %neg3A_1364 = arith.subf %neg3A_1363, %abs3A_1361 : vector<8x512xf32>
    %exp3A_1365 = math.exp %neg3A_1364 : vector<8x512xf32>
    %add3A_1366 = arith.constant 1.000000e+00 : f32
    %add3A_1367 = vector.broadcast %add3A_1366 : f32 to vector<8x512xf32>
    %add3A_1368 = arith.addf %add3A_1367, %exp3A_1365 : vector<8x512xf32>
    %div3A_1369 = arith.constant 1.000000e+00 : f32
    %div3A_1370 = vector.broadcast %div3A_1369 : f32 to vector<8x512xf32>
    %div3A_1371 = arith.divf %div3A_1370, %add3A_1368 : vector<8x512xf32>
    %max3A_1372 = arith.constant 0.000000e+00 : f32
    %max3A_1373 = vector.broadcast %max3A_1372 : f32 to vector<8x512xf32>
    %max3A_1374 = arith.maximumf %get3A_1354, %max3A_1373 : vector<8x512xf32>
    %log1p3A_1375 = math.log1p %exp3A_1365 : vector<8x512xf32>
    %add3A_1376 = arith.addf %max3A_1374, %log1p3A_1375 : vector<8x512xf32>
    %ge3A_1377 = arith.constant 0.000000e+00 : f32
    %ge3A_1378 = vector.broadcast %ge3A_1377 : f32 to vector<8x512xf32>
    %ge3A_1379 = arith.cmpf oge, %get3A_1354, %ge3A_1378 : vector<8x512xf32>
    %sub3A_1380 = arith.constant 1.000000e+00 : f32
    %sub3A_1381 = vector.broadcast %sub3A_1380 : f32 to vector<8x512xf32>
    %sub3A_1382 = arith.subf %sub3A_1381, %div3A_1371 : vector<8x512xf32>
    %select_n3A_1383 = arith.select %ge3A_1379, %div3A_1371, %sub3A_1382 : vector<8x512xi1>, vector<8x512xf32>
    %jit3A_1384 = arith.constant 0.000000e+00 : f32
    %broadcast_in_dim3A_1385 = vector.shape_cast %get3A_1 : vector<8x1xf32> to vector<8x1xf32>
    %broadcast_in_dim3A_1386 = vector.broadcast %broadcast_in_dim3A_1385 : vector<8x1xf32> to vector<8x512xf32>
    %broadcast_in_dim3A_1387 = vector.broadcast %jit3A_1384 : f32 to vector<8x512xf32>
    %select_n3A_1388 = arith.select %gt3A_1360, %broadcast_in_dim3A_1386, %broadcast_in_dim3A_1387 : vector<8x512xi1>, vector<8x512xf32>
    %sub3A_1389 = vector.broadcast %get3A_1 : vector<8x1xf32> to vector<8x512xf32>
    %sub3A_1390 = arith.subf %sub3A_1389, %select_n3A_1383 : vector<8x512xf32>
    %abs3A_1391 = math.absf %sub3A_1390 : vector<8x512xf32>
    %select_n3A_1392 = arith.select %gt3A_1360, %abs3A_1391, %select_n3A_1383 : vector<8x512xi1>, vector<8x512xf32>
    %mul3A_1393 = arith.mulf %get3A_1354, %select_n3A_1388 : vector<8x512xf32>
    %sub3A_1394 = arith.subf %add3A_1376, %mul3A_1393 : vector<8x512xf32>
    %sqrt3A_1395 = math.sqrt %select_n3A_1392 : vector<8x512xf32>
    %mul3A_1396 = arith.mulf %select_n3A_1392, %sqrt3A_1395 : vector<8x512xf32>
    %mul3A_1397 = arith.mulf %sub3A_1394, %mul3A_1396 : vector<8x512xf32>
    %add3A_1398 = arith.addf %add3A_1351, %mul3A_1397 : vector<8x512xf32>
    %get3A_1399 = arith.constant 0 : index
    %get3A_1400 = arith.constant 15360 : index
    %get3A_1401 = vector.load %arg2[%get3A_1399, %get3A_1400] : memref<8x57344xf32, #tpu.memory_space<vmem>>, vector<8x512xf32>
    %get3A_1402 = arith.constant 0 : index
    %get3A_1403 = arith.constant 15360 : index
    %get3A_1404 = vector.load %arg3[%get3A_1402, %get3A_1403] : memref<8x57344xi32, #tpu.memory_space<vmem>>, vector<8x512xi32>
    %gt3A_1405 = arith.constant 0 : i32
    %gt3A_1406 = vector.broadcast %gt3A_1405 : i32 to vector<8x512xi32>
    %gt3A_1407 = arith.cmpi sgt, %get3A_1404, %gt3A_1406 : vector<8x512xi32>
    %abs3A_1408 = math.absf %get3A_1401 : vector<8x512xf32>
    %neg3A_1409 = arith.constant 0.000000e+00 : f32
    %neg3A_1410 = vector.broadcast %neg3A_1409 : f32 to vector<8x512xf32>
    %neg3A_1411 = arith.subf %neg3A_1410, %abs3A_1408 : vector<8x512xf32>
    %exp3A_1412 = math.exp %neg3A_1411 : vector<8x512xf32>
    %add3A_1413 = arith.constant 1.000000e+00 : f32
    %add3A_1414 = vector.broadcast %add3A_1413 : f32 to vector<8x512xf32>
    %add3A_1415 = arith.addf %add3A_1414, %exp3A_1412 : vector<8x512xf32>
    %div3A_1416 = arith.constant 1.000000e+00 : f32
    %div3A_1417 = vector.broadcast %div3A_1416 : f32 to vector<8x512xf32>
    %div3A_1418 = arith.divf %div3A_1417, %add3A_1415 : vector<8x512xf32>
    %max3A_1419 = arith.constant 0.000000e+00 : f32
    %max3A_1420 = vector.broadcast %max3A_1419 : f32 to vector<8x512xf32>
    %max3A_1421 = arith.maximumf %get3A_1401, %max3A_1420 : vector<8x512xf32>
    %log1p3A_1422 = math.log1p %exp3A_1412 : vector<8x512xf32>
    %add3A_1423 = arith.addf %max3A_1421, %log1p3A_1422 : vector<8x512xf32>
    %ge3A_1424 = arith.constant 0.000000e+00 : f32
    %ge3A_1425 = vector.broadcast %ge3A_1424 : f32 to vector<8x512xf32>
    %ge3A_1426 = arith.cmpf oge, %get3A_1401, %ge3A_1425 : vector<8x512xf32>
    %sub3A_1427 = arith.constant 1.000000e+00 : f32
    %sub3A_1428 = vector.broadcast %sub3A_1427 : f32 to vector<8x512xf32>
    %sub3A_1429 = arith.subf %sub3A_1428, %div3A_1418 : vector<8x512xf32>
    %select_n3A_1430 = arith.select %ge3A_1426, %div3A_1418, %sub3A_1429 : vector<8x512xi1>, vector<8x512xf32>
    %jit3A_1431 = arith.constant 0.000000e+00 : f32
    %broadcast_in_dim3A_1432 = vector.shape_cast %get3A_1 : vector<8x1xf32> to vector<8x1xf32>
    %broadcast_in_dim3A_1433 = vector.broadcast %broadcast_in_dim3A_1432 : vector<8x1xf32> to vector<8x512xf32>
    %broadcast_in_dim3A_1434 = vector.broadcast %jit3A_1431 : f32 to vector<8x512xf32>
    %select_n3A_1435 = arith.select %gt3A_1407, %broadcast_in_dim3A_1433, %broadcast_in_dim3A_1434 : vector<8x512xi1>, vector<8x512xf32>
    %sub3A_1436 = vector.broadcast %get3A_1 : vector<8x1xf32> to vector<8x512xf32>
    %sub3A_1437 = arith.subf %sub3A_1436, %select_n3A_1430 : vector<8x512xf32>
    %abs3A_1438 = math.absf %sub3A_1437 : vector<8x512xf32>
    %select_n3A_1439 = arith.select %gt3A_1407, %abs3A_1438, %select_n3A_1430 : vector<8x512xi1>, vector<8x512xf32>
    %mul3A_1440 = arith.mulf %get3A_1401, %select_n3A_1435 : vector<8x512xf32>
    %sub3A_1441 = arith.subf %add3A_1423, %mul3A_1440 : vector<8x512xf32>
    %sqrt3A_1442 = math.sqrt %select_n3A_1439 : vector<8x512xf32>
    %mul3A_1443 = arith.mulf %select_n3A_1439, %sqrt3A_1442 : vector<8x512xf32>
    %mul3A_1444 = arith.mulf %sub3A_1441, %mul3A_1443 : vector<8x512xf32>
    %add3A_1445 = arith.addf %add3A_1398, %mul3A_1444 : vector<8x512xf32>
    %get3A_1446 = arith.constant 0 : index
    %get3A_1447 = arith.constant 15872 : index
    %get3A_1448 = vector.load %arg2[%get3A_1446, %get3A_1447] : memref<8x57344xf32, #tpu.memory_space<vmem>>, vector<8x512xf32>
    %get3A_1449 = arith.constant 0 : index
    %get3A_1450 = arith.constant 15872 : index
    %get3A_1451 = vector.load %arg3[%get3A_1449, %get3A_1450] : memref<8x57344xi32, #tpu.memory_space<vmem>>, vector<8x512xi32>
    %gt3A_1452 = arith.constant 0 : i32
    %gt3A_1453 = vector.broadcast %gt3A_1452 : i32 to vector<8x512xi32>
    %gt3A_1454 = arith.cmpi sgt, %get3A_1451, %gt3A_1453 : vector<8x512xi32>
    %abs3A_1455 = math.absf %get3A_1448 : vector<8x512xf32>
    %neg3A_1456 = arith.constant 0.000000e+00 : f32
    %neg3A_1457 = vector.broadcast %neg3A_1456 : f32 to vector<8x512xf32>
    %neg3A_1458 = arith.subf %neg3A_1457, %abs3A_1455 : vector<8x512xf32>
    %exp3A_1459 = math.exp %neg3A_1458 : vector<8x512xf32>
    %add3A_1460 = arith.constant 1.000000e+00 : f32
    %add3A_1461 = vector.broadcast %add3A_1460 : f32 to vector<8x512xf32>
    %add3A_1462 = arith.addf %add3A_1461, %exp3A_1459 : vector<8x512xf32>
    %div3A_1463 = arith.constant 1.000000e+00 : f32
    %div3A_1464 = vector.broadcast %div3A_1463 : f32 to vector<8x512xf32>
    %div3A_1465 = arith.divf %div3A_1464, %add3A_1462 : vector<8x512xf32>
    %max3A_1466 = arith.constant 0.000000e+00 : f32
    %max3A_1467 = vector.broadcast %max3A_1466 : f32 to vector<8x512xf32>
    %max3A_1468 = arith.maximumf %get3A_1448, %max3A_1467 : vector<8x512xf32>
    %log1p3A_1469 = math.log1p %exp3A_1459 : vector<8x512xf32>
    %add3A_1470 = arith.addf %max3A_1468, %log1p3A_1469 : vector<8x512xf32>
    %ge3A_1471 = arith.constant 0.000000e+00 : f32
    %ge3A_1472 = vector.broadcast %ge3A_1471 : f32 to vector<8x512xf32>
    %ge3A_1473 = arith.cmpf oge, %get3A_1448, %ge3A_1472 : vector<8x512xf32>
    %sub3A_1474 = arith.constant 1.000000e+00 : f32
    %sub3A_1475 = vector.broadcast %sub3A_1474 : f32 to vector<8x512xf32>
    %sub3A_1476 = arith.subf %sub3A_1475, %div3A_1465 : vector<8x512xf32>
    %select_n3A_1477 = arith.select %ge3A_1473, %div3A_1465, %sub3A_1476 : vector<8x512xi1>, vector<8x512xf32>
    %jit3A_1478 = arith.constant 0.000000e+00 : f32
    %broadcast_in_dim3A_1479 = vector.shape_cast %get3A_1 : vector<8x1xf32> to vector<8x1xf32>
    %broadcast_in_dim3A_1480 = vector.broadcast %broadcast_in_dim3A_1479 : vector<8x1xf32> to vector<8x512xf32>
    %broadcast_in_dim3A_1481 = vector.broadcast %jit3A_1478 : f32 to vector<8x512xf32>
    %select_n3A_1482 = arith.select %gt3A_1454, %broadcast_in_dim3A_1480, %broadcast_in_dim3A_1481 : vector<8x512xi1>, vector<8x512xf32>
    %sub3A_1483 = vector.broadcast %get3A_1 : vector<8x1xf32> to vector<8x512xf32>
    %sub3A_1484 = arith.subf %sub3A_1483, %select_n3A_1477 : vector<8x512xf32>
    %abs3A_1485 = math.absf %sub3A_1484 : vector<8x512xf32>
    %select_n3A_1486 = arith.select %gt3A_1454, %abs3A_1485, %select_n3A_1477 : vector<8x512xi1>, vector<8x512xf32>
    %mul3A_1487 = arith.mulf %get3A_1448, %select_n3A_1482 : vector<8x512xf32>
    %sub3A_1488 = arith.subf %add3A_1470, %mul3A_1487 : vector<8x512xf32>
    %sqrt3A_1489 = math.sqrt %select_n3A_1486 : vector<8x512xf32>
    %mul3A_1490 = arith.mulf %select_n3A_1486, %sqrt3A_1489 : vector<8x512xf32>
    %mul3A_1491 = arith.mulf %sub3A_1488, %mul3A_1490 : vector<8x512xf32>
    %add3A_1492 = arith.addf %add3A_1445, %mul3A_1491 : vector<8x512xf32>
    %get3A_1493 = arith.constant 0 : index
    %get3A_1494 = arith.constant 16384 : index
    %get3A_1495 = vector.load %arg2[%get3A_1493, %get3A_1494] : memref<8x57344xf32, #tpu.memory_space<vmem>>, vector<8x512xf32>
    %get3A_1496 = arith.constant 0 : index
    %get3A_1497 = arith.constant 16384 : index
    %get3A_1498 = vector.load %arg3[%get3A_1496, %get3A_1497] : memref<8x57344xi32, #tpu.memory_space<vmem>>, vector<8x512xi32>
    %gt3A_1499 = arith.constant 0 : i32
    %gt3A_1500 = vector.broadcast %gt3A_1499 : i32 to vector<8x512xi32>
    %gt3A_1501 = arith.cmpi sgt, %get3A_1498, %gt3A_1500 : vector<8x512xi32>
    %abs3A_1502 = math.absf %get3A_1495 : vector<8x512xf32>
    %neg3A_1503 = arith.constant 0.000000e+00 : f32
    %neg3A_1504 = vector.broadcast %neg3A_1503 : f32 to vector<8x512xf32>
    %neg3A_1505 = arith.subf %neg3A_1504, %abs3A_1502 : vector<8x512xf32>
    %exp3A_1506 = math.exp %neg3A_1505 : vector<8x512xf32>
    %add3A_1507 = arith.constant 1.000000e+00 : f32
    %add3A_1508 = vector.broadcast %add3A_1507 : f32 to vector<8x512xf32>
    %add3A_1509 = arith.addf %add3A_1508, %exp3A_1506 : vector<8x512xf32>
    %div3A_1510 = arith.constant 1.000000e+00 : f32
    %div3A_1511 = vector.broadcast %div3A_1510 : f32 to vector<8x512xf32>
    %div3A_1512 = arith.divf %div3A_1511, %add3A_1509 : vector<8x512xf32>
    %max3A_1513 = arith.constant 0.000000e+00 : f32
    %max3A_1514 = vector.broadcast %max3A_1513 : f32 to vector<8x512xf32>
    %max3A_1515 = arith.maximumf %get3A_1495, %max3A_1514 : vector<8x512xf32>
    %log1p3A_1516 = math.log1p %exp3A_1506 : vector<8x512xf32>
    %add3A_1517 = arith.addf %max3A_1515, %log1p3A_1516 : vector<8x512xf32>
    %ge3A_1518 = arith.constant 0.000000e+00 : f32
    %ge3A_1519 = vector.broadcast %ge3A_1518 : f32 to vector<8x512xf32>
    %ge3A_1520 = arith.cmpf oge, %get3A_1495, %ge3A_1519 : vector<8x512xf32>
    %sub3A_1521 = arith.constant 1.000000e+00 : f32
    %sub3A_1522 = vector.broadcast %sub3A_1521 : f32 to vector<8x512xf32>
    %sub3A_1523 = arith.subf %sub3A_1522, %div3A_1512 : vector<8x512xf32>
    %select_n3A_1524 = arith.select %ge3A_1520, %div3A_1512, %sub3A_1523 : vector<8x512xi1>, vector<8x512xf32>
    %jit3A_1525 = arith.constant 0.000000e+00 : f32
    %broadcast_in_dim3A_1526 = vector.shape_cast %get3A_1 : vector<8x1xf32> to vector<8x1xf32>
    %broadcast_in_dim3A_1527 = vector.broadcast %broadcast_in_dim3A_1526 : vector<8x1xf32> to vector<8x512xf32>
    %broadcast_in_dim3A_1528 = vector.broadcast %jit3A_1525 : f32 to vector<8x512xf32>
    %select_n3A_1529 = arith.select %gt3A_1501, %broadcast_in_dim3A_1527, %broadcast_in_dim3A_1528 : vector<8x512xi1>, vector<8x512xf32>
    %sub3A_1530 = vector.broadcast %get3A_1 : vector<8x1xf32> to vector<8x512xf32>
    %sub3A_1531 = arith.subf %sub3A_1530, %select_n3A_1524 : vector<8x512xf32>
    %abs3A_1532 = math.absf %sub3A_1531 : vector<8x512xf32>
    %select_n3A_1533 = arith.select %gt3A_1501, %abs3A_1532, %select_n3A_1524 : vector<8x512xi1>, vector<8x512xf32>
    %mul3A_1534 = arith.mulf %get3A_1495, %select_n3A_1529 : vector<8x512xf32>
    %sub3A_1535 = arith.subf %add3A_1517, %mul3A_1534 : vector<8x512xf32>
    %sqrt3A_1536 = math.sqrt %select_n3A_1533 : vector<8x512xf32>
    %mul3A_1537 = arith.mulf %select_n3A_1533, %sqrt3A_1536 : vector<8x512xf32>
    %mul3A_1538 = arith.mulf %sub3A_1535, %mul3A_1537 : vector<8x512xf32>
    %add3A_1539 = arith.addf %add3A_1492, %mul3A_1538 : vector<8x512xf32>
    %get3A_1540 = arith.constant 0 : index
    %get3A_1541 = arith.constant 16896 : index
    %get3A_1542 = vector.load %arg2[%get3A_1540, %get3A_1541] : memref<8x57344xf32, #tpu.memory_space<vmem>>, vector<8x512xf32>
    %get3A_1543 = arith.constant 0 : index
    %get3A_1544 = arith.constant 16896 : index
    %get3A_1545 = vector.load %arg3[%get3A_1543, %get3A_1544] : memref<8x57344xi32, #tpu.memory_space<vmem>>, vector<8x512xi32>
    %gt3A_1546 = arith.constant 0 : i32
    %gt3A_1547 = vector.broadcast %gt3A_1546 : i32 to vector<8x512xi32>
    %gt3A_1548 = arith.cmpi sgt, %get3A_1545, %gt3A_1547 : vector<8x512xi32>
    %abs3A_1549 = math.absf %get3A_1542 : vector<8x512xf32>
    %neg3A_1550 = arith.constant 0.000000e+00 : f32
    %neg3A_1551 = vector.broadcast %neg3A_1550 : f32 to vector<8x512xf32>
    %neg3A_1552 = arith.subf %neg3A_1551, %abs3A_1549 : vector<8x512xf32>
    %exp3A_1553 = math.exp %neg3A_1552 : vector<8x512xf32>
    %add3A_1554 = arith.constant 1.000000e+00 : f32
    %add3A_1555 = vector.broadcast %add3A_1554 : f32 to vector<8x512xf32>
    %add3A_1556 = arith.addf %add3A_1555, %exp3A_1553 : vector<8x512xf32>
    %div3A_1557 = arith.constant 1.000000e+00 : f32
    %div3A_1558 = vector.broadcast %div3A_1557 : f32 to vector<8x512xf32>
    %div3A_1559 = arith.divf %div3A_1558, %add3A_1556 : vector<8x512xf32>
    %max3A_1560 = arith.constant 0.000000e+00 : f32
    %max3A_1561 = vector.broadcast %max3A_1560 : f32 to vector<8x512xf32>
    %max3A_1562 = arith.maximumf %get3A_1542, %max3A_1561 : vector<8x512xf32>
    %log1p3A_1563 = math.log1p %exp3A_1553 : vector<8x512xf32>
    %add3A_1564 = arith.addf %max3A_1562, %log1p3A_1563 : vector<8x512xf32>
    %ge3A_1565 = arith.constant 0.000000e+00 : f32
    %ge3A_1566 = vector.broadcast %ge3A_1565 : f32 to vector<8x512xf32>
    %ge3A_1567 = arith.cmpf oge, %get3A_1542, %ge3A_1566 : vector<8x512xf32>
    %sub3A_1568 = arith.constant 1.000000e+00 : f32
    %sub3A_1569 = vector.broadcast %sub3A_1568 : f32 to vector<8x512xf32>
    %sub3A_1570 = arith.subf %sub3A_1569, %div3A_1559 : vector<8x512xf32>
    %select_n3A_1571 = arith.select %ge3A_1567, %div3A_1559, %sub3A_1570 : vector<8x512xi1>, vector<8x512xf32>
    %jit3A_1572 = arith.constant 0.000000e+00 : f32
    %broadcast_in_dim3A_1573 = vector.shape_cast %get3A_1 : vector<8x1xf32> to vector<8x1xf32>
    %broadcast_in_dim3A_1574 = vector.broadcast %broadcast_in_dim3A_1573 : vector<8x1xf32> to vector<8x512xf32>
    %broadcast_in_dim3A_1575 = vector.broadcast %jit3A_1572 : f32 to vector<8x512xf32>
    %select_n3A_1576 = arith.select %gt3A_1548, %broadcast_in_dim3A_1574, %broadcast_in_dim3A_1575 : vector<8x512xi1>, vector<8x512xf32>
    %sub3A_1577 = vector.broadcast %get3A_1 : vector<8x1xf32> to vector<8x512xf32>
    %sub3A_1578 = arith.subf %sub3A_1577, %select_n3A_1571 : vector<8x512xf32>
    %abs3A_1579 = math.absf %sub3A_1578 : vector<8x512xf32>
    %select_n3A_1580 = arith.select %gt3A_1548, %abs3A_1579, %select_n3A_1571 : vector<8x512xi1>, vector<8x512xf32>
    %mul3A_1581 = arith.mulf %get3A_1542, %select_n3A_1576 : vector<8x512xf32>
    %sub3A_1582 = arith.subf %add3A_1564, %mul3A_1581 : vector<8x512xf32>
    %sqrt3A_1583 = math.sqrt %select_n3A_1580 : vector<8x512xf32>
    %mul3A_1584 = arith.mulf %select_n3A_1580, %sqrt3A_1583 : vector<8x512xf32>
    %mul3A_1585 = arith.mulf %sub3A_1582, %mul3A_1584 : vector<8x512xf32>
    %add3A_1586 = arith.addf %add3A_1539, %mul3A_1585 : vector<8x512xf32>
    %get3A_1587 = arith.constant 0 : index
    %get3A_1588 = arith.constant 17408 : index
    %get3A_1589 = vector.load %arg2[%get3A_1587, %get3A_1588] : memref<8x57344xf32, #tpu.memory_space<vmem>>, vector<8x512xf32>
    %get3A_1590 = arith.constant 0 : index
    %get3A_1591 = arith.constant 17408 : index
    %get3A_1592 = vector.load %arg3[%get3A_1590, %get3A_1591] : memref<8x57344xi32, #tpu.memory_space<vmem>>, vector<8x512xi32>
    %gt3A_1593 = arith.constant 0 : i32
    %gt3A_1594 = vector.broadcast %gt3A_1593 : i32 to vector<8x512xi32>
    %gt3A_1595 = arith.cmpi sgt, %get3A_1592, %gt3A_1594 : vector<8x512xi32>
    %abs3A_1596 = math.absf %get3A_1589 : vector<8x512xf32>
    %neg3A_1597 = arith.constant 0.000000e+00 : f32
    %neg3A_1598 = vector.broadcast %neg3A_1597 : f32 to vector<8x512xf32>
    %neg3A_1599 = arith.subf %neg3A_1598, %abs3A_1596 : vector<8x512xf32>
    %exp3A_1600 = math.exp %neg3A_1599 : vector<8x512xf32>
    %add3A_1601 = arith.constant 1.000000e+00 : f32
    %add3A_1602 = vector.broadcast %add3A_1601 : f32 to vector<8x512xf32>
    %add3A_1603 = arith.addf %add3A_1602, %exp3A_1600 : vector<8x512xf32>
    %div3A_1604 = arith.constant 1.000000e+00 : f32
    %div3A_1605 = vector.broadcast %div3A_1604 : f32 to vector<8x512xf32>
    %div3A_1606 = arith.divf %div3A_1605, %add3A_1603 : vector<8x512xf32>
    %max3A_1607 = arith.constant 0.000000e+00 : f32
    %max3A_1608 = vector.broadcast %max3A_1607 : f32 to vector<8x512xf32>
    %max3A_1609 = arith.maximumf %get3A_1589, %max3A_1608 : vector<8x512xf32>
    %log1p3A_1610 = math.log1p %exp3A_1600 : vector<8x512xf32>
    %add3A_1611 = arith.addf %max3A_1609, %log1p3A_1610 : vector<8x512xf32>
    %ge3A_1612 = arith.constant 0.000000e+00 : f32
    %ge3A_1613 = vector.broadcast %ge3A_1612 : f32 to vector<8x512xf32>
    %ge3A_1614 = arith.cmpf oge, %get3A_1589, %ge3A_1613 : vector<8x512xf32>
    %sub3A_1615 = arith.constant 1.000000e+00 : f32
    %sub3A_1616 = vector.broadcast %sub3A_1615 : f32 to vector<8x512xf32>
    %sub3A_1617 = arith.subf %sub3A_1616, %div3A_1606 : vector<8x512xf32>
    %select_n3A_1618 = arith.select %ge3A_1614, %div3A_1606, %sub3A_1617 : vector<8x512xi1>, vector<8x512xf32>
    %jit3A_1619 = arith.constant 0.000000e+00 : f32
    %broadcast_in_dim3A_1620 = vector.shape_cast %get3A_1 : vector<8x1xf32> to vector<8x1xf32>
    %broadcast_in_dim3A_1621 = vector.broadcast %broadcast_in_dim3A_1620 : vector<8x1xf32> to vector<8x512xf32>
    %broadcast_in_dim3A_1622 = vector.broadcast %jit3A_1619 : f32 to vector<8x512xf32>
    %select_n3A_1623 = arith.select %gt3A_1595, %broadcast_in_dim3A_1621, %broadcast_in_dim3A_1622 : vector<8x512xi1>, vector<8x512xf32>
    %sub3A_1624 = vector.broadcast %get3A_1 : vector<8x1xf32> to vector<8x512xf32>
    %sub3A_1625 = arith.subf %sub3A_1624, %select_n3A_1618 : vector<8x512xf32>
    %abs3A_1626 = math.absf %sub3A_1625 : vector<8x512xf32>
    %select_n3A_1627 = arith.select %gt3A_1595, %abs3A_1626, %select_n3A_1618 : vector<8x512xi1>, vector<8x512xf32>
    %mul3A_1628 = arith.mulf %get3A_1589, %select_n3A_1623 : vector<8x512xf32>
    %sub3A_1629 = arith.subf %add3A_1611, %mul3A_1628 : vector<8x512xf32>
    %sqrt3A_1630 = math.sqrt %select_n3A_1627 : vector<8x512xf32>
    %mul3A_1631 = arith.mulf %select_n3A_1627, %sqrt3A_1630 : vector<8x512xf32>
    %mul3A_1632 = arith.mulf %sub3A_1629, %mul3A_1631 : vector<8x512xf32>
    %add3A_1633 = arith.addf %add3A_1586, %mul3A_1632 : vector<8x512xf32>
    %get3A_1634 = arith.constant 0 : index
    %get3A_1635 = arith.constant 17920 : index
    %get3A_1636 = vector.load %arg2[%get3A_1634, %get3A_1635] : memref<8x57344xf32, #tpu.memory_space<vmem>>, vector<8x512xf32>
    %get3A_1637 = arith.constant 0 : index
    %get3A_1638 = arith.constant 17920 : index
    %get3A_1639 = vector.load %arg3[%get3A_1637, %get3A_1638] : memref<8x57344xi32, #tpu.memory_space<vmem>>, vector<8x512xi32>
    %gt3A_1640 = arith.constant 0 : i32
    %gt3A_1641 = vector.broadcast %gt3A_1640 : i32 to vector<8x512xi32>
    %gt3A_1642 = arith.cmpi sgt, %get3A_1639, %gt3A_1641 : vector<8x512xi32>
    %abs3A_1643 = math.absf %get3A_1636 : vector<8x512xf32>
    %neg3A_1644 = arith.constant 0.000000e+00 : f32
    %neg3A_1645 = vector.broadcast %neg3A_1644 : f32 to vector<8x512xf32>
    %neg3A_1646 = arith.subf %neg3A_1645, %abs3A_1643 : vector<8x512xf32>
    %exp3A_1647 = math.exp %neg3A_1646 : vector<8x512xf32>
    %add3A_1648 = arith.constant 1.000000e+00 : f32
    %add3A_1649 = vector.broadcast %add3A_1648 : f32 to vector<8x512xf32>
    %add3A_1650 = arith.addf %add3A_1649, %exp3A_1647 : vector<8x512xf32>
    %div3A_1651 = arith.constant 1.000000e+00 : f32
    %div3A_1652 = vector.broadcast %div3A_1651 : f32 to vector<8x512xf32>
    %div3A_1653 = arith.divf %div3A_1652, %add3A_1650 : vector<8x512xf32>
    %max3A_1654 = arith.constant 0.000000e+00 : f32
    %max3A_1655 = vector.broadcast %max3A_1654 : f32 to vector<8x512xf32>
    %max3A_1656 = arith.maximumf %get3A_1636, %max3A_1655 : vector<8x512xf32>
    %log1p3A_1657 = math.log1p %exp3A_1647 : vector<8x512xf32>
    %add3A_1658 = arith.addf %max3A_1656, %log1p3A_1657 : vector<8x512xf32>
    %ge3A_1659 = arith.constant 0.000000e+00 : f32
    %ge3A_1660 = vector.broadcast %ge3A_1659 : f32 to vector<8x512xf32>
    %ge3A_1661 = arith.cmpf oge, %get3A_1636, %ge3A_1660 : vector<8x512xf32>
    %sub3A_1662 = arith.constant 1.000000e+00 : f32
    %sub3A_1663 = vector.broadcast %sub3A_1662 : f32 to vector<8x512xf32>
    %sub3A_1664 = arith.subf %sub3A_1663, %div3A_1653 : vector<8x512xf32>
    %select_n3A_1665 = arith.select %ge3A_1661, %div3A_1653, %sub3A_1664 : vector<8x512xi1>, vector<8x512xf32>
    %jit3A_1666 = arith.constant 0.000000e+00 : f32
    %broadcast_in_dim3A_1667 = vector.shape_cast %get3A_1 : vector<8x1xf32> to vector<8x1xf32>
    %broadcast_in_dim3A_1668 = vector.broadcast %broadcast_in_dim3A_1667 : vector<8x1xf32> to vector<8x512xf32>
    %broadcast_in_dim3A_1669 = vector.broadcast %jit3A_1666 : f32 to vector<8x512xf32>
    %select_n3A_1670 = arith.select %gt3A_1642, %broadcast_in_dim3A_1668, %broadcast_in_dim3A_1669 : vector<8x512xi1>, vector<8x512xf32>
    %sub3A_1671 = vector.broadcast %get3A_1 : vector<8x1xf32> to vector<8x512xf32>
    %sub3A_1672 = arith.subf %sub3A_1671, %select_n3A_1665 : vector<8x512xf32>
    %abs3A_1673 = math.absf %sub3A_1672 : vector<8x512xf32>
    %select_n3A_1674 = arith.select %gt3A_1642, %abs3A_1673, %select_n3A_1665 : vector<8x512xi1>, vector<8x512xf32>
    %mul3A_1675 = arith.mulf %get3A_1636, %select_n3A_1670 : vector<8x512xf32>
    %sub3A_1676 = arith.subf %add3A_1658, %mul3A_1675 : vector<8x512xf32>
    %sqrt3A_1677 = math.sqrt %select_n3A_1674 : vector<8x512xf32>
    %mul3A_1678 = arith.mulf %select_n3A_1674, %sqrt3A_1677 : vector<8x512xf32>
    %mul3A_1679 = arith.mulf %sub3A_1676, %mul3A_1678 : vector<8x512xf32>
    %add3A_1680 = arith.addf %add3A_1633, %mul3A_1679 : vector<8x512xf32>
    %get3A_1681 = arith.constant 0 : index
    %get3A_1682 = arith.constant 18432 : index
    %get3A_1683 = vector.load %arg2[%get3A_1681, %get3A_1682] : memref<8x57344xf32, #tpu.memory_space<vmem>>, vector<8x512xf32>
    %get3A_1684 = arith.constant 0 : index
    %get3A_1685 = arith.constant 18432 : index
    %get3A_1686 = vector.load %arg3[%get3A_1684, %get3A_1685] : memref<8x57344xi32, #tpu.memory_space<vmem>>, vector<8x512xi32>
    %gt3A_1687 = arith.constant 0 : i32
    %gt3A_1688 = vector.broadcast %gt3A_1687 : i32 to vector<8x512xi32>
    %gt3A_1689 = arith.cmpi sgt, %get3A_1686, %gt3A_1688 : vector<8x512xi32>
    %abs3A_1690 = math.absf %get3A_1683 : vector<8x512xf32>
    %neg3A_1691 = arith.constant 0.000000e+00 : f32
    %neg3A_1692 = vector.broadcast %neg3A_1691 : f32 to vector<8x512xf32>
    %neg3A_1693 = arith.subf %neg3A_1692, %abs3A_1690 : vector<8x512xf32>
    %exp3A_1694 = math.exp %neg3A_1693 : vector<8x512xf32>
    %add3A_1695 = arith.constant 1.000000e+00 : f32
    %add3A_1696 = vector.broadcast %add3A_1695 : f32 to vector<8x512xf32>
    %add3A_1697 = arith.addf %add3A_1696, %exp3A_1694 : vector<8x512xf32>
    %div3A_1698 = arith.constant 1.000000e+00 : f32
    %div3A_1699 = vector.broadcast %div3A_1698 : f32 to vector<8x512xf32>
    %div3A_1700 = arith.divf %div3A_1699, %add3A_1697 : vector<8x512xf32>
    %max3A_1701 = arith.constant 0.000000e+00 : f32
    %max3A_1702 = vector.broadcast %max3A_1701 : f32 to vector<8x512xf32>
    %max3A_1703 = arith.maximumf %get3A_1683, %max3A_1702 : vector<8x512xf32>
    %log1p3A_1704 = math.log1p %exp3A_1694 : vector<8x512xf32>
    %add3A_1705 = arith.addf %max3A_1703, %log1p3A_1704 : vector<8x512xf32>
    %ge3A_1706 = arith.constant 0.000000e+00 : f32
    %ge3A_1707 = vector.broadcast %ge3A_1706 : f32 to vector<8x512xf32>
    %ge3A_1708 = arith.cmpf oge, %get3A_1683, %ge3A_1707 : vector<8x512xf32>
    %sub3A_1709 = arith.constant 1.000000e+00 : f32
    %sub3A_1710 = vector.broadcast %sub3A_1709 : f32 to vector<8x512xf32>
    %sub3A_1711 = arith.subf %sub3A_1710, %div3A_1700 : vector<8x512xf32>
    %select_n3A_1712 = arith.select %ge3A_1708, %div3A_1700, %sub3A_1711 : vector<8x512xi1>, vector<8x512xf32>
    %jit3A_1713 = arith.constant 0.000000e+00 : f32
    %broadcast_in_dim3A_1714 = vector.shape_cast %get3A_1 : vector<8x1xf32> to vector<8x1xf32>
    %broadcast_in_dim3A_1715 = vector.broadcast %broadcast_in_dim3A_1714 : vector<8x1xf32> to vector<8x512xf32>
    %broadcast_in_dim3A_1716 = vector.broadcast %jit3A_1713 : f32 to vector<8x512xf32>
    %select_n3A_1717 = arith.select %gt3A_1689, %broadcast_in_dim3A_1715, %broadcast_in_dim3A_1716 : vector<8x512xi1>, vector<8x512xf32>
    %sub3A_1718 = vector.broadcast %get3A_1 : vector<8x1xf32> to vector<8x512xf32>
    %sub3A_1719 = arith.subf %sub3A_1718, %select_n3A_1712 : vector<8x512xf32>
    %abs3A_1720 = math.absf %sub3A_1719 : vector<8x512xf32>
    %select_n3A_1721 = arith.select %gt3A_1689, %abs3A_1720, %select_n3A_1712 : vector<8x512xi1>, vector<8x512xf32>
    %mul3A_1722 = arith.mulf %get3A_1683, %select_n3A_1717 : vector<8x512xf32>
    %sub3A_1723 = arith.subf %add3A_1705, %mul3A_1722 : vector<8x512xf32>
    %sqrt3A_1724 = math.sqrt %select_n3A_1721 : vector<8x512xf32>
    %mul3A_1725 = arith.mulf %select_n3A_1721, %sqrt3A_1724 : vector<8x512xf32>
    %mul3A_1726 = arith.mulf %sub3A_1723, %mul3A_1725 : vector<8x512xf32>
    %add3A_1727 = arith.addf %add3A_1680, %mul3A_1726 : vector<8x512xf32>
    %get3A_1728 = arith.constant 0 : index
    %get3A_1729 = arith.constant 18944 : index
    %get3A_1730 = vector.load %arg2[%get3A_1728, %get3A_1729] : memref<8x57344xf32, #tpu.memory_space<vmem>>, vector<8x512xf32>
    %get3A_1731 = arith.constant 0 : index
    %get3A_1732 = arith.constant 18944 : index
    %get3A_1733 = vector.load %arg3[%get3A_1731, %get3A_1732] : memref<8x57344xi32, #tpu.memory_space<vmem>>, vector<8x512xi32>
    %gt3A_1734 = arith.constant 0 : i32
    %gt3A_1735 = vector.broadcast %gt3A_1734 : i32 to vector<8x512xi32>
    %gt3A_1736 = arith.cmpi sgt, %get3A_1733, %gt3A_1735 : vector<8x512xi32>
    %abs3A_1737 = math.absf %get3A_1730 : vector<8x512xf32>
    %neg3A_1738 = arith.constant 0.000000e+00 : f32
    %neg3A_1739 = vector.broadcast %neg3A_1738 : f32 to vector<8x512xf32>
    %neg3A_1740 = arith.subf %neg3A_1739, %abs3A_1737 : vector<8x512xf32>
    %exp3A_1741 = math.exp %neg3A_1740 : vector<8x512xf32>
    %add3A_1742 = arith.constant 1.000000e+00 : f32
    %add3A_1743 = vector.broadcast %add3A_1742 : f32 to vector<8x512xf32>
    %add3A_1744 = arith.addf %add3A_1743, %exp3A_1741 : vector<8x512xf32>
    %div3A_1745 = arith.constant 1.000000e+00 : f32
    %div3A_1746 = vector.broadcast %div3A_1745 : f32 to vector<8x512xf32>
    %div3A_1747 = arith.divf %div3A_1746, %add3A_1744 : vector<8x512xf32>
    %max3A_1748 = arith.constant 0.000000e+00 : f32
    %max3A_1749 = vector.broadcast %max3A_1748 : f32 to vector<8x512xf32>
    %max3A_1750 = arith.maximumf %get3A_1730, %max3A_1749 : vector<8x512xf32>
    %log1p3A_1751 = math.log1p %exp3A_1741 : vector<8x512xf32>
    %add3A_1752 = arith.addf %max3A_1750, %log1p3A_1751 : vector<8x512xf32>
    %ge3A_1753 = arith.constant 0.000000e+00 : f32
    %ge3A_1754 = vector.broadcast %ge3A_1753 : f32 to vector<8x512xf32>
    %ge3A_1755 = arith.cmpf oge, %get3A_1730, %ge3A_1754 : vector<8x512xf32>
    %sub3A_1756 = arith.constant 1.000000e+00 : f32
    %sub3A_1757 = vector.broadcast %sub3A_1756 : f32 to vector<8x512xf32>
    %sub3A_1758 = arith.subf %sub3A_1757, %div3A_1747 : vector<8x512xf32>
    %select_n3A_1759 = arith.select %ge3A_1755, %div3A_1747, %sub3A_1758 : vector<8x512xi1>, vector<8x512xf32>
    %jit3A_1760 = arith.constant 0.000000e+00 : f32
    %broadcast_in_dim3A_1761 = vector.shape_cast %get3A_1 : vector<8x1xf32> to vector<8x1xf32>
    %broadcast_in_dim3A_1762 = vector.broadcast %broadcast_in_dim3A_1761 : vector<8x1xf32> to vector<8x512xf32>
    %broadcast_in_dim3A_1763 = vector.broadcast %jit3A_1760 : f32 to vector<8x512xf32>
    %select_n3A_1764 = arith.select %gt3A_1736, %broadcast_in_dim3A_1762, %broadcast_in_dim3A_1763 : vector<8x512xi1>, vector<8x512xf32>
    %sub3A_1765 = vector.broadcast %get3A_1 : vector<8x1xf32> to vector<8x512xf32>
    %sub3A_1766 = arith.subf %sub3A_1765, %select_n3A_1759 : vector<8x512xf32>
    %abs3A_1767 = math.absf %sub3A_1766 : vector<8x512xf32>
    %select_n3A_1768 = arith.select %gt3A_1736, %abs3A_1767, %select_n3A_1759 : vector<8x512xi1>, vector<8x512xf32>
    %mul3A_1769 = arith.mulf %get3A_1730, %select_n3A_1764 : vector<8x512xf32>
    %sub3A_1770 = arith.subf %add3A_1752, %mul3A_1769 : vector<8x512xf32>
    %sqrt3A_1771 = math.sqrt %select_n3A_1768 : vector<8x512xf32>
    %mul3A_1772 = arith.mulf %select_n3A_1768, %sqrt3A_1771 : vector<8x512xf32>
    %mul3A_1773 = arith.mulf %sub3A_1770, %mul3A_1772 : vector<8x512xf32>
    %add3A_1774 = arith.addf %add3A_1727, %mul3A_1773 : vector<8x512xf32>
    %get3A_1775 = arith.constant 0 : index
    %get3A_1776 = arith.constant 19456 : index
    %get3A_1777 = vector.load %arg2[%get3A_1775, %get3A_1776] : memref<8x57344xf32, #tpu.memory_space<vmem>>, vector<8x512xf32>
    %get3A_1778 = arith.constant 0 : index
    %get3A_1779 = arith.constant 19456 : index
    %get3A_1780 = vector.load %arg3[%get3A_1778, %get3A_1779] : memref<8x57344xi32, #tpu.memory_space<vmem>>, vector<8x512xi32>
    %gt3A_1781 = arith.constant 0 : i32
    %gt3A_1782 = vector.broadcast %gt3A_1781 : i32 to vector<8x512xi32>
    %gt3A_1783 = arith.cmpi sgt, %get3A_1780, %gt3A_1782 : vector<8x512xi32>
    %abs3A_1784 = math.absf %get3A_1777 : vector<8x512xf32>
    %neg3A_1785 = arith.constant 0.000000e+00 : f32
    %neg3A_1786 = vector.broadcast %neg3A_1785 : f32 to vector<8x512xf32>
    %neg3A_1787 = arith.subf %neg3A_1786, %abs3A_1784 : vector<8x512xf32>
    %exp3A_1788 = math.exp %neg3A_1787 : vector<8x512xf32>
    %add3A_1789 = arith.constant 1.000000e+00 : f32
    %add3A_1790 = vector.broadcast %add3A_1789 : f32 to vector<8x512xf32>
    %add3A_1791 = arith.addf %add3A_1790, %exp3A_1788 : vector<8x512xf32>
    %div3A_1792 = arith.constant 1.000000e+00 : f32
    %div3A_1793 = vector.broadcast %div3A_1792 : f32 to vector<8x512xf32>
    %div3A_1794 = arith.divf %div3A_1793, %add3A_1791 : vector<8x512xf32>
    %max3A_1795 = arith.constant 0.000000e+00 : f32
    %max3A_1796 = vector.broadcast %max3A_1795 : f32 to vector<8x512xf32>
    %max3A_1797 = arith.maximumf %get3A_1777, %max3A_1796 : vector<8x512xf32>
    %log1p3A_1798 = math.log1p %exp3A_1788 : vector<8x512xf32>
    %add3A_1799 = arith.addf %max3A_1797, %log1p3A_1798 : vector<8x512xf32>
    %ge3A_1800 = arith.constant 0.000000e+00 : f32
    %ge3A_1801 = vector.broadcast %ge3A_1800 : f32 to vector<8x512xf32>
    %ge3A_1802 = arith.cmpf oge, %get3A_1777, %ge3A_1801 : vector<8x512xf32>
    %sub3A_1803 = arith.constant 1.000000e+00 : f32
    %sub3A_1804 = vector.broadcast %sub3A_1803 : f32 to vector<8x512xf32>
    %sub3A_1805 = arith.subf %sub3A_1804, %div3A_1794 : vector<8x512xf32>
    %select_n3A_1806 = arith.select %ge3A_1802, %div3A_1794, %sub3A_1805 : vector<8x512xi1>, vector<8x512xf32>
    %jit3A_1807 = arith.constant 0.000000e+00 : f32
    %broadcast_in_dim3A_1808 = vector.shape_cast %get3A_1 : vector<8x1xf32> to vector<8x1xf32>
    %broadcast_in_dim3A_1809 = vector.broadcast %broadcast_in_dim3A_1808 : vector<8x1xf32> to vector<8x512xf32>
    %broadcast_in_dim3A_1810 = vector.broadcast %jit3A_1807 : f32 to vector<8x512xf32>
    %select_n3A_1811 = arith.select %gt3A_1783, %broadcast_in_dim3A_1809, %broadcast_in_dim3A_1810 : vector<8x512xi1>, vector<8x512xf32>
    %sub3A_1812 = vector.broadcast %get3A_1 : vector<8x1xf32> to vector<8x512xf32>
    %sub3A_1813 = arith.subf %sub3A_1812, %select_n3A_1806 : vector<8x512xf32>
    %abs3A_1814 = math.absf %sub3A_1813 : vector<8x512xf32>
    %select_n3A_1815 = arith.select %gt3A_1783, %abs3A_1814, %select_n3A_1806 : vector<8x512xi1>, vector<8x512xf32>
    %mul3A_1816 = arith.mulf %get3A_1777, %select_n3A_1811 : vector<8x512xf32>
    %sub3A_1817 = arith.subf %add3A_1799, %mul3A_1816 : vector<8x512xf32>
    %sqrt3A_1818 = math.sqrt %select_n3A_1815 : vector<8x512xf32>
    %mul3A_1819 = arith.mulf %select_n3A_1815, %sqrt3A_1818 : vector<8x512xf32>
    %mul3A_1820 = arith.mulf %sub3A_1817, %mul3A_1819 : vector<8x512xf32>
    %add3A_1821 = arith.addf %add3A_1774, %mul3A_1820 : vector<8x512xf32>
    %get3A_1822 = arith.constant 0 : index
    %get3A_1823 = arith.constant 19968 : index
    %get3A_1824 = vector.load %arg2[%get3A_1822, %get3A_1823] : memref<8x57344xf32, #tpu.memory_space<vmem>>, vector<8x512xf32>
    %get3A_1825 = arith.constant 0 : index
    %get3A_1826 = arith.constant 19968 : index
    %get3A_1827 = vector.load %arg3[%get3A_1825, %get3A_1826] : memref<8x57344xi32, #tpu.memory_space<vmem>>, vector<8x512xi32>
    %gt3A_1828 = arith.constant 0 : i32
    %gt3A_1829 = vector.broadcast %gt3A_1828 : i32 to vector<8x512xi32>
    %gt3A_1830 = arith.cmpi sgt, %get3A_1827, %gt3A_1829 : vector<8x512xi32>
    %abs3A_1831 = math.absf %get3A_1824 : vector<8x512xf32>
    %neg3A_1832 = arith.constant 0.000000e+00 : f32
    %neg3A_1833 = vector.broadcast %neg3A_1832 : f32 to vector<8x512xf32>
    %neg3A_1834 = arith.subf %neg3A_1833, %abs3A_1831 : vector<8x512xf32>
    %exp3A_1835 = math.exp %neg3A_1834 : vector<8x512xf32>
    %add3A_1836 = arith.constant 1.000000e+00 : f32
    %add3A_1837 = vector.broadcast %add3A_1836 : f32 to vector<8x512xf32>
    %add3A_1838 = arith.addf %add3A_1837, %exp3A_1835 : vector<8x512xf32>
    %div3A_1839 = arith.constant 1.000000e+00 : f32
    %div3A_1840 = vector.broadcast %div3A_1839 : f32 to vector<8x512xf32>
    %div3A_1841 = arith.divf %div3A_1840, %add3A_1838 : vector<8x512xf32>
    %max3A_1842 = arith.constant 0.000000e+00 : f32
    %max3A_1843 = vector.broadcast %max3A_1842 : f32 to vector<8x512xf32>
    %max3A_1844 = arith.maximumf %get3A_1824, %max3A_1843 : vector<8x512xf32>
    %log1p3A_1845 = math.log1p %exp3A_1835 : vector<8x512xf32>
    %add3A_1846 = arith.addf %max3A_1844, %log1p3A_1845 : vector<8x512xf32>
    %ge3A_1847 = arith.constant 0.000000e+00 : f32
    %ge3A_1848 = vector.broadcast %ge3A_1847 : f32 to vector<8x512xf32>
    %ge3A_1849 = arith.cmpf oge, %get3A_1824, %ge3A_1848 : vector<8x512xf32>
    %sub3A_1850 = arith.constant 1.000000e+00 : f32
    %sub3A_1851 = vector.broadcast %sub3A_1850 : f32 to vector<8x512xf32>
    %sub3A_1852 = arith.subf %sub3A_1851, %div3A_1841 : vector<8x512xf32>
    %select_n3A_1853 = arith.select %ge3A_1849, %div3A_1841, %sub3A_1852 : vector<8x512xi1>, vector<8x512xf32>
    %jit3A_1854 = arith.constant 0.000000e+00 : f32
    %broadcast_in_dim3A_1855 = vector.shape_cast %get3A_1 : vector<8x1xf32> to vector<8x1xf32>
    %broadcast_in_dim3A_1856 = vector.broadcast %broadcast_in_dim3A_1855 : vector<8x1xf32> to vector<8x512xf32>
    %broadcast_in_dim3A_1857 = vector.broadcast %jit3A_1854 : f32 to vector<8x512xf32>
    %select_n3A_1858 = arith.select %gt3A_1830, %broadcast_in_dim3A_1856, %broadcast_in_dim3A_1857 : vector<8x512xi1>, vector<8x512xf32>
    %sub3A_1859 = vector.broadcast %get3A_1 : vector<8x1xf32> to vector<8x512xf32>
    %sub3A_1860 = arith.subf %sub3A_1859, %select_n3A_1853 : vector<8x512xf32>
    %abs3A_1861 = math.absf %sub3A_1860 : vector<8x512xf32>
    %select_n3A_1862 = arith.select %gt3A_1830, %abs3A_1861, %select_n3A_1853 : vector<8x512xi1>, vector<8x512xf32>
    %mul3A_1863 = arith.mulf %get3A_1824, %select_n3A_1858 : vector<8x512xf32>
    %sub3A_1864 = arith.subf %add3A_1846, %mul3A_1863 : vector<8x512xf32>
    %sqrt3A_1865 = math.sqrt %select_n3A_1862 : vector<8x512xf32>
    %mul3A_1866 = arith.mulf %select_n3A_1862, %sqrt3A_1865 : vector<8x512xf32>
    %mul3A_1867 = arith.mulf %sub3A_1864, %mul3A_1866 : vector<8x512xf32>
    %add3A_1868 = arith.addf %add3A_1821, %mul3A_1867 : vector<8x512xf32>
    %get3A_1869 = arith.constant 0 : index
    %get3A_1870 = arith.constant 20480 : index
    %get3A_1871 = vector.load %arg2[%get3A_1869, %get3A_1870] : memref<8x57344xf32, #tpu.memory_space<vmem>>, vector<8x512xf32>
    %get3A_1872 = arith.constant 0 : index
    %get3A_1873 = arith.constant 20480 : index
    %get3A_1874 = vector.load %arg3[%get3A_1872, %get3A_1873] : memref<8x57344xi32, #tpu.memory_space<vmem>>, vector<8x512xi32>
    %gt3A_1875 = arith.constant 0 : i32
    %gt3A_1876 = vector.broadcast %gt3A_1875 : i32 to vector<8x512xi32>
    %gt3A_1877 = arith.cmpi sgt, %get3A_1874, %gt3A_1876 : vector<8x512xi32>
    %abs3A_1878 = math.absf %get3A_1871 : vector<8x512xf32>
    %neg3A_1879 = arith.constant 0.000000e+00 : f32
    %neg3A_1880 = vector.broadcast %neg3A_1879 : f32 to vector<8x512xf32>
    %neg3A_1881 = arith.subf %neg3A_1880, %abs3A_1878 : vector<8x512xf32>
    %exp3A_1882 = math.exp %neg3A_1881 : vector<8x512xf32>
    %add3A_1883 = arith.constant 1.000000e+00 : f32
    %add3A_1884 = vector.broadcast %add3A_1883 : f32 to vector<8x512xf32>
    %add3A_1885 = arith.addf %add3A_1884, %exp3A_1882 : vector<8x512xf32>
    %div3A_1886 = arith.constant 1.000000e+00 : f32
    %div3A_1887 = vector.broadcast %div3A_1886 : f32 to vector<8x512xf32>
    %div3A_1888 = arith.divf %div3A_1887, %add3A_1885 : vector<8x512xf32>
    %max3A_1889 = arith.constant 0.000000e+00 : f32
    %max3A_1890 = vector.broadcast %max3A_1889 : f32 to vector<8x512xf32>
    %max3A_1891 = arith.maximumf %get3A_1871, %max3A_1890 : vector<8x512xf32>
    %log1p3A_1892 = math.log1p %exp3A_1882 : vector<8x512xf32>
    %add3A_1893 = arith.addf %max3A_1891, %log1p3A_1892 : vector<8x512xf32>
    %ge3A_1894 = arith.constant 0.000000e+00 : f32
    %ge3A_1895 = vector.broadcast %ge3A_1894 : f32 to vector<8x512xf32>
    %ge3A_1896 = arith.cmpf oge, %get3A_1871, %ge3A_1895 : vector<8x512xf32>
    %sub3A_1897 = arith.constant 1.000000e+00 : f32
    %sub3A_1898 = vector.broadcast %sub3A_1897 : f32 to vector<8x512xf32>
    %sub3A_1899 = arith.subf %sub3A_1898, %div3A_1888 : vector<8x512xf32>
    %select_n3A_1900 = arith.select %ge3A_1896, %div3A_1888, %sub3A_1899 : vector<8x512xi1>, vector<8x512xf32>
    %jit3A_1901 = arith.constant 0.000000e+00 : f32
    %broadcast_in_dim3A_1902 = vector.shape_cast %get3A_1 : vector<8x1xf32> to vector<8x1xf32>
    %broadcast_in_dim3A_1903 = vector.broadcast %broadcast_in_dim3A_1902 : vector<8x1xf32> to vector<8x512xf32>
    %broadcast_in_dim3A_1904 = vector.broadcast %jit3A_1901 : f32 to vector<8x512xf32>
    %select_n3A_1905 = arith.select %gt3A_1877, %broadcast_in_dim3A_1903, %broadcast_in_dim3A_1904 : vector<8x512xi1>, vector<8x512xf32>
    %sub3A_1906 = vector.broadcast %get3A_1 : vector<8x1xf32> to vector<8x512xf32>
    %sub3A_1907 = arith.subf %sub3A_1906, %select_n3A_1900 : vector<8x512xf32>
    %abs3A_1908 = math.absf %sub3A_1907 : vector<8x512xf32>
    %select_n3A_1909 = arith.select %gt3A_1877, %abs3A_1908, %select_n3A_1900 : vector<8x512xi1>, vector<8x512xf32>
    %mul3A_1910 = arith.mulf %get3A_1871, %select_n3A_1905 : vector<8x512xf32>
    %sub3A_1911 = arith.subf %add3A_1893, %mul3A_1910 : vector<8x512xf32>
    %sqrt3A_1912 = math.sqrt %select_n3A_1909 : vector<8x512xf32>
    %mul3A_1913 = arith.mulf %select_n3A_1909, %sqrt3A_1912 : vector<8x512xf32>
    %mul3A_1914 = arith.mulf %sub3A_1911, %mul3A_1913 : vector<8x512xf32>
    %add3A_1915 = arith.addf %add3A_1868, %mul3A_1914 : vector<8x512xf32>
    %get3A_1916 = arith.constant 0 : index
    %get3A_1917 = arith.constant 20992 : index
    %get3A_1918 = vector.load %arg2[%get3A_1916, %get3A_1917] : memref<8x57344xf32, #tpu.memory_space<vmem>>, vector<8x512xf32>
    %get3A_1919 = arith.constant 0 : index
    %get3A_1920 = arith.constant 20992 : index
    %get3A_1921 = vector.load %arg3[%get3A_1919, %get3A_1920] : memref<8x57344xi32, #tpu.memory_space<vmem>>, vector<8x512xi32>
    %gt3A_1922 = arith.constant 0 : i32
    %gt3A_1923 = vector.broadcast %gt3A_1922 : i32 to vector<8x512xi32>
    %gt3A_1924 = arith.cmpi sgt, %get3A_1921, %gt3A_1923 : vector<8x512xi32>
    %abs3A_1925 = math.absf %get3A_1918 : vector<8x512xf32>
    %neg3A_1926 = arith.constant 0.000000e+00 : f32
    %neg3A_1927 = vector.broadcast %neg3A_1926 : f32 to vector<8x512xf32>
    %neg3A_1928 = arith.subf %neg3A_1927, %abs3A_1925 : vector<8x512xf32>
    %exp3A_1929 = math.exp %neg3A_1928 : vector<8x512xf32>
    %add3A_1930 = arith.constant 1.000000e+00 : f32
    %add3A_1931 = vector.broadcast %add3A_1930 : f32 to vector<8x512xf32>
    %add3A_1932 = arith.addf %add3A_1931, %exp3A_1929 : vector<8x512xf32>
    %div3A_1933 = arith.constant 1.000000e+00 : f32
    %div3A_1934 = vector.broadcast %div3A_1933 : f32 to vector<8x512xf32>
    %div3A_1935 = arith.divf %div3A_1934, %add3A_1932 : vector<8x512xf32>
    %max3A_1936 = arith.constant 0.000000e+00 : f32
    %max3A_1937 = vector.broadcast %max3A_1936 : f32 to vector<8x512xf32>
    %max3A_1938 = arith.maximumf %get3A_1918, %max3A_1937 : vector<8x512xf32>
    %log1p3A_1939 = math.log1p %exp3A_1929 : vector<8x512xf32>
    %add3A_1940 = arith.addf %max3A_1938, %log1p3A_1939 : vector<8x512xf32>
    %ge3A_1941 = arith.constant 0.000000e+00 : f32
    %ge3A_1942 = vector.broadcast %ge3A_1941 : f32 to vector<8x512xf32>
    %ge3A_1943 = arith.cmpf oge, %get3A_1918, %ge3A_1942 : vector<8x512xf32>
    %sub3A_1944 = arith.constant 1.000000e+00 : f32
    %sub3A_1945 = vector.broadcast %sub3A_1944 : f32 to vector<8x512xf32>
    %sub3A_1946 = arith.subf %sub3A_1945, %div3A_1935 : vector<8x512xf32>
    %select_n3A_1947 = arith.select %ge3A_1943, %div3A_1935, %sub3A_1946 : vector<8x512xi1>, vector<8x512xf32>
    %jit3A_1948 = arith.constant 0.000000e+00 : f32
    %broadcast_in_dim3A_1949 = vector.shape_cast %get3A_1 : vector<8x1xf32> to vector<8x1xf32>
    %broadcast_in_dim3A_1950 = vector.broadcast %broadcast_in_dim3A_1949 : vector<8x1xf32> to vector<8x512xf32>
    %broadcast_in_dim3A_1951 = vector.broadcast %jit3A_1948 : f32 to vector<8x512xf32>
    %select_n3A_1952 = arith.select %gt3A_1924, %broadcast_in_dim3A_1950, %broadcast_in_dim3A_1951 : vector<8x512xi1>, vector<8x512xf32>
    %sub3A_1953 = vector.broadcast %get3A_1 : vector<8x1xf32> to vector<8x512xf32>
    %sub3A_1954 = arith.subf %sub3A_1953, %select_n3A_1947 : vector<8x512xf32>
    %abs3A_1955 = math.absf %sub3A_1954 : vector<8x512xf32>
    %select_n3A_1956 = arith.select %gt3A_1924, %abs3A_1955, %select_n3A_1947 : vector<8x512xi1>, vector<8x512xf32>
    %mul3A_1957 = arith.mulf %get3A_1918, %select_n3A_1952 : vector<8x512xf32>
    %sub3A_1958 = arith.subf %add3A_1940, %mul3A_1957 : vector<8x512xf32>
    %sqrt3A_1959 = math.sqrt %select_n3A_1956 : vector<8x512xf32>
    %mul3A_1960 = arith.mulf %select_n3A_1956, %sqrt3A_1959 : vector<8x512xf32>
    %mul3A_1961 = arith.mulf %sub3A_1958, %mul3A_1960 : vector<8x512xf32>
    %add3A_1962 = arith.addf %add3A_1915, %mul3A_1961 : vector<8x512xf32>
    %get3A_1963 = arith.constant 0 : index
    %get3A_1964 = arith.constant 21504 : index
    %get3A_1965 = vector.load %arg2[%get3A_1963, %get3A_1964] : memref<8x57344xf32, #tpu.memory_space<vmem>>, vector<8x512xf32>
    %get3A_1966 = arith.constant 0 : index
    %get3A_1967 = arith.constant 21504 : index
    %get3A_1968 = vector.load %arg3[%get3A_1966, %get3A_1967] : memref<8x57344xi32, #tpu.memory_space<vmem>>, vector<8x512xi32>
    %gt3A_1969 = arith.constant 0 : i32
    %gt3A_1970 = vector.broadcast %gt3A_1969 : i32 to vector<8x512xi32>
    %gt3A_1971 = arith.cmpi sgt, %get3A_1968, %gt3A_1970 : vector<8x512xi32>
    %abs3A_1972 = math.absf %get3A_1965 : vector<8x512xf32>
    %neg3A_1973 = arith.constant 0.000000e+00 : f32
    %neg3A_1974 = vector.broadcast %neg3A_1973 : f32 to vector<8x512xf32>
    %neg3A_1975 = arith.subf %neg3A_1974, %abs3A_1972 : vector<8x512xf32>
    %exp3A_1976 = math.exp %neg3A_1975 : vector<8x512xf32>
    %add3A_1977 = arith.constant 1.000000e+00 : f32
    %add3A_1978 = vector.broadcast %add3A_1977 : f32 to vector<8x512xf32>
    %add3A_1979 = arith.addf %add3A_1978, %exp3A_1976 : vector<8x512xf32>
    %div3A_1980 = arith.constant 1.000000e+00 : f32
    %div3A_1981 = vector.broadcast %div3A_1980 : f32 to vector<8x512xf32>
    %div3A_1982 = arith.divf %div3A_1981, %add3A_1979 : vector<8x512xf32>
    %max3A_1983 = arith.constant 0.000000e+00 : f32
    %max3A_1984 = vector.broadcast %max3A_1983 : f32 to vector<8x512xf32>
    %max3A_1985 = arith.maximumf %get3A_1965, %max3A_1984 : vector<8x512xf32>
    %log1p3A_1986 = math.log1p %exp3A_1976 : vector<8x512xf32>
    %add3A_1987 = arith.addf %max3A_1985, %log1p3A_1986 : vector<8x512xf32>
    %ge3A_1988 = arith.constant 0.000000e+00 : f32
    %ge3A_1989 = vector.broadcast %ge3A_1988 : f32 to vector<8x512xf32>
    %ge3A_1990 = arith.cmpf oge, %get3A_1965, %ge3A_1989 : vector<8x512xf32>
    %sub3A_1991 = arith.constant 1.000000e+00 : f32
    %sub3A_1992 = vector.broadcast %sub3A_1991 : f32 to vector<8x512xf32>
    %sub3A_1993 = arith.subf %sub3A_1992, %div3A_1982 : vector<8x512xf32>
    %select_n3A_1994 = arith.select %ge3A_1990, %div3A_1982, %sub3A_1993 : vector<8x512xi1>, vector<8x512xf32>
    %jit3A_1995 = arith.constant 0.000000e+00 : f32
    %broadcast_in_dim3A_1996 = vector.shape_cast %get3A_1 : vector<8x1xf32> to vector<8x1xf32>
    %broadcast_in_dim3A_1997 = vector.broadcast %broadcast_in_dim3A_1996 : vector<8x1xf32> to vector<8x512xf32>
    %broadcast_in_dim3A_1998 = vector.broadcast %jit3A_1995 : f32 to vector<8x512xf32>
    %select_n3A_1999 = arith.select %gt3A_1971, %broadcast_in_dim3A_1997, %broadcast_in_dim3A_1998 : vector<8x512xi1>, vector<8x512xf32>
    %sub3A_2000 = vector.broadcast %get3A_1 : vector<8x1xf32> to vector<8x512xf32>
    %sub3A_2001 = arith.subf %sub3A_2000, %select_n3A_1994 : vector<8x512xf32>
    %abs3A_2002 = math.absf %sub3A_2001 : vector<8x512xf32>
    %select_n3A_2003 = arith.select %gt3A_1971, %abs3A_2002, %select_n3A_1994 : vector<8x512xi1>, vector<8x512xf32>
    %mul3A_2004 = arith.mulf %get3A_1965, %select_n3A_1999 : vector<8x512xf32>
    %sub3A_2005 = arith.subf %add3A_1987, %mul3A_2004 : vector<8x512xf32>
    %sqrt3A_2006 = math.sqrt %select_n3A_2003 : vector<8x512xf32>
    %mul3A_2007 = arith.mulf %select_n3A_2003, %sqrt3A_2006 : vector<8x512xf32>
    %mul3A_2008 = arith.mulf %sub3A_2005, %mul3A_2007 : vector<8x512xf32>
    %add3A_2009 = arith.addf %add3A_1962, %mul3A_2008 : vector<8x512xf32>
    %get3A_2010 = arith.constant 0 : index
    %get3A_2011 = arith.constant 22016 : index
    %get3A_2012 = vector.load %arg2[%get3A_2010, %get3A_2011] : memref<8x57344xf32, #tpu.memory_space<vmem>>, vector<8x512xf32>
    %get3A_2013 = arith.constant 0 : index
    %get3A_2014 = arith.constant 22016 : index
    %get3A_2015 = vector.load %arg3[%get3A_2013, %get3A_2014] : memref<8x57344xi32, #tpu.memory_space<vmem>>, vector<8x512xi32>
    %gt3A_2016 = arith.constant 0 : i32
    %gt3A_2017 = vector.broadcast %gt3A_2016 : i32 to vector<8x512xi32>
    %gt3A_2018 = arith.cmpi sgt, %get3A_2015, %gt3A_2017 : vector<8x512xi32>
    %abs3A_2019 = math.absf %get3A_2012 : vector<8x512xf32>
    %neg3A_2020 = arith.constant 0.000000e+00 : f32
    %neg3A_2021 = vector.broadcast %neg3A_2020 : f32 to vector<8x512xf32>
    %neg3A_2022 = arith.subf %neg3A_2021, %abs3A_2019 : vector<8x512xf32>
    %exp3A_2023 = math.exp %neg3A_2022 : vector<8x512xf32>
    %add3A_2024 = arith.constant 1.000000e+00 : f32
    %add3A_2025 = vector.broadcast %add3A_2024 : f32 to vector<8x512xf32>
    %add3A_2026 = arith.addf %add3A_2025, %exp3A_2023 : vector<8x512xf32>
    %div3A_2027 = arith.constant 1.000000e+00 : f32
    %div3A_2028 = vector.broadcast %div3A_2027 : f32 to vector<8x512xf32>
    %div3A_2029 = arith.divf %div3A_2028, %add3A_2026 : vector<8x512xf32>
    %max3A_2030 = arith.constant 0.000000e+00 : f32
    %max3A_2031 = vector.broadcast %max3A_2030 : f32 to vector<8x512xf32>
    %max3A_2032 = arith.maximumf %get3A_2012, %max3A_2031 : vector<8x512xf32>
    %log1p3A_2033 = math.log1p %exp3A_2023 : vector<8x512xf32>
    %add3A_2034 = arith.addf %max3A_2032, %log1p3A_2033 : vector<8x512xf32>
    %ge3A_2035 = arith.constant 0.000000e+00 : f32
    %ge3A_2036 = vector.broadcast %ge3A_2035 : f32 to vector<8x512xf32>
    %ge3A_2037 = arith.cmpf oge, %get3A_2012, %ge3A_2036 : vector<8x512xf32>
    %sub3A_2038 = arith.constant 1.000000e+00 : f32
    %sub3A_2039 = vector.broadcast %sub3A_2038 : f32 to vector<8x512xf32>
    %sub3A_2040 = arith.subf %sub3A_2039, %div3A_2029 : vector<8x512xf32>
    %select_n3A_2041 = arith.select %ge3A_2037, %div3A_2029, %sub3A_2040 : vector<8x512xi1>, vector<8x512xf32>
    %jit3A_2042 = arith.constant 0.000000e+00 : f32
    %broadcast_in_dim3A_2043 = vector.shape_cast %get3A_1 : vector<8x1xf32> to vector<8x1xf32>
    %broadcast_in_dim3A_2044 = vector.broadcast %broadcast_in_dim3A_2043 : vector<8x1xf32> to vector<8x512xf32>
    %broadcast_in_dim3A_2045 = vector.broadcast %jit3A_2042 : f32 to vector<8x512xf32>
    %select_n3A_2046 = arith.select %gt3A_2018, %broadcast_in_dim3A_2044, %broadcast_in_dim3A_2045 : vector<8x512xi1>, vector<8x512xf32>
    %sub3A_2047 = vector.broadcast %get3A_1 : vector<8x1xf32> to vector<8x512xf32>
    %sub3A_2048 = arith.subf %sub3A_2047, %select_n3A_2041 : vector<8x512xf32>
    %abs3A_2049 = math.absf %sub3A_2048 : vector<8x512xf32>
    %select_n3A_2050 = arith.select %gt3A_2018, %abs3A_2049, %select_n3A_2041 : vector<8x512xi1>, vector<8x512xf32>
    %mul3A_2051 = arith.mulf %get3A_2012, %select_n3A_2046 : vector<8x512xf32>
    %sub3A_2052 = arith.subf %add3A_2034, %mul3A_2051 : vector<8x512xf32>
    %sqrt3A_2053 = math.sqrt %select_n3A_2050 : vector<8x512xf32>
    %mul3A_2054 = arith.mulf %select_n3A_2050, %sqrt3A_2053 : vector<8x512xf32>
    %mul3A_2055 = arith.mulf %sub3A_2052, %mul3A_2054 : vector<8x512xf32>
    %add3A_2056 = arith.addf %add3A_2009, %mul3A_2055 : vector<8x512xf32>
    %get3A_2057 = arith.constant 0 : index
    %get3A_2058 = arith.constant 22528 : index
    %get3A_2059 = vector.load %arg2[%get3A_2057, %get3A_2058] : memref<8x57344xf32, #tpu.memory_space<vmem>>, vector<8x512xf32>
    %get3A_2060 = arith.constant 0 : index
    %get3A_2061 = arith.constant 22528 : index
    %get3A_2062 = vector.load %arg3[%get3A_2060, %get3A_2061] : memref<8x57344xi32, #tpu.memory_space<vmem>>, vector<8x512xi32>
    %gt3A_2063 = arith.constant 0 : i32
    %gt3A_2064 = vector.broadcast %gt3A_2063 : i32 to vector<8x512xi32>
    %gt3A_2065 = arith.cmpi sgt, %get3A_2062, %gt3A_2064 : vector<8x512xi32>
    %abs3A_2066 = math.absf %get3A_2059 : vector<8x512xf32>
    %neg3A_2067 = arith.constant 0.000000e+00 : f32
    %neg3A_2068 = vector.broadcast %neg3A_2067 : f32 to vector<8x512xf32>
    %neg3A_2069 = arith.subf %neg3A_2068, %abs3A_2066 : vector<8x512xf32>
    %exp3A_2070 = math.exp %neg3A_2069 : vector<8x512xf32>
    %add3A_2071 = arith.constant 1.000000e+00 : f32
    %add3A_2072 = vector.broadcast %add3A_2071 : f32 to vector<8x512xf32>
    %add3A_2073 = arith.addf %add3A_2072, %exp3A_2070 : vector<8x512xf32>
    %div3A_2074 = arith.constant 1.000000e+00 : f32
    %div3A_2075 = vector.broadcast %div3A_2074 : f32 to vector<8x512xf32>
    %div3A_2076 = arith.divf %div3A_2075, %add3A_2073 : vector<8x512xf32>
    %max3A_2077 = arith.constant 0.000000e+00 : f32
    %max3A_2078 = vector.broadcast %max3A_2077 : f32 to vector<8x512xf32>
    %max3A_2079 = arith.maximumf %get3A_2059, %max3A_2078 : vector<8x512xf32>
    %log1p3A_2080 = math.log1p %exp3A_2070 : vector<8x512xf32>
    %add3A_2081 = arith.addf %max3A_2079, %log1p3A_2080 : vector<8x512xf32>
    %ge3A_2082 = arith.constant 0.000000e+00 : f32
    %ge3A_2083 = vector.broadcast %ge3A_2082 : f32 to vector<8x512xf32>
    %ge3A_2084 = arith.cmpf oge, %get3A_2059, %ge3A_2083 : vector<8x512xf32>
    %sub3A_2085 = arith.constant 1.000000e+00 : f32
    %sub3A_2086 = vector.broadcast %sub3A_2085 : f32 to vector<8x512xf32>
    %sub3A_2087 = arith.subf %sub3A_2086, %div3A_2076 : vector<8x512xf32>
    %select_n3A_2088 = arith.select %ge3A_2084, %div3A_2076, %sub3A_2087 : vector<8x512xi1>, vector<8x512xf32>
    %jit3A_2089 = arith.constant 0.000000e+00 : f32
    %broadcast_in_dim3A_2090 = vector.shape_cast %get3A_1 : vector<8x1xf32> to vector<8x1xf32>
    %broadcast_in_dim3A_2091 = vector.broadcast %broadcast_in_dim3A_2090 : vector<8x1xf32> to vector<8x512xf32>
    %broadcast_in_dim3A_2092 = vector.broadcast %jit3A_2089 : f32 to vector<8x512xf32>
    %select_n3A_2093 = arith.select %gt3A_2065, %broadcast_in_dim3A_2091, %broadcast_in_dim3A_2092 : vector<8x512xi1>, vector<8x512xf32>
    %sub3A_2094 = vector.broadcast %get3A_1 : vector<8x1xf32> to vector<8x512xf32>
    %sub3A_2095 = arith.subf %sub3A_2094, %select_n3A_2088 : vector<8x512xf32>
    %abs3A_2096 = math.absf %sub3A_2095 : vector<8x512xf32>
    %select_n3A_2097 = arith.select %gt3A_2065, %abs3A_2096, %select_n3A_2088 : vector<8x512xi1>, vector<8x512xf32>
    %mul3A_2098 = arith.mulf %get3A_2059, %select_n3A_2093 : vector<8x512xf32>
    %sub3A_2099 = arith.subf %add3A_2081, %mul3A_2098 : vector<8x512xf32>
    %sqrt3A_2100 = math.sqrt %select_n3A_2097 : vector<8x512xf32>
    %mul3A_2101 = arith.mulf %select_n3A_2097, %sqrt3A_2100 : vector<8x512xf32>
    %mul3A_2102 = arith.mulf %sub3A_2099, %mul3A_2101 : vector<8x512xf32>
    %add3A_2103 = arith.addf %add3A_2056, %mul3A_2102 : vector<8x512xf32>
    %get3A_2104 = arith.constant 0 : index
    %get3A_2105 = arith.constant 23040 : index
    %get3A_2106 = vector.load %arg2[%get3A_2104, %get3A_2105] : memref<8x57344xf32, #tpu.memory_space<vmem>>, vector<8x512xf32>
    %get3A_2107 = arith.constant 0 : index
    %get3A_2108 = arith.constant 23040 : index
    %get3A_2109 = vector.load %arg3[%get3A_2107, %get3A_2108] : memref<8x57344xi32, #tpu.memory_space<vmem>>, vector<8x512xi32>
    %gt3A_2110 = arith.constant 0 : i32
    %gt3A_2111 = vector.broadcast %gt3A_2110 : i32 to vector<8x512xi32>
    %gt3A_2112 = arith.cmpi sgt, %get3A_2109, %gt3A_2111 : vector<8x512xi32>
    %abs3A_2113 = math.absf %get3A_2106 : vector<8x512xf32>
    %neg3A_2114 = arith.constant 0.000000e+00 : f32
    %neg3A_2115 = vector.broadcast %neg3A_2114 : f32 to vector<8x512xf32>
    %neg3A_2116 = arith.subf %neg3A_2115, %abs3A_2113 : vector<8x512xf32>
    %exp3A_2117 = math.exp %neg3A_2116 : vector<8x512xf32>
    %add3A_2118 = arith.constant 1.000000e+00 : f32
    %add3A_2119 = vector.broadcast %add3A_2118 : f32 to vector<8x512xf32>
    %add3A_2120 = arith.addf %add3A_2119, %exp3A_2117 : vector<8x512xf32>
    %div3A_2121 = arith.constant 1.000000e+00 : f32
    %div3A_2122 = vector.broadcast %div3A_2121 : f32 to vector<8x512xf32>
    %div3A_2123 = arith.divf %div3A_2122, %add3A_2120 : vector<8x512xf32>
    %max3A_2124 = arith.constant 0.000000e+00 : f32
    %max3A_2125 = vector.broadcast %max3A_2124 : f32 to vector<8x512xf32>
    %max3A_2126 = arith.maximumf %get3A_2106, %max3A_2125 : vector<8x512xf32>
    %log1p3A_2127 = math.log1p %exp3A_2117 : vector<8x512xf32>
    %add3A_2128 = arith.addf %max3A_2126, %log1p3A_2127 : vector<8x512xf32>
    %ge3A_2129 = arith.constant 0.000000e+00 : f32
    %ge3A_2130 = vector.broadcast %ge3A_2129 : f32 to vector<8x512xf32>
    %ge3A_2131 = arith.cmpf oge, %get3A_2106, %ge3A_2130 : vector<8x512xf32>
    %sub3A_2132 = arith.constant 1.000000e+00 : f32
    %sub3A_2133 = vector.broadcast %sub3A_2132 : f32 to vector<8x512xf32>
    %sub3A_2134 = arith.subf %sub3A_2133, %div3A_2123 : vector<8x512xf32>
    %select_n3A_2135 = arith.select %ge3A_2131, %div3A_2123, %sub3A_2134 : vector<8x512xi1>, vector<8x512xf32>
    %jit3A_2136 = arith.constant 0.000000e+00 : f32
    %broadcast_in_dim3A_2137 = vector.shape_cast %get3A_1 : vector<8x1xf32> to vector<8x1xf32>
    %broadcast_in_dim3A_2138 = vector.broadcast %broadcast_in_dim3A_2137 : vector<8x1xf32> to vector<8x512xf32>
    %broadcast_in_dim3A_2139 = vector.broadcast %jit3A_2136 : f32 to vector<8x512xf32>
    %select_n3A_2140 = arith.select %gt3A_2112, %broadcast_in_dim3A_2138, %broadcast_in_dim3A_2139 : vector<8x512xi1>, vector<8x512xf32>
    %sub3A_2141 = vector.broadcast %get3A_1 : vector<8x1xf32> to vector<8x512xf32>
    %sub3A_2142 = arith.subf %sub3A_2141, %select_n3A_2135 : vector<8x512xf32>
    %abs3A_2143 = math.absf %sub3A_2142 : vector<8x512xf32>
    %select_n3A_2144 = arith.select %gt3A_2112, %abs3A_2143, %select_n3A_2135 : vector<8x512xi1>, vector<8x512xf32>
    %mul3A_2145 = arith.mulf %get3A_2106, %select_n3A_2140 : vector<8x512xf32>
    %sub3A_2146 = arith.subf %add3A_2128, %mul3A_2145 : vector<8x512xf32>
    %sqrt3A_2147 = math.sqrt %select_n3A_2144 : vector<8x512xf32>
    %mul3A_2148 = arith.mulf %select_n3A_2144, %sqrt3A_2147 : vector<8x512xf32>
    %mul3A_2149 = arith.mulf %sub3A_2146, %mul3A_2148 : vector<8x512xf32>
    %add3A_2150 = arith.addf %add3A_2103, %mul3A_2149 : vector<8x512xf32>
    %get3A_2151 = arith.constant 0 : index
    %get3A_2152 = arith.constant 23552 : index
    %get3A_2153 = vector.load %arg2[%get3A_2151, %get3A_2152] : memref<8x57344xf32, #tpu.memory_space<vmem>>, vector<8x512xf32>
    %get3A_2154 = arith.constant 0 : index
    %get3A_2155 = arith.constant 23552 : index
    %get3A_2156 = vector.load %arg3[%get3A_2154, %get3A_2155] : memref<8x57344xi32, #tpu.memory_space<vmem>>, vector<8x512xi32>
    %gt3A_2157 = arith.constant 0 : i32
    %gt3A_2158 = vector.broadcast %gt3A_2157 : i32 to vector<8x512xi32>
    %gt3A_2159 = arith.cmpi sgt, %get3A_2156, %gt3A_2158 : vector<8x512xi32>
    %abs3A_2160 = math.absf %get3A_2153 : vector<8x512xf32>
    %neg3A_2161 = arith.constant 0.000000e+00 : f32
    %neg3A_2162 = vector.broadcast %neg3A_2161 : f32 to vector<8x512xf32>
    %neg3A_2163 = arith.subf %neg3A_2162, %abs3A_2160 : vector<8x512xf32>
    %exp3A_2164 = math.exp %neg3A_2163 : vector<8x512xf32>
    %add3A_2165 = arith.constant 1.000000e+00 : f32
    %add3A_2166 = vector.broadcast %add3A_2165 : f32 to vector<8x512xf32>
    %add3A_2167 = arith.addf %add3A_2166, %exp3A_2164 : vector<8x512xf32>
    %div3A_2168 = arith.constant 1.000000e+00 : f32
    %div3A_2169 = vector.broadcast %div3A_2168 : f32 to vector<8x512xf32>
    %div3A_2170 = arith.divf %div3A_2169, %add3A_2167 : vector<8x512xf32>
    %max3A_2171 = arith.constant 0.000000e+00 : f32
    %max3A_2172 = vector.broadcast %max3A_2171 : f32 to vector<8x512xf32>
    %max3A_2173 = arith.maximumf %get3A_2153, %max3A_2172 : vector<8x512xf32>
    %log1p3A_2174 = math.log1p %exp3A_2164 : vector<8x512xf32>
    %add3A_2175 = arith.addf %max3A_2173, %log1p3A_2174 : vector<8x512xf32>
    %ge3A_2176 = arith.constant 0.000000e+00 : f32
    %ge3A_2177 = vector.broadcast %ge3A_2176 : f32 to vector<8x512xf32>
    %ge3A_2178 = arith.cmpf oge, %get3A_2153, %ge3A_2177 : vector<8x512xf32>
    %sub3A_2179 = arith.constant 1.000000e+00 : f32
    %sub3A_2180 = vector.broadcast %sub3A_2179 : f32 to vector<8x512xf32>
    %sub3A_2181 = arith.subf %sub3A_2180, %div3A_2170 : vector<8x512xf32>
    %select_n3A_2182 = arith.select %ge3A_2178, %div3A_2170, %sub3A_2181 : vector<8x512xi1>, vector<8x512xf32>
    %jit3A_2183 = arith.constant 0.000000e+00 : f32
    %broadcast_in_dim3A_2184 = vector.shape_cast %get3A_1 : vector<8x1xf32> to vector<8x1xf32>
    %broadcast_in_dim3A_2185 = vector.broadcast %broadcast_in_dim3A_2184 : vector<8x1xf32> to vector<8x512xf32>
    %broadcast_in_dim3A_2186 = vector.broadcast %jit3A_2183 : f32 to vector<8x512xf32>
    %select_n3A_2187 = arith.select %gt3A_2159, %broadcast_in_dim3A_2185, %broadcast_in_dim3A_2186 : vector<8x512xi1>, vector<8x512xf32>
    %sub3A_2188 = vector.broadcast %get3A_1 : vector<8x1xf32> to vector<8x512xf32>
    %sub3A_2189 = arith.subf %sub3A_2188, %select_n3A_2182 : vector<8x512xf32>
    %abs3A_2190 = math.absf %sub3A_2189 : vector<8x512xf32>
    %select_n3A_2191 = arith.select %gt3A_2159, %abs3A_2190, %select_n3A_2182 : vector<8x512xi1>, vector<8x512xf32>
    %mul3A_2192 = arith.mulf %get3A_2153, %select_n3A_2187 : vector<8x512xf32>
    %sub3A_2193 = arith.subf %add3A_2175, %mul3A_2192 : vector<8x512xf32>
    %sqrt3A_2194 = math.sqrt %select_n3A_2191 : vector<8x512xf32>
    %mul3A_2195 = arith.mulf %select_n3A_2191, %sqrt3A_2194 : vector<8x512xf32>
    %mul3A_2196 = arith.mulf %sub3A_2193, %mul3A_2195 : vector<8x512xf32>
    %add3A_2197 = arith.addf %add3A_2150, %mul3A_2196 : vector<8x512xf32>
    %get3A_2198 = arith.constant 0 : index
    %get3A_2199 = arith.constant 24064 : index
    %get3A_2200 = vector.load %arg2[%get3A_2198, %get3A_2199] : memref<8x57344xf32, #tpu.memory_space<vmem>>, vector<8x512xf32>
    %get3A_2201 = arith.constant 0 : index
    %get3A_2202 = arith.constant 24064 : index
    %get3A_2203 = vector.load %arg3[%get3A_2201, %get3A_2202] : memref<8x57344xi32, #tpu.memory_space<vmem>>, vector<8x512xi32>
    %gt3A_2204 = arith.constant 0 : i32
    %gt3A_2205 = vector.broadcast %gt3A_2204 : i32 to vector<8x512xi32>
    %gt3A_2206 = arith.cmpi sgt, %get3A_2203, %gt3A_2205 : vector<8x512xi32>
    %abs3A_2207 = math.absf %get3A_2200 : vector<8x512xf32>
    %neg3A_2208 = arith.constant 0.000000e+00 : f32
    %neg3A_2209 = vector.broadcast %neg3A_2208 : f32 to vector<8x512xf32>
    %neg3A_2210 = arith.subf %neg3A_2209, %abs3A_2207 : vector<8x512xf32>
    %exp3A_2211 = math.exp %neg3A_2210 : vector<8x512xf32>
    %add3A_2212 = arith.constant 1.000000e+00 : f32
    %add3A_2213 = vector.broadcast %add3A_2212 : f32 to vector<8x512xf32>
    %add3A_2214 = arith.addf %add3A_2213, %exp3A_2211 : vector<8x512xf32>
    %div3A_2215 = arith.constant 1.000000e+00 : f32
    %div3A_2216 = vector.broadcast %div3A_2215 : f32 to vector<8x512xf32>
    %div3A_2217 = arith.divf %div3A_2216, %add3A_2214 : vector<8x512xf32>
    %max3A_2218 = arith.constant 0.000000e+00 : f32
    %max3A_2219 = vector.broadcast %max3A_2218 : f32 to vector<8x512xf32>
    %max3A_2220 = arith.maximumf %get3A_2200, %max3A_2219 : vector<8x512xf32>
    %log1p3A_2221 = math.log1p %exp3A_2211 : vector<8x512xf32>
    %add3A_2222 = arith.addf %max3A_2220, %log1p3A_2221 : vector<8x512xf32>
    %ge3A_2223 = arith.constant 0.000000e+00 : f32
    %ge3A_2224 = vector.broadcast %ge3A_2223 : f32 to vector<8x512xf32>
    %ge3A_2225 = arith.cmpf oge, %get3A_2200, %ge3A_2224 : vector<8x512xf32>
    %sub3A_2226 = arith.constant 1.000000e+00 : f32
    %sub3A_2227 = vector.broadcast %sub3A_2226 : f32 to vector<8x512xf32>
    %sub3A_2228 = arith.subf %sub3A_2227, %div3A_2217 : vector<8x512xf32>
    %select_n3A_2229 = arith.select %ge3A_2225, %div3A_2217, %sub3A_2228 : vector<8x512xi1>, vector<8x512xf32>
    %jit3A_2230 = arith.constant 0.000000e+00 : f32
    %broadcast_in_dim3A_2231 = vector.shape_cast %get3A_1 : vector<8x1xf32> to vector<8x1xf32>
    %broadcast_in_dim3A_2232 = vector.broadcast %broadcast_in_dim3A_2231 : vector<8x1xf32> to vector<8x512xf32>
    %broadcast_in_dim3A_2233 = vector.broadcast %jit3A_2230 : f32 to vector<8x512xf32>
    %select_n3A_2234 = arith.select %gt3A_2206, %broadcast_in_dim3A_2232, %broadcast_in_dim3A_2233 : vector<8x512xi1>, vector<8x512xf32>
    %sub3A_2235 = vector.broadcast %get3A_1 : vector<8x1xf32> to vector<8x512xf32>
    %sub3A_2236 = arith.subf %sub3A_2235, %select_n3A_2229 : vector<8x512xf32>
    %abs3A_2237 = math.absf %sub3A_2236 : vector<8x512xf32>
    %select_n3A_2238 = arith.select %gt3A_2206, %abs3A_2237, %select_n3A_2229 : vector<8x512xi1>, vector<8x512xf32>
    %mul3A_2239 = arith.mulf %get3A_2200, %select_n3A_2234 : vector<8x512xf32>
    %sub3A_2240 = arith.subf %add3A_2222, %mul3A_2239 : vector<8x512xf32>
    %sqrt3A_2241 = math.sqrt %select_n3A_2238 : vector<8x512xf32>
    %mul3A_2242 = arith.mulf %select_n3A_2238, %sqrt3A_2241 : vector<8x512xf32>
    %mul3A_2243 = arith.mulf %sub3A_2240, %mul3A_2242 : vector<8x512xf32>
    %add3A_2244 = arith.addf %add3A_2197, %mul3A_2243 : vector<8x512xf32>
    %get3A_2245 = arith.constant 0 : index
    %get3A_2246 = arith.constant 24576 : index
    %get3A_2247 = vector.load %arg2[%get3A_2245, %get3A_2246] : memref<8x57344xf32, #tpu.memory_space<vmem>>, vector<8x512xf32>
    %get3A_2248 = arith.constant 0 : index
    %get3A_2249 = arith.constant 24576 : index
    %get3A_2250 = vector.load %arg3[%get3A_2248, %get3A_2249] : memref<8x57344xi32, #tpu.memory_space<vmem>>, vector<8x512xi32>
    %gt3A_2251 = arith.constant 0 : i32
    %gt3A_2252 = vector.broadcast %gt3A_2251 : i32 to vector<8x512xi32>
    %gt3A_2253 = arith.cmpi sgt, %get3A_2250, %gt3A_2252 : vector<8x512xi32>
    %abs3A_2254 = math.absf %get3A_2247 : vector<8x512xf32>
    %neg3A_2255 = arith.constant 0.000000e+00 : f32
    %neg3A_2256 = vector.broadcast %neg3A_2255 : f32 to vector<8x512xf32>
    %neg3A_2257 = arith.subf %neg3A_2256, %abs3A_2254 : vector<8x512xf32>
    %exp3A_2258 = math.exp %neg3A_2257 : vector<8x512xf32>
    %add3A_2259 = arith.constant 1.000000e+00 : f32
    %add3A_2260 = vector.broadcast %add3A_2259 : f32 to vector<8x512xf32>
    %add3A_2261 = arith.addf %add3A_2260, %exp3A_2258 : vector<8x512xf32>
    %div3A_2262 = arith.constant 1.000000e+00 : f32
    %div3A_2263 = vector.broadcast %div3A_2262 : f32 to vector<8x512xf32>
    %div3A_2264 = arith.divf %div3A_2263, %add3A_2261 : vector<8x512xf32>
    %max3A_2265 = arith.constant 0.000000e+00 : f32
    %max3A_2266 = vector.broadcast %max3A_2265 : f32 to vector<8x512xf32>
    %max3A_2267 = arith.maximumf %get3A_2247, %max3A_2266 : vector<8x512xf32>
    %log1p3A_2268 = math.log1p %exp3A_2258 : vector<8x512xf32>
    %add3A_2269 = arith.addf %max3A_2267, %log1p3A_2268 : vector<8x512xf32>
    %ge3A_2270 = arith.constant 0.000000e+00 : f32
    %ge3A_2271 = vector.broadcast %ge3A_2270 : f32 to vector<8x512xf32>
    %ge3A_2272 = arith.cmpf oge, %get3A_2247, %ge3A_2271 : vector<8x512xf32>
    %sub3A_2273 = arith.constant 1.000000e+00 : f32
    %sub3A_2274 = vector.broadcast %sub3A_2273 : f32 to vector<8x512xf32>
    %sub3A_2275 = arith.subf %sub3A_2274, %div3A_2264 : vector<8x512xf32>
    %select_n3A_2276 = arith.select %ge3A_2272, %div3A_2264, %sub3A_2275 : vector<8x512xi1>, vector<8x512xf32>
    %jit3A_2277 = arith.constant 0.000000e+00 : f32
    %broadcast_in_dim3A_2278 = vector.shape_cast %get3A_1 : vector<8x1xf32> to vector<8x1xf32>
    %broadcast_in_dim3A_2279 = vector.broadcast %broadcast_in_dim3A_2278 : vector<8x1xf32> to vector<8x512xf32>
    %broadcast_in_dim3A_2280 = vector.broadcast %jit3A_2277 : f32 to vector<8x512xf32>
    %select_n3A_2281 = arith.select %gt3A_2253, %broadcast_in_dim3A_2279, %broadcast_in_dim3A_2280 : vector<8x512xi1>, vector<8x512xf32>
    %sub3A_2282 = vector.broadcast %get3A_1 : vector<8x1xf32> to vector<8x512xf32>
    %sub3A_2283 = arith.subf %sub3A_2282, %select_n3A_2276 : vector<8x512xf32>
    %abs3A_2284 = math.absf %sub3A_2283 : vector<8x512xf32>
    %select_n3A_2285 = arith.select %gt3A_2253, %abs3A_2284, %select_n3A_2276 : vector<8x512xi1>, vector<8x512xf32>
    %mul3A_2286 = arith.mulf %get3A_2247, %select_n3A_2281 : vector<8x512xf32>
    %sub3A_2287 = arith.subf %add3A_2269, %mul3A_2286 : vector<8x512xf32>
    %sqrt3A_2288 = math.sqrt %select_n3A_2285 : vector<8x512xf32>
    %mul3A_2289 = arith.mulf %select_n3A_2285, %sqrt3A_2288 : vector<8x512xf32>
    %mul3A_2290 = arith.mulf %sub3A_2287, %mul3A_2289 : vector<8x512xf32>
    %add3A_2291 = arith.addf %add3A_2244, %mul3A_2290 : vector<8x512xf32>
    %get3A_2292 = arith.constant 0 : index
    %get3A_2293 = arith.constant 25088 : index
    %get3A_2294 = vector.load %arg2[%get3A_2292, %get3A_2293] : memref<8x57344xf32, #tpu.memory_space<vmem>>, vector<8x512xf32>
    %get3A_2295 = arith.constant 0 : index
    %get3A_2296 = arith.constant 25088 : index
    %get3A_2297 = vector.load %arg3[%get3A_2295, %get3A_2296] : memref<8x57344xi32, #tpu.memory_space<vmem>>, vector<8x512xi32>
    %gt3A_2298 = arith.constant 0 : i32
    %gt3A_2299 = vector.broadcast %gt3A_2298 : i32 to vector<8x512xi32>
    %gt3A_2300 = arith.cmpi sgt, %get3A_2297, %gt3A_2299 : vector<8x512xi32>
    %abs3A_2301 = math.absf %get3A_2294 : vector<8x512xf32>
    %neg3A_2302 = arith.constant 0.000000e+00 : f32
    %neg3A_2303 = vector.broadcast %neg3A_2302 : f32 to vector<8x512xf32>
    %neg3A_2304 = arith.subf %neg3A_2303, %abs3A_2301 : vector<8x512xf32>
    %exp3A_2305 = math.exp %neg3A_2304 : vector<8x512xf32>
    %add3A_2306 = arith.constant 1.000000e+00 : f32
    %add3A_2307 = vector.broadcast %add3A_2306 : f32 to vector<8x512xf32>
    %add3A_2308 = arith.addf %add3A_2307, %exp3A_2305 : vector<8x512xf32>
    %div3A_2309 = arith.constant 1.000000e+00 : f32
    %div3A_2310 = vector.broadcast %div3A_2309 : f32 to vector<8x512xf32>
    %div3A_2311 = arith.divf %div3A_2310, %add3A_2308 : vector<8x512xf32>
    %max3A_2312 = arith.constant 0.000000e+00 : f32
    %max3A_2313 = vector.broadcast %max3A_2312 : f32 to vector<8x512xf32>
    %max3A_2314 = arith.maximumf %get3A_2294, %max3A_2313 : vector<8x512xf32>
    %log1p3A_2315 = math.log1p %exp3A_2305 : vector<8x512xf32>
    %add3A_2316 = arith.addf %max3A_2314, %log1p3A_2315 : vector<8x512xf32>
    %ge3A_2317 = arith.constant 0.000000e+00 : f32
    %ge3A_2318 = vector.broadcast %ge3A_2317 : f32 to vector<8x512xf32>
    %ge3A_2319 = arith.cmpf oge, %get3A_2294, %ge3A_2318 : vector<8x512xf32>
    %sub3A_2320 = arith.constant 1.000000e+00 : f32
    %sub3A_2321 = vector.broadcast %sub3A_2320 : f32 to vector<8x512xf32>
    %sub3A_2322 = arith.subf %sub3A_2321, %div3A_2311 : vector<8x512xf32>
    %select_n3A_2323 = arith.select %ge3A_2319, %div3A_2311, %sub3A_2322 : vector<8x512xi1>, vector<8x512xf32>
    %jit3A_2324 = arith.constant 0.000000e+00 : f32
    %broadcast_in_dim3A_2325 = vector.shape_cast %get3A_1 : vector<8x1xf32> to vector<8x1xf32>
    %broadcast_in_dim3A_2326 = vector.broadcast %broadcast_in_dim3A_2325 : vector<8x1xf32> to vector<8x512xf32>
    %broadcast_in_dim3A_2327 = vector.broadcast %jit3A_2324 : f32 to vector<8x512xf32>
    %select_n3A_2328 = arith.select %gt3A_2300, %broadcast_in_dim3A_2326, %broadcast_in_dim3A_2327 : vector<8x512xi1>, vector<8x512xf32>
    %sub3A_2329 = vector.broadcast %get3A_1 : vector<8x1xf32> to vector<8x512xf32>
    %sub3A_2330 = arith.subf %sub3A_2329, %select_n3A_2323 : vector<8x512xf32>
    %abs3A_2331 = math.absf %sub3A_2330 : vector<8x512xf32>
    %select_n3A_2332 = arith.select %gt3A_2300, %abs3A_2331, %select_n3A_2323 : vector<8x512xi1>, vector<8x512xf32>
    %mul3A_2333 = arith.mulf %get3A_2294, %select_n3A_2328 : vector<8x512xf32>
    %sub3A_2334 = arith.subf %add3A_2316, %mul3A_2333 : vector<8x512xf32>
    %sqrt3A_2335 = math.sqrt %select_n3A_2332 : vector<8x512xf32>
    %mul3A_2336 = arith.mulf %select_n3A_2332, %sqrt3A_2335 : vector<8x512xf32>
    %mul3A_2337 = arith.mulf %sub3A_2334, %mul3A_2336 : vector<8x512xf32>
    %add3A_2338 = arith.addf %add3A_2291, %mul3A_2337 : vector<8x512xf32>
    %get3A_2339 = arith.constant 0 : index
    %get3A_2340 = arith.constant 25600 : index
    %get3A_2341 = vector.load %arg2[%get3A_2339, %get3A_2340] : memref<8x57344xf32, #tpu.memory_space<vmem>>, vector<8x512xf32>
    %get3A_2342 = arith.constant 0 : index
    %get3A_2343 = arith.constant 25600 : index
    %get3A_2344 = vector.load %arg3[%get3A_2342, %get3A_2343] : memref<8x57344xi32, #tpu.memory_space<vmem>>, vector<8x512xi32>
    %gt3A_2345 = arith.constant 0 : i32
    %gt3A_2346 = vector.broadcast %gt3A_2345 : i32 to vector<8x512xi32>
    %gt3A_2347 = arith.cmpi sgt, %get3A_2344, %gt3A_2346 : vector<8x512xi32>
    %abs3A_2348 = math.absf %get3A_2341 : vector<8x512xf32>
    %neg3A_2349 = arith.constant 0.000000e+00 : f32
    %neg3A_2350 = vector.broadcast %neg3A_2349 : f32 to vector<8x512xf32>
    %neg3A_2351 = arith.subf %neg3A_2350, %abs3A_2348 : vector<8x512xf32>
    %exp3A_2352 = math.exp %neg3A_2351 : vector<8x512xf32>
    %add3A_2353 = arith.constant 1.000000e+00 : f32
    %add3A_2354 = vector.broadcast %add3A_2353 : f32 to vector<8x512xf32>
    %add3A_2355 = arith.addf %add3A_2354, %exp3A_2352 : vector<8x512xf32>
    %div3A_2356 = arith.constant 1.000000e+00 : f32
    %div3A_2357 = vector.broadcast %div3A_2356 : f32 to vector<8x512xf32>
    %div3A_2358 = arith.divf %div3A_2357, %add3A_2355 : vector<8x512xf32>
    %max3A_2359 = arith.constant 0.000000e+00 : f32
    %max3A_2360 = vector.broadcast %max3A_2359 : f32 to vector<8x512xf32>
    %max3A_2361 = arith.maximumf %get3A_2341, %max3A_2360 : vector<8x512xf32>
    %log1p3A_2362 = math.log1p %exp3A_2352 : vector<8x512xf32>
    %add3A_2363 = arith.addf %max3A_2361, %log1p3A_2362 : vector<8x512xf32>
    %ge3A_2364 = arith.constant 0.000000e+00 : f32
    %ge3A_2365 = vector.broadcast %ge3A_2364 : f32 to vector<8x512xf32>
    %ge3A_2366 = arith.cmpf oge, %get3A_2341, %ge3A_2365 : vector<8x512xf32>
    %sub3A_2367 = arith.constant 1.000000e+00 : f32
    %sub3A_2368 = vector.broadcast %sub3A_2367 : f32 to vector<8x512xf32>
    %sub3A_2369 = arith.subf %sub3A_2368, %div3A_2358 : vector<8x512xf32>
    %select_n3A_2370 = arith.select %ge3A_2366, %div3A_2358, %sub3A_2369 : vector<8x512xi1>, vector<8x512xf32>
    %jit3A_2371 = arith.constant 0.000000e+00 : f32
    %broadcast_in_dim3A_2372 = vector.shape_cast %get3A_1 : vector<8x1xf32> to vector<8x1xf32>
    %broadcast_in_dim3A_2373 = vector.broadcast %broadcast_in_dim3A_2372 : vector<8x1xf32> to vector<8x512xf32>
    %broadcast_in_dim3A_2374 = vector.broadcast %jit3A_2371 : f32 to vector<8x512xf32>
    %select_n3A_2375 = arith.select %gt3A_2347, %broadcast_in_dim3A_2373, %broadcast_in_dim3A_2374 : vector<8x512xi1>, vector<8x512xf32>
    %sub3A_2376 = vector.broadcast %get3A_1 : vector<8x1xf32> to vector<8x512xf32>
    %sub3A_2377 = arith.subf %sub3A_2376, %select_n3A_2370 : vector<8x512xf32>
    %abs3A_2378 = math.absf %sub3A_2377 : vector<8x512xf32>
    %select_n3A_2379 = arith.select %gt3A_2347, %abs3A_2378, %select_n3A_2370 : vector<8x512xi1>, vector<8x512xf32>
    %mul3A_2380 = arith.mulf %get3A_2341, %select_n3A_2375 : vector<8x512xf32>
    %sub3A_2381 = arith.subf %add3A_2363, %mul3A_2380 : vector<8x512xf32>
    %sqrt3A_2382 = math.sqrt %select_n3A_2379 : vector<8x512xf32>
    %mul3A_2383 = arith.mulf %select_n3A_2379, %sqrt3A_2382 : vector<8x512xf32>
    %mul3A_2384 = arith.mulf %sub3A_2381, %mul3A_2383 : vector<8x512xf32>
    %add3A_2385 = arith.addf %add3A_2338, %mul3A_2384 : vector<8x512xf32>
    %get3A_2386 = arith.constant 0 : index
    %get3A_2387 = arith.constant 26112 : index
    %get3A_2388 = vector.load %arg2[%get3A_2386, %get3A_2387] : memref<8x57344xf32, #tpu.memory_space<vmem>>, vector<8x512xf32>
    %get3A_2389 = arith.constant 0 : index
    %get3A_2390 = arith.constant 26112 : index
    %get3A_2391 = vector.load %arg3[%get3A_2389, %get3A_2390] : memref<8x57344xi32, #tpu.memory_space<vmem>>, vector<8x512xi32>
    %gt3A_2392 = arith.constant 0 : i32
    %gt3A_2393 = vector.broadcast %gt3A_2392 : i32 to vector<8x512xi32>
    %gt3A_2394 = arith.cmpi sgt, %get3A_2391, %gt3A_2393 : vector<8x512xi32>
    %abs3A_2395 = math.absf %get3A_2388 : vector<8x512xf32>
    %neg3A_2396 = arith.constant 0.000000e+00 : f32
    %neg3A_2397 = vector.broadcast %neg3A_2396 : f32 to vector<8x512xf32>
    %neg3A_2398 = arith.subf %neg3A_2397, %abs3A_2395 : vector<8x512xf32>
    %exp3A_2399 = math.exp %neg3A_2398 : vector<8x512xf32>
    %add3A_2400 = arith.constant 1.000000e+00 : f32
    %add3A_2401 = vector.broadcast %add3A_2400 : f32 to vector<8x512xf32>
    %add3A_2402 = arith.addf %add3A_2401, %exp3A_2399 : vector<8x512xf32>
    %div3A_2403 = arith.constant 1.000000e+00 : f32
    %div3A_2404 = vector.broadcast %div3A_2403 : f32 to vector<8x512xf32>
    %div3A_2405 = arith.divf %div3A_2404, %add3A_2402 : vector<8x512xf32>
    %max3A_2406 = arith.constant 0.000000e+00 : f32
    %max3A_2407 = vector.broadcast %max3A_2406 : f32 to vector<8x512xf32>
    %max3A_2408 = arith.maximumf %get3A_2388, %max3A_2407 : vector<8x512xf32>
    %log1p3A_2409 = math.log1p %exp3A_2399 : vector<8x512xf32>
    %add3A_2410 = arith.addf %max3A_2408, %log1p3A_2409 : vector<8x512xf32>
    %ge3A_2411 = arith.constant 0.000000e+00 : f32
    %ge3A_2412 = vector.broadcast %ge3A_2411 : f32 to vector<8x512xf32>
    %ge3A_2413 = arith.cmpf oge, %get3A_2388, %ge3A_2412 : vector<8x512xf32>
    %sub3A_2414 = arith.constant 1.000000e+00 : f32
    %sub3A_2415 = vector.broadcast %sub3A_2414 : f32 to vector<8x512xf32>
    %sub3A_2416 = arith.subf %sub3A_2415, %div3A_2405 : vector<8x512xf32>
    %select_n3A_2417 = arith.select %ge3A_2413, %div3A_2405, %sub3A_2416 : vector<8x512xi1>, vector<8x512xf32>
    %jit3A_2418 = arith.constant 0.000000e+00 : f32
    %broadcast_in_dim3A_2419 = vector.shape_cast %get3A_1 : vector<8x1xf32> to vector<8x1xf32>
    %broadcast_in_dim3A_2420 = vector.broadcast %broadcast_in_dim3A_2419 : vector<8x1xf32> to vector<8x512xf32>
    %broadcast_in_dim3A_2421 = vector.broadcast %jit3A_2418 : f32 to vector<8x512xf32>
    %select_n3A_2422 = arith.select %gt3A_2394, %broadcast_in_dim3A_2420, %broadcast_in_dim3A_2421 : vector<8x512xi1>, vector<8x512xf32>
    %sub3A_2423 = vector.broadcast %get3A_1 : vector<8x1xf32> to vector<8x512xf32>
    %sub3A_2424 = arith.subf %sub3A_2423, %select_n3A_2417 : vector<8x512xf32>
    %abs3A_2425 = math.absf %sub3A_2424 : vector<8x512xf32>
    %select_n3A_2426 = arith.select %gt3A_2394, %abs3A_2425, %select_n3A_2417 : vector<8x512xi1>, vector<8x512xf32>
    %mul3A_2427 = arith.mulf %get3A_2388, %select_n3A_2422 : vector<8x512xf32>
    %sub3A_2428 = arith.subf %add3A_2410, %mul3A_2427 : vector<8x512xf32>
    %sqrt3A_2429 = math.sqrt %select_n3A_2426 : vector<8x512xf32>
    %mul3A_2430 = arith.mulf %select_n3A_2426, %sqrt3A_2429 : vector<8x512xf32>
    %mul3A_2431 = arith.mulf %sub3A_2428, %mul3A_2430 : vector<8x512xf32>
    %add3A_2432 = arith.addf %add3A_2385, %mul3A_2431 : vector<8x512xf32>
    %get3A_2433 = arith.constant 0 : index
    %get3A_2434 = arith.constant 26624 : index
    %get3A_2435 = vector.load %arg2[%get3A_2433, %get3A_2434] : memref<8x57344xf32, #tpu.memory_space<vmem>>, vector<8x512xf32>
    %get3A_2436 = arith.constant 0 : index
    %get3A_2437 = arith.constant 26624 : index
    %get3A_2438 = vector.load %arg3[%get3A_2436, %get3A_2437] : memref<8x57344xi32, #tpu.memory_space<vmem>>, vector<8x512xi32>
    %gt3A_2439 = arith.constant 0 : i32
    %gt3A_2440 = vector.broadcast %gt3A_2439 : i32 to vector<8x512xi32>
    %gt3A_2441 = arith.cmpi sgt, %get3A_2438, %gt3A_2440 : vector<8x512xi32>
    %abs3A_2442 = math.absf %get3A_2435 : vector<8x512xf32>
    %neg3A_2443 = arith.constant 0.000000e+00 : f32
    %neg3A_2444 = vector.broadcast %neg3A_2443 : f32 to vector<8x512xf32>
    %neg3A_2445 = arith.subf %neg3A_2444, %abs3A_2442 : vector<8x512xf32>
    %exp3A_2446 = math.exp %neg3A_2445 : vector<8x512xf32>
    %add3A_2447 = arith.constant 1.000000e+00 : f32
    %add3A_2448 = vector.broadcast %add3A_2447 : f32 to vector<8x512xf32>
    %add3A_2449 = arith.addf %add3A_2448, %exp3A_2446 : vector<8x512xf32>
    %div3A_2450 = arith.constant 1.000000e+00 : f32
    %div3A_2451 = vector.broadcast %div3A_2450 : f32 to vector<8x512xf32>
    %div3A_2452 = arith.divf %div3A_2451, %add3A_2449 : vector<8x512xf32>
    %max3A_2453 = arith.constant 0.000000e+00 : f32
    %max3A_2454 = vector.broadcast %max3A_2453 : f32 to vector<8x512xf32>
    %max3A_2455 = arith.maximumf %get3A_2435, %max3A_2454 : vector<8x512xf32>
    %log1p3A_2456 = math.log1p %exp3A_2446 : vector<8x512xf32>
    %add3A_2457 = arith.addf %max3A_2455, %log1p3A_2456 : vector<8x512xf32>
    %ge3A_2458 = arith.constant 0.000000e+00 : f32
    %ge3A_2459 = vector.broadcast %ge3A_2458 : f32 to vector<8x512xf32>
    %ge3A_2460 = arith.cmpf oge, %get3A_2435, %ge3A_2459 : vector<8x512xf32>
    %sub3A_2461 = arith.constant 1.000000e+00 : f32
    %sub3A_2462 = vector.broadcast %sub3A_2461 : f32 to vector<8x512xf32>
    %sub3A_2463 = arith.subf %sub3A_2462, %div3A_2452 : vector<8x512xf32>
    %select_n3A_2464 = arith.select %ge3A_2460, %div3A_2452, %sub3A_2463 : vector<8x512xi1>, vector<8x512xf32>
    %jit3A_2465 = arith.constant 0.000000e+00 : f32
    %broadcast_in_dim3A_2466 = vector.shape_cast %get3A_1 : vector<8x1xf32> to vector<8x1xf32>
    %broadcast_in_dim3A_2467 = vector.broadcast %broadcast_in_dim3A_2466 : vector<8x1xf32> to vector<8x512xf32>
    %broadcast_in_dim3A_2468 = vector.broadcast %jit3A_2465 : f32 to vector<8x512xf32>
    %select_n3A_2469 = arith.select %gt3A_2441, %broadcast_in_dim3A_2467, %broadcast_in_dim3A_2468 : vector<8x512xi1>, vector<8x512xf32>
    %sub3A_2470 = vector.broadcast %get3A_1 : vector<8x1xf32> to vector<8x512xf32>
    %sub3A_2471 = arith.subf %sub3A_2470, %select_n3A_2464 : vector<8x512xf32>
    %abs3A_2472 = math.absf %sub3A_2471 : vector<8x512xf32>
    %select_n3A_2473 = arith.select %gt3A_2441, %abs3A_2472, %select_n3A_2464 : vector<8x512xi1>, vector<8x512xf32>
    %mul3A_2474 = arith.mulf %get3A_2435, %select_n3A_2469 : vector<8x512xf32>
    %sub3A_2475 = arith.subf %add3A_2457, %mul3A_2474 : vector<8x512xf32>
    %sqrt3A_2476 = math.sqrt %select_n3A_2473 : vector<8x512xf32>
    %mul3A_2477 = arith.mulf %select_n3A_2473, %sqrt3A_2476 : vector<8x512xf32>
    %mul3A_2478 = arith.mulf %sub3A_2475, %mul3A_2477 : vector<8x512xf32>
    %add3A_2479 = arith.addf %add3A_2432, %mul3A_2478 : vector<8x512xf32>
    %get3A_2480 = arith.constant 0 : index
    %get3A_2481 = arith.constant 27136 : index
    %get3A_2482 = vector.load %arg2[%get3A_2480, %get3A_2481] : memref<8x57344xf32, #tpu.memory_space<vmem>>, vector<8x512xf32>
    %get3A_2483 = arith.constant 0 : index
    %get3A_2484 = arith.constant 27136 : index
    %get3A_2485 = vector.load %arg3[%get3A_2483, %get3A_2484] : memref<8x57344xi32, #tpu.memory_space<vmem>>, vector<8x512xi32>
    %gt3A_2486 = arith.constant 0 : i32
    %gt3A_2487 = vector.broadcast %gt3A_2486 : i32 to vector<8x512xi32>
    %gt3A_2488 = arith.cmpi sgt, %get3A_2485, %gt3A_2487 : vector<8x512xi32>
    %abs3A_2489 = math.absf %get3A_2482 : vector<8x512xf32>
    %neg3A_2490 = arith.constant 0.000000e+00 : f32
    %neg3A_2491 = vector.broadcast %neg3A_2490 : f32 to vector<8x512xf32>
    %neg3A_2492 = arith.subf %neg3A_2491, %abs3A_2489 : vector<8x512xf32>
    %exp3A_2493 = math.exp %neg3A_2492 : vector<8x512xf32>
    %add3A_2494 = arith.constant 1.000000e+00 : f32
    %add3A_2495 = vector.broadcast %add3A_2494 : f32 to vector<8x512xf32>
    %add3A_2496 = arith.addf %add3A_2495, %exp3A_2493 : vector<8x512xf32>
    %div3A_2497 = arith.constant 1.000000e+00 : f32
    %div3A_2498 = vector.broadcast %div3A_2497 : f32 to vector<8x512xf32>
    %div3A_2499 = arith.divf %div3A_2498, %add3A_2496 : vector<8x512xf32>
    %max3A_2500 = arith.constant 0.000000e+00 : f32
    %max3A_2501 = vector.broadcast %max3A_2500 : f32 to vector<8x512xf32>
    %max3A_2502 = arith.maximumf %get3A_2482, %max3A_2501 : vector<8x512xf32>
    %log1p3A_2503 = math.log1p %exp3A_2493 : vector<8x512xf32>
    %add3A_2504 = arith.addf %max3A_2502, %log1p3A_2503 : vector<8x512xf32>
    %ge3A_2505 = arith.constant 0.000000e+00 : f32
    %ge3A_2506 = vector.broadcast %ge3A_2505 : f32 to vector<8x512xf32>
    %ge3A_2507 = arith.cmpf oge, %get3A_2482, %ge3A_2506 : vector<8x512xf32>
    %sub3A_2508 = arith.constant 1.000000e+00 : f32
    %sub3A_2509 = vector.broadcast %sub3A_2508 : f32 to vector<8x512xf32>
    %sub3A_2510 = arith.subf %sub3A_2509, %div3A_2499 : vector<8x512xf32>
    %select_n3A_2511 = arith.select %ge3A_2507, %div3A_2499, %sub3A_2510 : vector<8x512xi1>, vector<8x512xf32>
    %jit3A_2512 = arith.constant 0.000000e+00 : f32
    %broadcast_in_dim3A_2513 = vector.shape_cast %get3A_1 : vector<8x1xf32> to vector<8x1xf32>
    %broadcast_in_dim3A_2514 = vector.broadcast %broadcast_in_dim3A_2513 : vector<8x1xf32> to vector<8x512xf32>
    %broadcast_in_dim3A_2515 = vector.broadcast %jit3A_2512 : f32 to vector<8x512xf32>
    %select_n3A_2516 = arith.select %gt3A_2488, %broadcast_in_dim3A_2514, %broadcast_in_dim3A_2515 : vector<8x512xi1>, vector<8x512xf32>
    %sub3A_2517 = vector.broadcast %get3A_1 : vector<8x1xf32> to vector<8x512xf32>
    %sub3A_2518 = arith.subf %sub3A_2517, %select_n3A_2511 : vector<8x512xf32>
    %abs3A_2519 = math.absf %sub3A_2518 : vector<8x512xf32>
    %select_n3A_2520 = arith.select %gt3A_2488, %abs3A_2519, %select_n3A_2511 : vector<8x512xi1>, vector<8x512xf32>
    %mul3A_2521 = arith.mulf %get3A_2482, %select_n3A_2516 : vector<8x512xf32>
    %sub3A_2522 = arith.subf %add3A_2504, %mul3A_2521 : vector<8x512xf32>
    %sqrt3A_2523 = math.sqrt %select_n3A_2520 : vector<8x512xf32>
    %mul3A_2524 = arith.mulf %select_n3A_2520, %sqrt3A_2523 : vector<8x512xf32>
    %mul3A_2525 = arith.mulf %sub3A_2522, %mul3A_2524 : vector<8x512xf32>
    %add3A_2526 = arith.addf %add3A_2479, %mul3A_2525 : vector<8x512xf32>
    %get3A_2527 = arith.constant 0 : index
    %get3A_2528 = arith.constant 27648 : index
    %get3A_2529 = vector.load %arg2[%get3A_2527, %get3A_2528] : memref<8x57344xf32, #tpu.memory_space<vmem>>, vector<8x512xf32>
    %get3A_2530 = arith.constant 0 : index
    %get3A_2531 = arith.constant 27648 : index
    %get3A_2532 = vector.load %arg3[%get3A_2530, %get3A_2531] : memref<8x57344xi32, #tpu.memory_space<vmem>>, vector<8x512xi32>
    %gt3A_2533 = arith.constant 0 : i32
    %gt3A_2534 = vector.broadcast %gt3A_2533 : i32 to vector<8x512xi32>
    %gt3A_2535 = arith.cmpi sgt, %get3A_2532, %gt3A_2534 : vector<8x512xi32>
    %abs3A_2536 = math.absf %get3A_2529 : vector<8x512xf32>
    %neg3A_2537 = arith.constant 0.000000e+00 : f32
    %neg3A_2538 = vector.broadcast %neg3A_2537 : f32 to vector<8x512xf32>
    %neg3A_2539 = arith.subf %neg3A_2538, %abs3A_2536 : vector<8x512xf32>
    %exp3A_2540 = math.exp %neg3A_2539 : vector<8x512xf32>
    %add3A_2541 = arith.constant 1.000000e+00 : f32
    %add3A_2542 = vector.broadcast %add3A_2541 : f32 to vector<8x512xf32>
    %add3A_2543 = arith.addf %add3A_2542, %exp3A_2540 : vector<8x512xf32>
    %div3A_2544 = arith.constant 1.000000e+00 : f32
    %div3A_2545 = vector.broadcast %div3A_2544 : f32 to vector<8x512xf32>
    %div3A_2546 = arith.divf %div3A_2545, %add3A_2543 : vector<8x512xf32>
    %max3A_2547 = arith.constant 0.000000e+00 : f32
    %max3A_2548 = vector.broadcast %max3A_2547 : f32 to vector<8x512xf32>
    %max3A_2549 = arith.maximumf %get3A_2529, %max3A_2548 : vector<8x512xf32>
    %log1p3A_2550 = math.log1p %exp3A_2540 : vector<8x512xf32>
    %add3A_2551 = arith.addf %max3A_2549, %log1p3A_2550 : vector<8x512xf32>
    %ge3A_2552 = arith.constant 0.000000e+00 : f32
    %ge3A_2553 = vector.broadcast %ge3A_2552 : f32 to vector<8x512xf32>
    %ge3A_2554 = arith.cmpf oge, %get3A_2529, %ge3A_2553 : vector<8x512xf32>
    %sub3A_2555 = arith.constant 1.000000e+00 : f32
    %sub3A_2556 = vector.broadcast %sub3A_2555 : f32 to vector<8x512xf32>
    %sub3A_2557 = arith.subf %sub3A_2556, %div3A_2546 : vector<8x512xf32>
    %select_n3A_2558 = arith.select %ge3A_2554, %div3A_2546, %sub3A_2557 : vector<8x512xi1>, vector<8x512xf32>
    %jit3A_2559 = arith.constant 0.000000e+00 : f32
    %broadcast_in_dim3A_2560 = vector.shape_cast %get3A_1 : vector<8x1xf32> to vector<8x1xf32>
    %broadcast_in_dim3A_2561 = vector.broadcast %broadcast_in_dim3A_2560 : vector<8x1xf32> to vector<8x512xf32>
    %broadcast_in_dim3A_2562 = vector.broadcast %jit3A_2559 : f32 to vector<8x512xf32>
    %select_n3A_2563 = arith.select %gt3A_2535, %broadcast_in_dim3A_2561, %broadcast_in_dim3A_2562 : vector<8x512xi1>, vector<8x512xf32>
    %sub3A_2564 = vector.broadcast %get3A_1 : vector<8x1xf32> to vector<8x512xf32>
    %sub3A_2565 = arith.subf %sub3A_2564, %select_n3A_2558 : vector<8x512xf32>
    %abs3A_2566 = math.absf %sub3A_2565 : vector<8x512xf32>
    %select_n3A_2567 = arith.select %gt3A_2535, %abs3A_2566, %select_n3A_2558 : vector<8x512xi1>, vector<8x512xf32>
    %mul3A_2568 = arith.mulf %get3A_2529, %select_n3A_2563 : vector<8x512xf32>
    %sub3A_2569 = arith.subf %add3A_2551, %mul3A_2568 : vector<8x512xf32>
    %sqrt3A_2570 = math.sqrt %select_n3A_2567 : vector<8x512xf32>
    %mul3A_2571 = arith.mulf %select_n3A_2567, %sqrt3A_2570 : vector<8x512xf32>
    %mul3A_2572 = arith.mulf %sub3A_2569, %mul3A_2571 : vector<8x512xf32>
    %add3A_2573 = arith.addf %add3A_2526, %mul3A_2572 : vector<8x512xf32>
    %get3A_2574 = arith.constant 0 : index
    %get3A_2575 = arith.constant 28160 : index
    %get3A_2576 = vector.load %arg2[%get3A_2574, %get3A_2575] : memref<8x57344xf32, #tpu.memory_space<vmem>>, vector<8x512xf32>
    %get3A_2577 = arith.constant 0 : index
    %get3A_2578 = arith.constant 28160 : index
    %get3A_2579 = vector.load %arg3[%get3A_2577, %get3A_2578] : memref<8x57344xi32, #tpu.memory_space<vmem>>, vector<8x512xi32>
    %gt3A_2580 = arith.constant 0 : i32
    %gt3A_2581 = vector.broadcast %gt3A_2580 : i32 to vector<8x512xi32>
    %gt3A_2582 = arith.cmpi sgt, %get3A_2579, %gt3A_2581 : vector<8x512xi32>
    %abs3A_2583 = math.absf %get3A_2576 : vector<8x512xf32>
    %neg3A_2584 = arith.constant 0.000000e+00 : f32
    %neg3A_2585 = vector.broadcast %neg3A_2584 : f32 to vector<8x512xf32>
    %neg3A_2586 = arith.subf %neg3A_2585, %abs3A_2583 : vector<8x512xf32>
    %exp3A_2587 = math.exp %neg3A_2586 : vector<8x512xf32>
    %add3A_2588 = arith.constant 1.000000e+00 : f32
    %add3A_2589 = vector.broadcast %add3A_2588 : f32 to vector<8x512xf32>
    %add3A_2590 = arith.addf %add3A_2589, %exp3A_2587 : vector<8x512xf32>
    %div3A_2591 = arith.constant 1.000000e+00 : f32
    %div3A_2592 = vector.broadcast %div3A_2591 : f32 to vector<8x512xf32>
    %div3A_2593 = arith.divf %div3A_2592, %add3A_2590 : vector<8x512xf32>
    %max3A_2594 = arith.constant 0.000000e+00 : f32
    %max3A_2595 = vector.broadcast %max3A_2594 : f32 to vector<8x512xf32>
    %max3A_2596 = arith.maximumf %get3A_2576, %max3A_2595 : vector<8x512xf32>
    %log1p3A_2597 = math.log1p %exp3A_2587 : vector<8x512xf32>
    %add3A_2598 = arith.addf %max3A_2596, %log1p3A_2597 : vector<8x512xf32>
    %ge3A_2599 = arith.constant 0.000000e+00 : f32
    %ge3A_2600 = vector.broadcast %ge3A_2599 : f32 to vector<8x512xf32>
    %ge3A_2601 = arith.cmpf oge, %get3A_2576, %ge3A_2600 : vector<8x512xf32>
    %sub3A_2602 = arith.constant 1.000000e+00 : f32
    %sub3A_2603 = vector.broadcast %sub3A_2602 : f32 to vector<8x512xf32>
    %sub3A_2604 = arith.subf %sub3A_2603, %div3A_2593 : vector<8x512xf32>
    %select_n3A_2605 = arith.select %ge3A_2601, %div3A_2593, %sub3A_2604 : vector<8x512xi1>, vector<8x512xf32>
    %jit3A_2606 = arith.constant 0.000000e+00 : f32
    %broadcast_in_dim3A_2607 = vector.shape_cast %get3A_1 : vector<8x1xf32> to vector<8x1xf32>
    %broadcast_in_dim3A_2608 = vector.broadcast %broadcast_in_dim3A_2607 : vector<8x1xf32> to vector<8x512xf32>
    %broadcast_in_dim3A_2609 = vector.broadcast %jit3A_2606 : f32 to vector<8x512xf32>
    %select_n3A_2610 = arith.select %gt3A_2582, %broadcast_in_dim3A_2608, %broadcast_in_dim3A_2609 : vector<8x512xi1>, vector<8x512xf32>
    %sub3A_2611 = vector.broadcast %get3A_1 : vector<8x1xf32> to vector<8x512xf32>
    %sub3A_2612 = arith.subf %sub3A_2611, %select_n3A_2605 : vector<8x512xf32>
    %abs3A_2613 = math.absf %sub3A_2612 : vector<8x512xf32>
    %select_n3A_2614 = arith.select %gt3A_2582, %abs3A_2613, %select_n3A_2605 : vector<8x512xi1>, vector<8x512xf32>
    %mul3A_2615 = arith.mulf %get3A_2576, %select_n3A_2610 : vector<8x512xf32>
    %sub3A_2616 = arith.subf %add3A_2598, %mul3A_2615 : vector<8x512xf32>
    %sqrt3A_2617 = math.sqrt %select_n3A_2614 : vector<8x512xf32>
    %mul3A_2618 = arith.mulf %select_n3A_2614, %sqrt3A_2617 : vector<8x512xf32>
    %mul3A_2619 = arith.mulf %sub3A_2616, %mul3A_2618 : vector<8x512xf32>
    %add3A_2620 = arith.addf %add3A_2573, %mul3A_2619 : vector<8x512xf32>
    %get3A_2621 = arith.constant 0 : index
    %get3A_2622 = arith.constant 28672 : index
    %get3A_2623 = vector.load %arg2[%get3A_2621, %get3A_2622] : memref<8x57344xf32, #tpu.memory_space<vmem>>, vector<8x512xf32>
    %get3A_2624 = arith.constant 0 : index
    %get3A_2625 = arith.constant 28672 : index
    %get3A_2626 = vector.load %arg3[%get3A_2624, %get3A_2625] : memref<8x57344xi32, #tpu.memory_space<vmem>>, vector<8x512xi32>
    %gt3A_2627 = arith.constant 0 : i32
    %gt3A_2628 = vector.broadcast %gt3A_2627 : i32 to vector<8x512xi32>
    %gt3A_2629 = arith.cmpi sgt, %get3A_2626, %gt3A_2628 : vector<8x512xi32>
    %abs3A_2630 = math.absf %get3A_2623 : vector<8x512xf32>
    %neg3A_2631 = arith.constant 0.000000e+00 : f32
    %neg3A_2632 = vector.broadcast %neg3A_2631 : f32 to vector<8x512xf32>
    %neg3A_2633 = arith.subf %neg3A_2632, %abs3A_2630 : vector<8x512xf32>
    %exp3A_2634 = math.exp %neg3A_2633 : vector<8x512xf32>
    %add3A_2635 = arith.constant 1.000000e+00 : f32
    %add3A_2636 = vector.broadcast %add3A_2635 : f32 to vector<8x512xf32>
    %add3A_2637 = arith.addf %add3A_2636, %exp3A_2634 : vector<8x512xf32>
    %div3A_2638 = arith.constant 1.000000e+00 : f32
    %div3A_2639 = vector.broadcast %div3A_2638 : f32 to vector<8x512xf32>
    %div3A_2640 = arith.divf %div3A_2639, %add3A_2637 : vector<8x512xf32>
    %max3A_2641 = arith.constant 0.000000e+00 : f32
    %max3A_2642 = vector.broadcast %max3A_2641 : f32 to vector<8x512xf32>
    %max3A_2643 = arith.maximumf %get3A_2623, %max3A_2642 : vector<8x512xf32>
    %log1p3A_2644 = math.log1p %exp3A_2634 : vector<8x512xf32>
    %add3A_2645 = arith.addf %max3A_2643, %log1p3A_2644 : vector<8x512xf32>
    %ge3A_2646 = arith.constant 0.000000e+00 : f32
    %ge3A_2647 = vector.broadcast %ge3A_2646 : f32 to vector<8x512xf32>
    %ge3A_2648 = arith.cmpf oge, %get3A_2623, %ge3A_2647 : vector<8x512xf32>
    %sub3A_2649 = arith.constant 1.000000e+00 : f32
    %sub3A_2650 = vector.broadcast %sub3A_2649 : f32 to vector<8x512xf32>
    %sub3A_2651 = arith.subf %sub3A_2650, %div3A_2640 : vector<8x512xf32>
    %select_n3A_2652 = arith.select %ge3A_2648, %div3A_2640, %sub3A_2651 : vector<8x512xi1>, vector<8x512xf32>
    %jit3A_2653 = arith.constant 0.000000e+00 : f32
    %broadcast_in_dim3A_2654 = vector.shape_cast %get3A_1 : vector<8x1xf32> to vector<8x1xf32>
    %broadcast_in_dim3A_2655 = vector.broadcast %broadcast_in_dim3A_2654 : vector<8x1xf32> to vector<8x512xf32>
    %broadcast_in_dim3A_2656 = vector.broadcast %jit3A_2653 : f32 to vector<8x512xf32>
    %select_n3A_2657 = arith.select %gt3A_2629, %broadcast_in_dim3A_2655, %broadcast_in_dim3A_2656 : vector<8x512xi1>, vector<8x512xf32>
    %sub3A_2658 = vector.broadcast %get3A_1 : vector<8x1xf32> to vector<8x512xf32>
    %sub3A_2659 = arith.subf %sub3A_2658, %select_n3A_2652 : vector<8x512xf32>
    %abs3A_2660 = math.absf %sub3A_2659 : vector<8x512xf32>
    %select_n3A_2661 = arith.select %gt3A_2629, %abs3A_2660, %select_n3A_2652 : vector<8x512xi1>, vector<8x512xf32>
    %mul3A_2662 = arith.mulf %get3A_2623, %select_n3A_2657 : vector<8x512xf32>
    %sub3A_2663 = arith.subf %add3A_2645, %mul3A_2662 : vector<8x512xf32>
    %sqrt3A_2664 = math.sqrt %select_n3A_2661 : vector<8x512xf32>
    %mul3A_2665 = arith.mulf %select_n3A_2661, %sqrt3A_2664 : vector<8x512xf32>
    %mul3A_2666 = arith.mulf %sub3A_2663, %mul3A_2665 : vector<8x512xf32>
    %add3A_2667 = arith.addf %add3A_2620, %mul3A_2666 : vector<8x512xf32>
    %get3A_2668 = arith.constant 0 : index
    %get3A_2669 = arith.constant 29184 : index
    %get3A_2670 = vector.load %arg2[%get3A_2668, %get3A_2669] : memref<8x57344xf32, #tpu.memory_space<vmem>>, vector<8x512xf32>
    %get3A_2671 = arith.constant 0 : index
    %get3A_2672 = arith.constant 29184 : index
    %get3A_2673 = vector.load %arg3[%get3A_2671, %get3A_2672] : memref<8x57344xi32, #tpu.memory_space<vmem>>, vector<8x512xi32>
    %gt3A_2674 = arith.constant 0 : i32
    %gt3A_2675 = vector.broadcast %gt3A_2674 : i32 to vector<8x512xi32>
    %gt3A_2676 = arith.cmpi sgt, %get3A_2673, %gt3A_2675 : vector<8x512xi32>
    %abs3A_2677 = math.absf %get3A_2670 : vector<8x512xf32>
    %neg3A_2678 = arith.constant 0.000000e+00 : f32
    %neg3A_2679 = vector.broadcast %neg3A_2678 : f32 to vector<8x512xf32>
    %neg3A_2680 = arith.subf %neg3A_2679, %abs3A_2677 : vector<8x512xf32>
    %exp3A_2681 = math.exp %neg3A_2680 : vector<8x512xf32>
    %add3A_2682 = arith.constant 1.000000e+00 : f32
    %add3A_2683 = vector.broadcast %add3A_2682 : f32 to vector<8x512xf32>
    %add3A_2684 = arith.addf %add3A_2683, %exp3A_2681 : vector<8x512xf32>
    %div3A_2685 = arith.constant 1.000000e+00 : f32
    %div3A_2686 = vector.broadcast %div3A_2685 : f32 to vector<8x512xf32>
    %div3A_2687 = arith.divf %div3A_2686, %add3A_2684 : vector<8x512xf32>
    %max3A_2688 = arith.constant 0.000000e+00 : f32
    %max3A_2689 = vector.broadcast %max3A_2688 : f32 to vector<8x512xf32>
    %max3A_2690 = arith.maximumf %get3A_2670, %max3A_2689 : vector<8x512xf32>
    %log1p3A_2691 = math.log1p %exp3A_2681 : vector<8x512xf32>
    %add3A_2692 = arith.addf %max3A_2690, %log1p3A_2691 : vector<8x512xf32>
    %ge3A_2693 = arith.constant 0.000000e+00 : f32
    %ge3A_2694 = vector.broadcast %ge3A_2693 : f32 to vector<8x512xf32>
    %ge3A_2695 = arith.cmpf oge, %get3A_2670, %ge3A_2694 : vector<8x512xf32>
    %sub3A_2696 = arith.constant 1.000000e+00 : f32
    %sub3A_2697 = vector.broadcast %sub3A_2696 : f32 to vector<8x512xf32>
    %sub3A_2698 = arith.subf %sub3A_2697, %div3A_2687 : vector<8x512xf32>
    %select_n3A_2699 = arith.select %ge3A_2695, %div3A_2687, %sub3A_2698 : vector<8x512xi1>, vector<8x512xf32>
    %jit3A_2700 = arith.constant 0.000000e+00 : f32
    %broadcast_in_dim3A_2701 = vector.shape_cast %get3A_1 : vector<8x1xf32> to vector<8x1xf32>
    %broadcast_in_dim3A_2702 = vector.broadcast %broadcast_in_dim3A_2701 : vector<8x1xf32> to vector<8x512xf32>
    %broadcast_in_dim3A_2703 = vector.broadcast %jit3A_2700 : f32 to vector<8x512xf32>
    %select_n3A_2704 = arith.select %gt3A_2676, %broadcast_in_dim3A_2702, %broadcast_in_dim3A_2703 : vector<8x512xi1>, vector<8x512xf32>
    %sub3A_2705 = vector.broadcast %get3A_1 : vector<8x1xf32> to vector<8x512xf32>
    %sub3A_2706 = arith.subf %sub3A_2705, %select_n3A_2699 : vector<8x512xf32>
    %abs3A_2707 = math.absf %sub3A_2706 : vector<8x512xf32>
    %select_n3A_2708 = arith.select %gt3A_2676, %abs3A_2707, %select_n3A_2699 : vector<8x512xi1>, vector<8x512xf32>
    %mul3A_2709 = arith.mulf %get3A_2670, %select_n3A_2704 : vector<8x512xf32>
    %sub3A_2710 = arith.subf %add3A_2692, %mul3A_2709 : vector<8x512xf32>
    %sqrt3A_2711 = math.sqrt %select_n3A_2708 : vector<8x512xf32>
    %mul3A_2712 = arith.mulf %select_n3A_2708, %sqrt3A_2711 : vector<8x512xf32>
    %mul3A_2713 = arith.mulf %sub3A_2710, %mul3A_2712 : vector<8x512xf32>
    %add3A_2714 = arith.addf %add3A_2667, %mul3A_2713 : vector<8x512xf32>
    %get3A_2715 = arith.constant 0 : index
    %get3A_2716 = arith.constant 29696 : index
    %get3A_2717 = vector.load %arg2[%get3A_2715, %get3A_2716] : memref<8x57344xf32, #tpu.memory_space<vmem>>, vector<8x512xf32>
    %get3A_2718 = arith.constant 0 : index
    %get3A_2719 = arith.constant 29696 : index
    %get3A_2720 = vector.load %arg3[%get3A_2718, %get3A_2719] : memref<8x57344xi32, #tpu.memory_space<vmem>>, vector<8x512xi32>
    %gt3A_2721 = arith.constant 0 : i32
    %gt3A_2722 = vector.broadcast %gt3A_2721 : i32 to vector<8x512xi32>
    %gt3A_2723 = arith.cmpi sgt, %get3A_2720, %gt3A_2722 : vector<8x512xi32>
    %abs3A_2724 = math.absf %get3A_2717 : vector<8x512xf32>
    %neg3A_2725 = arith.constant 0.000000e+00 : f32
    %neg3A_2726 = vector.broadcast %neg3A_2725 : f32 to vector<8x512xf32>
    %neg3A_2727 = arith.subf %neg3A_2726, %abs3A_2724 : vector<8x512xf32>
    %exp3A_2728 = math.exp %neg3A_2727 : vector<8x512xf32>
    %add3A_2729 = arith.constant 1.000000e+00 : f32
    %add3A_2730 = vector.broadcast %add3A_2729 : f32 to vector<8x512xf32>
    %add3A_2731 = arith.addf %add3A_2730, %exp3A_2728 : vector<8x512xf32>
    %div3A_2732 = arith.constant 1.000000e+00 : f32
    %div3A_2733 = vector.broadcast %div3A_2732 : f32 to vector<8x512xf32>
    %div3A_2734 = arith.divf %div3A_2733, %add3A_2731 : vector<8x512xf32>
    %max3A_2735 = arith.constant 0.000000e+00 : f32
    %max3A_2736 = vector.broadcast %max3A_2735 : f32 to vector<8x512xf32>
    %max3A_2737 = arith.maximumf %get3A_2717, %max3A_2736 : vector<8x512xf32>
    %log1p3A_2738 = math.log1p %exp3A_2728 : vector<8x512xf32>
    %add3A_2739 = arith.addf %max3A_2737, %log1p3A_2738 : vector<8x512xf32>
    %ge3A_2740 = arith.constant 0.000000e+00 : f32
    %ge3A_2741 = vector.broadcast %ge3A_2740 : f32 to vector<8x512xf32>
    %ge3A_2742 = arith.cmpf oge, %get3A_2717, %ge3A_2741 : vector<8x512xf32>
    %sub3A_2743 = arith.constant 1.000000e+00 : f32
    %sub3A_2744 = vector.broadcast %sub3A_2743 : f32 to vector<8x512xf32>
    %sub3A_2745 = arith.subf %sub3A_2744, %div3A_2734 : vector<8x512xf32>
    %select_n3A_2746 = arith.select %ge3A_2742, %div3A_2734, %sub3A_2745 : vector<8x512xi1>, vector<8x512xf32>
    %jit3A_2747 = arith.constant 0.000000e+00 : f32
    %broadcast_in_dim3A_2748 = vector.shape_cast %get3A_1 : vector<8x1xf32> to vector<8x1xf32>
    %broadcast_in_dim3A_2749 = vector.broadcast %broadcast_in_dim3A_2748 : vector<8x1xf32> to vector<8x512xf32>
    %broadcast_in_dim3A_2750 = vector.broadcast %jit3A_2747 : f32 to vector<8x512xf32>
    %select_n3A_2751 = arith.select %gt3A_2723, %broadcast_in_dim3A_2749, %broadcast_in_dim3A_2750 : vector<8x512xi1>, vector<8x512xf32>
    %sub3A_2752 = vector.broadcast %get3A_1 : vector<8x1xf32> to vector<8x512xf32>
    %sub3A_2753 = arith.subf %sub3A_2752, %select_n3A_2746 : vector<8x512xf32>
    %abs3A_2754 = math.absf %sub3A_2753 : vector<8x512xf32>
    %select_n3A_2755 = arith.select %gt3A_2723, %abs3A_2754, %select_n3A_2746 : vector<8x512xi1>, vector<8x512xf32>
    %mul3A_2756 = arith.mulf %get3A_2717, %select_n3A_2751 : vector<8x512xf32>
    %sub3A_2757 = arith.subf %add3A_2739, %mul3A_2756 : vector<8x512xf32>
    %sqrt3A_2758 = math.sqrt %select_n3A_2755 : vector<8x512xf32>
    %mul3A_2759 = arith.mulf %select_n3A_2755, %sqrt3A_2758 : vector<8x512xf32>
    %mul3A_2760 = arith.mulf %sub3A_2757, %mul3A_2759 : vector<8x512xf32>
    %add3A_2761 = arith.addf %add3A_2714, %mul3A_2760 : vector<8x512xf32>
    %get3A_2762 = arith.constant 0 : index
    %get3A_2763 = arith.constant 30208 : index
    %get3A_2764 = vector.load %arg2[%get3A_2762, %get3A_2763] : memref<8x57344xf32, #tpu.memory_space<vmem>>, vector<8x512xf32>
    %get3A_2765 = arith.constant 0 : index
    %get3A_2766 = arith.constant 30208 : index
    %get3A_2767 = vector.load %arg3[%get3A_2765, %get3A_2766] : memref<8x57344xi32, #tpu.memory_space<vmem>>, vector<8x512xi32>
    %gt3A_2768 = arith.constant 0 : i32
    %gt3A_2769 = vector.broadcast %gt3A_2768 : i32 to vector<8x512xi32>
    %gt3A_2770 = arith.cmpi sgt, %get3A_2767, %gt3A_2769 : vector<8x512xi32>
    %abs3A_2771 = math.absf %get3A_2764 : vector<8x512xf32>
    %neg3A_2772 = arith.constant 0.000000e+00 : f32
    %neg3A_2773 = vector.broadcast %neg3A_2772 : f32 to vector<8x512xf32>
    %neg3A_2774 = arith.subf %neg3A_2773, %abs3A_2771 : vector<8x512xf32>
    %exp3A_2775 = math.exp %neg3A_2774 : vector<8x512xf32>
    %add3A_2776 = arith.constant 1.000000e+00 : f32
    %add3A_2777 = vector.broadcast %add3A_2776 : f32 to vector<8x512xf32>
    %add3A_2778 = arith.addf %add3A_2777, %exp3A_2775 : vector<8x512xf32>
    %div3A_2779 = arith.constant 1.000000e+00 : f32
    %div3A_2780 = vector.broadcast %div3A_2779 : f32 to vector<8x512xf32>
    %div3A_2781 = arith.divf %div3A_2780, %add3A_2778 : vector<8x512xf32>
    %max3A_2782 = arith.constant 0.000000e+00 : f32
    %max3A_2783 = vector.broadcast %max3A_2782 : f32 to vector<8x512xf32>
    %max3A_2784 = arith.maximumf %get3A_2764, %max3A_2783 : vector<8x512xf32>
    %log1p3A_2785 = math.log1p %exp3A_2775 : vector<8x512xf32>
    %add3A_2786 = arith.addf %max3A_2784, %log1p3A_2785 : vector<8x512xf32>
    %ge3A_2787 = arith.constant 0.000000e+00 : f32
    %ge3A_2788 = vector.broadcast %ge3A_2787 : f32 to vector<8x512xf32>
    %ge3A_2789 = arith.cmpf oge, %get3A_2764, %ge3A_2788 : vector<8x512xf32>
    %sub3A_2790 = arith.constant 1.000000e+00 : f32
    %sub3A_2791 = vector.broadcast %sub3A_2790 : f32 to vector<8x512xf32>
    %sub3A_2792 = arith.subf %sub3A_2791, %div3A_2781 : vector<8x512xf32>
    %select_n3A_2793 = arith.select %ge3A_2789, %div3A_2781, %sub3A_2792 : vector<8x512xi1>, vector<8x512xf32>
    %jit3A_2794 = arith.constant 0.000000e+00 : f32
    %broadcast_in_dim3A_2795 = vector.shape_cast %get3A_1 : vector<8x1xf32> to vector<8x1xf32>
    %broadcast_in_dim3A_2796 = vector.broadcast %broadcast_in_dim3A_2795 : vector<8x1xf32> to vector<8x512xf32>
    %broadcast_in_dim3A_2797 = vector.broadcast %jit3A_2794 : f32 to vector<8x512xf32>
    %select_n3A_2798 = arith.select %gt3A_2770, %broadcast_in_dim3A_2796, %broadcast_in_dim3A_2797 : vector<8x512xi1>, vector<8x512xf32>
    %sub3A_2799 = vector.broadcast %get3A_1 : vector<8x1xf32> to vector<8x512xf32>
    %sub3A_2800 = arith.subf %sub3A_2799, %select_n3A_2793 : vector<8x512xf32>
    %abs3A_2801 = math.absf %sub3A_2800 : vector<8x512xf32>
    %select_n3A_2802 = arith.select %gt3A_2770, %abs3A_2801, %select_n3A_2793 : vector<8x512xi1>, vector<8x512xf32>
    %mul3A_2803 = arith.mulf %get3A_2764, %select_n3A_2798 : vector<8x512xf32>
    %sub3A_2804 = arith.subf %add3A_2786, %mul3A_2803 : vector<8x512xf32>
    %sqrt3A_2805 = math.sqrt %select_n3A_2802 : vector<8x512xf32>
    %mul3A_2806 = arith.mulf %select_n3A_2802, %sqrt3A_2805 : vector<8x512xf32>
    %mul3A_2807 = arith.mulf %sub3A_2804, %mul3A_2806 : vector<8x512xf32>
    %add3A_2808 = arith.addf %add3A_2761, %mul3A_2807 : vector<8x512xf32>
    %get3A_2809 = arith.constant 0 : index
    %get3A_2810 = arith.constant 30720 : index
    %get3A_2811 = vector.load %arg2[%get3A_2809, %get3A_2810] : memref<8x57344xf32, #tpu.memory_space<vmem>>, vector<8x512xf32>
    %get3A_2812 = arith.constant 0 : index
    %get3A_2813 = arith.constant 30720 : index
    %get3A_2814 = vector.load %arg3[%get3A_2812, %get3A_2813] : memref<8x57344xi32, #tpu.memory_space<vmem>>, vector<8x512xi32>
    %gt3A_2815 = arith.constant 0 : i32
    %gt3A_2816 = vector.broadcast %gt3A_2815 : i32 to vector<8x512xi32>
    %gt3A_2817 = arith.cmpi sgt, %get3A_2814, %gt3A_2816 : vector<8x512xi32>
    %abs3A_2818 = math.absf %get3A_2811 : vector<8x512xf32>
    %neg3A_2819 = arith.constant 0.000000e+00 : f32
    %neg3A_2820 = vector.broadcast %neg3A_2819 : f32 to vector<8x512xf32>
    %neg3A_2821 = arith.subf %neg3A_2820, %abs3A_2818 : vector<8x512xf32>
    %exp3A_2822 = math.exp %neg3A_2821 : vector<8x512xf32>
    %add3A_2823 = arith.constant 1.000000e+00 : f32
    %add3A_2824 = vector.broadcast %add3A_2823 : f32 to vector<8x512xf32>
    %add3A_2825 = arith.addf %add3A_2824, %exp3A_2822 : vector<8x512xf32>
    %div3A_2826 = arith.constant 1.000000e+00 : f32
    %div3A_2827 = vector.broadcast %div3A_2826 : f32 to vector<8x512xf32>
    %div3A_2828 = arith.divf %div3A_2827, %add3A_2825 : vector<8x512xf32>
    %max3A_2829 = arith.constant 0.000000e+00 : f32
    %max3A_2830 = vector.broadcast %max3A_2829 : f32 to vector<8x512xf32>
    %max3A_2831 = arith.maximumf %get3A_2811, %max3A_2830 : vector<8x512xf32>
    %log1p3A_2832 = math.log1p %exp3A_2822 : vector<8x512xf32>
    %add3A_2833 = arith.addf %max3A_2831, %log1p3A_2832 : vector<8x512xf32>
    %ge3A_2834 = arith.constant 0.000000e+00 : f32
    %ge3A_2835 = vector.broadcast %ge3A_2834 : f32 to vector<8x512xf32>
    %ge3A_2836 = arith.cmpf oge, %get3A_2811, %ge3A_2835 : vector<8x512xf32>
    %sub3A_2837 = arith.constant 1.000000e+00 : f32
    %sub3A_2838 = vector.broadcast %sub3A_2837 : f32 to vector<8x512xf32>
    %sub3A_2839 = arith.subf %sub3A_2838, %div3A_2828 : vector<8x512xf32>
    %select_n3A_2840 = arith.select %ge3A_2836, %div3A_2828, %sub3A_2839 : vector<8x512xi1>, vector<8x512xf32>
    %jit3A_2841 = arith.constant 0.000000e+00 : f32
    %broadcast_in_dim3A_2842 = vector.shape_cast %get3A_1 : vector<8x1xf32> to vector<8x1xf32>
    %broadcast_in_dim3A_2843 = vector.broadcast %broadcast_in_dim3A_2842 : vector<8x1xf32> to vector<8x512xf32>
    %broadcast_in_dim3A_2844 = vector.broadcast %jit3A_2841 : f32 to vector<8x512xf32>
    %select_n3A_2845 = arith.select %gt3A_2817, %broadcast_in_dim3A_2843, %broadcast_in_dim3A_2844 : vector<8x512xi1>, vector<8x512xf32>
    %sub3A_2846 = vector.broadcast %get3A_1 : vector<8x1xf32> to vector<8x512xf32>
    %sub3A_2847 = arith.subf %sub3A_2846, %select_n3A_2840 : vector<8x512xf32>
    %abs3A_2848 = math.absf %sub3A_2847 : vector<8x512xf32>
    %select_n3A_2849 = arith.select %gt3A_2817, %abs3A_2848, %select_n3A_2840 : vector<8x512xi1>, vector<8x512xf32>
    %mul3A_2850 = arith.mulf %get3A_2811, %select_n3A_2845 : vector<8x512xf32>
    %sub3A_2851 = arith.subf %add3A_2833, %mul3A_2850 : vector<8x512xf32>
    %sqrt3A_2852 = math.sqrt %select_n3A_2849 : vector<8x512xf32>
    %mul3A_2853 = arith.mulf %select_n3A_2849, %sqrt3A_2852 : vector<8x512xf32>
    %mul3A_2854 = arith.mulf %sub3A_2851, %mul3A_2853 : vector<8x512xf32>
    %add3A_2855 = arith.addf %add3A_2808, %mul3A_2854 : vector<8x512xf32>
    %get3A_2856 = arith.constant 0 : index
    %get3A_2857 = arith.constant 31232 : index
    %get3A_2858 = vector.load %arg2[%get3A_2856, %get3A_2857] : memref<8x57344xf32, #tpu.memory_space<vmem>>, vector<8x512xf32>
    %get3A_2859 = arith.constant 0 : index
    %get3A_2860 = arith.constant 31232 : index
    %get3A_2861 = vector.load %arg3[%get3A_2859, %get3A_2860] : memref<8x57344xi32, #tpu.memory_space<vmem>>, vector<8x512xi32>
    %gt3A_2862 = arith.constant 0 : i32
    %gt3A_2863 = vector.broadcast %gt3A_2862 : i32 to vector<8x512xi32>
    %gt3A_2864 = arith.cmpi sgt, %get3A_2861, %gt3A_2863 : vector<8x512xi32>
    %abs3A_2865 = math.absf %get3A_2858 : vector<8x512xf32>
    %neg3A_2866 = arith.constant 0.000000e+00 : f32
    %neg3A_2867 = vector.broadcast %neg3A_2866 : f32 to vector<8x512xf32>
    %neg3A_2868 = arith.subf %neg3A_2867, %abs3A_2865 : vector<8x512xf32>
    %exp3A_2869 = math.exp %neg3A_2868 : vector<8x512xf32>
    %add3A_2870 = arith.constant 1.000000e+00 : f32
    %add3A_2871 = vector.broadcast %add3A_2870 : f32 to vector<8x512xf32>
    %add3A_2872 = arith.addf %add3A_2871, %exp3A_2869 : vector<8x512xf32>
    %div3A_2873 = arith.constant 1.000000e+00 : f32
    %div3A_2874 = vector.broadcast %div3A_2873 : f32 to vector<8x512xf32>
    %div3A_2875 = arith.divf %div3A_2874, %add3A_2872 : vector<8x512xf32>
    %max3A_2876 = arith.constant 0.000000e+00 : f32
    %max3A_2877 = vector.broadcast %max3A_2876 : f32 to vector<8x512xf32>
    %max3A_2878 = arith.maximumf %get3A_2858, %max3A_2877 : vector<8x512xf32>
    %log1p3A_2879 = math.log1p %exp3A_2869 : vector<8x512xf32>
    %add3A_2880 = arith.addf %max3A_2878, %log1p3A_2879 : vector<8x512xf32>
    %ge3A_2881 = arith.constant 0.000000e+00 : f32
    %ge3A_2882 = vector.broadcast %ge3A_2881 : f32 to vector<8x512xf32>
    %ge3A_2883 = arith.cmpf oge, %get3A_2858, %ge3A_2882 : vector<8x512xf32>
    %sub3A_2884 = arith.constant 1.000000e+00 : f32
    %sub3A_2885 = vector.broadcast %sub3A_2884 : f32 to vector<8x512xf32>
    %sub3A_2886 = arith.subf %sub3A_2885, %div3A_2875 : vector<8x512xf32>
    %select_n3A_2887 = arith.select %ge3A_2883, %div3A_2875, %sub3A_2886 : vector<8x512xi1>, vector<8x512xf32>
    %jit3A_2888 = arith.constant 0.000000e+00 : f32
    %broadcast_in_dim3A_2889 = vector.shape_cast %get3A_1 : vector<8x1xf32> to vector<8x1xf32>
    %broadcast_in_dim3A_2890 = vector.broadcast %broadcast_in_dim3A_2889 : vector<8x1xf32> to vector<8x512xf32>
    %broadcast_in_dim3A_2891 = vector.broadcast %jit3A_2888 : f32 to vector<8x512xf32>
    %select_n3A_2892 = arith.select %gt3A_2864, %broadcast_in_dim3A_2890, %broadcast_in_dim3A_2891 : vector<8x512xi1>, vector<8x512xf32>
    %sub3A_2893 = vector.broadcast %get3A_1 : vector<8x1xf32> to vector<8x512xf32>
    %sub3A_2894 = arith.subf %sub3A_2893, %select_n3A_2887 : vector<8x512xf32>
    %abs3A_2895 = math.absf %sub3A_2894 : vector<8x512xf32>
    %select_n3A_2896 = arith.select %gt3A_2864, %abs3A_2895, %select_n3A_2887 : vector<8x512xi1>, vector<8x512xf32>
    %mul3A_2897 = arith.mulf %get3A_2858, %select_n3A_2892 : vector<8x512xf32>
    %sub3A_2898 = arith.subf %add3A_2880, %mul3A_2897 : vector<8x512xf32>
    %sqrt3A_2899 = math.sqrt %select_n3A_2896 : vector<8x512xf32>
    %mul3A_2900 = arith.mulf %select_n3A_2896, %sqrt3A_2899 : vector<8x512xf32>
    %mul3A_2901 = arith.mulf %sub3A_2898, %mul3A_2900 : vector<8x512xf32>
    %add3A_2902 = arith.addf %add3A_2855, %mul3A_2901 : vector<8x512xf32>
    %get3A_2903 = arith.constant 0 : index
    %get3A_2904 = arith.constant 31744 : index
    %get3A_2905 = vector.load %arg2[%get3A_2903, %get3A_2904] : memref<8x57344xf32, #tpu.memory_space<vmem>>, vector<8x512xf32>
    %get3A_2906 = arith.constant 0 : index
    %get3A_2907 = arith.constant 31744 : index
    %get3A_2908 = vector.load %arg3[%get3A_2906, %get3A_2907] : memref<8x57344xi32, #tpu.memory_space<vmem>>, vector<8x512xi32>
    %gt3A_2909 = arith.constant 0 : i32
    %gt3A_2910 = vector.broadcast %gt3A_2909 : i32 to vector<8x512xi32>
    %gt3A_2911 = arith.cmpi sgt, %get3A_2908, %gt3A_2910 : vector<8x512xi32>
    %abs3A_2912 = math.absf %get3A_2905 : vector<8x512xf32>
    %neg3A_2913 = arith.constant 0.000000e+00 : f32
    %neg3A_2914 = vector.broadcast %neg3A_2913 : f32 to vector<8x512xf32>
    %neg3A_2915 = arith.subf %neg3A_2914, %abs3A_2912 : vector<8x512xf32>
    %exp3A_2916 = math.exp %neg3A_2915 : vector<8x512xf32>
    %add3A_2917 = arith.constant 1.000000e+00 : f32
    %add3A_2918 = vector.broadcast %add3A_2917 : f32 to vector<8x512xf32>
    %add3A_2919 = arith.addf %add3A_2918, %exp3A_2916 : vector<8x512xf32>
    %div3A_2920 = arith.constant 1.000000e+00 : f32
    %div3A_2921 = vector.broadcast %div3A_2920 : f32 to vector<8x512xf32>
    %div3A_2922 = arith.divf %div3A_2921, %add3A_2919 : vector<8x512xf32>
    %max3A_2923 = arith.constant 0.000000e+00 : f32
    %max3A_2924 = vector.broadcast %max3A_2923 : f32 to vector<8x512xf32>
    %max3A_2925 = arith.maximumf %get3A_2905, %max3A_2924 : vector<8x512xf32>
    %log1p3A_2926 = math.log1p %exp3A_2916 : vector<8x512xf32>
    %add3A_2927 = arith.addf %max3A_2925, %log1p3A_2926 : vector<8x512xf32>
    %ge3A_2928 = arith.constant 0.000000e+00 : f32
    %ge3A_2929 = vector.broadcast %ge3A_2928 : f32 to vector<8x512xf32>
    %ge3A_2930 = arith.cmpf oge, %get3A_2905, %ge3A_2929 : vector<8x512xf32>
    %sub3A_2931 = arith.constant 1.000000e+00 : f32
    %sub3A_2932 = vector.broadcast %sub3A_2931 : f32 to vector<8x512xf32>
    %sub3A_2933 = arith.subf %sub3A_2932, %div3A_2922 : vector<8x512xf32>
    %select_n3A_2934 = arith.select %ge3A_2930, %div3A_2922, %sub3A_2933 : vector<8x512xi1>, vector<8x512xf32>
    %jit3A_2935 = arith.constant 0.000000e+00 : f32
    %broadcast_in_dim3A_2936 = vector.shape_cast %get3A_1 : vector<8x1xf32> to vector<8x1xf32>
    %broadcast_in_dim3A_2937 = vector.broadcast %broadcast_in_dim3A_2936 : vector<8x1xf32> to vector<8x512xf32>
    %broadcast_in_dim3A_2938 = vector.broadcast %jit3A_2935 : f32 to vector<8x512xf32>
    %select_n3A_2939 = arith.select %gt3A_2911, %broadcast_in_dim3A_2937, %broadcast_in_dim3A_2938 : vector<8x512xi1>, vector<8x512xf32>
    %sub3A_2940 = vector.broadcast %get3A_1 : vector<8x1xf32> to vector<8x512xf32>
    %sub3A_2941 = arith.subf %sub3A_2940, %select_n3A_2934 : vector<8x512xf32>
    %abs3A_2942 = math.absf %sub3A_2941 : vector<8x512xf32>
    %select_n3A_2943 = arith.select %gt3A_2911, %abs3A_2942, %select_n3A_2934 : vector<8x512xi1>, vector<8x512xf32>
    %mul3A_2944 = arith.mulf %get3A_2905, %select_n3A_2939 : vector<8x512xf32>
    %sub3A_2945 = arith.subf %add3A_2927, %mul3A_2944 : vector<8x512xf32>
    %sqrt3A_2946 = math.sqrt %select_n3A_2943 : vector<8x512xf32>
    %mul3A_2947 = arith.mulf %select_n3A_2943, %sqrt3A_2946 : vector<8x512xf32>
    %mul3A_2948 = arith.mulf %sub3A_2945, %mul3A_2947 : vector<8x512xf32>
    %add3A_2949 = arith.addf %add3A_2902, %mul3A_2948 : vector<8x512xf32>
    %get3A_2950 = arith.constant 0 : index
    %get3A_2951 = arith.constant 32256 : index
    %get3A_2952 = vector.load %arg2[%get3A_2950, %get3A_2951] : memref<8x57344xf32, #tpu.memory_space<vmem>>, vector<8x512xf32>
    %get3A_2953 = arith.constant 0 : index
    %get3A_2954 = arith.constant 32256 : index
    %get3A_2955 = vector.load %arg3[%get3A_2953, %get3A_2954] : memref<8x57344xi32, #tpu.memory_space<vmem>>, vector<8x512xi32>
    %gt3A_2956 = arith.constant 0 : i32
    %gt3A_2957 = vector.broadcast %gt3A_2956 : i32 to vector<8x512xi32>
    %gt3A_2958 = arith.cmpi sgt, %get3A_2955, %gt3A_2957 : vector<8x512xi32>
    %abs3A_2959 = math.absf %get3A_2952 : vector<8x512xf32>
    %neg3A_2960 = arith.constant 0.000000e+00 : f32
    %neg3A_2961 = vector.broadcast %neg3A_2960 : f32 to vector<8x512xf32>
    %neg3A_2962 = arith.subf %neg3A_2961, %abs3A_2959 : vector<8x512xf32>
    %exp3A_2963 = math.exp %neg3A_2962 : vector<8x512xf32>
    %add3A_2964 = arith.constant 1.000000e+00 : f32
    %add3A_2965 = vector.broadcast %add3A_2964 : f32 to vector<8x512xf32>
    %add3A_2966 = arith.addf %add3A_2965, %exp3A_2963 : vector<8x512xf32>
    %div3A_2967 = arith.constant 1.000000e+00 : f32
    %div3A_2968 = vector.broadcast %div3A_2967 : f32 to vector<8x512xf32>
    %div3A_2969 = arith.divf %div3A_2968, %add3A_2966 : vector<8x512xf32>
    %max3A_2970 = arith.constant 0.000000e+00 : f32
    %max3A_2971 = vector.broadcast %max3A_2970 : f32 to vector<8x512xf32>
    %max3A_2972 = arith.maximumf %get3A_2952, %max3A_2971 : vector<8x512xf32>
    %log1p3A_2973 = math.log1p %exp3A_2963 : vector<8x512xf32>
    %add3A_2974 = arith.addf %max3A_2972, %log1p3A_2973 : vector<8x512xf32>
    %ge3A_2975 = arith.constant 0.000000e+00 : f32
    %ge3A_2976 = vector.broadcast %ge3A_2975 : f32 to vector<8x512xf32>
    %ge3A_2977 = arith.cmpf oge, %get3A_2952, %ge3A_2976 : vector<8x512xf32>
    %sub3A_2978 = arith.constant 1.000000e+00 : f32
    %sub3A_2979 = vector.broadcast %sub3A_2978 : f32 to vector<8x512xf32>
    %sub3A_2980 = arith.subf %sub3A_2979, %div3A_2969 : vector<8x512xf32>
    %select_n3A_2981 = arith.select %ge3A_2977, %div3A_2969, %sub3A_2980 : vector<8x512xi1>, vector<8x512xf32>
    %jit3A_2982 = arith.constant 0.000000e+00 : f32
    %broadcast_in_dim3A_2983 = vector.shape_cast %get3A_1 : vector<8x1xf32> to vector<8x1xf32>
    %broadcast_in_dim3A_2984 = vector.broadcast %broadcast_in_dim3A_2983 : vector<8x1xf32> to vector<8x512xf32>
    %broadcast_in_dim3A_2985 = vector.broadcast %jit3A_2982 : f32 to vector<8x512xf32>
    %select_n3A_2986 = arith.select %gt3A_2958, %broadcast_in_dim3A_2984, %broadcast_in_dim3A_2985 : vector<8x512xi1>, vector<8x512xf32>
    %sub3A_2987 = vector.broadcast %get3A_1 : vector<8x1xf32> to vector<8x512xf32>
    %sub3A_2988 = arith.subf %sub3A_2987, %select_n3A_2981 : vector<8x512xf32>
    %abs3A_2989 = math.absf %sub3A_2988 : vector<8x512xf32>
    %select_n3A_2990 = arith.select %gt3A_2958, %abs3A_2989, %select_n3A_2981 : vector<8x512xi1>, vector<8x512xf32>
    %mul3A_2991 = arith.mulf %get3A_2952, %select_n3A_2986 : vector<8x512xf32>
    %sub3A_2992 = arith.subf %add3A_2974, %mul3A_2991 : vector<8x512xf32>
    %sqrt3A_2993 = math.sqrt %select_n3A_2990 : vector<8x512xf32>
    %mul3A_2994 = arith.mulf %select_n3A_2990, %sqrt3A_2993 : vector<8x512xf32>
    %mul3A_2995 = arith.mulf %sub3A_2992, %mul3A_2994 : vector<8x512xf32>
    %add3A_2996 = arith.addf %add3A_2949, %mul3A_2995 : vector<8x512xf32>
    %get3A_2997 = arith.constant 0 : index
    %get3A_2998 = arith.constant 32768 : index
    %get3A_2999 = vector.load %arg2[%get3A_2997, %get3A_2998] : memref<8x57344xf32, #tpu.memory_space<vmem>>, vector<8x512xf32>
    %get3A_3000 = arith.constant 0 : index
    %get3A_3001 = arith.constant 32768 : index
    %get3A_3002 = vector.load %arg3[%get3A_3000, %get3A_3001] : memref<8x57344xi32, #tpu.memory_space<vmem>>, vector<8x512xi32>
    %gt3A_3003 = arith.constant 0 : i32
    %gt3A_3004 = vector.broadcast %gt3A_3003 : i32 to vector<8x512xi32>
    %gt3A_3005 = arith.cmpi sgt, %get3A_3002, %gt3A_3004 : vector<8x512xi32>
    %abs3A_3006 = math.absf %get3A_2999 : vector<8x512xf32>
    %neg3A_3007 = arith.constant 0.000000e+00 : f32
    %neg3A_3008 = vector.broadcast %neg3A_3007 : f32 to vector<8x512xf32>
    %neg3A_3009 = arith.subf %neg3A_3008, %abs3A_3006 : vector<8x512xf32>
    %exp3A_3010 = math.exp %neg3A_3009 : vector<8x512xf32>
    %add3A_3011 = arith.constant 1.000000e+00 : f32
    %add3A_3012 = vector.broadcast %add3A_3011 : f32 to vector<8x512xf32>
    %add3A_3013 = arith.addf %add3A_3012, %exp3A_3010 : vector<8x512xf32>
    %div3A_3014 = arith.constant 1.000000e+00 : f32
    %div3A_3015 = vector.broadcast %div3A_3014 : f32 to vector<8x512xf32>
    %div3A_3016 = arith.divf %div3A_3015, %add3A_3013 : vector<8x512xf32>
    %max3A_3017 = arith.constant 0.000000e+00 : f32
    %max3A_3018 = vector.broadcast %max3A_3017 : f32 to vector<8x512xf32>
    %max3A_3019 = arith.maximumf %get3A_2999, %max3A_3018 : vector<8x512xf32>
    %log1p3A_3020 = math.log1p %exp3A_3010 : vector<8x512xf32>
    %add3A_3021 = arith.addf %max3A_3019, %log1p3A_3020 : vector<8x512xf32>
    %ge3A_3022 = arith.constant 0.000000e+00 : f32
    %ge3A_3023 = vector.broadcast %ge3A_3022 : f32 to vector<8x512xf32>
    %ge3A_3024 = arith.cmpf oge, %get3A_2999, %ge3A_3023 : vector<8x512xf32>
    %sub3A_3025 = arith.constant 1.000000e+00 : f32
    %sub3A_3026 = vector.broadcast %sub3A_3025 : f32 to vector<8x512xf32>
    %sub3A_3027 = arith.subf %sub3A_3026, %div3A_3016 : vector<8x512xf32>
    %select_n3A_3028 = arith.select %ge3A_3024, %div3A_3016, %sub3A_3027 : vector<8x512xi1>, vector<8x512xf32>
    %jit3A_3029 = arith.constant 0.000000e+00 : f32
    %broadcast_in_dim3A_3030 = vector.shape_cast %get3A_1 : vector<8x1xf32> to vector<8x1xf32>
    %broadcast_in_dim3A_3031 = vector.broadcast %broadcast_in_dim3A_3030 : vector<8x1xf32> to vector<8x512xf32>
    %broadcast_in_dim3A_3032 = vector.broadcast %jit3A_3029 : f32 to vector<8x512xf32>
    %select_n3A_3033 = arith.select %gt3A_3005, %broadcast_in_dim3A_3031, %broadcast_in_dim3A_3032 : vector<8x512xi1>, vector<8x512xf32>
    %sub3A_3034 = vector.broadcast %get3A_1 : vector<8x1xf32> to vector<8x512xf32>
    %sub3A_3035 = arith.subf %sub3A_3034, %select_n3A_3028 : vector<8x512xf32>
    %abs3A_3036 = math.absf %sub3A_3035 : vector<8x512xf32>
    %select_n3A_3037 = arith.select %gt3A_3005, %abs3A_3036, %select_n3A_3028 : vector<8x512xi1>, vector<8x512xf32>
    %mul3A_3038 = arith.mulf %get3A_2999, %select_n3A_3033 : vector<8x512xf32>
    %sub3A_3039 = arith.subf %add3A_3021, %mul3A_3038 : vector<8x512xf32>
    %sqrt3A_3040 = math.sqrt %select_n3A_3037 : vector<8x512xf32>
    %mul3A_3041 = arith.mulf %select_n3A_3037, %sqrt3A_3040 : vector<8x512xf32>
    %mul3A_3042 = arith.mulf %sub3A_3039, %mul3A_3041 : vector<8x512xf32>
    %add3A_3043 = arith.addf %add3A_2996, %mul3A_3042 : vector<8x512xf32>
    %get3A_3044 = arith.constant 0 : index
    %get3A_3045 = arith.constant 33280 : index
    %get3A_3046 = vector.load %arg2[%get3A_3044, %get3A_3045] : memref<8x57344xf32, #tpu.memory_space<vmem>>, vector<8x512xf32>
    %get3A_3047 = arith.constant 0 : index
    %get3A_3048 = arith.constant 33280 : index
    %get3A_3049 = vector.load %arg3[%get3A_3047, %get3A_3048] : memref<8x57344xi32, #tpu.memory_space<vmem>>, vector<8x512xi32>
    %gt3A_3050 = arith.constant 0 : i32
    %gt3A_3051 = vector.broadcast %gt3A_3050 : i32 to vector<8x512xi32>
    %gt3A_3052 = arith.cmpi sgt, %get3A_3049, %gt3A_3051 : vector<8x512xi32>
    %abs3A_3053 = math.absf %get3A_3046 : vector<8x512xf32>
    %neg3A_3054 = arith.constant 0.000000e+00 : f32
    %neg3A_3055 = vector.broadcast %neg3A_3054 : f32 to vector<8x512xf32>
    %neg3A_3056 = arith.subf %neg3A_3055, %abs3A_3053 : vector<8x512xf32>
    %exp3A_3057 = math.exp %neg3A_3056 : vector<8x512xf32>
    %add3A_3058 = arith.constant 1.000000e+00 : f32
    %add3A_3059 = vector.broadcast %add3A_3058 : f32 to vector<8x512xf32>
    %add3A_3060 = arith.addf %add3A_3059, %exp3A_3057 : vector<8x512xf32>
    %div3A_3061 = arith.constant 1.000000e+00 : f32
    %div3A_3062 = vector.broadcast %div3A_3061 : f32 to vector<8x512xf32>
    %div3A_3063 = arith.divf %div3A_3062, %add3A_3060 : vector<8x512xf32>
    %max3A_3064 = arith.constant 0.000000e+00 : f32
    %max3A_3065 = vector.broadcast %max3A_3064 : f32 to vector<8x512xf32>
    %max3A_3066 = arith.maximumf %get3A_3046, %max3A_3065 : vector<8x512xf32>
    %log1p3A_3067 = math.log1p %exp3A_3057 : vector<8x512xf32>
    %add3A_3068 = arith.addf %max3A_3066, %log1p3A_3067 : vector<8x512xf32>
    %ge3A_3069 = arith.constant 0.000000e+00 : f32
    %ge3A_3070 = vector.broadcast %ge3A_3069 : f32 to vector<8x512xf32>
    %ge3A_3071 = arith.cmpf oge, %get3A_3046, %ge3A_3070 : vector<8x512xf32>
    %sub3A_3072 = arith.constant 1.000000e+00 : f32
    %sub3A_3073 = vector.broadcast %sub3A_3072 : f32 to vector<8x512xf32>
    %sub3A_3074 = arith.subf %sub3A_3073, %div3A_3063 : vector<8x512xf32>
    %select_n3A_3075 = arith.select %ge3A_3071, %div3A_3063, %sub3A_3074 : vector<8x512xi1>, vector<8x512xf32>
    %jit3A_3076 = arith.constant 0.000000e+00 : f32
    %broadcast_in_dim3A_3077 = vector.shape_cast %get3A_1 : vector<8x1xf32> to vector<8x1xf32>
    %broadcast_in_dim3A_3078 = vector.broadcast %broadcast_in_dim3A_3077 : vector<8x1xf32> to vector<8x512xf32>
    %broadcast_in_dim3A_3079 = vector.broadcast %jit3A_3076 : f32 to vector<8x512xf32>
    %select_n3A_3080 = arith.select %gt3A_3052, %broadcast_in_dim3A_3078, %broadcast_in_dim3A_3079 : vector<8x512xi1>, vector<8x512xf32>
    %sub3A_3081 = vector.broadcast %get3A_1 : vector<8x1xf32> to vector<8x512xf32>
    %sub3A_3082 = arith.subf %sub3A_3081, %select_n3A_3075 : vector<8x512xf32>
    %abs3A_3083 = math.absf %sub3A_3082 : vector<8x512xf32>
    %select_n3A_3084 = arith.select %gt3A_3052, %abs3A_3083, %select_n3A_3075 : vector<8x512xi1>, vector<8x512xf32>
    %mul3A_3085 = arith.mulf %get3A_3046, %select_n3A_3080 : vector<8x512xf32>
    %sub3A_3086 = arith.subf %add3A_3068, %mul3A_3085 : vector<8x512xf32>
    %sqrt3A_3087 = math.sqrt %select_n3A_3084 : vector<8x512xf32>
    %mul3A_3088 = arith.mulf %select_n3A_3084, %sqrt3A_3087 : vector<8x512xf32>
    %mul3A_3089 = arith.mulf %sub3A_3086, %mul3A_3088 : vector<8x512xf32>
    %add3A_3090 = arith.addf %add3A_3043, %mul3A_3089 : vector<8x512xf32>
    %get3A_3091 = arith.constant 0 : index
    %get3A_3092 = arith.constant 33792 : index
    %get3A_3093 = vector.load %arg2[%get3A_3091, %get3A_3092] : memref<8x57344xf32, #tpu.memory_space<vmem>>, vector<8x512xf32>
    %get3A_3094 = arith.constant 0 : index
    %get3A_3095 = arith.constant 33792 : index
    %get3A_3096 = vector.load %arg3[%get3A_3094, %get3A_3095] : memref<8x57344xi32, #tpu.memory_space<vmem>>, vector<8x512xi32>
    %gt3A_3097 = arith.constant 0 : i32
    %gt3A_3098 = vector.broadcast %gt3A_3097 : i32 to vector<8x512xi32>
    %gt3A_3099 = arith.cmpi sgt, %get3A_3096, %gt3A_3098 : vector<8x512xi32>
    %abs3A_3100 = math.absf %get3A_3093 : vector<8x512xf32>
    %neg3A_3101 = arith.constant 0.000000e+00 : f32
    %neg3A_3102 = vector.broadcast %neg3A_3101 : f32 to vector<8x512xf32>
    %neg3A_3103 = arith.subf %neg3A_3102, %abs3A_3100 : vector<8x512xf32>
    %exp3A_3104 = math.exp %neg3A_3103 : vector<8x512xf32>
    %add3A_3105 = arith.constant 1.000000e+00 : f32
    %add3A_3106 = vector.broadcast %add3A_3105 : f32 to vector<8x512xf32>
    %add3A_3107 = arith.addf %add3A_3106, %exp3A_3104 : vector<8x512xf32>
    %div3A_3108 = arith.constant 1.000000e+00 : f32
    %div3A_3109 = vector.broadcast %div3A_3108 : f32 to vector<8x512xf32>
    %div3A_3110 = arith.divf %div3A_3109, %add3A_3107 : vector<8x512xf32>
    %max3A_3111 = arith.constant 0.000000e+00 : f32
    %max3A_3112 = vector.broadcast %max3A_3111 : f32 to vector<8x512xf32>
    %max3A_3113 = arith.maximumf %get3A_3093, %max3A_3112 : vector<8x512xf32>
    %log1p3A_3114 = math.log1p %exp3A_3104 : vector<8x512xf32>
    %add3A_3115 = arith.addf %max3A_3113, %log1p3A_3114 : vector<8x512xf32>
    %ge3A_3116 = arith.constant 0.000000e+00 : f32
    %ge3A_3117 = vector.broadcast %ge3A_3116 : f32 to vector<8x512xf32>
    %ge3A_3118 = arith.cmpf oge, %get3A_3093, %ge3A_3117 : vector<8x512xf32>
    %sub3A_3119 = arith.constant 1.000000e+00 : f32
    %sub3A_3120 = vector.broadcast %sub3A_3119 : f32 to vector<8x512xf32>
    %sub3A_3121 = arith.subf %sub3A_3120, %div3A_3110 : vector<8x512xf32>
    %select_n3A_3122 = arith.select %ge3A_3118, %div3A_3110, %sub3A_3121 : vector<8x512xi1>, vector<8x512xf32>
    %jit3A_3123 = arith.constant 0.000000e+00 : f32
    %broadcast_in_dim3A_3124 = vector.shape_cast %get3A_1 : vector<8x1xf32> to vector<8x1xf32>
    %broadcast_in_dim3A_3125 = vector.broadcast %broadcast_in_dim3A_3124 : vector<8x1xf32> to vector<8x512xf32>
    %broadcast_in_dim3A_3126 = vector.broadcast %jit3A_3123 : f32 to vector<8x512xf32>
    %select_n3A_3127 = arith.select %gt3A_3099, %broadcast_in_dim3A_3125, %broadcast_in_dim3A_3126 : vector<8x512xi1>, vector<8x512xf32>
    %sub3A_3128 = vector.broadcast %get3A_1 : vector<8x1xf32> to vector<8x512xf32>
    %sub3A_3129 = arith.subf %sub3A_3128, %select_n3A_3122 : vector<8x512xf32>
    %abs3A_3130 = math.absf %sub3A_3129 : vector<8x512xf32>
    %select_n3A_3131 = arith.select %gt3A_3099, %abs3A_3130, %select_n3A_3122 : vector<8x512xi1>, vector<8x512xf32>
    %mul3A_3132 = arith.mulf %get3A_3093, %select_n3A_3127 : vector<8x512xf32>
    %sub3A_3133 = arith.subf %add3A_3115, %mul3A_3132 : vector<8x512xf32>
    %sqrt3A_3134 = math.sqrt %select_n3A_3131 : vector<8x512xf32>
    %mul3A_3135 = arith.mulf %select_n3A_3131, %sqrt3A_3134 : vector<8x512xf32>
    %mul3A_3136 = arith.mulf %sub3A_3133, %mul3A_3135 : vector<8x512xf32>
    %add3A_3137 = arith.addf %add3A_3090, %mul3A_3136 : vector<8x512xf32>
    %get3A_3138 = arith.constant 0 : index
    %get3A_3139 = arith.constant 34304 : index
    %get3A_3140 = vector.load %arg2[%get3A_3138, %get3A_3139] : memref<8x57344xf32, #tpu.memory_space<vmem>>, vector<8x512xf32>
    %get3A_3141 = arith.constant 0 : index
    %get3A_3142 = arith.constant 34304 : index
    %get3A_3143 = vector.load %arg3[%get3A_3141, %get3A_3142] : memref<8x57344xi32, #tpu.memory_space<vmem>>, vector<8x512xi32>
    %gt3A_3144 = arith.constant 0 : i32
    %gt3A_3145 = vector.broadcast %gt3A_3144 : i32 to vector<8x512xi32>
    %gt3A_3146 = arith.cmpi sgt, %get3A_3143, %gt3A_3145 : vector<8x512xi32>
    %abs3A_3147 = math.absf %get3A_3140 : vector<8x512xf32>
    %neg3A_3148 = arith.constant 0.000000e+00 : f32
    %neg3A_3149 = vector.broadcast %neg3A_3148 : f32 to vector<8x512xf32>
    %neg3A_3150 = arith.subf %neg3A_3149, %abs3A_3147 : vector<8x512xf32>
    %exp3A_3151 = math.exp %neg3A_3150 : vector<8x512xf32>
    %add3A_3152 = arith.constant 1.000000e+00 : f32
    %add3A_3153 = vector.broadcast %add3A_3152 : f32 to vector<8x512xf32>
    %add3A_3154 = arith.addf %add3A_3153, %exp3A_3151 : vector<8x512xf32>
    %div3A_3155 = arith.constant 1.000000e+00 : f32
    %div3A_3156 = vector.broadcast %div3A_3155 : f32 to vector<8x512xf32>
    %div3A_3157 = arith.divf %div3A_3156, %add3A_3154 : vector<8x512xf32>
    %max3A_3158 = arith.constant 0.000000e+00 : f32
    %max3A_3159 = vector.broadcast %max3A_3158 : f32 to vector<8x512xf32>
    %max3A_3160 = arith.maximumf %get3A_3140, %max3A_3159 : vector<8x512xf32>
    %log1p3A_3161 = math.log1p %exp3A_3151 : vector<8x512xf32>
    %add3A_3162 = arith.addf %max3A_3160, %log1p3A_3161 : vector<8x512xf32>
    %ge3A_3163 = arith.constant 0.000000e+00 : f32
    %ge3A_3164 = vector.broadcast %ge3A_3163 : f32 to vector<8x512xf32>
    %ge3A_3165 = arith.cmpf oge, %get3A_3140, %ge3A_3164 : vector<8x512xf32>
    %sub3A_3166 = arith.constant 1.000000e+00 : f32
    %sub3A_3167 = vector.broadcast %sub3A_3166 : f32 to vector<8x512xf32>
    %sub3A_3168 = arith.subf %sub3A_3167, %div3A_3157 : vector<8x512xf32>
    %select_n3A_3169 = arith.select %ge3A_3165, %div3A_3157, %sub3A_3168 : vector<8x512xi1>, vector<8x512xf32>
    %jit3A_3170 = arith.constant 0.000000e+00 : f32
    %broadcast_in_dim3A_3171 = vector.shape_cast %get3A_1 : vector<8x1xf32> to vector<8x1xf32>
    %broadcast_in_dim3A_3172 = vector.broadcast %broadcast_in_dim3A_3171 : vector<8x1xf32> to vector<8x512xf32>
    %broadcast_in_dim3A_3173 = vector.broadcast %jit3A_3170 : f32 to vector<8x512xf32>
    %select_n3A_3174 = arith.select %gt3A_3146, %broadcast_in_dim3A_3172, %broadcast_in_dim3A_3173 : vector<8x512xi1>, vector<8x512xf32>
    %sub3A_3175 = vector.broadcast %get3A_1 : vector<8x1xf32> to vector<8x512xf32>
    %sub3A_3176 = arith.subf %sub3A_3175, %select_n3A_3169 : vector<8x512xf32>
    %abs3A_3177 = math.absf %sub3A_3176 : vector<8x512xf32>
    %select_n3A_3178 = arith.select %gt3A_3146, %abs3A_3177, %select_n3A_3169 : vector<8x512xi1>, vector<8x512xf32>
    %mul3A_3179 = arith.mulf %get3A_3140, %select_n3A_3174 : vector<8x512xf32>
    %sub3A_3180 = arith.subf %add3A_3162, %mul3A_3179 : vector<8x512xf32>
    %sqrt3A_3181 = math.sqrt %select_n3A_3178 : vector<8x512xf32>
    %mul3A_3182 = arith.mulf %select_n3A_3178, %sqrt3A_3181 : vector<8x512xf32>
    %mul3A_3183 = arith.mulf %sub3A_3180, %mul3A_3182 : vector<8x512xf32>
    %add3A_3184 = arith.addf %add3A_3137, %mul3A_3183 : vector<8x512xf32>
    %get3A_3185 = arith.constant 0 : index
    %get3A_3186 = arith.constant 34816 : index
    %get3A_3187 = vector.load %arg2[%get3A_3185, %get3A_3186] : memref<8x57344xf32, #tpu.memory_space<vmem>>, vector<8x512xf32>
    %get3A_3188 = arith.constant 0 : index
    %get3A_3189 = arith.constant 34816 : index
    %get3A_3190 = vector.load %arg3[%get3A_3188, %get3A_3189] : memref<8x57344xi32, #tpu.memory_space<vmem>>, vector<8x512xi32>
    %gt3A_3191 = arith.constant 0 : i32
    %gt3A_3192 = vector.broadcast %gt3A_3191 : i32 to vector<8x512xi32>
    %gt3A_3193 = arith.cmpi sgt, %get3A_3190, %gt3A_3192 : vector<8x512xi32>
    %abs3A_3194 = math.absf %get3A_3187 : vector<8x512xf32>
    %neg3A_3195 = arith.constant 0.000000e+00 : f32
    %neg3A_3196 = vector.broadcast %neg3A_3195 : f32 to vector<8x512xf32>
    %neg3A_3197 = arith.subf %neg3A_3196, %abs3A_3194 : vector<8x512xf32>
    %exp3A_3198 = math.exp %neg3A_3197 : vector<8x512xf32>
    %add3A_3199 = arith.constant 1.000000e+00 : f32
    %add3A_3200 = vector.broadcast %add3A_3199 : f32 to vector<8x512xf32>
    %add3A_3201 = arith.addf %add3A_3200, %exp3A_3198 : vector<8x512xf32>
    %div3A_3202 = arith.constant 1.000000e+00 : f32
    %div3A_3203 = vector.broadcast %div3A_3202 : f32 to vector<8x512xf32>
    %div3A_3204 = arith.divf %div3A_3203, %add3A_3201 : vector<8x512xf32>
    %max3A_3205 = arith.constant 0.000000e+00 : f32
    %max3A_3206 = vector.broadcast %max3A_3205 : f32 to vector<8x512xf32>
    %max3A_3207 = arith.maximumf %get3A_3187, %max3A_3206 : vector<8x512xf32>
    %log1p3A_3208 = math.log1p %exp3A_3198 : vector<8x512xf32>
    %add3A_3209 = arith.addf %max3A_3207, %log1p3A_3208 : vector<8x512xf32>
    %ge3A_3210 = arith.constant 0.000000e+00 : f32
    %ge3A_3211 = vector.broadcast %ge3A_3210 : f32 to vector<8x512xf32>
    %ge3A_3212 = arith.cmpf oge, %get3A_3187, %ge3A_3211 : vector<8x512xf32>
    %sub3A_3213 = arith.constant 1.000000e+00 : f32
    %sub3A_3214 = vector.broadcast %sub3A_3213 : f32 to vector<8x512xf32>
    %sub3A_3215 = arith.subf %sub3A_3214, %div3A_3204 : vector<8x512xf32>
    %select_n3A_3216 = arith.select %ge3A_3212, %div3A_3204, %sub3A_3215 : vector<8x512xi1>, vector<8x512xf32>
    %jit3A_3217 = arith.constant 0.000000e+00 : f32
    %broadcast_in_dim3A_3218 = vector.shape_cast %get3A_1 : vector<8x1xf32> to vector<8x1xf32>
    %broadcast_in_dim3A_3219 = vector.broadcast %broadcast_in_dim3A_3218 : vector<8x1xf32> to vector<8x512xf32>
    %broadcast_in_dim3A_3220 = vector.broadcast %jit3A_3217 : f32 to vector<8x512xf32>
    %select_n3A_3221 = arith.select %gt3A_3193, %broadcast_in_dim3A_3219, %broadcast_in_dim3A_3220 : vector<8x512xi1>, vector<8x512xf32>
    %sub3A_3222 = vector.broadcast %get3A_1 : vector<8x1xf32> to vector<8x512xf32>
    %sub3A_3223 = arith.subf %sub3A_3222, %select_n3A_3216 : vector<8x512xf32>
    %abs3A_3224 = math.absf %sub3A_3223 : vector<8x512xf32>
    %select_n3A_3225 = arith.select %gt3A_3193, %abs3A_3224, %select_n3A_3216 : vector<8x512xi1>, vector<8x512xf32>
    %mul3A_3226 = arith.mulf %get3A_3187, %select_n3A_3221 : vector<8x512xf32>
    %sub3A_3227 = arith.subf %add3A_3209, %mul3A_3226 : vector<8x512xf32>
    %sqrt3A_3228 = math.sqrt %select_n3A_3225 : vector<8x512xf32>
    %mul3A_3229 = arith.mulf %select_n3A_3225, %sqrt3A_3228 : vector<8x512xf32>
    %mul3A_3230 = arith.mulf %sub3A_3227, %mul3A_3229 : vector<8x512xf32>
    %add3A_3231 = arith.addf %add3A_3184, %mul3A_3230 : vector<8x512xf32>
    %get3A_3232 = arith.constant 0 : index
    %get3A_3233 = arith.constant 35328 : index
    %get3A_3234 = vector.load %arg2[%get3A_3232, %get3A_3233] : memref<8x57344xf32, #tpu.memory_space<vmem>>, vector<8x512xf32>
    %get3A_3235 = arith.constant 0 : index
    %get3A_3236 = arith.constant 35328 : index
    %get3A_3237 = vector.load %arg3[%get3A_3235, %get3A_3236] : memref<8x57344xi32, #tpu.memory_space<vmem>>, vector<8x512xi32>
    %gt3A_3238 = arith.constant 0 : i32
    %gt3A_3239 = vector.broadcast %gt3A_3238 : i32 to vector<8x512xi32>
    %gt3A_3240 = arith.cmpi sgt, %get3A_3237, %gt3A_3239 : vector<8x512xi32>
    %abs3A_3241 = math.absf %get3A_3234 : vector<8x512xf32>
    %neg3A_3242 = arith.constant 0.000000e+00 : f32
    %neg3A_3243 = vector.broadcast %neg3A_3242 : f32 to vector<8x512xf32>
    %neg3A_3244 = arith.subf %neg3A_3243, %abs3A_3241 : vector<8x512xf32>
    %exp3A_3245 = math.exp %neg3A_3244 : vector<8x512xf32>
    %add3A_3246 = arith.constant 1.000000e+00 : f32
    %add3A_3247 = vector.broadcast %add3A_3246 : f32 to vector<8x512xf32>
    %add3A_3248 = arith.addf %add3A_3247, %exp3A_3245 : vector<8x512xf32>
    %div3A_3249 = arith.constant 1.000000e+00 : f32
    %div3A_3250 = vector.broadcast %div3A_3249 : f32 to vector<8x512xf32>
    %div3A_3251 = arith.divf %div3A_3250, %add3A_3248 : vector<8x512xf32>
    %max3A_3252 = arith.constant 0.000000e+00 : f32
    %max3A_3253 = vector.broadcast %max3A_3252 : f32 to vector<8x512xf32>
    %max3A_3254 = arith.maximumf %get3A_3234, %max3A_3253 : vector<8x512xf32>
    %log1p3A_3255 = math.log1p %exp3A_3245 : vector<8x512xf32>
    %add3A_3256 = arith.addf %max3A_3254, %log1p3A_3255 : vector<8x512xf32>
    %ge3A_3257 = arith.constant 0.000000e+00 : f32
    %ge3A_3258 = vector.broadcast %ge3A_3257 : f32 to vector<8x512xf32>
    %ge3A_3259 = arith.cmpf oge, %get3A_3234, %ge3A_3258 : vector<8x512xf32>
    %sub3A_3260 = arith.constant 1.000000e+00 : f32
    %sub3A_3261 = vector.broadcast %sub3A_3260 : f32 to vector<8x512xf32>
    %sub3A_3262 = arith.subf %sub3A_3261, %div3A_3251 : vector<8x512xf32>
    %select_n3A_3263 = arith.select %ge3A_3259, %div3A_3251, %sub3A_3262 : vector<8x512xi1>, vector<8x512xf32>
    %jit3A_3264 = arith.constant 0.000000e+00 : f32
    %broadcast_in_dim3A_3265 = vector.shape_cast %get3A_1 : vector<8x1xf32> to vector<8x1xf32>
    %broadcast_in_dim3A_3266 = vector.broadcast %broadcast_in_dim3A_3265 : vector<8x1xf32> to vector<8x512xf32>
    %broadcast_in_dim3A_3267 = vector.broadcast %jit3A_3264 : f32 to vector<8x512xf32>
    %select_n3A_3268 = arith.select %gt3A_3240, %broadcast_in_dim3A_3266, %broadcast_in_dim3A_3267 : vector<8x512xi1>, vector<8x512xf32>
    %sub3A_3269 = vector.broadcast %get3A_1 : vector<8x1xf32> to vector<8x512xf32>
    %sub3A_3270 = arith.subf %sub3A_3269, %select_n3A_3263 : vector<8x512xf32>
    %abs3A_3271 = math.absf %sub3A_3270 : vector<8x512xf32>
    %select_n3A_3272 = arith.select %gt3A_3240, %abs3A_3271, %select_n3A_3263 : vector<8x512xi1>, vector<8x512xf32>
    %mul3A_3273 = arith.mulf %get3A_3234, %select_n3A_3268 : vector<8x512xf32>
    %sub3A_3274 = arith.subf %add3A_3256, %mul3A_3273 : vector<8x512xf32>
    %sqrt3A_3275 = math.sqrt %select_n3A_3272 : vector<8x512xf32>
    %mul3A_3276 = arith.mulf %select_n3A_3272, %sqrt3A_3275 : vector<8x512xf32>
    %mul3A_3277 = arith.mulf %sub3A_3274, %mul3A_3276 : vector<8x512xf32>
    %add3A_3278 = arith.addf %add3A_3231, %mul3A_3277 : vector<8x512xf32>
    %get3A_3279 = arith.constant 0 : index
    %get3A_3280 = arith.constant 35840 : index
    %get3A_3281 = vector.load %arg2[%get3A_3279, %get3A_3280] : memref<8x57344xf32, #tpu.memory_space<vmem>>, vector<8x512xf32>
    %get3A_3282 = arith.constant 0 : index
    %get3A_3283 = arith.constant 35840 : index
    %get3A_3284 = vector.load %arg3[%get3A_3282, %get3A_3283] : memref<8x57344xi32, #tpu.memory_space<vmem>>, vector<8x512xi32>
    %gt3A_3285 = arith.constant 0 : i32
    %gt3A_3286 = vector.broadcast %gt3A_3285 : i32 to vector<8x512xi32>
    %gt3A_3287 = arith.cmpi sgt, %get3A_3284, %gt3A_3286 : vector<8x512xi32>
    %abs3A_3288 = math.absf %get3A_3281 : vector<8x512xf32>
    %neg3A_3289 = arith.constant 0.000000e+00 : f32
    %neg3A_3290 = vector.broadcast %neg3A_3289 : f32 to vector<8x512xf32>
    %neg3A_3291 = arith.subf %neg3A_3290, %abs3A_3288 : vector<8x512xf32>
    %exp3A_3292 = math.exp %neg3A_3291 : vector<8x512xf32>
    %add3A_3293 = arith.constant 1.000000e+00 : f32
    %add3A_3294 = vector.broadcast %add3A_3293 : f32 to vector<8x512xf32>
    %add3A_3295 = arith.addf %add3A_3294, %exp3A_3292 : vector<8x512xf32>
    %div3A_3296 = arith.constant 1.000000e+00 : f32
    %div3A_3297 = vector.broadcast %div3A_3296 : f32 to vector<8x512xf32>
    %div3A_3298 = arith.divf %div3A_3297, %add3A_3295 : vector<8x512xf32>
    %max3A_3299 = arith.constant 0.000000e+00 : f32
    %max3A_3300 = vector.broadcast %max3A_3299 : f32 to vector<8x512xf32>
    %max3A_3301 = arith.maximumf %get3A_3281, %max3A_3300 : vector<8x512xf32>
    %log1p3A_3302 = math.log1p %exp3A_3292 : vector<8x512xf32>
    %add3A_3303 = arith.addf %max3A_3301, %log1p3A_3302 : vector<8x512xf32>
    %ge3A_3304 = arith.constant 0.000000e+00 : f32
    %ge3A_3305 = vector.broadcast %ge3A_3304 : f32 to vector<8x512xf32>
    %ge3A_3306 = arith.cmpf oge, %get3A_3281, %ge3A_3305 : vector<8x512xf32>
    %sub3A_3307 = arith.constant 1.000000e+00 : f32
    %sub3A_3308 = vector.broadcast %sub3A_3307 : f32 to vector<8x512xf32>
    %sub3A_3309 = arith.subf %sub3A_3308, %div3A_3298 : vector<8x512xf32>
    %select_n3A_3310 = arith.select %ge3A_3306, %div3A_3298, %sub3A_3309 : vector<8x512xi1>, vector<8x512xf32>
    %jit3A_3311 = arith.constant 0.000000e+00 : f32
    %broadcast_in_dim3A_3312 = vector.shape_cast %get3A_1 : vector<8x1xf32> to vector<8x1xf32>
    %broadcast_in_dim3A_3313 = vector.broadcast %broadcast_in_dim3A_3312 : vector<8x1xf32> to vector<8x512xf32>
    %broadcast_in_dim3A_3314 = vector.broadcast %jit3A_3311 : f32 to vector<8x512xf32>
    %select_n3A_3315 = arith.select %gt3A_3287, %broadcast_in_dim3A_3313, %broadcast_in_dim3A_3314 : vector<8x512xi1>, vector<8x512xf32>
    %sub3A_3316 = vector.broadcast %get3A_1 : vector<8x1xf32> to vector<8x512xf32>
    %sub3A_3317 = arith.subf %sub3A_3316, %select_n3A_3310 : vector<8x512xf32>
    %abs3A_3318 = math.absf %sub3A_3317 : vector<8x512xf32>
    %select_n3A_3319 = arith.select %gt3A_3287, %abs3A_3318, %select_n3A_3310 : vector<8x512xi1>, vector<8x512xf32>
    %mul3A_3320 = arith.mulf %get3A_3281, %select_n3A_3315 : vector<8x512xf32>
    %sub3A_3321 = arith.subf %add3A_3303, %mul3A_3320 : vector<8x512xf32>
    %sqrt3A_3322 = math.sqrt %select_n3A_3319 : vector<8x512xf32>
    %mul3A_3323 = arith.mulf %select_n3A_3319, %sqrt3A_3322 : vector<8x512xf32>
    %mul3A_3324 = arith.mulf %sub3A_3321, %mul3A_3323 : vector<8x512xf32>
    %add3A_3325 = arith.addf %add3A_3278, %mul3A_3324 : vector<8x512xf32>
    %get3A_3326 = arith.constant 0 : index
    %get3A_3327 = arith.constant 36352 : index
    %get3A_3328 = vector.load %arg2[%get3A_3326, %get3A_3327] : memref<8x57344xf32, #tpu.memory_space<vmem>>, vector<8x512xf32>
    %get3A_3329 = arith.constant 0 : index
    %get3A_3330 = arith.constant 36352 : index
    %get3A_3331 = vector.load %arg3[%get3A_3329, %get3A_3330] : memref<8x57344xi32, #tpu.memory_space<vmem>>, vector<8x512xi32>
    %gt3A_3332 = arith.constant 0 : i32
    %gt3A_3333 = vector.broadcast %gt3A_3332 : i32 to vector<8x512xi32>
    %gt3A_3334 = arith.cmpi sgt, %get3A_3331, %gt3A_3333 : vector<8x512xi32>
    %abs3A_3335 = math.absf %get3A_3328 : vector<8x512xf32>
    %neg3A_3336 = arith.constant 0.000000e+00 : f32
    %neg3A_3337 = vector.broadcast %neg3A_3336 : f32 to vector<8x512xf32>
    %neg3A_3338 = arith.subf %neg3A_3337, %abs3A_3335 : vector<8x512xf32>
    %exp3A_3339 = math.exp %neg3A_3338 : vector<8x512xf32>
    %add3A_3340 = arith.constant 1.000000e+00 : f32
    %add3A_3341 = vector.broadcast %add3A_3340 : f32 to vector<8x512xf32>
    %add3A_3342 = arith.addf %add3A_3341, %exp3A_3339 : vector<8x512xf32>
    %div3A_3343 = arith.constant 1.000000e+00 : f32
    %div3A_3344 = vector.broadcast %div3A_3343 : f32 to vector<8x512xf32>
    %div3A_3345 = arith.divf %div3A_3344, %add3A_3342 : vector<8x512xf32>
    %max3A_3346 = arith.constant 0.000000e+00 : f32
    %max3A_3347 = vector.broadcast %max3A_3346 : f32 to vector<8x512xf32>
    %max3A_3348 = arith.maximumf %get3A_3328, %max3A_3347 : vector<8x512xf32>
    %log1p3A_3349 = math.log1p %exp3A_3339 : vector<8x512xf32>
    %add3A_3350 = arith.addf %max3A_3348, %log1p3A_3349 : vector<8x512xf32>
    %ge3A_3351 = arith.constant 0.000000e+00 : f32
    %ge3A_3352 = vector.broadcast %ge3A_3351 : f32 to vector<8x512xf32>
    %ge3A_3353 = arith.cmpf oge, %get3A_3328, %ge3A_3352 : vector<8x512xf32>
    %sub3A_3354 = arith.constant 1.000000e+00 : f32
    %sub3A_3355 = vector.broadcast %sub3A_3354 : f32 to vector<8x512xf32>
    %sub3A_3356 = arith.subf %sub3A_3355, %div3A_3345 : vector<8x512xf32>
    %select_n3A_3357 = arith.select %ge3A_3353, %div3A_3345, %sub3A_3356 : vector<8x512xi1>, vector<8x512xf32>
    %jit3A_3358 = arith.constant 0.000000e+00 : f32
    %broadcast_in_dim3A_3359 = vector.shape_cast %get3A_1 : vector<8x1xf32> to vector<8x1xf32>
    %broadcast_in_dim3A_3360 = vector.broadcast %broadcast_in_dim3A_3359 : vector<8x1xf32> to vector<8x512xf32>
    %broadcast_in_dim3A_3361 = vector.broadcast %jit3A_3358 : f32 to vector<8x512xf32>
    %select_n3A_3362 = arith.select %gt3A_3334, %broadcast_in_dim3A_3360, %broadcast_in_dim3A_3361 : vector<8x512xi1>, vector<8x512xf32>
    %sub3A_3363 = vector.broadcast %get3A_1 : vector<8x1xf32> to vector<8x512xf32>
    %sub3A_3364 = arith.subf %sub3A_3363, %select_n3A_3357 : vector<8x512xf32>
    %abs3A_3365 = math.absf %sub3A_3364 : vector<8x512xf32>
    %select_n3A_3366 = arith.select %gt3A_3334, %abs3A_3365, %select_n3A_3357 : vector<8x512xi1>, vector<8x512xf32>
    %mul3A_3367 = arith.mulf %get3A_3328, %select_n3A_3362 : vector<8x512xf32>
    %sub3A_3368 = arith.subf %add3A_3350, %mul3A_3367 : vector<8x512xf32>
    %sqrt3A_3369 = math.sqrt %select_n3A_3366 : vector<8x512xf32>
    %mul3A_3370 = arith.mulf %select_n3A_3366, %sqrt3A_3369 : vector<8x512xf32>
    %mul3A_3371 = arith.mulf %sub3A_3368, %mul3A_3370 : vector<8x512xf32>
    %add3A_3372 = arith.addf %add3A_3325, %mul3A_3371 : vector<8x512xf32>
    %get3A_3373 = arith.constant 0 : index
    %get3A_3374 = arith.constant 36864 : index
    %get3A_3375 = vector.load %arg2[%get3A_3373, %get3A_3374] : memref<8x57344xf32, #tpu.memory_space<vmem>>, vector<8x512xf32>
    %get3A_3376 = arith.constant 0 : index
    %get3A_3377 = arith.constant 36864 : index
    %get3A_3378 = vector.load %arg3[%get3A_3376, %get3A_3377] : memref<8x57344xi32, #tpu.memory_space<vmem>>, vector<8x512xi32>
    %gt3A_3379 = arith.constant 0 : i32
    %gt3A_3380 = vector.broadcast %gt3A_3379 : i32 to vector<8x512xi32>
    %gt3A_3381 = arith.cmpi sgt, %get3A_3378, %gt3A_3380 : vector<8x512xi32>
    %abs3A_3382 = math.absf %get3A_3375 : vector<8x512xf32>
    %neg3A_3383 = arith.constant 0.000000e+00 : f32
    %neg3A_3384 = vector.broadcast %neg3A_3383 : f32 to vector<8x512xf32>
    %neg3A_3385 = arith.subf %neg3A_3384, %abs3A_3382 : vector<8x512xf32>
    %exp3A_3386 = math.exp %neg3A_3385 : vector<8x512xf32>
    %add3A_3387 = arith.constant 1.000000e+00 : f32
    %add3A_3388 = vector.broadcast %add3A_3387 : f32 to vector<8x512xf32>
    %add3A_3389 = arith.addf %add3A_3388, %exp3A_3386 : vector<8x512xf32>
    %div3A_3390 = arith.constant 1.000000e+00 : f32
    %div3A_3391 = vector.broadcast %div3A_3390 : f32 to vector<8x512xf32>
    %div3A_3392 = arith.divf %div3A_3391, %add3A_3389 : vector<8x512xf32>
    %max3A_3393 = arith.constant 0.000000e+00 : f32
    %max3A_3394 = vector.broadcast %max3A_3393 : f32 to vector<8x512xf32>
    %max3A_3395 = arith.maximumf %get3A_3375, %max3A_3394 : vector<8x512xf32>
    %log1p3A_3396 = math.log1p %exp3A_3386 : vector<8x512xf32>
    %add3A_3397 = arith.addf %max3A_3395, %log1p3A_3396 : vector<8x512xf32>
    %ge3A_3398 = arith.constant 0.000000e+00 : f32
    %ge3A_3399 = vector.broadcast %ge3A_3398 : f32 to vector<8x512xf32>
    %ge3A_3400 = arith.cmpf oge, %get3A_3375, %ge3A_3399 : vector<8x512xf32>
    %sub3A_3401 = arith.constant 1.000000e+00 : f32
    %sub3A_3402 = vector.broadcast %sub3A_3401 : f32 to vector<8x512xf32>
    %sub3A_3403 = arith.subf %sub3A_3402, %div3A_3392 : vector<8x512xf32>
    %select_n3A_3404 = arith.select %ge3A_3400, %div3A_3392, %sub3A_3403 : vector<8x512xi1>, vector<8x512xf32>
    %jit3A_3405 = arith.constant 0.000000e+00 : f32
    %broadcast_in_dim3A_3406 = vector.shape_cast %get3A_1 : vector<8x1xf32> to vector<8x1xf32>
    %broadcast_in_dim3A_3407 = vector.broadcast %broadcast_in_dim3A_3406 : vector<8x1xf32> to vector<8x512xf32>
    %broadcast_in_dim3A_3408 = vector.broadcast %jit3A_3405 : f32 to vector<8x512xf32>
    %select_n3A_3409 = arith.select %gt3A_3381, %broadcast_in_dim3A_3407, %broadcast_in_dim3A_3408 : vector<8x512xi1>, vector<8x512xf32>
    %sub3A_3410 = vector.broadcast %get3A_1 : vector<8x1xf32> to vector<8x512xf32>
    %sub3A_3411 = arith.subf %sub3A_3410, %select_n3A_3404 : vector<8x512xf32>
    %abs3A_3412 = math.absf %sub3A_3411 : vector<8x512xf32>
    %select_n3A_3413 = arith.select %gt3A_3381, %abs3A_3412, %select_n3A_3404 : vector<8x512xi1>, vector<8x512xf32>
    %mul3A_3414 = arith.mulf %get3A_3375, %select_n3A_3409 : vector<8x512xf32>
    %sub3A_3415 = arith.subf %add3A_3397, %mul3A_3414 : vector<8x512xf32>
    %sqrt3A_3416 = math.sqrt %select_n3A_3413 : vector<8x512xf32>
    %mul3A_3417 = arith.mulf %select_n3A_3413, %sqrt3A_3416 : vector<8x512xf32>
    %mul3A_3418 = arith.mulf %sub3A_3415, %mul3A_3417 : vector<8x512xf32>
    %add3A_3419 = arith.addf %add3A_3372, %mul3A_3418 : vector<8x512xf32>
    %get3A_3420 = arith.constant 0 : index
    %get3A_3421 = arith.constant 37376 : index
    %get3A_3422 = vector.load %arg2[%get3A_3420, %get3A_3421] : memref<8x57344xf32, #tpu.memory_space<vmem>>, vector<8x512xf32>
    %get3A_3423 = arith.constant 0 : index
    %get3A_3424 = arith.constant 37376 : index
    %get3A_3425 = vector.load %arg3[%get3A_3423, %get3A_3424] : memref<8x57344xi32, #tpu.memory_space<vmem>>, vector<8x512xi32>
    %gt3A_3426 = arith.constant 0 : i32
    %gt3A_3427 = vector.broadcast %gt3A_3426 : i32 to vector<8x512xi32>
    %gt3A_3428 = arith.cmpi sgt, %get3A_3425, %gt3A_3427 : vector<8x512xi32>
    %abs3A_3429 = math.absf %get3A_3422 : vector<8x512xf32>
    %neg3A_3430 = arith.constant 0.000000e+00 : f32
    %neg3A_3431 = vector.broadcast %neg3A_3430 : f32 to vector<8x512xf32>
    %neg3A_3432 = arith.subf %neg3A_3431, %abs3A_3429 : vector<8x512xf32>
    %exp3A_3433 = math.exp %neg3A_3432 : vector<8x512xf32>
    %add3A_3434 = arith.constant 1.000000e+00 : f32
    %add3A_3435 = vector.broadcast %add3A_3434 : f32 to vector<8x512xf32>
    %add3A_3436 = arith.addf %add3A_3435, %exp3A_3433 : vector<8x512xf32>
    %div3A_3437 = arith.constant 1.000000e+00 : f32
    %div3A_3438 = vector.broadcast %div3A_3437 : f32 to vector<8x512xf32>
    %div3A_3439 = arith.divf %div3A_3438, %add3A_3436 : vector<8x512xf32>
    %max3A_3440 = arith.constant 0.000000e+00 : f32
    %max3A_3441 = vector.broadcast %max3A_3440 : f32 to vector<8x512xf32>
    %max3A_3442 = arith.maximumf %get3A_3422, %max3A_3441 : vector<8x512xf32>
    %log1p3A_3443 = math.log1p %exp3A_3433 : vector<8x512xf32>
    %add3A_3444 = arith.addf %max3A_3442, %log1p3A_3443 : vector<8x512xf32>
    %ge3A_3445 = arith.constant 0.000000e+00 : f32
    %ge3A_3446 = vector.broadcast %ge3A_3445 : f32 to vector<8x512xf32>
    %ge3A_3447 = arith.cmpf oge, %get3A_3422, %ge3A_3446 : vector<8x512xf32>
    %sub3A_3448 = arith.constant 1.000000e+00 : f32
    %sub3A_3449 = vector.broadcast %sub3A_3448 : f32 to vector<8x512xf32>
    %sub3A_3450 = arith.subf %sub3A_3449, %div3A_3439 : vector<8x512xf32>
    %select_n3A_3451 = arith.select %ge3A_3447, %div3A_3439, %sub3A_3450 : vector<8x512xi1>, vector<8x512xf32>
    %jit3A_3452 = arith.constant 0.000000e+00 : f32
    %broadcast_in_dim3A_3453 = vector.shape_cast %get3A_1 : vector<8x1xf32> to vector<8x1xf32>
    %broadcast_in_dim3A_3454 = vector.broadcast %broadcast_in_dim3A_3453 : vector<8x1xf32> to vector<8x512xf32>
    %broadcast_in_dim3A_3455 = vector.broadcast %jit3A_3452 : f32 to vector<8x512xf32>
    %select_n3A_3456 = arith.select %gt3A_3428, %broadcast_in_dim3A_3454, %broadcast_in_dim3A_3455 : vector<8x512xi1>, vector<8x512xf32>
    %sub3A_3457 = vector.broadcast %get3A_1 : vector<8x1xf32> to vector<8x512xf32>
    %sub3A_3458 = arith.subf %sub3A_3457, %select_n3A_3451 : vector<8x512xf32>
    %abs3A_3459 = math.absf %sub3A_3458 : vector<8x512xf32>
    %select_n3A_3460 = arith.select %gt3A_3428, %abs3A_3459, %select_n3A_3451 : vector<8x512xi1>, vector<8x512xf32>
    %mul3A_3461 = arith.mulf %get3A_3422, %select_n3A_3456 : vector<8x512xf32>
    %sub3A_3462 = arith.subf %add3A_3444, %mul3A_3461 : vector<8x512xf32>
    %sqrt3A_3463 = math.sqrt %select_n3A_3460 : vector<8x512xf32>
    %mul3A_3464 = arith.mulf %select_n3A_3460, %sqrt3A_3463 : vector<8x512xf32>
    %mul3A_3465 = arith.mulf %sub3A_3462, %mul3A_3464 : vector<8x512xf32>
    %add3A_3466 = arith.addf %add3A_3419, %mul3A_3465 : vector<8x512xf32>
    %get3A_3467 = arith.constant 0 : index
    %get3A_3468 = arith.constant 37888 : index
    %get3A_3469 = vector.load %arg2[%get3A_3467, %get3A_3468] : memref<8x57344xf32, #tpu.memory_space<vmem>>, vector<8x512xf32>
    %get3A_3470 = arith.constant 0 : index
    %get3A_3471 = arith.constant 37888 : index
    %get3A_3472 = vector.load %arg3[%get3A_3470, %get3A_3471] : memref<8x57344xi32, #tpu.memory_space<vmem>>, vector<8x512xi32>
    %gt3A_3473 = arith.constant 0 : i32
    %gt3A_3474 = vector.broadcast %gt3A_3473 : i32 to vector<8x512xi32>
    %gt3A_3475 = arith.cmpi sgt, %get3A_3472, %gt3A_3474 : vector<8x512xi32>
    %abs3A_3476 = math.absf %get3A_3469 : vector<8x512xf32>
    %neg3A_3477 = arith.constant 0.000000e+00 : f32
    %neg3A_3478 = vector.broadcast %neg3A_3477 : f32 to vector<8x512xf32>
    %neg3A_3479 = arith.subf %neg3A_3478, %abs3A_3476 : vector<8x512xf32>
    %exp3A_3480 = math.exp %neg3A_3479 : vector<8x512xf32>
    %add3A_3481 = arith.constant 1.000000e+00 : f32
    %add3A_3482 = vector.broadcast %add3A_3481 : f32 to vector<8x512xf32>
    %add3A_3483 = arith.addf %add3A_3482, %exp3A_3480 : vector<8x512xf32>
    %div3A_3484 = arith.constant 1.000000e+00 : f32
    %div3A_3485 = vector.broadcast %div3A_3484 : f32 to vector<8x512xf32>
    %div3A_3486 = arith.divf %div3A_3485, %add3A_3483 : vector<8x512xf32>
    %max3A_3487 = arith.constant 0.000000e+00 : f32
    %max3A_3488 = vector.broadcast %max3A_3487 : f32 to vector<8x512xf32>
    %max3A_3489 = arith.maximumf %get3A_3469, %max3A_3488 : vector<8x512xf32>
    %log1p3A_3490 = math.log1p %exp3A_3480 : vector<8x512xf32>
    %add3A_3491 = arith.addf %max3A_3489, %log1p3A_3490 : vector<8x512xf32>
    %ge3A_3492 = arith.constant 0.000000e+00 : f32
    %ge3A_3493 = vector.broadcast %ge3A_3492 : f32 to vector<8x512xf32>
    %ge3A_3494 = arith.cmpf oge, %get3A_3469, %ge3A_3493 : vector<8x512xf32>
    %sub3A_3495 = arith.constant 1.000000e+00 : f32
    %sub3A_3496 = vector.broadcast %sub3A_3495 : f32 to vector<8x512xf32>
    %sub3A_3497 = arith.subf %sub3A_3496, %div3A_3486 : vector<8x512xf32>
    %select_n3A_3498 = arith.select %ge3A_3494, %div3A_3486, %sub3A_3497 : vector<8x512xi1>, vector<8x512xf32>
    %jit3A_3499 = arith.constant 0.000000e+00 : f32
    %broadcast_in_dim3A_3500 = vector.shape_cast %get3A_1 : vector<8x1xf32> to vector<8x1xf32>
    %broadcast_in_dim3A_3501 = vector.broadcast %broadcast_in_dim3A_3500 : vector<8x1xf32> to vector<8x512xf32>
    %broadcast_in_dim3A_3502 = vector.broadcast %jit3A_3499 : f32 to vector<8x512xf32>
    %select_n3A_3503 = arith.select %gt3A_3475, %broadcast_in_dim3A_3501, %broadcast_in_dim3A_3502 : vector<8x512xi1>, vector<8x512xf32>
    %sub3A_3504 = vector.broadcast %get3A_1 : vector<8x1xf32> to vector<8x512xf32>
    %sub3A_3505 = arith.subf %sub3A_3504, %select_n3A_3498 : vector<8x512xf32>
    %abs3A_3506 = math.absf %sub3A_3505 : vector<8x512xf32>
    %select_n3A_3507 = arith.select %gt3A_3475, %abs3A_3506, %select_n3A_3498 : vector<8x512xi1>, vector<8x512xf32>
    %mul3A_3508 = arith.mulf %get3A_3469, %select_n3A_3503 : vector<8x512xf32>
    %sub3A_3509 = arith.subf %add3A_3491, %mul3A_3508 : vector<8x512xf32>
    %sqrt3A_3510 = math.sqrt %select_n3A_3507 : vector<8x512xf32>
    %mul3A_3511 = arith.mulf %select_n3A_3507, %sqrt3A_3510 : vector<8x512xf32>
    %mul3A_3512 = arith.mulf %sub3A_3509, %mul3A_3511 : vector<8x512xf32>
    %add3A_3513 = arith.addf %add3A_3466, %mul3A_3512 : vector<8x512xf32>
    %get3A_3514 = arith.constant 0 : index
    %get3A_3515 = arith.constant 38400 : index
    %get3A_3516 = vector.load %arg2[%get3A_3514, %get3A_3515] : memref<8x57344xf32, #tpu.memory_space<vmem>>, vector<8x512xf32>
    %get3A_3517 = arith.constant 0 : index
    %get3A_3518 = arith.constant 38400 : index
    %get3A_3519 = vector.load %arg3[%get3A_3517, %get3A_3518] : memref<8x57344xi32, #tpu.memory_space<vmem>>, vector<8x512xi32>
    %gt3A_3520 = arith.constant 0 : i32
    %gt3A_3521 = vector.broadcast %gt3A_3520 : i32 to vector<8x512xi32>
    %gt3A_3522 = arith.cmpi sgt, %get3A_3519, %gt3A_3521 : vector<8x512xi32>
    %abs3A_3523 = math.absf %get3A_3516 : vector<8x512xf32>
    %neg3A_3524 = arith.constant 0.000000e+00 : f32
    %neg3A_3525 = vector.broadcast %neg3A_3524 : f32 to vector<8x512xf32>
    %neg3A_3526 = arith.subf %neg3A_3525, %abs3A_3523 : vector<8x512xf32>
    %exp3A_3527 = math.exp %neg3A_3526 : vector<8x512xf32>
    %add3A_3528 = arith.constant 1.000000e+00 : f32
    %add3A_3529 = vector.broadcast %add3A_3528 : f32 to vector<8x512xf32>
    %add3A_3530 = arith.addf %add3A_3529, %exp3A_3527 : vector<8x512xf32>
    %div3A_3531 = arith.constant 1.000000e+00 : f32
    %div3A_3532 = vector.broadcast %div3A_3531 : f32 to vector<8x512xf32>
    %div3A_3533 = arith.divf %div3A_3532, %add3A_3530 : vector<8x512xf32>
    %max3A_3534 = arith.constant 0.000000e+00 : f32
    %max3A_3535 = vector.broadcast %max3A_3534 : f32 to vector<8x512xf32>
    %max3A_3536 = arith.maximumf %get3A_3516, %max3A_3535 : vector<8x512xf32>
    %log1p3A_3537 = math.log1p %exp3A_3527 : vector<8x512xf32>
    %add3A_3538 = arith.addf %max3A_3536, %log1p3A_3537 : vector<8x512xf32>
    %ge3A_3539 = arith.constant 0.000000e+00 : f32
    %ge3A_3540 = vector.broadcast %ge3A_3539 : f32 to vector<8x512xf32>
    %ge3A_3541 = arith.cmpf oge, %get3A_3516, %ge3A_3540 : vector<8x512xf32>
    %sub3A_3542 = arith.constant 1.000000e+00 : f32
    %sub3A_3543 = vector.broadcast %sub3A_3542 : f32 to vector<8x512xf32>
    %sub3A_3544 = arith.subf %sub3A_3543, %div3A_3533 : vector<8x512xf32>
    %select_n3A_3545 = arith.select %ge3A_3541, %div3A_3533, %sub3A_3544 : vector<8x512xi1>, vector<8x512xf32>
    %jit3A_3546 = arith.constant 0.000000e+00 : f32
    %broadcast_in_dim3A_3547 = vector.shape_cast %get3A_1 : vector<8x1xf32> to vector<8x1xf32>
    %broadcast_in_dim3A_3548 = vector.broadcast %broadcast_in_dim3A_3547 : vector<8x1xf32> to vector<8x512xf32>
    %broadcast_in_dim3A_3549 = vector.broadcast %jit3A_3546 : f32 to vector<8x512xf32>
    %select_n3A_3550 = arith.select %gt3A_3522, %broadcast_in_dim3A_3548, %broadcast_in_dim3A_3549 : vector<8x512xi1>, vector<8x512xf32>
    %sub3A_3551 = vector.broadcast %get3A_1 : vector<8x1xf32> to vector<8x512xf32>
    %sub3A_3552 = arith.subf %sub3A_3551, %select_n3A_3545 : vector<8x512xf32>
    %abs3A_3553 = math.absf %sub3A_3552 : vector<8x512xf32>
    %select_n3A_3554 = arith.select %gt3A_3522, %abs3A_3553, %select_n3A_3545 : vector<8x512xi1>, vector<8x512xf32>
    %mul3A_3555 = arith.mulf %get3A_3516, %select_n3A_3550 : vector<8x512xf32>
    %sub3A_3556 = arith.subf %add3A_3538, %mul3A_3555 : vector<8x512xf32>
    %sqrt3A_3557 = math.sqrt %select_n3A_3554 : vector<8x512xf32>
    %mul3A_3558 = arith.mulf %select_n3A_3554, %sqrt3A_3557 : vector<8x512xf32>
    %mul3A_3559 = arith.mulf %sub3A_3556, %mul3A_3558 : vector<8x512xf32>
    %add3A_3560 = arith.addf %add3A_3513, %mul3A_3559 : vector<8x512xf32>
    %get3A_3561 = arith.constant 0 : index
    %get3A_3562 = arith.constant 38912 : index
    %get3A_3563 = vector.load %arg2[%get3A_3561, %get3A_3562] : memref<8x57344xf32, #tpu.memory_space<vmem>>, vector<8x512xf32>
    %get3A_3564 = arith.constant 0 : index
    %get3A_3565 = arith.constant 38912 : index
    %get3A_3566 = vector.load %arg3[%get3A_3564, %get3A_3565] : memref<8x57344xi32, #tpu.memory_space<vmem>>, vector<8x512xi32>
    %gt3A_3567 = arith.constant 0 : i32
    %gt3A_3568 = vector.broadcast %gt3A_3567 : i32 to vector<8x512xi32>
    %gt3A_3569 = arith.cmpi sgt, %get3A_3566, %gt3A_3568 : vector<8x512xi32>
    %abs3A_3570 = math.absf %get3A_3563 : vector<8x512xf32>
    %neg3A_3571 = arith.constant 0.000000e+00 : f32
    %neg3A_3572 = vector.broadcast %neg3A_3571 : f32 to vector<8x512xf32>
    %neg3A_3573 = arith.subf %neg3A_3572, %abs3A_3570 : vector<8x512xf32>
    %exp3A_3574 = math.exp %neg3A_3573 : vector<8x512xf32>
    %add3A_3575 = arith.constant 1.000000e+00 : f32
    %add3A_3576 = vector.broadcast %add3A_3575 : f32 to vector<8x512xf32>
    %add3A_3577 = arith.addf %add3A_3576, %exp3A_3574 : vector<8x512xf32>
    %div3A_3578 = arith.constant 1.000000e+00 : f32
    %div3A_3579 = vector.broadcast %div3A_3578 : f32 to vector<8x512xf32>
    %div3A_3580 = arith.divf %div3A_3579, %add3A_3577 : vector<8x512xf32>
    %max3A_3581 = arith.constant 0.000000e+00 : f32
    %max3A_3582 = vector.broadcast %max3A_3581 : f32 to vector<8x512xf32>
    %max3A_3583 = arith.maximumf %get3A_3563, %max3A_3582 : vector<8x512xf32>
    %log1p3A_3584 = math.log1p %exp3A_3574 : vector<8x512xf32>
    %add3A_3585 = arith.addf %max3A_3583, %log1p3A_3584 : vector<8x512xf32>
    %ge3A_3586 = arith.constant 0.000000e+00 : f32
    %ge3A_3587 = vector.broadcast %ge3A_3586 : f32 to vector<8x512xf32>
    %ge3A_3588 = arith.cmpf oge, %get3A_3563, %ge3A_3587 : vector<8x512xf32>
    %sub3A_3589 = arith.constant 1.000000e+00 : f32
    %sub3A_3590 = vector.broadcast %sub3A_3589 : f32 to vector<8x512xf32>
    %sub3A_3591 = arith.subf %sub3A_3590, %div3A_3580 : vector<8x512xf32>
    %select_n3A_3592 = arith.select %ge3A_3588, %div3A_3580, %sub3A_3591 : vector<8x512xi1>, vector<8x512xf32>
    %jit3A_3593 = arith.constant 0.000000e+00 : f32
    %broadcast_in_dim3A_3594 = vector.shape_cast %get3A_1 : vector<8x1xf32> to vector<8x1xf32>
    %broadcast_in_dim3A_3595 = vector.broadcast %broadcast_in_dim3A_3594 : vector<8x1xf32> to vector<8x512xf32>
    %broadcast_in_dim3A_3596 = vector.broadcast %jit3A_3593 : f32 to vector<8x512xf32>
    %select_n3A_3597 = arith.select %gt3A_3569, %broadcast_in_dim3A_3595, %broadcast_in_dim3A_3596 : vector<8x512xi1>, vector<8x512xf32>
    %sub3A_3598 = vector.broadcast %get3A_1 : vector<8x1xf32> to vector<8x512xf32>
    %sub3A_3599 = arith.subf %sub3A_3598, %select_n3A_3592 : vector<8x512xf32>
    %abs3A_3600 = math.absf %sub3A_3599 : vector<8x512xf32>
    %select_n3A_3601 = arith.select %gt3A_3569, %abs3A_3600, %select_n3A_3592 : vector<8x512xi1>, vector<8x512xf32>
    %mul3A_3602 = arith.mulf %get3A_3563, %select_n3A_3597 : vector<8x512xf32>
    %sub3A_3603 = arith.subf %add3A_3585, %mul3A_3602 : vector<8x512xf32>
    %sqrt3A_3604 = math.sqrt %select_n3A_3601 : vector<8x512xf32>
    %mul3A_3605 = arith.mulf %select_n3A_3601, %sqrt3A_3604 : vector<8x512xf32>
    %mul3A_3606 = arith.mulf %sub3A_3603, %mul3A_3605 : vector<8x512xf32>
    %add3A_3607 = arith.addf %add3A_3560, %mul3A_3606 : vector<8x512xf32>
    %get3A_3608 = arith.constant 0 : index
    %get3A_3609 = arith.constant 39424 : index
    %get3A_3610 = vector.load %arg2[%get3A_3608, %get3A_3609] : memref<8x57344xf32, #tpu.memory_space<vmem>>, vector<8x512xf32>
    %get3A_3611 = arith.constant 0 : index
    %get3A_3612 = arith.constant 39424 : index
    %get3A_3613 = vector.load %arg3[%get3A_3611, %get3A_3612] : memref<8x57344xi32, #tpu.memory_space<vmem>>, vector<8x512xi32>
    %gt3A_3614 = arith.constant 0 : i32
    %gt3A_3615 = vector.broadcast %gt3A_3614 : i32 to vector<8x512xi32>
    %gt3A_3616 = arith.cmpi sgt, %get3A_3613, %gt3A_3615 : vector<8x512xi32>
    %abs3A_3617 = math.absf %get3A_3610 : vector<8x512xf32>
    %neg3A_3618 = arith.constant 0.000000e+00 : f32
    %neg3A_3619 = vector.broadcast %neg3A_3618 : f32 to vector<8x512xf32>
    %neg3A_3620 = arith.subf %neg3A_3619, %abs3A_3617 : vector<8x512xf32>
    %exp3A_3621 = math.exp %neg3A_3620 : vector<8x512xf32>
    %add3A_3622 = arith.constant 1.000000e+00 : f32
    %add3A_3623 = vector.broadcast %add3A_3622 : f32 to vector<8x512xf32>
    %add3A_3624 = arith.addf %add3A_3623, %exp3A_3621 : vector<8x512xf32>
    %div3A_3625 = arith.constant 1.000000e+00 : f32
    %div3A_3626 = vector.broadcast %div3A_3625 : f32 to vector<8x512xf32>
    %div3A_3627 = arith.divf %div3A_3626, %add3A_3624 : vector<8x512xf32>
    %max3A_3628 = arith.constant 0.000000e+00 : f32
    %max3A_3629 = vector.broadcast %max3A_3628 : f32 to vector<8x512xf32>
    %max3A_3630 = arith.maximumf %get3A_3610, %max3A_3629 : vector<8x512xf32>
    %log1p3A_3631 = math.log1p %exp3A_3621 : vector<8x512xf32>
    %add3A_3632 = arith.addf %max3A_3630, %log1p3A_3631 : vector<8x512xf32>
    %ge3A_3633 = arith.constant 0.000000e+00 : f32
    %ge3A_3634 = vector.broadcast %ge3A_3633 : f32 to vector<8x512xf32>
    %ge3A_3635 = arith.cmpf oge, %get3A_3610, %ge3A_3634 : vector<8x512xf32>
    %sub3A_3636 = arith.constant 1.000000e+00 : f32
    %sub3A_3637 = vector.broadcast %sub3A_3636 : f32 to vector<8x512xf32>
    %sub3A_3638 = arith.subf %sub3A_3637, %div3A_3627 : vector<8x512xf32>
    %select_n3A_3639 = arith.select %ge3A_3635, %div3A_3627, %sub3A_3638 : vector<8x512xi1>, vector<8x512xf32>
    %jit3A_3640 = arith.constant 0.000000e+00 : f32
    %broadcast_in_dim3A_3641 = vector.shape_cast %get3A_1 : vector<8x1xf32> to vector<8x1xf32>
    %broadcast_in_dim3A_3642 = vector.broadcast %broadcast_in_dim3A_3641 : vector<8x1xf32> to vector<8x512xf32>
    %broadcast_in_dim3A_3643 = vector.broadcast %jit3A_3640 : f32 to vector<8x512xf32>
    %select_n3A_3644 = arith.select %gt3A_3616, %broadcast_in_dim3A_3642, %broadcast_in_dim3A_3643 : vector<8x512xi1>, vector<8x512xf32>
    %sub3A_3645 = vector.broadcast %get3A_1 : vector<8x1xf32> to vector<8x512xf32>
    %sub3A_3646 = arith.subf %sub3A_3645, %select_n3A_3639 : vector<8x512xf32>
    %abs3A_3647 = math.absf %sub3A_3646 : vector<8x512xf32>
    %select_n3A_3648 = arith.select %gt3A_3616, %abs3A_3647, %select_n3A_3639 : vector<8x512xi1>, vector<8x512xf32>
    %mul3A_3649 = arith.mulf %get3A_3610, %select_n3A_3644 : vector<8x512xf32>
    %sub3A_3650 = arith.subf %add3A_3632, %mul3A_3649 : vector<8x512xf32>
    %sqrt3A_3651 = math.sqrt %select_n3A_3648 : vector<8x512xf32>
    %mul3A_3652 = arith.mulf %select_n3A_3648, %sqrt3A_3651 : vector<8x512xf32>
    %mul3A_3653 = arith.mulf %sub3A_3650, %mul3A_3652 : vector<8x512xf32>
    %add3A_3654 = arith.addf %add3A_3607, %mul3A_3653 : vector<8x512xf32>
    %get3A_3655 = arith.constant 0 : index
    %get3A_3656 = arith.constant 39936 : index
    %get3A_3657 = vector.load %arg2[%get3A_3655, %get3A_3656] : memref<8x57344xf32, #tpu.memory_space<vmem>>, vector<8x512xf32>
    %get3A_3658 = arith.constant 0 : index
    %get3A_3659 = arith.constant 39936 : index
    %get3A_3660 = vector.load %arg3[%get3A_3658, %get3A_3659] : memref<8x57344xi32, #tpu.memory_space<vmem>>, vector<8x512xi32>
    %gt3A_3661 = arith.constant 0 : i32
    %gt3A_3662 = vector.broadcast %gt3A_3661 : i32 to vector<8x512xi32>
    %gt3A_3663 = arith.cmpi sgt, %get3A_3660, %gt3A_3662 : vector<8x512xi32>
    %abs3A_3664 = math.absf %get3A_3657 : vector<8x512xf32>
    %neg3A_3665 = arith.constant 0.000000e+00 : f32
    %neg3A_3666 = vector.broadcast %neg3A_3665 : f32 to vector<8x512xf32>
    %neg3A_3667 = arith.subf %neg3A_3666, %abs3A_3664 : vector<8x512xf32>
    %exp3A_3668 = math.exp %neg3A_3667 : vector<8x512xf32>
    %add3A_3669 = arith.constant 1.000000e+00 : f32
    %add3A_3670 = vector.broadcast %add3A_3669 : f32 to vector<8x512xf32>
    %add3A_3671 = arith.addf %add3A_3670, %exp3A_3668 : vector<8x512xf32>
    %div3A_3672 = arith.constant 1.000000e+00 : f32
    %div3A_3673 = vector.broadcast %div3A_3672 : f32 to vector<8x512xf32>
    %div3A_3674 = arith.divf %div3A_3673, %add3A_3671 : vector<8x512xf32>
    %max3A_3675 = arith.constant 0.000000e+00 : f32
    %max3A_3676 = vector.broadcast %max3A_3675 : f32 to vector<8x512xf32>
    %max3A_3677 = arith.maximumf %get3A_3657, %max3A_3676 : vector<8x512xf32>
    %log1p3A_3678 = math.log1p %exp3A_3668 : vector<8x512xf32>
    %add3A_3679 = arith.addf %max3A_3677, %log1p3A_3678 : vector<8x512xf32>
    %ge3A_3680 = arith.constant 0.000000e+00 : f32
    %ge3A_3681 = vector.broadcast %ge3A_3680 : f32 to vector<8x512xf32>
    %ge3A_3682 = arith.cmpf oge, %get3A_3657, %ge3A_3681 : vector<8x512xf32>
    %sub3A_3683 = arith.constant 1.000000e+00 : f32
    %sub3A_3684 = vector.broadcast %sub3A_3683 : f32 to vector<8x512xf32>
    %sub3A_3685 = arith.subf %sub3A_3684, %div3A_3674 : vector<8x512xf32>
    %select_n3A_3686 = arith.select %ge3A_3682, %div3A_3674, %sub3A_3685 : vector<8x512xi1>, vector<8x512xf32>
    %jit3A_3687 = arith.constant 0.000000e+00 : f32
    %broadcast_in_dim3A_3688 = vector.shape_cast %get3A_1 : vector<8x1xf32> to vector<8x1xf32>
    %broadcast_in_dim3A_3689 = vector.broadcast %broadcast_in_dim3A_3688 : vector<8x1xf32> to vector<8x512xf32>
    %broadcast_in_dim3A_3690 = vector.broadcast %jit3A_3687 : f32 to vector<8x512xf32>
    %select_n3A_3691 = arith.select %gt3A_3663, %broadcast_in_dim3A_3689, %broadcast_in_dim3A_3690 : vector<8x512xi1>, vector<8x512xf32>
    %sub3A_3692 = vector.broadcast %get3A_1 : vector<8x1xf32> to vector<8x512xf32>
    %sub3A_3693 = arith.subf %sub3A_3692, %select_n3A_3686 : vector<8x512xf32>
    %abs3A_3694 = math.absf %sub3A_3693 : vector<8x512xf32>
    %select_n3A_3695 = arith.select %gt3A_3663, %abs3A_3694, %select_n3A_3686 : vector<8x512xi1>, vector<8x512xf32>
    %mul3A_3696 = arith.mulf %get3A_3657, %select_n3A_3691 : vector<8x512xf32>
    %sub3A_3697 = arith.subf %add3A_3679, %mul3A_3696 : vector<8x512xf32>
    %sqrt3A_3698 = math.sqrt %select_n3A_3695 : vector<8x512xf32>
    %mul3A_3699 = arith.mulf %select_n3A_3695, %sqrt3A_3698 : vector<8x512xf32>
    %mul3A_3700 = arith.mulf %sub3A_3697, %mul3A_3699 : vector<8x512xf32>
    %add3A_3701 = arith.addf %add3A_3654, %mul3A_3700 : vector<8x512xf32>
    %get3A_3702 = arith.constant 0 : index
    %get3A_3703 = arith.constant 40448 : index
    %get3A_3704 = vector.load %arg2[%get3A_3702, %get3A_3703] : memref<8x57344xf32, #tpu.memory_space<vmem>>, vector<8x512xf32>
    %get3A_3705 = arith.constant 0 : index
    %get3A_3706 = arith.constant 40448 : index
    %get3A_3707 = vector.load %arg3[%get3A_3705, %get3A_3706] : memref<8x57344xi32, #tpu.memory_space<vmem>>, vector<8x512xi32>
    %gt3A_3708 = arith.constant 0 : i32
    %gt3A_3709 = vector.broadcast %gt3A_3708 : i32 to vector<8x512xi32>
    %gt3A_3710 = arith.cmpi sgt, %get3A_3707, %gt3A_3709 : vector<8x512xi32>
    %abs3A_3711 = math.absf %get3A_3704 : vector<8x512xf32>
    %neg3A_3712 = arith.constant 0.000000e+00 : f32
    %neg3A_3713 = vector.broadcast %neg3A_3712 : f32 to vector<8x512xf32>
    %neg3A_3714 = arith.subf %neg3A_3713, %abs3A_3711 : vector<8x512xf32>
    %exp3A_3715 = math.exp %neg3A_3714 : vector<8x512xf32>
    %add3A_3716 = arith.constant 1.000000e+00 : f32
    %add3A_3717 = vector.broadcast %add3A_3716 : f32 to vector<8x512xf32>
    %add3A_3718 = arith.addf %add3A_3717, %exp3A_3715 : vector<8x512xf32>
    %div3A_3719 = arith.constant 1.000000e+00 : f32
    %div3A_3720 = vector.broadcast %div3A_3719 : f32 to vector<8x512xf32>
    %div3A_3721 = arith.divf %div3A_3720, %add3A_3718 : vector<8x512xf32>
    %max3A_3722 = arith.constant 0.000000e+00 : f32
    %max3A_3723 = vector.broadcast %max3A_3722 : f32 to vector<8x512xf32>
    %max3A_3724 = arith.maximumf %get3A_3704, %max3A_3723 : vector<8x512xf32>
    %log1p3A_3725 = math.log1p %exp3A_3715 : vector<8x512xf32>
    %add3A_3726 = arith.addf %max3A_3724, %log1p3A_3725 : vector<8x512xf32>
    %ge3A_3727 = arith.constant 0.000000e+00 : f32
    %ge3A_3728 = vector.broadcast %ge3A_3727 : f32 to vector<8x512xf32>
    %ge3A_3729 = arith.cmpf oge, %get3A_3704, %ge3A_3728 : vector<8x512xf32>
    %sub3A_3730 = arith.constant 1.000000e+00 : f32
    %sub3A_3731 = vector.broadcast %sub3A_3730 : f32 to vector<8x512xf32>
    %sub3A_3732 = arith.subf %sub3A_3731, %div3A_3721 : vector<8x512xf32>
    %select_n3A_3733 = arith.select %ge3A_3729, %div3A_3721, %sub3A_3732 : vector<8x512xi1>, vector<8x512xf32>
    %jit3A_3734 = arith.constant 0.000000e+00 : f32
    %broadcast_in_dim3A_3735 = vector.shape_cast %get3A_1 : vector<8x1xf32> to vector<8x1xf32>
    %broadcast_in_dim3A_3736 = vector.broadcast %broadcast_in_dim3A_3735 : vector<8x1xf32> to vector<8x512xf32>
    %broadcast_in_dim3A_3737 = vector.broadcast %jit3A_3734 : f32 to vector<8x512xf32>
    %select_n3A_3738 = arith.select %gt3A_3710, %broadcast_in_dim3A_3736, %broadcast_in_dim3A_3737 : vector<8x512xi1>, vector<8x512xf32>
    %sub3A_3739 = vector.broadcast %get3A_1 : vector<8x1xf32> to vector<8x512xf32>
    %sub3A_3740 = arith.subf %sub3A_3739, %select_n3A_3733 : vector<8x512xf32>
    %abs3A_3741 = math.absf %sub3A_3740 : vector<8x512xf32>
    %select_n3A_3742 = arith.select %gt3A_3710, %abs3A_3741, %select_n3A_3733 : vector<8x512xi1>, vector<8x512xf32>
    %mul3A_3743 = arith.mulf %get3A_3704, %select_n3A_3738 : vector<8x512xf32>
    %sub3A_3744 = arith.subf %add3A_3726, %mul3A_3743 : vector<8x512xf32>
    %sqrt3A_3745 = math.sqrt %select_n3A_3742 : vector<8x512xf32>
    %mul3A_3746 = arith.mulf %select_n3A_3742, %sqrt3A_3745 : vector<8x512xf32>
    %mul3A_3747 = arith.mulf %sub3A_3744, %mul3A_3746 : vector<8x512xf32>
    %add3A_3748 = arith.addf %add3A_3701, %mul3A_3747 : vector<8x512xf32>
    %get3A_3749 = arith.constant 0 : index
    %get3A_3750 = arith.constant 40960 : index
    %get3A_3751 = vector.load %arg2[%get3A_3749, %get3A_3750] : memref<8x57344xf32, #tpu.memory_space<vmem>>, vector<8x512xf32>
    %get3A_3752 = arith.constant 0 : index
    %get3A_3753 = arith.constant 40960 : index
    %get3A_3754 = vector.load %arg3[%get3A_3752, %get3A_3753] : memref<8x57344xi32, #tpu.memory_space<vmem>>, vector<8x512xi32>
    %gt3A_3755 = arith.constant 0 : i32
    %gt3A_3756 = vector.broadcast %gt3A_3755 : i32 to vector<8x512xi32>
    %gt3A_3757 = arith.cmpi sgt, %get3A_3754, %gt3A_3756 : vector<8x512xi32>
    %abs3A_3758 = math.absf %get3A_3751 : vector<8x512xf32>
    %neg3A_3759 = arith.constant 0.000000e+00 : f32
    %neg3A_3760 = vector.broadcast %neg3A_3759 : f32 to vector<8x512xf32>
    %neg3A_3761 = arith.subf %neg3A_3760, %abs3A_3758 : vector<8x512xf32>
    %exp3A_3762 = math.exp %neg3A_3761 : vector<8x512xf32>
    %add3A_3763 = arith.constant 1.000000e+00 : f32
    %add3A_3764 = vector.broadcast %add3A_3763 : f32 to vector<8x512xf32>
    %add3A_3765 = arith.addf %add3A_3764, %exp3A_3762 : vector<8x512xf32>
    %div3A_3766 = arith.constant 1.000000e+00 : f32
    %div3A_3767 = vector.broadcast %div3A_3766 : f32 to vector<8x512xf32>
    %div3A_3768 = arith.divf %div3A_3767, %add3A_3765 : vector<8x512xf32>
    %max3A_3769 = arith.constant 0.000000e+00 : f32
    %max3A_3770 = vector.broadcast %max3A_3769 : f32 to vector<8x512xf32>
    %max3A_3771 = arith.maximumf %get3A_3751, %max3A_3770 : vector<8x512xf32>
    %log1p3A_3772 = math.log1p %exp3A_3762 : vector<8x512xf32>
    %add3A_3773 = arith.addf %max3A_3771, %log1p3A_3772 : vector<8x512xf32>
    %ge3A_3774 = arith.constant 0.000000e+00 : f32
    %ge3A_3775 = vector.broadcast %ge3A_3774 : f32 to vector<8x512xf32>
    %ge3A_3776 = arith.cmpf oge, %get3A_3751, %ge3A_3775 : vector<8x512xf32>
    %sub3A_3777 = arith.constant 1.000000e+00 : f32
    %sub3A_3778 = vector.broadcast %sub3A_3777 : f32 to vector<8x512xf32>
    %sub3A_3779 = arith.subf %sub3A_3778, %div3A_3768 : vector<8x512xf32>
    %select_n3A_3780 = arith.select %ge3A_3776, %div3A_3768, %sub3A_3779 : vector<8x512xi1>, vector<8x512xf32>
    %jit3A_3781 = arith.constant 0.000000e+00 : f32
    %broadcast_in_dim3A_3782 = vector.shape_cast %get3A_1 : vector<8x1xf32> to vector<8x1xf32>
    %broadcast_in_dim3A_3783 = vector.broadcast %broadcast_in_dim3A_3782 : vector<8x1xf32> to vector<8x512xf32>
    %broadcast_in_dim3A_3784 = vector.broadcast %jit3A_3781 : f32 to vector<8x512xf32>
    %select_n3A_3785 = arith.select %gt3A_3757, %broadcast_in_dim3A_3783, %broadcast_in_dim3A_3784 : vector<8x512xi1>, vector<8x512xf32>
    %sub3A_3786 = vector.broadcast %get3A_1 : vector<8x1xf32> to vector<8x512xf32>
    %sub3A_3787 = arith.subf %sub3A_3786, %select_n3A_3780 : vector<8x512xf32>
    %abs3A_3788 = math.absf %sub3A_3787 : vector<8x512xf32>
    %select_n3A_3789 = arith.select %gt3A_3757, %abs3A_3788, %select_n3A_3780 : vector<8x512xi1>, vector<8x512xf32>
    %mul3A_3790 = arith.mulf %get3A_3751, %select_n3A_3785 : vector<8x512xf32>
    %sub3A_3791 = arith.subf %add3A_3773, %mul3A_3790 : vector<8x512xf32>
    %sqrt3A_3792 = math.sqrt %select_n3A_3789 : vector<8x512xf32>
    %mul3A_3793 = arith.mulf %select_n3A_3789, %sqrt3A_3792 : vector<8x512xf32>
    %mul3A_3794 = arith.mulf %sub3A_3791, %mul3A_3793 : vector<8x512xf32>
    %add3A_3795 = arith.addf %add3A_3748, %mul3A_3794 : vector<8x512xf32>
    %get3A_3796 = arith.constant 0 : index
    %get3A_3797 = arith.constant 41472 : index
    %get3A_3798 = vector.load %arg2[%get3A_3796, %get3A_3797] : memref<8x57344xf32, #tpu.memory_space<vmem>>, vector<8x512xf32>
    %get3A_3799 = arith.constant 0 : index
    %get3A_3800 = arith.constant 41472 : index
    %get3A_3801 = vector.load %arg3[%get3A_3799, %get3A_3800] : memref<8x57344xi32, #tpu.memory_space<vmem>>, vector<8x512xi32>
    %gt3A_3802 = arith.constant 0 : i32
    %gt3A_3803 = vector.broadcast %gt3A_3802 : i32 to vector<8x512xi32>
    %gt3A_3804 = arith.cmpi sgt, %get3A_3801, %gt3A_3803 : vector<8x512xi32>
    %abs3A_3805 = math.absf %get3A_3798 : vector<8x512xf32>
    %neg3A_3806 = arith.constant 0.000000e+00 : f32
    %neg3A_3807 = vector.broadcast %neg3A_3806 : f32 to vector<8x512xf32>
    %neg3A_3808 = arith.subf %neg3A_3807, %abs3A_3805 : vector<8x512xf32>
    %exp3A_3809 = math.exp %neg3A_3808 : vector<8x512xf32>
    %add3A_3810 = arith.constant 1.000000e+00 : f32
    %add3A_3811 = vector.broadcast %add3A_3810 : f32 to vector<8x512xf32>
    %add3A_3812 = arith.addf %add3A_3811, %exp3A_3809 : vector<8x512xf32>
    %div3A_3813 = arith.constant 1.000000e+00 : f32
    %div3A_3814 = vector.broadcast %div3A_3813 : f32 to vector<8x512xf32>
    %div3A_3815 = arith.divf %div3A_3814, %add3A_3812 : vector<8x512xf32>
    %max3A_3816 = arith.constant 0.000000e+00 : f32
    %max3A_3817 = vector.broadcast %max3A_3816 : f32 to vector<8x512xf32>
    %max3A_3818 = arith.maximumf %get3A_3798, %max3A_3817 : vector<8x512xf32>
    %log1p3A_3819 = math.log1p %exp3A_3809 : vector<8x512xf32>
    %add3A_3820 = arith.addf %max3A_3818, %log1p3A_3819 : vector<8x512xf32>
    %ge3A_3821 = arith.constant 0.000000e+00 : f32
    %ge3A_3822 = vector.broadcast %ge3A_3821 : f32 to vector<8x512xf32>
    %ge3A_3823 = arith.cmpf oge, %get3A_3798, %ge3A_3822 : vector<8x512xf32>
    %sub3A_3824 = arith.constant 1.000000e+00 : f32
    %sub3A_3825 = vector.broadcast %sub3A_3824 : f32 to vector<8x512xf32>
    %sub3A_3826 = arith.subf %sub3A_3825, %div3A_3815 : vector<8x512xf32>
    %select_n3A_3827 = arith.select %ge3A_3823, %div3A_3815, %sub3A_3826 : vector<8x512xi1>, vector<8x512xf32>
    %jit3A_3828 = arith.constant 0.000000e+00 : f32
    %broadcast_in_dim3A_3829 = vector.shape_cast %get3A_1 : vector<8x1xf32> to vector<8x1xf32>
    %broadcast_in_dim3A_3830 = vector.broadcast %broadcast_in_dim3A_3829 : vector<8x1xf32> to vector<8x512xf32>
    %broadcast_in_dim3A_3831 = vector.broadcast %jit3A_3828 : f32 to vector<8x512xf32>
    %select_n3A_3832 = arith.select %gt3A_3804, %broadcast_in_dim3A_3830, %broadcast_in_dim3A_3831 : vector<8x512xi1>, vector<8x512xf32>
    %sub3A_3833 = vector.broadcast %get3A_1 : vector<8x1xf32> to vector<8x512xf32>
    %sub3A_3834 = arith.subf %sub3A_3833, %select_n3A_3827 : vector<8x512xf32>
    %abs3A_3835 = math.absf %sub3A_3834 : vector<8x512xf32>
    %select_n3A_3836 = arith.select %gt3A_3804, %abs3A_3835, %select_n3A_3827 : vector<8x512xi1>, vector<8x512xf32>
    %mul3A_3837 = arith.mulf %get3A_3798, %select_n3A_3832 : vector<8x512xf32>
    %sub3A_3838 = arith.subf %add3A_3820, %mul3A_3837 : vector<8x512xf32>
    %sqrt3A_3839 = math.sqrt %select_n3A_3836 : vector<8x512xf32>
    %mul3A_3840 = arith.mulf %select_n3A_3836, %sqrt3A_3839 : vector<8x512xf32>
    %mul3A_3841 = arith.mulf %sub3A_3838, %mul3A_3840 : vector<8x512xf32>
    %add3A_3842 = arith.addf %add3A_3795, %mul3A_3841 : vector<8x512xf32>
    %get3A_3843 = arith.constant 0 : index
    %get3A_3844 = arith.constant 41984 : index
    %get3A_3845 = vector.load %arg2[%get3A_3843, %get3A_3844] : memref<8x57344xf32, #tpu.memory_space<vmem>>, vector<8x512xf32>
    %get3A_3846 = arith.constant 0 : index
    %get3A_3847 = arith.constant 41984 : index
    %get3A_3848 = vector.load %arg3[%get3A_3846, %get3A_3847] : memref<8x57344xi32, #tpu.memory_space<vmem>>, vector<8x512xi32>
    %gt3A_3849 = arith.constant 0 : i32
    %gt3A_3850 = vector.broadcast %gt3A_3849 : i32 to vector<8x512xi32>
    %gt3A_3851 = arith.cmpi sgt, %get3A_3848, %gt3A_3850 : vector<8x512xi32>
    %abs3A_3852 = math.absf %get3A_3845 : vector<8x512xf32>
    %neg3A_3853 = arith.constant 0.000000e+00 : f32
    %neg3A_3854 = vector.broadcast %neg3A_3853 : f32 to vector<8x512xf32>
    %neg3A_3855 = arith.subf %neg3A_3854, %abs3A_3852 : vector<8x512xf32>
    %exp3A_3856 = math.exp %neg3A_3855 : vector<8x512xf32>
    %add3A_3857 = arith.constant 1.000000e+00 : f32
    %add3A_3858 = vector.broadcast %add3A_3857 : f32 to vector<8x512xf32>
    %add3A_3859 = arith.addf %add3A_3858, %exp3A_3856 : vector<8x512xf32>
    %div3A_3860 = arith.constant 1.000000e+00 : f32
    %div3A_3861 = vector.broadcast %div3A_3860 : f32 to vector<8x512xf32>
    %div3A_3862 = arith.divf %div3A_3861, %add3A_3859 : vector<8x512xf32>
    %max3A_3863 = arith.constant 0.000000e+00 : f32
    %max3A_3864 = vector.broadcast %max3A_3863 : f32 to vector<8x512xf32>
    %max3A_3865 = arith.maximumf %get3A_3845, %max3A_3864 : vector<8x512xf32>
    %log1p3A_3866 = math.log1p %exp3A_3856 : vector<8x512xf32>
    %add3A_3867 = arith.addf %max3A_3865, %log1p3A_3866 : vector<8x512xf32>
    %ge3A_3868 = arith.constant 0.000000e+00 : f32
    %ge3A_3869 = vector.broadcast %ge3A_3868 : f32 to vector<8x512xf32>
    %ge3A_3870 = arith.cmpf oge, %get3A_3845, %ge3A_3869 : vector<8x512xf32>
    %sub3A_3871 = arith.constant 1.000000e+00 : f32
    %sub3A_3872 = vector.broadcast %sub3A_3871 : f32 to vector<8x512xf32>
    %sub3A_3873 = arith.subf %sub3A_3872, %div3A_3862 : vector<8x512xf32>
    %select_n3A_3874 = arith.select %ge3A_3870, %div3A_3862, %sub3A_3873 : vector<8x512xi1>, vector<8x512xf32>
    %jit3A_3875 = arith.constant 0.000000e+00 : f32
    %broadcast_in_dim3A_3876 = vector.shape_cast %get3A_1 : vector<8x1xf32> to vector<8x1xf32>
    %broadcast_in_dim3A_3877 = vector.broadcast %broadcast_in_dim3A_3876 : vector<8x1xf32> to vector<8x512xf32>
    %broadcast_in_dim3A_3878 = vector.broadcast %jit3A_3875 : f32 to vector<8x512xf32>
    %select_n3A_3879 = arith.select %gt3A_3851, %broadcast_in_dim3A_3877, %broadcast_in_dim3A_3878 : vector<8x512xi1>, vector<8x512xf32>
    %sub3A_3880 = vector.broadcast %get3A_1 : vector<8x1xf32> to vector<8x512xf32>
    %sub3A_3881 = arith.subf %sub3A_3880, %select_n3A_3874 : vector<8x512xf32>
    %abs3A_3882 = math.absf %sub3A_3881 : vector<8x512xf32>
    %select_n3A_3883 = arith.select %gt3A_3851, %abs3A_3882, %select_n3A_3874 : vector<8x512xi1>, vector<8x512xf32>
    %mul3A_3884 = arith.mulf %get3A_3845, %select_n3A_3879 : vector<8x512xf32>
    %sub3A_3885 = arith.subf %add3A_3867, %mul3A_3884 : vector<8x512xf32>
    %sqrt3A_3886 = math.sqrt %select_n3A_3883 : vector<8x512xf32>
    %mul3A_3887 = arith.mulf %select_n3A_3883, %sqrt3A_3886 : vector<8x512xf32>
    %mul3A_3888 = arith.mulf %sub3A_3885, %mul3A_3887 : vector<8x512xf32>
    %add3A_3889 = arith.addf %add3A_3842, %mul3A_3888 : vector<8x512xf32>
    %get3A_3890 = arith.constant 0 : index
    %get3A_3891 = arith.constant 42496 : index
    %get3A_3892 = vector.load %arg2[%get3A_3890, %get3A_3891] : memref<8x57344xf32, #tpu.memory_space<vmem>>, vector<8x512xf32>
    %get3A_3893 = arith.constant 0 : index
    %get3A_3894 = arith.constant 42496 : index
    %get3A_3895 = vector.load %arg3[%get3A_3893, %get3A_3894] : memref<8x57344xi32, #tpu.memory_space<vmem>>, vector<8x512xi32>
    %gt3A_3896 = arith.constant 0 : i32
    %gt3A_3897 = vector.broadcast %gt3A_3896 : i32 to vector<8x512xi32>
    %gt3A_3898 = arith.cmpi sgt, %get3A_3895, %gt3A_3897 : vector<8x512xi32>
    %abs3A_3899 = math.absf %get3A_3892 : vector<8x512xf32>
    %neg3A_3900 = arith.constant 0.000000e+00 : f32
    %neg3A_3901 = vector.broadcast %neg3A_3900 : f32 to vector<8x512xf32>
    %neg3A_3902 = arith.subf %neg3A_3901, %abs3A_3899 : vector<8x512xf32>
    %exp3A_3903 = math.exp %neg3A_3902 : vector<8x512xf32>
    %add3A_3904 = arith.constant 1.000000e+00 : f32
    %add3A_3905 = vector.broadcast %add3A_3904 : f32 to vector<8x512xf32>
    %add3A_3906 = arith.addf %add3A_3905, %exp3A_3903 : vector<8x512xf32>
    %div3A_3907 = arith.constant 1.000000e+00 : f32
    %div3A_3908 = vector.broadcast %div3A_3907 : f32 to vector<8x512xf32>
    %div3A_3909 = arith.divf %div3A_3908, %add3A_3906 : vector<8x512xf32>
    %max3A_3910 = arith.constant 0.000000e+00 : f32
    %max3A_3911 = vector.broadcast %max3A_3910 : f32 to vector<8x512xf32>
    %max3A_3912 = arith.maximumf %get3A_3892, %max3A_3911 : vector<8x512xf32>
    %log1p3A_3913 = math.log1p %exp3A_3903 : vector<8x512xf32>
    %add3A_3914 = arith.addf %max3A_3912, %log1p3A_3913 : vector<8x512xf32>
    %ge3A_3915 = arith.constant 0.000000e+00 : f32
    %ge3A_3916 = vector.broadcast %ge3A_3915 : f32 to vector<8x512xf32>
    %ge3A_3917 = arith.cmpf oge, %get3A_3892, %ge3A_3916 : vector<8x512xf32>
    %sub3A_3918 = arith.constant 1.000000e+00 : f32
    %sub3A_3919 = vector.broadcast %sub3A_3918 : f32 to vector<8x512xf32>
    %sub3A_3920 = arith.subf %sub3A_3919, %div3A_3909 : vector<8x512xf32>
    %select_n3A_3921 = arith.select %ge3A_3917, %div3A_3909, %sub3A_3920 : vector<8x512xi1>, vector<8x512xf32>
    %jit3A_3922 = arith.constant 0.000000e+00 : f32
    %broadcast_in_dim3A_3923 = vector.shape_cast %get3A_1 : vector<8x1xf32> to vector<8x1xf32>
    %broadcast_in_dim3A_3924 = vector.broadcast %broadcast_in_dim3A_3923 : vector<8x1xf32> to vector<8x512xf32>
    %broadcast_in_dim3A_3925 = vector.broadcast %jit3A_3922 : f32 to vector<8x512xf32>
    %select_n3A_3926 = arith.select %gt3A_3898, %broadcast_in_dim3A_3924, %broadcast_in_dim3A_3925 : vector<8x512xi1>, vector<8x512xf32>
    %sub3A_3927 = vector.broadcast %get3A_1 : vector<8x1xf32> to vector<8x512xf32>
    %sub3A_3928 = arith.subf %sub3A_3927, %select_n3A_3921 : vector<8x512xf32>
    %abs3A_3929 = math.absf %sub3A_3928 : vector<8x512xf32>
    %select_n3A_3930 = arith.select %gt3A_3898, %abs3A_3929, %select_n3A_3921 : vector<8x512xi1>, vector<8x512xf32>
    %mul3A_3931 = arith.mulf %get3A_3892, %select_n3A_3926 : vector<8x512xf32>
    %sub3A_3932 = arith.subf %add3A_3914, %mul3A_3931 : vector<8x512xf32>
    %sqrt3A_3933 = math.sqrt %select_n3A_3930 : vector<8x512xf32>
    %mul3A_3934 = arith.mulf %select_n3A_3930, %sqrt3A_3933 : vector<8x512xf32>
    %mul3A_3935 = arith.mulf %sub3A_3932, %mul3A_3934 : vector<8x512xf32>
    %add3A_3936 = arith.addf %add3A_3889, %mul3A_3935 : vector<8x512xf32>
    %get3A_3937 = arith.constant 0 : index
    %get3A_3938 = arith.constant 43008 : index
    %get3A_3939 = vector.load %arg2[%get3A_3937, %get3A_3938] : memref<8x57344xf32, #tpu.memory_space<vmem>>, vector<8x512xf32>
    %get3A_3940 = arith.constant 0 : index
    %get3A_3941 = arith.constant 43008 : index
    %get3A_3942 = vector.load %arg3[%get3A_3940, %get3A_3941] : memref<8x57344xi32, #tpu.memory_space<vmem>>, vector<8x512xi32>
    %gt3A_3943 = arith.constant 0 : i32
    %gt3A_3944 = vector.broadcast %gt3A_3943 : i32 to vector<8x512xi32>
    %gt3A_3945 = arith.cmpi sgt, %get3A_3942, %gt3A_3944 : vector<8x512xi32>
    %abs3A_3946 = math.absf %get3A_3939 : vector<8x512xf32>
    %neg3A_3947 = arith.constant 0.000000e+00 : f32
    %neg3A_3948 = vector.broadcast %neg3A_3947 : f32 to vector<8x512xf32>
    %neg3A_3949 = arith.subf %neg3A_3948, %abs3A_3946 : vector<8x512xf32>
    %exp3A_3950 = math.exp %neg3A_3949 : vector<8x512xf32>
    %add3A_3951 = arith.constant 1.000000e+00 : f32
    %add3A_3952 = vector.broadcast %add3A_3951 : f32 to vector<8x512xf32>
    %add3A_3953 = arith.addf %add3A_3952, %exp3A_3950 : vector<8x512xf32>
    %div3A_3954 = arith.constant 1.000000e+00 : f32
    %div3A_3955 = vector.broadcast %div3A_3954 : f32 to vector<8x512xf32>
    %div3A_3956 = arith.divf %div3A_3955, %add3A_3953 : vector<8x512xf32>
    %max3A_3957 = arith.constant 0.000000e+00 : f32
    %max3A_3958 = vector.broadcast %max3A_3957 : f32 to vector<8x512xf32>
    %max3A_3959 = arith.maximumf %get3A_3939, %max3A_3958 : vector<8x512xf32>
    %log1p3A_3960 = math.log1p %exp3A_3950 : vector<8x512xf32>
    %add3A_3961 = arith.addf %max3A_3959, %log1p3A_3960 : vector<8x512xf32>
    %ge3A_3962 = arith.constant 0.000000e+00 : f32
    %ge3A_3963 = vector.broadcast %ge3A_3962 : f32 to vector<8x512xf32>
    %ge3A_3964 = arith.cmpf oge, %get3A_3939, %ge3A_3963 : vector<8x512xf32>
    %sub3A_3965 = arith.constant 1.000000e+00 : f32
    %sub3A_3966 = vector.broadcast %sub3A_3965 : f32 to vector<8x512xf32>
    %sub3A_3967 = arith.subf %sub3A_3966, %div3A_3956 : vector<8x512xf32>
    %select_n3A_3968 = arith.select %ge3A_3964, %div3A_3956, %sub3A_3967 : vector<8x512xi1>, vector<8x512xf32>
    %jit3A_3969 = arith.constant 0.000000e+00 : f32
    %broadcast_in_dim3A_3970 = vector.shape_cast %get3A_1 : vector<8x1xf32> to vector<8x1xf32>
    %broadcast_in_dim3A_3971 = vector.broadcast %broadcast_in_dim3A_3970 : vector<8x1xf32> to vector<8x512xf32>
    %broadcast_in_dim3A_3972 = vector.broadcast %jit3A_3969 : f32 to vector<8x512xf32>
    %select_n3A_3973 = arith.select %gt3A_3945, %broadcast_in_dim3A_3971, %broadcast_in_dim3A_3972 : vector<8x512xi1>, vector<8x512xf32>
    %sub3A_3974 = vector.broadcast %get3A_1 : vector<8x1xf32> to vector<8x512xf32>
    %sub3A_3975 = arith.subf %sub3A_3974, %select_n3A_3968 : vector<8x512xf32>
    %abs3A_3976 = math.absf %sub3A_3975 : vector<8x512xf32>
    %select_n3A_3977 = arith.select %gt3A_3945, %abs3A_3976, %select_n3A_3968 : vector<8x512xi1>, vector<8x512xf32>
    %mul3A_3978 = arith.mulf %get3A_3939, %select_n3A_3973 : vector<8x512xf32>
    %sub3A_3979 = arith.subf %add3A_3961, %mul3A_3978 : vector<8x512xf32>
    %sqrt3A_3980 = math.sqrt %select_n3A_3977 : vector<8x512xf32>
    %mul3A_3981 = arith.mulf %select_n3A_3977, %sqrt3A_3980 : vector<8x512xf32>
    %mul3A_3982 = arith.mulf %sub3A_3979, %mul3A_3981 : vector<8x512xf32>
    %add3A_3983 = arith.addf %add3A_3936, %mul3A_3982 : vector<8x512xf32>
    %get3A_3984 = arith.constant 0 : index
    %get3A_3985 = arith.constant 43520 : index
    %get3A_3986 = vector.load %arg2[%get3A_3984, %get3A_3985] : memref<8x57344xf32, #tpu.memory_space<vmem>>, vector<8x512xf32>
    %get3A_3987 = arith.constant 0 : index
    %get3A_3988 = arith.constant 43520 : index
    %get3A_3989 = vector.load %arg3[%get3A_3987, %get3A_3988] : memref<8x57344xi32, #tpu.memory_space<vmem>>, vector<8x512xi32>
    %gt3A_3990 = arith.constant 0 : i32
    %gt3A_3991 = vector.broadcast %gt3A_3990 : i32 to vector<8x512xi32>
    %gt3A_3992 = arith.cmpi sgt, %get3A_3989, %gt3A_3991 : vector<8x512xi32>
    %abs3A_3993 = math.absf %get3A_3986 : vector<8x512xf32>
    %neg3A_3994 = arith.constant 0.000000e+00 : f32
    %neg3A_3995 = vector.broadcast %neg3A_3994 : f32 to vector<8x512xf32>
    %neg3A_3996 = arith.subf %neg3A_3995, %abs3A_3993 : vector<8x512xf32>
    %exp3A_3997 = math.exp %neg3A_3996 : vector<8x512xf32>
    %add3A_3998 = arith.constant 1.000000e+00 : f32
    %add3A_3999 = vector.broadcast %add3A_3998 : f32 to vector<8x512xf32>
    %add3A_4000 = arith.addf %add3A_3999, %exp3A_3997 : vector<8x512xf32>
    %div3A_4001 = arith.constant 1.000000e+00 : f32
    %div3A_4002 = vector.broadcast %div3A_4001 : f32 to vector<8x512xf32>
    %div3A_4003 = arith.divf %div3A_4002, %add3A_4000 : vector<8x512xf32>
    %max3A_4004 = arith.constant 0.000000e+00 : f32
    %max3A_4005 = vector.broadcast %max3A_4004 : f32 to vector<8x512xf32>
    %max3A_4006 = arith.maximumf %get3A_3986, %max3A_4005 : vector<8x512xf32>
    %log1p3A_4007 = math.log1p %exp3A_3997 : vector<8x512xf32>
    %add3A_4008 = arith.addf %max3A_4006, %log1p3A_4007 : vector<8x512xf32>
    %ge3A_4009 = arith.constant 0.000000e+00 : f32
    %ge3A_4010 = vector.broadcast %ge3A_4009 : f32 to vector<8x512xf32>
    %ge3A_4011 = arith.cmpf oge, %get3A_3986, %ge3A_4010 : vector<8x512xf32>
    %sub3A_4012 = arith.constant 1.000000e+00 : f32
    %sub3A_4013 = vector.broadcast %sub3A_4012 : f32 to vector<8x512xf32>
    %sub3A_4014 = arith.subf %sub3A_4013, %div3A_4003 : vector<8x512xf32>
    %select_n3A_4015 = arith.select %ge3A_4011, %div3A_4003, %sub3A_4014 : vector<8x512xi1>, vector<8x512xf32>
    %jit3A_4016 = arith.constant 0.000000e+00 : f32
    %broadcast_in_dim3A_4017 = vector.shape_cast %get3A_1 : vector<8x1xf32> to vector<8x1xf32>
    %broadcast_in_dim3A_4018 = vector.broadcast %broadcast_in_dim3A_4017 : vector<8x1xf32> to vector<8x512xf32>
    %broadcast_in_dim3A_4019 = vector.broadcast %jit3A_4016 : f32 to vector<8x512xf32>
    %select_n3A_4020 = arith.select %gt3A_3992, %broadcast_in_dim3A_4018, %broadcast_in_dim3A_4019 : vector<8x512xi1>, vector<8x512xf32>
    %sub3A_4021 = vector.broadcast %get3A_1 : vector<8x1xf32> to vector<8x512xf32>
    %sub3A_4022 = arith.subf %sub3A_4021, %select_n3A_4015 : vector<8x512xf32>
    %abs3A_4023 = math.absf %sub3A_4022 : vector<8x512xf32>
    %select_n3A_4024 = arith.select %gt3A_3992, %abs3A_4023, %select_n3A_4015 : vector<8x512xi1>, vector<8x512xf32>
    %mul3A_4025 = arith.mulf %get3A_3986, %select_n3A_4020 : vector<8x512xf32>
    %sub3A_4026 = arith.subf %add3A_4008, %mul3A_4025 : vector<8x512xf32>
    %sqrt3A_4027 = math.sqrt %select_n3A_4024 : vector<8x512xf32>
    %mul3A_4028 = arith.mulf %select_n3A_4024, %sqrt3A_4027 : vector<8x512xf32>
    %mul3A_4029 = arith.mulf %sub3A_4026, %mul3A_4028 : vector<8x512xf32>
    %add3A_4030 = arith.addf %add3A_3983, %mul3A_4029 : vector<8x512xf32>
    %get3A_4031 = arith.constant 0 : index
    %get3A_4032 = arith.constant 44032 : index
    %get3A_4033 = vector.load %arg2[%get3A_4031, %get3A_4032] : memref<8x57344xf32, #tpu.memory_space<vmem>>, vector<8x512xf32>
    %get3A_4034 = arith.constant 0 : index
    %get3A_4035 = arith.constant 44032 : index
    %get3A_4036 = vector.load %arg3[%get3A_4034, %get3A_4035] : memref<8x57344xi32, #tpu.memory_space<vmem>>, vector<8x512xi32>
    %gt3A_4037 = arith.constant 0 : i32
    %gt3A_4038 = vector.broadcast %gt3A_4037 : i32 to vector<8x512xi32>
    %gt3A_4039 = arith.cmpi sgt, %get3A_4036, %gt3A_4038 : vector<8x512xi32>
    %abs3A_4040 = math.absf %get3A_4033 : vector<8x512xf32>
    %neg3A_4041 = arith.constant 0.000000e+00 : f32
    %neg3A_4042 = vector.broadcast %neg3A_4041 : f32 to vector<8x512xf32>
    %neg3A_4043 = arith.subf %neg3A_4042, %abs3A_4040 : vector<8x512xf32>
    %exp3A_4044 = math.exp %neg3A_4043 : vector<8x512xf32>
    %add3A_4045 = arith.constant 1.000000e+00 : f32
    %add3A_4046 = vector.broadcast %add3A_4045 : f32 to vector<8x512xf32>
    %add3A_4047 = arith.addf %add3A_4046, %exp3A_4044 : vector<8x512xf32>
    %div3A_4048 = arith.constant 1.000000e+00 : f32
    %div3A_4049 = vector.broadcast %div3A_4048 : f32 to vector<8x512xf32>
    %div3A_4050 = arith.divf %div3A_4049, %add3A_4047 : vector<8x512xf32>
    %max3A_4051 = arith.constant 0.000000e+00 : f32
    %max3A_4052 = vector.broadcast %max3A_4051 : f32 to vector<8x512xf32>
    %max3A_4053 = arith.maximumf %get3A_4033, %max3A_4052 : vector<8x512xf32>
    %log1p3A_4054 = math.log1p %exp3A_4044 : vector<8x512xf32>
    %add3A_4055 = arith.addf %max3A_4053, %log1p3A_4054 : vector<8x512xf32>
    %ge3A_4056 = arith.constant 0.000000e+00 : f32
    %ge3A_4057 = vector.broadcast %ge3A_4056 : f32 to vector<8x512xf32>
    %ge3A_4058 = arith.cmpf oge, %get3A_4033, %ge3A_4057 : vector<8x512xf32>
    %sub3A_4059 = arith.constant 1.000000e+00 : f32
    %sub3A_4060 = vector.broadcast %sub3A_4059 : f32 to vector<8x512xf32>
    %sub3A_4061 = arith.subf %sub3A_4060, %div3A_4050 : vector<8x512xf32>
    %select_n3A_4062 = arith.select %ge3A_4058, %div3A_4050, %sub3A_4061 : vector<8x512xi1>, vector<8x512xf32>
    %jit3A_4063 = arith.constant 0.000000e+00 : f32
    %broadcast_in_dim3A_4064 = vector.shape_cast %get3A_1 : vector<8x1xf32> to vector<8x1xf32>
    %broadcast_in_dim3A_4065 = vector.broadcast %broadcast_in_dim3A_4064 : vector<8x1xf32> to vector<8x512xf32>
    %broadcast_in_dim3A_4066 = vector.broadcast %jit3A_4063 : f32 to vector<8x512xf32>
    %select_n3A_4067 = arith.select %gt3A_4039, %broadcast_in_dim3A_4065, %broadcast_in_dim3A_4066 : vector<8x512xi1>, vector<8x512xf32>
    %sub3A_4068 = vector.broadcast %get3A_1 : vector<8x1xf32> to vector<8x512xf32>
    %sub3A_4069 = arith.subf %sub3A_4068, %select_n3A_4062 : vector<8x512xf32>
    %abs3A_4070 = math.absf %sub3A_4069 : vector<8x512xf32>
    %select_n3A_4071 = arith.select %gt3A_4039, %abs3A_4070, %select_n3A_4062 : vector<8x512xi1>, vector<8x512xf32>
    %mul3A_4072 = arith.mulf %get3A_4033, %select_n3A_4067 : vector<8x512xf32>
    %sub3A_4073 = arith.subf %add3A_4055, %mul3A_4072 : vector<8x512xf32>
    %sqrt3A_4074 = math.sqrt %select_n3A_4071 : vector<8x512xf32>
    %mul3A_4075 = arith.mulf %select_n3A_4071, %sqrt3A_4074 : vector<8x512xf32>
    %mul3A_4076 = arith.mulf %sub3A_4073, %mul3A_4075 : vector<8x512xf32>
    %add3A_4077 = arith.addf %add3A_4030, %mul3A_4076 : vector<8x512xf32>
    %get3A_4078 = arith.constant 0 : index
    %get3A_4079 = arith.constant 44544 : index
    %get3A_4080 = vector.load %arg2[%get3A_4078, %get3A_4079] : memref<8x57344xf32, #tpu.memory_space<vmem>>, vector<8x512xf32>
    %get3A_4081 = arith.constant 0 : index
    %get3A_4082 = arith.constant 44544 : index
    %get3A_4083 = vector.load %arg3[%get3A_4081, %get3A_4082] : memref<8x57344xi32, #tpu.memory_space<vmem>>, vector<8x512xi32>
    %gt3A_4084 = arith.constant 0 : i32
    %gt3A_4085 = vector.broadcast %gt3A_4084 : i32 to vector<8x512xi32>
    %gt3A_4086 = arith.cmpi sgt, %get3A_4083, %gt3A_4085 : vector<8x512xi32>
    %abs3A_4087 = math.absf %get3A_4080 : vector<8x512xf32>
    %neg3A_4088 = arith.constant 0.000000e+00 : f32
    %neg3A_4089 = vector.broadcast %neg3A_4088 : f32 to vector<8x512xf32>
    %neg3A_4090 = arith.subf %neg3A_4089, %abs3A_4087 : vector<8x512xf32>
    %exp3A_4091 = math.exp %neg3A_4090 : vector<8x512xf32>
    %add3A_4092 = arith.constant 1.000000e+00 : f32
    %add3A_4093 = vector.broadcast %add3A_4092 : f32 to vector<8x512xf32>
    %add3A_4094 = arith.addf %add3A_4093, %exp3A_4091 : vector<8x512xf32>
    %div3A_4095 = arith.constant 1.000000e+00 : f32
    %div3A_4096 = vector.broadcast %div3A_4095 : f32 to vector<8x512xf32>
    %div3A_4097 = arith.divf %div3A_4096, %add3A_4094 : vector<8x512xf32>
    %max3A_4098 = arith.constant 0.000000e+00 : f32
    %max3A_4099 = vector.broadcast %max3A_4098 : f32 to vector<8x512xf32>
    %max3A_4100 = arith.maximumf %get3A_4080, %max3A_4099 : vector<8x512xf32>
    %log1p3A_4101 = math.log1p %exp3A_4091 : vector<8x512xf32>
    %add3A_4102 = arith.addf %max3A_4100, %log1p3A_4101 : vector<8x512xf32>
    %ge3A_4103 = arith.constant 0.000000e+00 : f32
    %ge3A_4104 = vector.broadcast %ge3A_4103 : f32 to vector<8x512xf32>
    %ge3A_4105 = arith.cmpf oge, %get3A_4080, %ge3A_4104 : vector<8x512xf32>
    %sub3A_4106 = arith.constant 1.000000e+00 : f32
    %sub3A_4107 = vector.broadcast %sub3A_4106 : f32 to vector<8x512xf32>
    %sub3A_4108 = arith.subf %sub3A_4107, %div3A_4097 : vector<8x512xf32>
    %select_n3A_4109 = arith.select %ge3A_4105, %div3A_4097, %sub3A_4108 : vector<8x512xi1>, vector<8x512xf32>
    %jit3A_4110 = arith.constant 0.000000e+00 : f32
    %broadcast_in_dim3A_4111 = vector.shape_cast %get3A_1 : vector<8x1xf32> to vector<8x1xf32>
    %broadcast_in_dim3A_4112 = vector.broadcast %broadcast_in_dim3A_4111 : vector<8x1xf32> to vector<8x512xf32>
    %broadcast_in_dim3A_4113 = vector.broadcast %jit3A_4110 : f32 to vector<8x512xf32>
    %select_n3A_4114 = arith.select %gt3A_4086, %broadcast_in_dim3A_4112, %broadcast_in_dim3A_4113 : vector<8x512xi1>, vector<8x512xf32>
    %sub3A_4115 = vector.broadcast %get3A_1 : vector<8x1xf32> to vector<8x512xf32>
    %sub3A_4116 = arith.subf %sub3A_4115, %select_n3A_4109 : vector<8x512xf32>
    %abs3A_4117 = math.absf %sub3A_4116 : vector<8x512xf32>
    %select_n3A_4118 = arith.select %gt3A_4086, %abs3A_4117, %select_n3A_4109 : vector<8x512xi1>, vector<8x512xf32>
    %mul3A_4119 = arith.mulf %get3A_4080, %select_n3A_4114 : vector<8x512xf32>
    %sub3A_4120 = arith.subf %add3A_4102, %mul3A_4119 : vector<8x512xf32>
    %sqrt3A_4121 = math.sqrt %select_n3A_4118 : vector<8x512xf32>
    %mul3A_4122 = arith.mulf %select_n3A_4118, %sqrt3A_4121 : vector<8x512xf32>
    %mul3A_4123 = arith.mulf %sub3A_4120, %mul3A_4122 : vector<8x512xf32>
    %add3A_4124 = arith.addf %add3A_4077, %mul3A_4123 : vector<8x512xf32>
    %get3A_4125 = arith.constant 0 : index
    %get3A_4126 = arith.constant 45056 : index
    %get3A_4127 = vector.load %arg2[%get3A_4125, %get3A_4126] : memref<8x57344xf32, #tpu.memory_space<vmem>>, vector<8x512xf32>
    %get3A_4128 = arith.constant 0 : index
    %get3A_4129 = arith.constant 45056 : index
    %get3A_4130 = vector.load %arg3[%get3A_4128, %get3A_4129] : memref<8x57344xi32, #tpu.memory_space<vmem>>, vector<8x512xi32>
    %gt3A_4131 = arith.constant 0 : i32
    %gt3A_4132 = vector.broadcast %gt3A_4131 : i32 to vector<8x512xi32>
    %gt3A_4133 = arith.cmpi sgt, %get3A_4130, %gt3A_4132 : vector<8x512xi32>
    %abs3A_4134 = math.absf %get3A_4127 : vector<8x512xf32>
    %neg3A_4135 = arith.constant 0.000000e+00 : f32
    %neg3A_4136 = vector.broadcast %neg3A_4135 : f32 to vector<8x512xf32>
    %neg3A_4137 = arith.subf %neg3A_4136, %abs3A_4134 : vector<8x512xf32>
    %exp3A_4138 = math.exp %neg3A_4137 : vector<8x512xf32>
    %add3A_4139 = arith.constant 1.000000e+00 : f32
    %add3A_4140 = vector.broadcast %add3A_4139 : f32 to vector<8x512xf32>
    %add3A_4141 = arith.addf %add3A_4140, %exp3A_4138 : vector<8x512xf32>
    %div3A_4142 = arith.constant 1.000000e+00 : f32
    %div3A_4143 = vector.broadcast %div3A_4142 : f32 to vector<8x512xf32>
    %div3A_4144 = arith.divf %div3A_4143, %add3A_4141 : vector<8x512xf32>
    %max3A_4145 = arith.constant 0.000000e+00 : f32
    %max3A_4146 = vector.broadcast %max3A_4145 : f32 to vector<8x512xf32>
    %max3A_4147 = arith.maximumf %get3A_4127, %max3A_4146 : vector<8x512xf32>
    %log1p3A_4148 = math.log1p %exp3A_4138 : vector<8x512xf32>
    %add3A_4149 = arith.addf %max3A_4147, %log1p3A_4148 : vector<8x512xf32>
    %ge3A_4150 = arith.constant 0.000000e+00 : f32
    %ge3A_4151 = vector.broadcast %ge3A_4150 : f32 to vector<8x512xf32>
    %ge3A_4152 = arith.cmpf oge, %get3A_4127, %ge3A_4151 : vector<8x512xf32>
    %sub3A_4153 = arith.constant 1.000000e+00 : f32
    %sub3A_4154 = vector.broadcast %sub3A_4153 : f32 to vector<8x512xf32>
    %sub3A_4155 = arith.subf %sub3A_4154, %div3A_4144 : vector<8x512xf32>
    %select_n3A_4156 = arith.select %ge3A_4152, %div3A_4144, %sub3A_4155 : vector<8x512xi1>, vector<8x512xf32>
    %jit3A_4157 = arith.constant 0.000000e+00 : f32
    %broadcast_in_dim3A_4158 = vector.shape_cast %get3A_1 : vector<8x1xf32> to vector<8x1xf32>
    %broadcast_in_dim3A_4159 = vector.broadcast %broadcast_in_dim3A_4158 : vector<8x1xf32> to vector<8x512xf32>
    %broadcast_in_dim3A_4160 = vector.broadcast %jit3A_4157 : f32 to vector<8x512xf32>
    %select_n3A_4161 = arith.select %gt3A_4133, %broadcast_in_dim3A_4159, %broadcast_in_dim3A_4160 : vector<8x512xi1>, vector<8x512xf32>
    %sub3A_4162 = vector.broadcast %get3A_1 : vector<8x1xf32> to vector<8x512xf32>
    %sub3A_4163 = arith.subf %sub3A_4162, %select_n3A_4156 : vector<8x512xf32>
    %abs3A_4164 = math.absf %sub3A_4163 : vector<8x512xf32>
    %select_n3A_4165 = arith.select %gt3A_4133, %abs3A_4164, %select_n3A_4156 : vector<8x512xi1>, vector<8x512xf32>
    %mul3A_4166 = arith.mulf %get3A_4127, %select_n3A_4161 : vector<8x512xf32>
    %sub3A_4167 = arith.subf %add3A_4149, %mul3A_4166 : vector<8x512xf32>
    %sqrt3A_4168 = math.sqrt %select_n3A_4165 : vector<8x512xf32>
    %mul3A_4169 = arith.mulf %select_n3A_4165, %sqrt3A_4168 : vector<8x512xf32>
    %mul3A_4170 = arith.mulf %sub3A_4167, %mul3A_4169 : vector<8x512xf32>
    %add3A_4171 = arith.addf %add3A_4124, %mul3A_4170 : vector<8x512xf32>
    %get3A_4172 = arith.constant 0 : index
    %get3A_4173 = arith.constant 45568 : index
    %get3A_4174 = vector.load %arg2[%get3A_4172, %get3A_4173] : memref<8x57344xf32, #tpu.memory_space<vmem>>, vector<8x512xf32>
    %get3A_4175 = arith.constant 0 : index
    %get3A_4176 = arith.constant 45568 : index
    %get3A_4177 = vector.load %arg3[%get3A_4175, %get3A_4176] : memref<8x57344xi32, #tpu.memory_space<vmem>>, vector<8x512xi32>
    %gt3A_4178 = arith.constant 0 : i32
    %gt3A_4179 = vector.broadcast %gt3A_4178 : i32 to vector<8x512xi32>
    %gt3A_4180 = arith.cmpi sgt, %get3A_4177, %gt3A_4179 : vector<8x512xi32>
    %abs3A_4181 = math.absf %get3A_4174 : vector<8x512xf32>
    %neg3A_4182 = arith.constant 0.000000e+00 : f32
    %neg3A_4183 = vector.broadcast %neg3A_4182 : f32 to vector<8x512xf32>
    %neg3A_4184 = arith.subf %neg3A_4183, %abs3A_4181 : vector<8x512xf32>
    %exp3A_4185 = math.exp %neg3A_4184 : vector<8x512xf32>
    %add3A_4186 = arith.constant 1.000000e+00 : f32
    %add3A_4187 = vector.broadcast %add3A_4186 : f32 to vector<8x512xf32>
    %add3A_4188 = arith.addf %add3A_4187, %exp3A_4185 : vector<8x512xf32>
    %div3A_4189 = arith.constant 1.000000e+00 : f32
    %div3A_4190 = vector.broadcast %div3A_4189 : f32 to vector<8x512xf32>
    %div3A_4191 = arith.divf %div3A_4190, %add3A_4188 : vector<8x512xf32>
    %max3A_4192 = arith.constant 0.000000e+00 : f32
    %max3A_4193 = vector.broadcast %max3A_4192 : f32 to vector<8x512xf32>
    %max3A_4194 = arith.maximumf %get3A_4174, %max3A_4193 : vector<8x512xf32>
    %log1p3A_4195 = math.log1p %exp3A_4185 : vector<8x512xf32>
    %add3A_4196 = arith.addf %max3A_4194, %log1p3A_4195 : vector<8x512xf32>
    %ge3A_4197 = arith.constant 0.000000e+00 : f32
    %ge3A_4198 = vector.broadcast %ge3A_4197 : f32 to vector<8x512xf32>
    %ge3A_4199 = arith.cmpf oge, %get3A_4174, %ge3A_4198 : vector<8x512xf32>
    %sub3A_4200 = arith.constant 1.000000e+00 : f32
    %sub3A_4201 = vector.broadcast %sub3A_4200 : f32 to vector<8x512xf32>
    %sub3A_4202 = arith.subf %sub3A_4201, %div3A_4191 : vector<8x512xf32>
    %select_n3A_4203 = arith.select %ge3A_4199, %div3A_4191, %sub3A_4202 : vector<8x512xi1>, vector<8x512xf32>
    %jit3A_4204 = arith.constant 0.000000e+00 : f32
    %broadcast_in_dim3A_4205 = vector.shape_cast %get3A_1 : vector<8x1xf32> to vector<8x1xf32>
    %broadcast_in_dim3A_4206 = vector.broadcast %broadcast_in_dim3A_4205 : vector<8x1xf32> to vector<8x512xf32>
    %broadcast_in_dim3A_4207 = vector.broadcast %jit3A_4204 : f32 to vector<8x512xf32>
    %select_n3A_4208 = arith.select %gt3A_4180, %broadcast_in_dim3A_4206, %broadcast_in_dim3A_4207 : vector<8x512xi1>, vector<8x512xf32>
    %sub3A_4209 = vector.broadcast %get3A_1 : vector<8x1xf32> to vector<8x512xf32>
    %sub3A_4210 = arith.subf %sub3A_4209, %select_n3A_4203 : vector<8x512xf32>
    %abs3A_4211 = math.absf %sub3A_4210 : vector<8x512xf32>
    %select_n3A_4212 = arith.select %gt3A_4180, %abs3A_4211, %select_n3A_4203 : vector<8x512xi1>, vector<8x512xf32>
    %mul3A_4213 = arith.mulf %get3A_4174, %select_n3A_4208 : vector<8x512xf32>
    %sub3A_4214 = arith.subf %add3A_4196, %mul3A_4213 : vector<8x512xf32>
    %sqrt3A_4215 = math.sqrt %select_n3A_4212 : vector<8x512xf32>
    %mul3A_4216 = arith.mulf %select_n3A_4212, %sqrt3A_4215 : vector<8x512xf32>
    %mul3A_4217 = arith.mulf %sub3A_4214, %mul3A_4216 : vector<8x512xf32>
    %add3A_4218 = arith.addf %add3A_4171, %mul3A_4217 : vector<8x512xf32>
    %get3A_4219 = arith.constant 0 : index
    %get3A_4220 = arith.constant 46080 : index
    %get3A_4221 = vector.load %arg2[%get3A_4219, %get3A_4220] : memref<8x57344xf32, #tpu.memory_space<vmem>>, vector<8x512xf32>
    %get3A_4222 = arith.constant 0 : index
    %get3A_4223 = arith.constant 46080 : index
    %get3A_4224 = vector.load %arg3[%get3A_4222, %get3A_4223] : memref<8x57344xi32, #tpu.memory_space<vmem>>, vector<8x512xi32>
    %gt3A_4225 = arith.constant 0 : i32
    %gt3A_4226 = vector.broadcast %gt3A_4225 : i32 to vector<8x512xi32>
    %gt3A_4227 = arith.cmpi sgt, %get3A_4224, %gt3A_4226 : vector<8x512xi32>
    %abs3A_4228 = math.absf %get3A_4221 : vector<8x512xf32>
    %neg3A_4229 = arith.constant 0.000000e+00 : f32
    %neg3A_4230 = vector.broadcast %neg3A_4229 : f32 to vector<8x512xf32>
    %neg3A_4231 = arith.subf %neg3A_4230, %abs3A_4228 : vector<8x512xf32>
    %exp3A_4232 = math.exp %neg3A_4231 : vector<8x512xf32>
    %add3A_4233 = arith.constant 1.000000e+00 : f32
    %add3A_4234 = vector.broadcast %add3A_4233 : f32 to vector<8x512xf32>
    %add3A_4235 = arith.addf %add3A_4234, %exp3A_4232 : vector<8x512xf32>
    %div3A_4236 = arith.constant 1.000000e+00 : f32
    %div3A_4237 = vector.broadcast %div3A_4236 : f32 to vector<8x512xf32>
    %div3A_4238 = arith.divf %div3A_4237, %add3A_4235 : vector<8x512xf32>
    %max3A_4239 = arith.constant 0.000000e+00 : f32
    %max3A_4240 = vector.broadcast %max3A_4239 : f32 to vector<8x512xf32>
    %max3A_4241 = arith.maximumf %get3A_4221, %max3A_4240 : vector<8x512xf32>
    %log1p3A_4242 = math.log1p %exp3A_4232 : vector<8x512xf32>
    %add3A_4243 = arith.addf %max3A_4241, %log1p3A_4242 : vector<8x512xf32>
    %ge3A_4244 = arith.constant 0.000000e+00 : f32
    %ge3A_4245 = vector.broadcast %ge3A_4244 : f32 to vector<8x512xf32>
    %ge3A_4246 = arith.cmpf oge, %get3A_4221, %ge3A_4245 : vector<8x512xf32>
    %sub3A_4247 = arith.constant 1.000000e+00 : f32
    %sub3A_4248 = vector.broadcast %sub3A_4247 : f32 to vector<8x512xf32>
    %sub3A_4249 = arith.subf %sub3A_4248, %div3A_4238 : vector<8x512xf32>
    %select_n3A_4250 = arith.select %ge3A_4246, %div3A_4238, %sub3A_4249 : vector<8x512xi1>, vector<8x512xf32>
    %jit3A_4251 = arith.constant 0.000000e+00 : f32
    %broadcast_in_dim3A_4252 = vector.shape_cast %get3A_1 : vector<8x1xf32> to vector<8x1xf32>
    %broadcast_in_dim3A_4253 = vector.broadcast %broadcast_in_dim3A_4252 : vector<8x1xf32> to vector<8x512xf32>
    %broadcast_in_dim3A_4254 = vector.broadcast %jit3A_4251 : f32 to vector<8x512xf32>
    %select_n3A_4255 = arith.select %gt3A_4227, %broadcast_in_dim3A_4253, %broadcast_in_dim3A_4254 : vector<8x512xi1>, vector<8x512xf32>
    %sub3A_4256 = vector.broadcast %get3A_1 : vector<8x1xf32> to vector<8x512xf32>
    %sub3A_4257 = arith.subf %sub3A_4256, %select_n3A_4250 : vector<8x512xf32>
    %abs3A_4258 = math.absf %sub3A_4257 : vector<8x512xf32>
    %select_n3A_4259 = arith.select %gt3A_4227, %abs3A_4258, %select_n3A_4250 : vector<8x512xi1>, vector<8x512xf32>
    %mul3A_4260 = arith.mulf %get3A_4221, %select_n3A_4255 : vector<8x512xf32>
    %sub3A_4261 = arith.subf %add3A_4243, %mul3A_4260 : vector<8x512xf32>
    %sqrt3A_4262 = math.sqrt %select_n3A_4259 : vector<8x512xf32>
    %mul3A_4263 = arith.mulf %select_n3A_4259, %sqrt3A_4262 : vector<8x512xf32>
    %mul3A_4264 = arith.mulf %sub3A_4261, %mul3A_4263 : vector<8x512xf32>
    %add3A_4265 = arith.addf %add3A_4218, %mul3A_4264 : vector<8x512xf32>
    %get3A_4266 = arith.constant 0 : index
    %get3A_4267 = arith.constant 46592 : index
    %get3A_4268 = vector.load %arg2[%get3A_4266, %get3A_4267] : memref<8x57344xf32, #tpu.memory_space<vmem>>, vector<8x512xf32>
    %get3A_4269 = arith.constant 0 : index
    %get3A_4270 = arith.constant 46592 : index
    %get3A_4271 = vector.load %arg3[%get3A_4269, %get3A_4270] : memref<8x57344xi32, #tpu.memory_space<vmem>>, vector<8x512xi32>
    %gt3A_4272 = arith.constant 0 : i32
    %gt3A_4273 = vector.broadcast %gt3A_4272 : i32 to vector<8x512xi32>
    %gt3A_4274 = arith.cmpi sgt, %get3A_4271, %gt3A_4273 : vector<8x512xi32>
    %abs3A_4275 = math.absf %get3A_4268 : vector<8x512xf32>
    %neg3A_4276 = arith.constant 0.000000e+00 : f32
    %neg3A_4277 = vector.broadcast %neg3A_4276 : f32 to vector<8x512xf32>
    %neg3A_4278 = arith.subf %neg3A_4277, %abs3A_4275 : vector<8x512xf32>
    %exp3A_4279 = math.exp %neg3A_4278 : vector<8x512xf32>
    %add3A_4280 = arith.constant 1.000000e+00 : f32
    %add3A_4281 = vector.broadcast %add3A_4280 : f32 to vector<8x512xf32>
    %add3A_4282 = arith.addf %add3A_4281, %exp3A_4279 : vector<8x512xf32>
    %div3A_4283 = arith.constant 1.000000e+00 : f32
    %div3A_4284 = vector.broadcast %div3A_4283 : f32 to vector<8x512xf32>
    %div3A_4285 = arith.divf %div3A_4284, %add3A_4282 : vector<8x512xf32>
    %max3A_4286 = arith.constant 0.000000e+00 : f32
    %max3A_4287 = vector.broadcast %max3A_4286 : f32 to vector<8x512xf32>
    %max3A_4288 = arith.maximumf %get3A_4268, %max3A_4287 : vector<8x512xf32>
    %log1p3A_4289 = math.log1p %exp3A_4279 : vector<8x512xf32>
    %add3A_4290 = arith.addf %max3A_4288, %log1p3A_4289 : vector<8x512xf32>
    %ge3A_4291 = arith.constant 0.000000e+00 : f32
    %ge3A_4292 = vector.broadcast %ge3A_4291 : f32 to vector<8x512xf32>
    %ge3A_4293 = arith.cmpf oge, %get3A_4268, %ge3A_4292 : vector<8x512xf32>
    %sub3A_4294 = arith.constant 1.000000e+00 : f32
    %sub3A_4295 = vector.broadcast %sub3A_4294 : f32 to vector<8x512xf32>
    %sub3A_4296 = arith.subf %sub3A_4295, %div3A_4285 : vector<8x512xf32>
    %select_n3A_4297 = arith.select %ge3A_4293, %div3A_4285, %sub3A_4296 : vector<8x512xi1>, vector<8x512xf32>
    %jit3A_4298 = arith.constant 0.000000e+00 : f32
    %broadcast_in_dim3A_4299 = vector.shape_cast %get3A_1 : vector<8x1xf32> to vector<8x1xf32>
    %broadcast_in_dim3A_4300 = vector.broadcast %broadcast_in_dim3A_4299 : vector<8x1xf32> to vector<8x512xf32>
    %broadcast_in_dim3A_4301 = vector.broadcast %jit3A_4298 : f32 to vector<8x512xf32>
    %select_n3A_4302 = arith.select %gt3A_4274, %broadcast_in_dim3A_4300, %broadcast_in_dim3A_4301 : vector<8x512xi1>, vector<8x512xf32>
    %sub3A_4303 = vector.broadcast %get3A_1 : vector<8x1xf32> to vector<8x512xf32>
    %sub3A_4304 = arith.subf %sub3A_4303, %select_n3A_4297 : vector<8x512xf32>
    %abs3A_4305 = math.absf %sub3A_4304 : vector<8x512xf32>
    %select_n3A_4306 = arith.select %gt3A_4274, %abs3A_4305, %select_n3A_4297 : vector<8x512xi1>, vector<8x512xf32>
    %mul3A_4307 = arith.mulf %get3A_4268, %select_n3A_4302 : vector<8x512xf32>
    %sub3A_4308 = arith.subf %add3A_4290, %mul3A_4307 : vector<8x512xf32>
    %sqrt3A_4309 = math.sqrt %select_n3A_4306 : vector<8x512xf32>
    %mul3A_4310 = arith.mulf %select_n3A_4306, %sqrt3A_4309 : vector<8x512xf32>
    %mul3A_4311 = arith.mulf %sub3A_4308, %mul3A_4310 : vector<8x512xf32>
    %add3A_4312 = arith.addf %add3A_4265, %mul3A_4311 : vector<8x512xf32>
    %get3A_4313 = arith.constant 0 : index
    %get3A_4314 = arith.constant 47104 : index
    %get3A_4315 = vector.load %arg2[%get3A_4313, %get3A_4314] : memref<8x57344xf32, #tpu.memory_space<vmem>>, vector<8x512xf32>
    %get3A_4316 = arith.constant 0 : index
    %get3A_4317 = arith.constant 47104 : index
    %get3A_4318 = vector.load %arg3[%get3A_4316, %get3A_4317] : memref<8x57344xi32, #tpu.memory_space<vmem>>, vector<8x512xi32>
    %gt3A_4319 = arith.constant 0 : i32
    %gt3A_4320 = vector.broadcast %gt3A_4319 : i32 to vector<8x512xi32>
    %gt3A_4321 = arith.cmpi sgt, %get3A_4318, %gt3A_4320 : vector<8x512xi32>
    %abs3A_4322 = math.absf %get3A_4315 : vector<8x512xf32>
    %neg3A_4323 = arith.constant 0.000000e+00 : f32
    %neg3A_4324 = vector.broadcast %neg3A_4323 : f32 to vector<8x512xf32>
    %neg3A_4325 = arith.subf %neg3A_4324, %abs3A_4322 : vector<8x512xf32>
    %exp3A_4326 = math.exp %neg3A_4325 : vector<8x512xf32>
    %add3A_4327 = arith.constant 1.000000e+00 : f32
    %add3A_4328 = vector.broadcast %add3A_4327 : f32 to vector<8x512xf32>
    %add3A_4329 = arith.addf %add3A_4328, %exp3A_4326 : vector<8x512xf32>
    %div3A_4330 = arith.constant 1.000000e+00 : f32
    %div3A_4331 = vector.broadcast %div3A_4330 : f32 to vector<8x512xf32>
    %div3A_4332 = arith.divf %div3A_4331, %add3A_4329 : vector<8x512xf32>
    %max3A_4333 = arith.constant 0.000000e+00 : f32
    %max3A_4334 = vector.broadcast %max3A_4333 : f32 to vector<8x512xf32>
    %max3A_4335 = arith.maximumf %get3A_4315, %max3A_4334 : vector<8x512xf32>
    %log1p3A_4336 = math.log1p %exp3A_4326 : vector<8x512xf32>
    %add3A_4337 = arith.addf %max3A_4335, %log1p3A_4336 : vector<8x512xf32>
    %ge3A_4338 = arith.constant 0.000000e+00 : f32
    %ge3A_4339 = vector.broadcast %ge3A_4338 : f32 to vector<8x512xf32>
    %ge3A_4340 = arith.cmpf oge, %get3A_4315, %ge3A_4339 : vector<8x512xf32>
    %sub3A_4341 = arith.constant 1.000000e+00 : f32
    %sub3A_4342 = vector.broadcast %sub3A_4341 : f32 to vector<8x512xf32>
    %sub3A_4343 = arith.subf %sub3A_4342, %div3A_4332 : vector<8x512xf32>
    %select_n3A_4344 = arith.select %ge3A_4340, %div3A_4332, %sub3A_4343 : vector<8x512xi1>, vector<8x512xf32>
    %jit3A_4345 = arith.constant 0.000000e+00 : f32
    %broadcast_in_dim3A_4346 = vector.shape_cast %get3A_1 : vector<8x1xf32> to vector<8x1xf32>
    %broadcast_in_dim3A_4347 = vector.broadcast %broadcast_in_dim3A_4346 : vector<8x1xf32> to vector<8x512xf32>
    %broadcast_in_dim3A_4348 = vector.broadcast %jit3A_4345 : f32 to vector<8x512xf32>
    %select_n3A_4349 = arith.select %gt3A_4321, %broadcast_in_dim3A_4347, %broadcast_in_dim3A_4348 : vector<8x512xi1>, vector<8x512xf32>
    %sub3A_4350 = vector.broadcast %get3A_1 : vector<8x1xf32> to vector<8x512xf32>
    %sub3A_4351 = arith.subf %sub3A_4350, %select_n3A_4344 : vector<8x512xf32>
    %abs3A_4352 = math.absf %sub3A_4351 : vector<8x512xf32>
    %select_n3A_4353 = arith.select %gt3A_4321, %abs3A_4352, %select_n3A_4344 : vector<8x512xi1>, vector<8x512xf32>
    %mul3A_4354 = arith.mulf %get3A_4315, %select_n3A_4349 : vector<8x512xf32>
    %sub3A_4355 = arith.subf %add3A_4337, %mul3A_4354 : vector<8x512xf32>
    %sqrt3A_4356 = math.sqrt %select_n3A_4353 : vector<8x512xf32>
    %mul3A_4357 = arith.mulf %select_n3A_4353, %sqrt3A_4356 : vector<8x512xf32>
    %mul3A_4358 = arith.mulf %sub3A_4355, %mul3A_4357 : vector<8x512xf32>
    %add3A_4359 = arith.addf %add3A_4312, %mul3A_4358 : vector<8x512xf32>
    %get3A_4360 = arith.constant 0 : index
    %get3A_4361 = arith.constant 47616 : index
    %get3A_4362 = vector.load %arg2[%get3A_4360, %get3A_4361] : memref<8x57344xf32, #tpu.memory_space<vmem>>, vector<8x512xf32>
    %get3A_4363 = arith.constant 0 : index
    %get3A_4364 = arith.constant 47616 : index
    %get3A_4365 = vector.load %arg3[%get3A_4363, %get3A_4364] : memref<8x57344xi32, #tpu.memory_space<vmem>>, vector<8x512xi32>
    %gt3A_4366 = arith.constant 0 : i32
    %gt3A_4367 = vector.broadcast %gt3A_4366 : i32 to vector<8x512xi32>
    %gt3A_4368 = arith.cmpi sgt, %get3A_4365, %gt3A_4367 : vector<8x512xi32>
    %abs3A_4369 = math.absf %get3A_4362 : vector<8x512xf32>
    %neg3A_4370 = arith.constant 0.000000e+00 : f32
    %neg3A_4371 = vector.broadcast %neg3A_4370 : f32 to vector<8x512xf32>
    %neg3A_4372 = arith.subf %neg3A_4371, %abs3A_4369 : vector<8x512xf32>
    %exp3A_4373 = math.exp %neg3A_4372 : vector<8x512xf32>
    %add3A_4374 = arith.constant 1.000000e+00 : f32
    %add3A_4375 = vector.broadcast %add3A_4374 : f32 to vector<8x512xf32>
    %add3A_4376 = arith.addf %add3A_4375, %exp3A_4373 : vector<8x512xf32>
    %div3A_4377 = arith.constant 1.000000e+00 : f32
    %div3A_4378 = vector.broadcast %div3A_4377 : f32 to vector<8x512xf32>
    %div3A_4379 = arith.divf %div3A_4378, %add3A_4376 : vector<8x512xf32>
    %max3A_4380 = arith.constant 0.000000e+00 : f32
    %max3A_4381 = vector.broadcast %max3A_4380 : f32 to vector<8x512xf32>
    %max3A_4382 = arith.maximumf %get3A_4362, %max3A_4381 : vector<8x512xf32>
    %log1p3A_4383 = math.log1p %exp3A_4373 : vector<8x512xf32>
    %add3A_4384 = arith.addf %max3A_4382, %log1p3A_4383 : vector<8x512xf32>
    %ge3A_4385 = arith.constant 0.000000e+00 : f32
    %ge3A_4386 = vector.broadcast %ge3A_4385 : f32 to vector<8x512xf32>
    %ge3A_4387 = arith.cmpf oge, %get3A_4362, %ge3A_4386 : vector<8x512xf32>
    %sub3A_4388 = arith.constant 1.000000e+00 : f32
    %sub3A_4389 = vector.broadcast %sub3A_4388 : f32 to vector<8x512xf32>
    %sub3A_4390 = arith.subf %sub3A_4389, %div3A_4379 : vector<8x512xf32>
    %select_n3A_4391 = arith.select %ge3A_4387, %div3A_4379, %sub3A_4390 : vector<8x512xi1>, vector<8x512xf32>
    %jit3A_4392 = arith.constant 0.000000e+00 : f32
    %broadcast_in_dim3A_4393 = vector.shape_cast %get3A_1 : vector<8x1xf32> to vector<8x1xf32>
    %broadcast_in_dim3A_4394 = vector.broadcast %broadcast_in_dim3A_4393 : vector<8x1xf32> to vector<8x512xf32>
    %broadcast_in_dim3A_4395 = vector.broadcast %jit3A_4392 : f32 to vector<8x512xf32>
    %select_n3A_4396 = arith.select %gt3A_4368, %broadcast_in_dim3A_4394, %broadcast_in_dim3A_4395 : vector<8x512xi1>, vector<8x512xf32>
    %sub3A_4397 = vector.broadcast %get3A_1 : vector<8x1xf32> to vector<8x512xf32>
    %sub3A_4398 = arith.subf %sub3A_4397, %select_n3A_4391 : vector<8x512xf32>
    %abs3A_4399 = math.absf %sub3A_4398 : vector<8x512xf32>
    %select_n3A_4400 = arith.select %gt3A_4368, %abs3A_4399, %select_n3A_4391 : vector<8x512xi1>, vector<8x512xf32>
    %mul3A_4401 = arith.mulf %get3A_4362, %select_n3A_4396 : vector<8x512xf32>
    %sub3A_4402 = arith.subf %add3A_4384, %mul3A_4401 : vector<8x512xf32>
    %sqrt3A_4403 = math.sqrt %select_n3A_4400 : vector<8x512xf32>
    %mul3A_4404 = arith.mulf %select_n3A_4400, %sqrt3A_4403 : vector<8x512xf32>
    %mul3A_4405 = arith.mulf %sub3A_4402, %mul3A_4404 : vector<8x512xf32>
    %add3A_4406 = arith.addf %add3A_4359, %mul3A_4405 : vector<8x512xf32>
    %get3A_4407 = arith.constant 0 : index
    %get3A_4408 = arith.constant 48128 : index
    %get3A_4409 = vector.load %arg2[%get3A_4407, %get3A_4408] : memref<8x57344xf32, #tpu.memory_space<vmem>>, vector<8x512xf32>
    %get3A_4410 = arith.constant 0 : index
    %get3A_4411 = arith.constant 48128 : index
    %get3A_4412 = vector.load %arg3[%get3A_4410, %get3A_4411] : memref<8x57344xi32, #tpu.memory_space<vmem>>, vector<8x512xi32>
    %gt3A_4413 = arith.constant 0 : i32
    %gt3A_4414 = vector.broadcast %gt3A_4413 : i32 to vector<8x512xi32>
    %gt3A_4415 = arith.cmpi sgt, %get3A_4412, %gt3A_4414 : vector<8x512xi32>
    %abs3A_4416 = math.absf %get3A_4409 : vector<8x512xf32>
    %neg3A_4417 = arith.constant 0.000000e+00 : f32
    %neg3A_4418 = vector.broadcast %neg3A_4417 : f32 to vector<8x512xf32>
    %neg3A_4419 = arith.subf %neg3A_4418, %abs3A_4416 : vector<8x512xf32>
    %exp3A_4420 = math.exp %neg3A_4419 : vector<8x512xf32>
    %add3A_4421 = arith.constant 1.000000e+00 : f32
    %add3A_4422 = vector.broadcast %add3A_4421 : f32 to vector<8x512xf32>
    %add3A_4423 = arith.addf %add3A_4422, %exp3A_4420 : vector<8x512xf32>
    %div3A_4424 = arith.constant 1.000000e+00 : f32
    %div3A_4425 = vector.broadcast %div3A_4424 : f32 to vector<8x512xf32>
    %div3A_4426 = arith.divf %div3A_4425, %add3A_4423 : vector<8x512xf32>
    %max3A_4427 = arith.constant 0.000000e+00 : f32
    %max3A_4428 = vector.broadcast %max3A_4427 : f32 to vector<8x512xf32>
    %max3A_4429 = arith.maximumf %get3A_4409, %max3A_4428 : vector<8x512xf32>
    %log1p3A_4430 = math.log1p %exp3A_4420 : vector<8x512xf32>
    %add3A_4431 = arith.addf %max3A_4429, %log1p3A_4430 : vector<8x512xf32>
    %ge3A_4432 = arith.constant 0.000000e+00 : f32
    %ge3A_4433 = vector.broadcast %ge3A_4432 : f32 to vector<8x512xf32>
    %ge3A_4434 = arith.cmpf oge, %get3A_4409, %ge3A_4433 : vector<8x512xf32>
    %sub3A_4435 = arith.constant 1.000000e+00 : f32
    %sub3A_4436 = vector.broadcast %sub3A_4435 : f32 to vector<8x512xf32>
    %sub3A_4437 = arith.subf %sub3A_4436, %div3A_4426 : vector<8x512xf32>
    %select_n3A_4438 = arith.select %ge3A_4434, %div3A_4426, %sub3A_4437 : vector<8x512xi1>, vector<8x512xf32>
    %jit3A_4439 = arith.constant 0.000000e+00 : f32
    %broadcast_in_dim3A_4440 = vector.shape_cast %get3A_1 : vector<8x1xf32> to vector<8x1xf32>
    %broadcast_in_dim3A_4441 = vector.broadcast %broadcast_in_dim3A_4440 : vector<8x1xf32> to vector<8x512xf32>
    %broadcast_in_dim3A_4442 = vector.broadcast %jit3A_4439 : f32 to vector<8x512xf32>
    %select_n3A_4443 = arith.select %gt3A_4415, %broadcast_in_dim3A_4441, %broadcast_in_dim3A_4442 : vector<8x512xi1>, vector<8x512xf32>
    %sub3A_4444 = vector.broadcast %get3A_1 : vector<8x1xf32> to vector<8x512xf32>
    %sub3A_4445 = arith.subf %sub3A_4444, %select_n3A_4438 : vector<8x512xf32>
    %abs3A_4446 = math.absf %sub3A_4445 : vector<8x512xf32>
    %select_n3A_4447 = arith.select %gt3A_4415, %abs3A_4446, %select_n3A_4438 : vector<8x512xi1>, vector<8x512xf32>
    %mul3A_4448 = arith.mulf %get3A_4409, %select_n3A_4443 : vector<8x512xf32>
    %sub3A_4449 = arith.subf %add3A_4431, %mul3A_4448 : vector<8x512xf32>
    %sqrt3A_4450 = math.sqrt %select_n3A_4447 : vector<8x512xf32>
    %mul3A_4451 = arith.mulf %select_n3A_4447, %sqrt3A_4450 : vector<8x512xf32>
    %mul3A_4452 = arith.mulf %sub3A_4449, %mul3A_4451 : vector<8x512xf32>
    %add3A_4453 = arith.addf %add3A_4406, %mul3A_4452 : vector<8x512xf32>
    %get3A_4454 = arith.constant 0 : index
    %get3A_4455 = arith.constant 48640 : index
    %get3A_4456 = vector.load %arg2[%get3A_4454, %get3A_4455] : memref<8x57344xf32, #tpu.memory_space<vmem>>, vector<8x512xf32>
    %get3A_4457 = arith.constant 0 : index
    %get3A_4458 = arith.constant 48640 : index
    %get3A_4459 = vector.load %arg3[%get3A_4457, %get3A_4458] : memref<8x57344xi32, #tpu.memory_space<vmem>>, vector<8x512xi32>
    %gt3A_4460 = arith.constant 0 : i32
    %gt3A_4461 = vector.broadcast %gt3A_4460 : i32 to vector<8x512xi32>
    %gt3A_4462 = arith.cmpi sgt, %get3A_4459, %gt3A_4461 : vector<8x512xi32>
    %abs3A_4463 = math.absf %get3A_4456 : vector<8x512xf32>
    %neg3A_4464 = arith.constant 0.000000e+00 : f32
    %neg3A_4465 = vector.broadcast %neg3A_4464 : f32 to vector<8x512xf32>
    %neg3A_4466 = arith.subf %neg3A_4465, %abs3A_4463 : vector<8x512xf32>
    %exp3A_4467 = math.exp %neg3A_4466 : vector<8x512xf32>
    %add3A_4468 = arith.constant 1.000000e+00 : f32
    %add3A_4469 = vector.broadcast %add3A_4468 : f32 to vector<8x512xf32>
    %add3A_4470 = arith.addf %add3A_4469, %exp3A_4467 : vector<8x512xf32>
    %div3A_4471 = arith.constant 1.000000e+00 : f32
    %div3A_4472 = vector.broadcast %div3A_4471 : f32 to vector<8x512xf32>
    %div3A_4473 = arith.divf %div3A_4472, %add3A_4470 : vector<8x512xf32>
    %max3A_4474 = arith.constant 0.000000e+00 : f32
    %max3A_4475 = vector.broadcast %max3A_4474 : f32 to vector<8x512xf32>
    %max3A_4476 = arith.maximumf %get3A_4456, %max3A_4475 : vector<8x512xf32>
    %log1p3A_4477 = math.log1p %exp3A_4467 : vector<8x512xf32>
    %add3A_4478 = arith.addf %max3A_4476, %log1p3A_4477 : vector<8x512xf32>
    %ge3A_4479 = arith.constant 0.000000e+00 : f32
    %ge3A_4480 = vector.broadcast %ge3A_4479 : f32 to vector<8x512xf32>
    %ge3A_4481 = arith.cmpf oge, %get3A_4456, %ge3A_4480 : vector<8x512xf32>
    %sub3A_4482 = arith.constant 1.000000e+00 : f32
    %sub3A_4483 = vector.broadcast %sub3A_4482 : f32 to vector<8x512xf32>
    %sub3A_4484 = arith.subf %sub3A_4483, %div3A_4473 : vector<8x512xf32>
    %select_n3A_4485 = arith.select %ge3A_4481, %div3A_4473, %sub3A_4484 : vector<8x512xi1>, vector<8x512xf32>
    %jit3A_4486 = arith.constant 0.000000e+00 : f32
    %broadcast_in_dim3A_4487 = vector.shape_cast %get3A_1 : vector<8x1xf32> to vector<8x1xf32>
    %broadcast_in_dim3A_4488 = vector.broadcast %broadcast_in_dim3A_4487 : vector<8x1xf32> to vector<8x512xf32>
    %broadcast_in_dim3A_4489 = vector.broadcast %jit3A_4486 : f32 to vector<8x512xf32>
    %select_n3A_4490 = arith.select %gt3A_4462, %broadcast_in_dim3A_4488, %broadcast_in_dim3A_4489 : vector<8x512xi1>, vector<8x512xf32>
    %sub3A_4491 = vector.broadcast %get3A_1 : vector<8x1xf32> to vector<8x512xf32>
    %sub3A_4492 = arith.subf %sub3A_4491, %select_n3A_4485 : vector<8x512xf32>
    %abs3A_4493 = math.absf %sub3A_4492 : vector<8x512xf32>
    %select_n3A_4494 = arith.select %gt3A_4462, %abs3A_4493, %select_n3A_4485 : vector<8x512xi1>, vector<8x512xf32>
    %mul3A_4495 = arith.mulf %get3A_4456, %select_n3A_4490 : vector<8x512xf32>
    %sub3A_4496 = arith.subf %add3A_4478, %mul3A_4495 : vector<8x512xf32>
    %sqrt3A_4497 = math.sqrt %select_n3A_4494 : vector<8x512xf32>
    %mul3A_4498 = arith.mulf %select_n3A_4494, %sqrt3A_4497 : vector<8x512xf32>
    %mul3A_4499 = arith.mulf %sub3A_4496, %mul3A_4498 : vector<8x512xf32>
    %add3A_4500 = arith.addf %add3A_4453, %mul3A_4499 : vector<8x512xf32>
    %get3A_4501 = arith.constant 0 : index
    %get3A_4502 = arith.constant 49152 : index
    %get3A_4503 = vector.load %arg2[%get3A_4501, %get3A_4502] : memref<8x57344xf32, #tpu.memory_space<vmem>>, vector<8x512xf32>
    %get3A_4504 = arith.constant 0 : index
    %get3A_4505 = arith.constant 49152 : index
    %get3A_4506 = vector.load %arg3[%get3A_4504, %get3A_4505] : memref<8x57344xi32, #tpu.memory_space<vmem>>, vector<8x512xi32>
    %gt3A_4507 = arith.constant 0 : i32
    %gt3A_4508 = vector.broadcast %gt3A_4507 : i32 to vector<8x512xi32>
    %gt3A_4509 = arith.cmpi sgt, %get3A_4506, %gt3A_4508 : vector<8x512xi32>
    %abs3A_4510 = math.absf %get3A_4503 : vector<8x512xf32>
    %neg3A_4511 = arith.constant 0.000000e+00 : f32
    %neg3A_4512 = vector.broadcast %neg3A_4511 : f32 to vector<8x512xf32>
    %neg3A_4513 = arith.subf %neg3A_4512, %abs3A_4510 : vector<8x512xf32>
    %exp3A_4514 = math.exp %neg3A_4513 : vector<8x512xf32>
    %add3A_4515 = arith.constant 1.000000e+00 : f32
    %add3A_4516 = vector.broadcast %add3A_4515 : f32 to vector<8x512xf32>
    %add3A_4517 = arith.addf %add3A_4516, %exp3A_4514 : vector<8x512xf32>
    %div3A_4518 = arith.constant 1.000000e+00 : f32
    %div3A_4519 = vector.broadcast %div3A_4518 : f32 to vector<8x512xf32>
    %div3A_4520 = arith.divf %div3A_4519, %add3A_4517 : vector<8x512xf32>
    %max3A_4521 = arith.constant 0.000000e+00 : f32
    %max3A_4522 = vector.broadcast %max3A_4521 : f32 to vector<8x512xf32>
    %max3A_4523 = arith.maximumf %get3A_4503, %max3A_4522 : vector<8x512xf32>
    %log1p3A_4524 = math.log1p %exp3A_4514 : vector<8x512xf32>
    %add3A_4525 = arith.addf %max3A_4523, %log1p3A_4524 : vector<8x512xf32>
    %ge3A_4526 = arith.constant 0.000000e+00 : f32
    %ge3A_4527 = vector.broadcast %ge3A_4526 : f32 to vector<8x512xf32>
    %ge3A_4528 = arith.cmpf oge, %get3A_4503, %ge3A_4527 : vector<8x512xf32>
    %sub3A_4529 = arith.constant 1.000000e+00 : f32
    %sub3A_4530 = vector.broadcast %sub3A_4529 : f32 to vector<8x512xf32>
    %sub3A_4531 = arith.subf %sub3A_4530, %div3A_4520 : vector<8x512xf32>
    %select_n3A_4532 = arith.select %ge3A_4528, %div3A_4520, %sub3A_4531 : vector<8x512xi1>, vector<8x512xf32>
    %jit3A_4533 = arith.constant 0.000000e+00 : f32
    %broadcast_in_dim3A_4534 = vector.shape_cast %get3A_1 : vector<8x1xf32> to vector<8x1xf32>
    %broadcast_in_dim3A_4535 = vector.broadcast %broadcast_in_dim3A_4534 : vector<8x1xf32> to vector<8x512xf32>
    %broadcast_in_dim3A_4536 = vector.broadcast %jit3A_4533 : f32 to vector<8x512xf32>
    %select_n3A_4537 = arith.select %gt3A_4509, %broadcast_in_dim3A_4535, %broadcast_in_dim3A_4536 : vector<8x512xi1>, vector<8x512xf32>
    %sub3A_4538 = vector.broadcast %get3A_1 : vector<8x1xf32> to vector<8x512xf32>
    %sub3A_4539 = arith.subf %sub3A_4538, %select_n3A_4532 : vector<8x512xf32>
    %abs3A_4540 = math.absf %sub3A_4539 : vector<8x512xf32>
    %select_n3A_4541 = arith.select %gt3A_4509, %abs3A_4540, %select_n3A_4532 : vector<8x512xi1>, vector<8x512xf32>
    %mul3A_4542 = arith.mulf %get3A_4503, %select_n3A_4537 : vector<8x512xf32>
    %sub3A_4543 = arith.subf %add3A_4525, %mul3A_4542 : vector<8x512xf32>
    %sqrt3A_4544 = math.sqrt %select_n3A_4541 : vector<8x512xf32>
    %mul3A_4545 = arith.mulf %select_n3A_4541, %sqrt3A_4544 : vector<8x512xf32>
    %mul3A_4546 = arith.mulf %sub3A_4543, %mul3A_4545 : vector<8x512xf32>
    %add3A_4547 = arith.addf %add3A_4500, %mul3A_4546 : vector<8x512xf32>
    %get3A_4548 = arith.constant 0 : index
    %get3A_4549 = arith.constant 49664 : index
    %get3A_4550 = vector.load %arg2[%get3A_4548, %get3A_4549] : memref<8x57344xf32, #tpu.memory_space<vmem>>, vector<8x512xf32>
    %get3A_4551 = arith.constant 0 : index
    %get3A_4552 = arith.constant 49664 : index
    %get3A_4553 = vector.load %arg3[%get3A_4551, %get3A_4552] : memref<8x57344xi32, #tpu.memory_space<vmem>>, vector<8x512xi32>
    %gt3A_4554 = arith.constant 0 : i32
    %gt3A_4555 = vector.broadcast %gt3A_4554 : i32 to vector<8x512xi32>
    %gt3A_4556 = arith.cmpi sgt, %get3A_4553, %gt3A_4555 : vector<8x512xi32>
    %abs3A_4557 = math.absf %get3A_4550 : vector<8x512xf32>
    %neg3A_4558 = arith.constant 0.000000e+00 : f32
    %neg3A_4559 = vector.broadcast %neg3A_4558 : f32 to vector<8x512xf32>
    %neg3A_4560 = arith.subf %neg3A_4559, %abs3A_4557 : vector<8x512xf32>
    %exp3A_4561 = math.exp %neg3A_4560 : vector<8x512xf32>
    %add3A_4562 = arith.constant 1.000000e+00 : f32
    %add3A_4563 = vector.broadcast %add3A_4562 : f32 to vector<8x512xf32>
    %add3A_4564 = arith.addf %add3A_4563, %exp3A_4561 : vector<8x512xf32>
    %div3A_4565 = arith.constant 1.000000e+00 : f32
    %div3A_4566 = vector.broadcast %div3A_4565 : f32 to vector<8x512xf32>
    %div3A_4567 = arith.divf %div3A_4566, %add3A_4564 : vector<8x512xf32>
    %max3A_4568 = arith.constant 0.000000e+00 : f32
    %max3A_4569 = vector.broadcast %max3A_4568 : f32 to vector<8x512xf32>
    %max3A_4570 = arith.maximumf %get3A_4550, %max3A_4569 : vector<8x512xf32>
    %log1p3A_4571 = math.log1p %exp3A_4561 : vector<8x512xf32>
    %add3A_4572 = arith.addf %max3A_4570, %log1p3A_4571 : vector<8x512xf32>
    %ge3A_4573 = arith.constant 0.000000e+00 : f32
    %ge3A_4574 = vector.broadcast %ge3A_4573 : f32 to vector<8x512xf32>
    %ge3A_4575 = arith.cmpf oge, %get3A_4550, %ge3A_4574 : vector<8x512xf32>
    %sub3A_4576 = arith.constant 1.000000e+00 : f32
    %sub3A_4577 = vector.broadcast %sub3A_4576 : f32 to vector<8x512xf32>
    %sub3A_4578 = arith.subf %sub3A_4577, %div3A_4567 : vector<8x512xf32>
    %select_n3A_4579 = arith.select %ge3A_4575, %div3A_4567, %sub3A_4578 : vector<8x512xi1>, vector<8x512xf32>
    %jit3A_4580 = arith.constant 0.000000e+00 : f32
    %broadcast_in_dim3A_4581 = vector.shape_cast %get3A_1 : vector<8x1xf32> to vector<8x1xf32>
    %broadcast_in_dim3A_4582 = vector.broadcast %broadcast_in_dim3A_4581 : vector<8x1xf32> to vector<8x512xf32>
    %broadcast_in_dim3A_4583 = vector.broadcast %jit3A_4580 : f32 to vector<8x512xf32>
    %select_n3A_4584 = arith.select %gt3A_4556, %broadcast_in_dim3A_4582, %broadcast_in_dim3A_4583 : vector<8x512xi1>, vector<8x512xf32>
    %sub3A_4585 = vector.broadcast %get3A_1 : vector<8x1xf32> to vector<8x512xf32>
    %sub3A_4586 = arith.subf %sub3A_4585, %select_n3A_4579 : vector<8x512xf32>
    %abs3A_4587 = math.absf %sub3A_4586 : vector<8x512xf32>
    %select_n3A_4588 = arith.select %gt3A_4556, %abs3A_4587, %select_n3A_4579 : vector<8x512xi1>, vector<8x512xf32>
    %mul3A_4589 = arith.mulf %get3A_4550, %select_n3A_4584 : vector<8x512xf32>
    %sub3A_4590 = arith.subf %add3A_4572, %mul3A_4589 : vector<8x512xf32>
    %sqrt3A_4591 = math.sqrt %select_n3A_4588 : vector<8x512xf32>
    %mul3A_4592 = arith.mulf %select_n3A_4588, %sqrt3A_4591 : vector<8x512xf32>
    %mul3A_4593 = arith.mulf %sub3A_4590, %mul3A_4592 : vector<8x512xf32>
    %add3A_4594 = arith.addf %add3A_4547, %mul3A_4593 : vector<8x512xf32>
    %get3A_4595 = arith.constant 0 : index
    %get3A_4596 = arith.constant 50176 : index
    %get3A_4597 = vector.load %arg2[%get3A_4595, %get3A_4596] : memref<8x57344xf32, #tpu.memory_space<vmem>>, vector<8x512xf32>
    %get3A_4598 = arith.constant 0 : index
    %get3A_4599 = arith.constant 50176 : index
    %get3A_4600 = vector.load %arg3[%get3A_4598, %get3A_4599] : memref<8x57344xi32, #tpu.memory_space<vmem>>, vector<8x512xi32>
    %gt3A_4601 = arith.constant 0 : i32
    %gt3A_4602 = vector.broadcast %gt3A_4601 : i32 to vector<8x512xi32>
    %gt3A_4603 = arith.cmpi sgt, %get3A_4600, %gt3A_4602 : vector<8x512xi32>
    %abs3A_4604 = math.absf %get3A_4597 : vector<8x512xf32>
    %neg3A_4605 = arith.constant 0.000000e+00 : f32
    %neg3A_4606 = vector.broadcast %neg3A_4605 : f32 to vector<8x512xf32>
    %neg3A_4607 = arith.subf %neg3A_4606, %abs3A_4604 : vector<8x512xf32>
    %exp3A_4608 = math.exp %neg3A_4607 : vector<8x512xf32>
    %add3A_4609 = arith.constant 1.000000e+00 : f32
    %add3A_4610 = vector.broadcast %add3A_4609 : f32 to vector<8x512xf32>
    %add3A_4611 = arith.addf %add3A_4610, %exp3A_4608 : vector<8x512xf32>
    %div3A_4612 = arith.constant 1.000000e+00 : f32
    %div3A_4613 = vector.broadcast %div3A_4612 : f32 to vector<8x512xf32>
    %div3A_4614 = arith.divf %div3A_4613, %add3A_4611 : vector<8x512xf32>
    %max3A_4615 = arith.constant 0.000000e+00 : f32
    %max3A_4616 = vector.broadcast %max3A_4615 : f32 to vector<8x512xf32>
    %max3A_4617 = arith.maximumf %get3A_4597, %max3A_4616 : vector<8x512xf32>
    %log1p3A_4618 = math.log1p %exp3A_4608 : vector<8x512xf32>
    %add3A_4619 = arith.addf %max3A_4617, %log1p3A_4618 : vector<8x512xf32>
    %ge3A_4620 = arith.constant 0.000000e+00 : f32
    %ge3A_4621 = vector.broadcast %ge3A_4620 : f32 to vector<8x512xf32>
    %ge3A_4622 = arith.cmpf oge, %get3A_4597, %ge3A_4621 : vector<8x512xf32>
    %sub3A_4623 = arith.constant 1.000000e+00 : f32
    %sub3A_4624 = vector.broadcast %sub3A_4623 : f32 to vector<8x512xf32>
    %sub3A_4625 = arith.subf %sub3A_4624, %div3A_4614 : vector<8x512xf32>
    %select_n3A_4626 = arith.select %ge3A_4622, %div3A_4614, %sub3A_4625 : vector<8x512xi1>, vector<8x512xf32>
    %jit3A_4627 = arith.constant 0.000000e+00 : f32
    %broadcast_in_dim3A_4628 = vector.shape_cast %get3A_1 : vector<8x1xf32> to vector<8x1xf32>
    %broadcast_in_dim3A_4629 = vector.broadcast %broadcast_in_dim3A_4628 : vector<8x1xf32> to vector<8x512xf32>
    %broadcast_in_dim3A_4630 = vector.broadcast %jit3A_4627 : f32 to vector<8x512xf32>
    %select_n3A_4631 = arith.select %gt3A_4603, %broadcast_in_dim3A_4629, %broadcast_in_dim3A_4630 : vector<8x512xi1>, vector<8x512xf32>
    %sub3A_4632 = vector.broadcast %get3A_1 : vector<8x1xf32> to vector<8x512xf32>
    %sub3A_4633 = arith.subf %sub3A_4632, %select_n3A_4626 : vector<8x512xf32>
    %abs3A_4634 = math.absf %sub3A_4633 : vector<8x512xf32>
    %select_n3A_4635 = arith.select %gt3A_4603, %abs3A_4634, %select_n3A_4626 : vector<8x512xi1>, vector<8x512xf32>
    %mul3A_4636 = arith.mulf %get3A_4597, %select_n3A_4631 : vector<8x512xf32>
    %sub3A_4637 = arith.subf %add3A_4619, %mul3A_4636 : vector<8x512xf32>
    %sqrt3A_4638 = math.sqrt %select_n3A_4635 : vector<8x512xf32>
    %mul3A_4639 = arith.mulf %select_n3A_4635, %sqrt3A_4638 : vector<8x512xf32>
    %mul3A_4640 = arith.mulf %sub3A_4637, %mul3A_4639 : vector<8x512xf32>
    %add3A_4641 = arith.addf %add3A_4594, %mul3A_4640 : vector<8x512xf32>
    %get3A_4642 = arith.constant 0 : index
    %get3A_4643 = arith.constant 50688 : index
    %get3A_4644 = vector.load %arg2[%get3A_4642, %get3A_4643] : memref<8x57344xf32, #tpu.memory_space<vmem>>, vector<8x512xf32>
    %get3A_4645 = arith.constant 0 : index
    %get3A_4646 = arith.constant 50688 : index
    %get3A_4647 = vector.load %arg3[%get3A_4645, %get3A_4646] : memref<8x57344xi32, #tpu.memory_space<vmem>>, vector<8x512xi32>
    %gt3A_4648 = arith.constant 0 : i32
    %gt3A_4649 = vector.broadcast %gt3A_4648 : i32 to vector<8x512xi32>
    %gt3A_4650 = arith.cmpi sgt, %get3A_4647, %gt3A_4649 : vector<8x512xi32>
    %abs3A_4651 = math.absf %get3A_4644 : vector<8x512xf32>
    %neg3A_4652 = arith.constant 0.000000e+00 : f32
    %neg3A_4653 = vector.broadcast %neg3A_4652 : f32 to vector<8x512xf32>
    %neg3A_4654 = arith.subf %neg3A_4653, %abs3A_4651 : vector<8x512xf32>
    %exp3A_4655 = math.exp %neg3A_4654 : vector<8x512xf32>
    %add3A_4656 = arith.constant 1.000000e+00 : f32
    %add3A_4657 = vector.broadcast %add3A_4656 : f32 to vector<8x512xf32>
    %add3A_4658 = arith.addf %add3A_4657, %exp3A_4655 : vector<8x512xf32>
    %div3A_4659 = arith.constant 1.000000e+00 : f32
    %div3A_4660 = vector.broadcast %div3A_4659 : f32 to vector<8x512xf32>
    %div3A_4661 = arith.divf %div3A_4660, %add3A_4658 : vector<8x512xf32>
    %max3A_4662 = arith.constant 0.000000e+00 : f32
    %max3A_4663 = vector.broadcast %max3A_4662 : f32 to vector<8x512xf32>
    %max3A_4664 = arith.maximumf %get3A_4644, %max3A_4663 : vector<8x512xf32>
    %log1p3A_4665 = math.log1p %exp3A_4655 : vector<8x512xf32>
    %add3A_4666 = arith.addf %max3A_4664, %log1p3A_4665 : vector<8x512xf32>
    %ge3A_4667 = arith.constant 0.000000e+00 : f32
    %ge3A_4668 = vector.broadcast %ge3A_4667 : f32 to vector<8x512xf32>
    %ge3A_4669 = arith.cmpf oge, %get3A_4644, %ge3A_4668 : vector<8x512xf32>
    %sub3A_4670 = arith.constant 1.000000e+00 : f32
    %sub3A_4671 = vector.broadcast %sub3A_4670 : f32 to vector<8x512xf32>
    %sub3A_4672 = arith.subf %sub3A_4671, %div3A_4661 : vector<8x512xf32>
    %select_n3A_4673 = arith.select %ge3A_4669, %div3A_4661, %sub3A_4672 : vector<8x512xi1>, vector<8x512xf32>
    %jit3A_4674 = arith.constant 0.000000e+00 : f32
    %broadcast_in_dim3A_4675 = vector.shape_cast %get3A_1 : vector<8x1xf32> to vector<8x1xf32>
    %broadcast_in_dim3A_4676 = vector.broadcast %broadcast_in_dim3A_4675 : vector<8x1xf32> to vector<8x512xf32>
    %broadcast_in_dim3A_4677 = vector.broadcast %jit3A_4674 : f32 to vector<8x512xf32>
    %select_n3A_4678 = arith.select %gt3A_4650, %broadcast_in_dim3A_4676, %broadcast_in_dim3A_4677 : vector<8x512xi1>, vector<8x512xf32>
    %sub3A_4679 = vector.broadcast %get3A_1 : vector<8x1xf32> to vector<8x512xf32>
    %sub3A_4680 = arith.subf %sub3A_4679, %select_n3A_4673 : vector<8x512xf32>
    %abs3A_4681 = math.absf %sub3A_4680 : vector<8x512xf32>
    %select_n3A_4682 = arith.select %gt3A_4650, %abs3A_4681, %select_n3A_4673 : vector<8x512xi1>, vector<8x512xf32>
    %mul3A_4683 = arith.mulf %get3A_4644, %select_n3A_4678 : vector<8x512xf32>
    %sub3A_4684 = arith.subf %add3A_4666, %mul3A_4683 : vector<8x512xf32>
    %sqrt3A_4685 = math.sqrt %select_n3A_4682 : vector<8x512xf32>
    %mul3A_4686 = arith.mulf %select_n3A_4682, %sqrt3A_4685 : vector<8x512xf32>
    %mul3A_4687 = arith.mulf %sub3A_4684, %mul3A_4686 : vector<8x512xf32>
    %add3A_4688 = arith.addf %add3A_4641, %mul3A_4687 : vector<8x512xf32>
    %get3A_4689 = arith.constant 0 : index
    %get3A_4690 = arith.constant 51200 : index
    %get3A_4691 = vector.load %arg2[%get3A_4689, %get3A_4690] : memref<8x57344xf32, #tpu.memory_space<vmem>>, vector<8x512xf32>
    %get3A_4692 = arith.constant 0 : index
    %get3A_4693 = arith.constant 51200 : index
    %get3A_4694 = vector.load %arg3[%get3A_4692, %get3A_4693] : memref<8x57344xi32, #tpu.memory_space<vmem>>, vector<8x512xi32>
    %gt3A_4695 = arith.constant 0 : i32
    %gt3A_4696 = vector.broadcast %gt3A_4695 : i32 to vector<8x512xi32>
    %gt3A_4697 = arith.cmpi sgt, %get3A_4694, %gt3A_4696 : vector<8x512xi32>
    %abs3A_4698 = math.absf %get3A_4691 : vector<8x512xf32>
    %neg3A_4699 = arith.constant 0.000000e+00 : f32
    %neg3A_4700 = vector.broadcast %neg3A_4699 : f32 to vector<8x512xf32>
    %neg3A_4701 = arith.subf %neg3A_4700, %abs3A_4698 : vector<8x512xf32>
    %exp3A_4702 = math.exp %neg3A_4701 : vector<8x512xf32>
    %add3A_4703 = arith.constant 1.000000e+00 : f32
    %add3A_4704 = vector.broadcast %add3A_4703 : f32 to vector<8x512xf32>
    %add3A_4705 = arith.addf %add3A_4704, %exp3A_4702 : vector<8x512xf32>
    %div3A_4706 = arith.constant 1.000000e+00 : f32
    %div3A_4707 = vector.broadcast %div3A_4706 : f32 to vector<8x512xf32>
    %div3A_4708 = arith.divf %div3A_4707, %add3A_4705 : vector<8x512xf32>
    %max3A_4709 = arith.constant 0.000000e+00 : f32
    %max3A_4710 = vector.broadcast %max3A_4709 : f32 to vector<8x512xf32>
    %max3A_4711 = arith.maximumf %get3A_4691, %max3A_4710 : vector<8x512xf32>
    %log1p3A_4712 = math.log1p %exp3A_4702 : vector<8x512xf32>
    %add3A_4713 = arith.addf %max3A_4711, %log1p3A_4712 : vector<8x512xf32>
    %ge3A_4714 = arith.constant 0.000000e+00 : f32
    %ge3A_4715 = vector.broadcast %ge3A_4714 : f32 to vector<8x512xf32>
    %ge3A_4716 = arith.cmpf oge, %get3A_4691, %ge3A_4715 : vector<8x512xf32>
    %sub3A_4717 = arith.constant 1.000000e+00 : f32
    %sub3A_4718 = vector.broadcast %sub3A_4717 : f32 to vector<8x512xf32>
    %sub3A_4719 = arith.subf %sub3A_4718, %div3A_4708 : vector<8x512xf32>
    %select_n3A_4720 = arith.select %ge3A_4716, %div3A_4708, %sub3A_4719 : vector<8x512xi1>, vector<8x512xf32>
    %jit3A_4721 = arith.constant 0.000000e+00 : f32
    %broadcast_in_dim3A_4722 = vector.shape_cast %get3A_1 : vector<8x1xf32> to vector<8x1xf32>
    %broadcast_in_dim3A_4723 = vector.broadcast %broadcast_in_dim3A_4722 : vector<8x1xf32> to vector<8x512xf32>
    %broadcast_in_dim3A_4724 = vector.broadcast %jit3A_4721 : f32 to vector<8x512xf32>
    %select_n3A_4725 = arith.select %gt3A_4697, %broadcast_in_dim3A_4723, %broadcast_in_dim3A_4724 : vector<8x512xi1>, vector<8x512xf32>
    %sub3A_4726 = vector.broadcast %get3A_1 : vector<8x1xf32> to vector<8x512xf32>
    %sub3A_4727 = arith.subf %sub3A_4726, %select_n3A_4720 : vector<8x512xf32>
    %abs3A_4728 = math.absf %sub3A_4727 : vector<8x512xf32>
    %select_n3A_4729 = arith.select %gt3A_4697, %abs3A_4728, %select_n3A_4720 : vector<8x512xi1>, vector<8x512xf32>
    %mul3A_4730 = arith.mulf %get3A_4691, %select_n3A_4725 : vector<8x512xf32>
    %sub3A_4731 = arith.subf %add3A_4713, %mul3A_4730 : vector<8x512xf32>
    %sqrt3A_4732 = math.sqrt %select_n3A_4729 : vector<8x512xf32>
    %mul3A_4733 = arith.mulf %select_n3A_4729, %sqrt3A_4732 : vector<8x512xf32>
    %mul3A_4734 = arith.mulf %sub3A_4731, %mul3A_4733 : vector<8x512xf32>
    %add3A_4735 = arith.addf %add3A_4688, %mul3A_4734 : vector<8x512xf32>
    %get3A_4736 = arith.constant 0 : index
    %get3A_4737 = arith.constant 51712 : index
    %get3A_4738 = vector.load %arg2[%get3A_4736, %get3A_4737] : memref<8x57344xf32, #tpu.memory_space<vmem>>, vector<8x512xf32>
    %get3A_4739 = arith.constant 0 : index
    %get3A_4740 = arith.constant 51712 : index
    %get3A_4741 = vector.load %arg3[%get3A_4739, %get3A_4740] : memref<8x57344xi32, #tpu.memory_space<vmem>>, vector<8x512xi32>
    %gt3A_4742 = arith.constant 0 : i32
    %gt3A_4743 = vector.broadcast %gt3A_4742 : i32 to vector<8x512xi32>
    %gt3A_4744 = arith.cmpi sgt, %get3A_4741, %gt3A_4743 : vector<8x512xi32>
    %abs3A_4745 = math.absf %get3A_4738 : vector<8x512xf32>
    %neg3A_4746 = arith.constant 0.000000e+00 : f32
    %neg3A_4747 = vector.broadcast %neg3A_4746 : f32 to vector<8x512xf32>
    %neg3A_4748 = arith.subf %neg3A_4747, %abs3A_4745 : vector<8x512xf32>
    %exp3A_4749 = math.exp %neg3A_4748 : vector<8x512xf32>
    %add3A_4750 = arith.constant 1.000000e+00 : f32
    %add3A_4751 = vector.broadcast %add3A_4750 : f32 to vector<8x512xf32>
    %add3A_4752 = arith.addf %add3A_4751, %exp3A_4749 : vector<8x512xf32>
    %div3A_4753 = arith.constant 1.000000e+00 : f32
    %div3A_4754 = vector.broadcast %div3A_4753 : f32 to vector<8x512xf32>
    %div3A_4755 = arith.divf %div3A_4754, %add3A_4752 : vector<8x512xf32>
    %max3A_4756 = arith.constant 0.000000e+00 : f32
    %max3A_4757 = vector.broadcast %max3A_4756 : f32 to vector<8x512xf32>
    %max3A_4758 = arith.maximumf %get3A_4738, %max3A_4757 : vector<8x512xf32>
    %log1p3A_4759 = math.log1p %exp3A_4749 : vector<8x512xf32>
    %add3A_4760 = arith.addf %max3A_4758, %log1p3A_4759 : vector<8x512xf32>
    %ge3A_4761 = arith.constant 0.000000e+00 : f32
    %ge3A_4762 = vector.broadcast %ge3A_4761 : f32 to vector<8x512xf32>
    %ge3A_4763 = arith.cmpf oge, %get3A_4738, %ge3A_4762 : vector<8x512xf32>
    %sub3A_4764 = arith.constant 1.000000e+00 : f32
    %sub3A_4765 = vector.broadcast %sub3A_4764 : f32 to vector<8x512xf32>
    %sub3A_4766 = arith.subf %sub3A_4765, %div3A_4755 : vector<8x512xf32>
    %select_n3A_4767 = arith.select %ge3A_4763, %div3A_4755, %sub3A_4766 : vector<8x512xi1>, vector<8x512xf32>
    %jit3A_4768 = arith.constant 0.000000e+00 : f32
    %broadcast_in_dim3A_4769 = vector.shape_cast %get3A_1 : vector<8x1xf32> to vector<8x1xf32>
    %broadcast_in_dim3A_4770 = vector.broadcast %broadcast_in_dim3A_4769 : vector<8x1xf32> to vector<8x512xf32>
    %broadcast_in_dim3A_4771 = vector.broadcast %jit3A_4768 : f32 to vector<8x512xf32>
    %select_n3A_4772 = arith.select %gt3A_4744, %broadcast_in_dim3A_4770, %broadcast_in_dim3A_4771 : vector<8x512xi1>, vector<8x512xf32>
    %sub3A_4773 = vector.broadcast %get3A_1 : vector<8x1xf32> to vector<8x512xf32>
    %sub3A_4774 = arith.subf %sub3A_4773, %select_n3A_4767 : vector<8x512xf32>
    %abs3A_4775 = math.absf %sub3A_4774 : vector<8x512xf32>
    %select_n3A_4776 = arith.select %gt3A_4744, %abs3A_4775, %select_n3A_4767 : vector<8x512xi1>, vector<8x512xf32>
    %mul3A_4777 = arith.mulf %get3A_4738, %select_n3A_4772 : vector<8x512xf32>
    %sub3A_4778 = arith.subf %add3A_4760, %mul3A_4777 : vector<8x512xf32>
    %sqrt3A_4779 = math.sqrt %select_n3A_4776 : vector<8x512xf32>
    %mul3A_4780 = arith.mulf %select_n3A_4776, %sqrt3A_4779 : vector<8x512xf32>
    %mul3A_4781 = arith.mulf %sub3A_4778, %mul3A_4780 : vector<8x512xf32>
    %add3A_4782 = arith.addf %add3A_4735, %mul3A_4781 : vector<8x512xf32>
    %get3A_4783 = arith.constant 0 : index
    %get3A_4784 = arith.constant 52224 : index
    %get3A_4785 = vector.load %arg2[%get3A_4783, %get3A_4784] : memref<8x57344xf32, #tpu.memory_space<vmem>>, vector<8x512xf32>
    %get3A_4786 = arith.constant 0 : index
    %get3A_4787 = arith.constant 52224 : index
    %get3A_4788 = vector.load %arg3[%get3A_4786, %get3A_4787] : memref<8x57344xi32, #tpu.memory_space<vmem>>, vector<8x512xi32>
    %gt3A_4789 = arith.constant 0 : i32
    %gt3A_4790 = vector.broadcast %gt3A_4789 : i32 to vector<8x512xi32>
    %gt3A_4791 = arith.cmpi sgt, %get3A_4788, %gt3A_4790 : vector<8x512xi32>
    %abs3A_4792 = math.absf %get3A_4785 : vector<8x512xf32>
    %neg3A_4793 = arith.constant 0.000000e+00 : f32
    %neg3A_4794 = vector.broadcast %neg3A_4793 : f32 to vector<8x512xf32>
    %neg3A_4795 = arith.subf %neg3A_4794, %abs3A_4792 : vector<8x512xf32>
    %exp3A_4796 = math.exp %neg3A_4795 : vector<8x512xf32>
    %add3A_4797 = arith.constant 1.000000e+00 : f32
    %add3A_4798 = vector.broadcast %add3A_4797 : f32 to vector<8x512xf32>
    %add3A_4799 = arith.addf %add3A_4798, %exp3A_4796 : vector<8x512xf32>
    %div3A_4800 = arith.constant 1.000000e+00 : f32
    %div3A_4801 = vector.broadcast %div3A_4800 : f32 to vector<8x512xf32>
    %div3A_4802 = arith.divf %div3A_4801, %add3A_4799 : vector<8x512xf32>
    %max3A_4803 = arith.constant 0.000000e+00 : f32
    %max3A_4804 = vector.broadcast %max3A_4803 : f32 to vector<8x512xf32>
    %max3A_4805 = arith.maximumf %get3A_4785, %max3A_4804 : vector<8x512xf32>
    %log1p3A_4806 = math.log1p %exp3A_4796 : vector<8x512xf32>
    %add3A_4807 = arith.addf %max3A_4805, %log1p3A_4806 : vector<8x512xf32>
    %ge3A_4808 = arith.constant 0.000000e+00 : f32
    %ge3A_4809 = vector.broadcast %ge3A_4808 : f32 to vector<8x512xf32>
    %ge3A_4810 = arith.cmpf oge, %get3A_4785, %ge3A_4809 : vector<8x512xf32>
    %sub3A_4811 = arith.constant 1.000000e+00 : f32
    %sub3A_4812 = vector.broadcast %sub3A_4811 : f32 to vector<8x512xf32>
    %sub3A_4813 = arith.subf %sub3A_4812, %div3A_4802 : vector<8x512xf32>
    %select_n3A_4814 = arith.select %ge3A_4810, %div3A_4802, %sub3A_4813 : vector<8x512xi1>, vector<8x512xf32>
    %jit3A_4815 = arith.constant 0.000000e+00 : f32
    %broadcast_in_dim3A_4816 = vector.shape_cast %get3A_1 : vector<8x1xf32> to vector<8x1xf32>
    %broadcast_in_dim3A_4817 = vector.broadcast %broadcast_in_dim3A_4816 : vector<8x1xf32> to vector<8x512xf32>
    %broadcast_in_dim3A_4818 = vector.broadcast %jit3A_4815 : f32 to vector<8x512xf32>
    %select_n3A_4819 = arith.select %gt3A_4791, %broadcast_in_dim3A_4817, %broadcast_in_dim3A_4818 : vector<8x512xi1>, vector<8x512xf32>
    %sub3A_4820 = vector.broadcast %get3A_1 : vector<8x1xf32> to vector<8x512xf32>
    %sub3A_4821 = arith.subf %sub3A_4820, %select_n3A_4814 : vector<8x512xf32>
    %abs3A_4822 = math.absf %sub3A_4821 : vector<8x512xf32>
    %select_n3A_4823 = arith.select %gt3A_4791, %abs3A_4822, %select_n3A_4814 : vector<8x512xi1>, vector<8x512xf32>
    %mul3A_4824 = arith.mulf %get3A_4785, %select_n3A_4819 : vector<8x512xf32>
    %sub3A_4825 = arith.subf %add3A_4807, %mul3A_4824 : vector<8x512xf32>
    %sqrt3A_4826 = math.sqrt %select_n3A_4823 : vector<8x512xf32>
    %mul3A_4827 = arith.mulf %select_n3A_4823, %sqrt3A_4826 : vector<8x512xf32>
    %mul3A_4828 = arith.mulf %sub3A_4825, %mul3A_4827 : vector<8x512xf32>
    %add3A_4829 = arith.addf %add3A_4782, %mul3A_4828 : vector<8x512xf32>
    %get3A_4830 = arith.constant 0 : index
    %get3A_4831 = arith.constant 52736 : index
    %get3A_4832 = vector.load %arg2[%get3A_4830, %get3A_4831] : memref<8x57344xf32, #tpu.memory_space<vmem>>, vector<8x512xf32>
    %get3A_4833 = arith.constant 0 : index
    %get3A_4834 = arith.constant 52736 : index
    %get3A_4835 = vector.load %arg3[%get3A_4833, %get3A_4834] : memref<8x57344xi32, #tpu.memory_space<vmem>>, vector<8x512xi32>
    %gt3A_4836 = arith.constant 0 : i32
    %gt3A_4837 = vector.broadcast %gt3A_4836 : i32 to vector<8x512xi32>
    %gt3A_4838 = arith.cmpi sgt, %get3A_4835, %gt3A_4837 : vector<8x512xi32>
    %abs3A_4839 = math.absf %get3A_4832 : vector<8x512xf32>
    %neg3A_4840 = arith.constant 0.000000e+00 : f32
    %neg3A_4841 = vector.broadcast %neg3A_4840 : f32 to vector<8x512xf32>
    %neg3A_4842 = arith.subf %neg3A_4841, %abs3A_4839 : vector<8x512xf32>
    %exp3A_4843 = math.exp %neg3A_4842 : vector<8x512xf32>
    %add3A_4844 = arith.constant 1.000000e+00 : f32
    %add3A_4845 = vector.broadcast %add3A_4844 : f32 to vector<8x512xf32>
    %add3A_4846 = arith.addf %add3A_4845, %exp3A_4843 : vector<8x512xf32>
    %div3A_4847 = arith.constant 1.000000e+00 : f32
    %div3A_4848 = vector.broadcast %div3A_4847 : f32 to vector<8x512xf32>
    %div3A_4849 = arith.divf %div3A_4848, %add3A_4846 : vector<8x512xf32>
    %max3A_4850 = arith.constant 0.000000e+00 : f32
    %max3A_4851 = vector.broadcast %max3A_4850 : f32 to vector<8x512xf32>
    %max3A_4852 = arith.maximumf %get3A_4832, %max3A_4851 : vector<8x512xf32>
    %log1p3A_4853 = math.log1p %exp3A_4843 : vector<8x512xf32>
    %add3A_4854 = arith.addf %max3A_4852, %log1p3A_4853 : vector<8x512xf32>
    %ge3A_4855 = arith.constant 0.000000e+00 : f32
    %ge3A_4856 = vector.broadcast %ge3A_4855 : f32 to vector<8x512xf32>
    %ge3A_4857 = arith.cmpf oge, %get3A_4832, %ge3A_4856 : vector<8x512xf32>
    %sub3A_4858 = arith.constant 1.000000e+00 : f32
    %sub3A_4859 = vector.broadcast %sub3A_4858 : f32 to vector<8x512xf32>
    %sub3A_4860 = arith.subf %sub3A_4859, %div3A_4849 : vector<8x512xf32>
    %select_n3A_4861 = arith.select %ge3A_4857, %div3A_4849, %sub3A_4860 : vector<8x512xi1>, vector<8x512xf32>
    %jit3A_4862 = arith.constant 0.000000e+00 : f32
    %broadcast_in_dim3A_4863 = vector.shape_cast %get3A_1 : vector<8x1xf32> to vector<8x1xf32>
    %broadcast_in_dim3A_4864 = vector.broadcast %broadcast_in_dim3A_4863 : vector<8x1xf32> to vector<8x512xf32>
    %broadcast_in_dim3A_4865 = vector.broadcast %jit3A_4862 : f32 to vector<8x512xf32>
    %select_n3A_4866 = arith.select %gt3A_4838, %broadcast_in_dim3A_4864, %broadcast_in_dim3A_4865 : vector<8x512xi1>, vector<8x512xf32>
    %sub3A_4867 = vector.broadcast %get3A_1 : vector<8x1xf32> to vector<8x512xf32>
    %sub3A_4868 = arith.subf %sub3A_4867, %select_n3A_4861 : vector<8x512xf32>
    %abs3A_4869 = math.absf %sub3A_4868 : vector<8x512xf32>
    %select_n3A_4870 = arith.select %gt3A_4838, %abs3A_4869, %select_n3A_4861 : vector<8x512xi1>, vector<8x512xf32>
    %mul3A_4871 = arith.mulf %get3A_4832, %select_n3A_4866 : vector<8x512xf32>
    %sub3A_4872 = arith.subf %add3A_4854, %mul3A_4871 : vector<8x512xf32>
    %sqrt3A_4873 = math.sqrt %select_n3A_4870 : vector<8x512xf32>
    %mul3A_4874 = arith.mulf %select_n3A_4870, %sqrt3A_4873 : vector<8x512xf32>
    %mul3A_4875 = arith.mulf %sub3A_4872, %mul3A_4874 : vector<8x512xf32>
    %add3A_4876 = arith.addf %add3A_4829, %mul3A_4875 : vector<8x512xf32>
    %get3A_4877 = arith.constant 0 : index
    %get3A_4878 = arith.constant 53248 : index
    %get3A_4879 = vector.load %arg2[%get3A_4877, %get3A_4878] : memref<8x57344xf32, #tpu.memory_space<vmem>>, vector<8x512xf32>
    %get3A_4880 = arith.constant 0 : index
    %get3A_4881 = arith.constant 53248 : index
    %get3A_4882 = vector.load %arg3[%get3A_4880, %get3A_4881] : memref<8x57344xi32, #tpu.memory_space<vmem>>, vector<8x512xi32>
    %gt3A_4883 = arith.constant 0 : i32
    %gt3A_4884 = vector.broadcast %gt3A_4883 : i32 to vector<8x512xi32>
    %gt3A_4885 = arith.cmpi sgt, %get3A_4882, %gt3A_4884 : vector<8x512xi32>
    %abs3A_4886 = math.absf %get3A_4879 : vector<8x512xf32>
    %neg3A_4887 = arith.constant 0.000000e+00 : f32
    %neg3A_4888 = vector.broadcast %neg3A_4887 : f32 to vector<8x512xf32>
    %neg3A_4889 = arith.subf %neg3A_4888, %abs3A_4886 : vector<8x512xf32>
    %exp3A_4890 = math.exp %neg3A_4889 : vector<8x512xf32>
    %add3A_4891 = arith.constant 1.000000e+00 : f32
    %add3A_4892 = vector.broadcast %add3A_4891 : f32 to vector<8x512xf32>
    %add3A_4893 = arith.addf %add3A_4892, %exp3A_4890 : vector<8x512xf32>
    %div3A_4894 = arith.constant 1.000000e+00 : f32
    %div3A_4895 = vector.broadcast %div3A_4894 : f32 to vector<8x512xf32>
    %div3A_4896 = arith.divf %div3A_4895, %add3A_4893 : vector<8x512xf32>
    %max3A_4897 = arith.constant 0.000000e+00 : f32
    %max3A_4898 = vector.broadcast %max3A_4897 : f32 to vector<8x512xf32>
    %max3A_4899 = arith.maximumf %get3A_4879, %max3A_4898 : vector<8x512xf32>
    %log1p3A_4900 = math.log1p %exp3A_4890 : vector<8x512xf32>
    %add3A_4901 = arith.addf %max3A_4899, %log1p3A_4900 : vector<8x512xf32>
    %ge3A_4902 = arith.constant 0.000000e+00 : f32
    %ge3A_4903 = vector.broadcast %ge3A_4902 : f32 to vector<8x512xf32>
    %ge3A_4904 = arith.cmpf oge, %get3A_4879, %ge3A_4903 : vector<8x512xf32>
    %sub3A_4905 = arith.constant 1.000000e+00 : f32
    %sub3A_4906 = vector.broadcast %sub3A_4905 : f32 to vector<8x512xf32>
    %sub3A_4907 = arith.subf %sub3A_4906, %div3A_4896 : vector<8x512xf32>
    %select_n3A_4908 = arith.select %ge3A_4904, %div3A_4896, %sub3A_4907 : vector<8x512xi1>, vector<8x512xf32>
    %jit3A_4909 = arith.constant 0.000000e+00 : f32
    %broadcast_in_dim3A_4910 = vector.shape_cast %get3A_1 : vector<8x1xf32> to vector<8x1xf32>
    %broadcast_in_dim3A_4911 = vector.broadcast %broadcast_in_dim3A_4910 : vector<8x1xf32> to vector<8x512xf32>
    %broadcast_in_dim3A_4912 = vector.broadcast %jit3A_4909 : f32 to vector<8x512xf32>
    %select_n3A_4913 = arith.select %gt3A_4885, %broadcast_in_dim3A_4911, %broadcast_in_dim3A_4912 : vector<8x512xi1>, vector<8x512xf32>
    %sub3A_4914 = vector.broadcast %get3A_1 : vector<8x1xf32> to vector<8x512xf32>
    %sub3A_4915 = arith.subf %sub3A_4914, %select_n3A_4908 : vector<8x512xf32>
    %abs3A_4916 = math.absf %sub3A_4915 : vector<8x512xf32>
    %select_n3A_4917 = arith.select %gt3A_4885, %abs3A_4916, %select_n3A_4908 : vector<8x512xi1>, vector<8x512xf32>
    %mul3A_4918 = arith.mulf %get3A_4879, %select_n3A_4913 : vector<8x512xf32>
    %sub3A_4919 = arith.subf %add3A_4901, %mul3A_4918 : vector<8x512xf32>
    %sqrt3A_4920 = math.sqrt %select_n3A_4917 : vector<8x512xf32>
    %mul3A_4921 = arith.mulf %select_n3A_4917, %sqrt3A_4920 : vector<8x512xf32>
    %mul3A_4922 = arith.mulf %sub3A_4919, %mul3A_4921 : vector<8x512xf32>
    %add3A_4923 = arith.addf %add3A_4876, %mul3A_4922 : vector<8x512xf32>
    %get3A_4924 = arith.constant 0 : index
    %get3A_4925 = arith.constant 53760 : index
    %get3A_4926 = vector.load %arg2[%get3A_4924, %get3A_4925] : memref<8x57344xf32, #tpu.memory_space<vmem>>, vector<8x512xf32>
    %get3A_4927 = arith.constant 0 : index
    %get3A_4928 = arith.constant 53760 : index
    %get3A_4929 = vector.load %arg3[%get3A_4927, %get3A_4928] : memref<8x57344xi32, #tpu.memory_space<vmem>>, vector<8x512xi32>
    %gt3A_4930 = arith.constant 0 : i32
    %gt3A_4931 = vector.broadcast %gt3A_4930 : i32 to vector<8x512xi32>
    %gt3A_4932 = arith.cmpi sgt, %get3A_4929, %gt3A_4931 : vector<8x512xi32>
    %abs3A_4933 = math.absf %get3A_4926 : vector<8x512xf32>
    %neg3A_4934 = arith.constant 0.000000e+00 : f32
    %neg3A_4935 = vector.broadcast %neg3A_4934 : f32 to vector<8x512xf32>
    %neg3A_4936 = arith.subf %neg3A_4935, %abs3A_4933 : vector<8x512xf32>
    %exp3A_4937 = math.exp %neg3A_4936 : vector<8x512xf32>
    %add3A_4938 = arith.constant 1.000000e+00 : f32
    %add3A_4939 = vector.broadcast %add3A_4938 : f32 to vector<8x512xf32>
    %add3A_4940 = arith.addf %add3A_4939, %exp3A_4937 : vector<8x512xf32>
    %div3A_4941 = arith.constant 1.000000e+00 : f32
    %div3A_4942 = vector.broadcast %div3A_4941 : f32 to vector<8x512xf32>
    %div3A_4943 = arith.divf %div3A_4942, %add3A_4940 : vector<8x512xf32>
    %max3A_4944 = arith.constant 0.000000e+00 : f32
    %max3A_4945 = vector.broadcast %max3A_4944 : f32 to vector<8x512xf32>
    %max3A_4946 = arith.maximumf %get3A_4926, %max3A_4945 : vector<8x512xf32>
    %log1p3A_4947 = math.log1p %exp3A_4937 : vector<8x512xf32>
    %add3A_4948 = arith.addf %max3A_4946, %log1p3A_4947 : vector<8x512xf32>
    %ge3A_4949 = arith.constant 0.000000e+00 : f32
    %ge3A_4950 = vector.broadcast %ge3A_4949 : f32 to vector<8x512xf32>
    %ge3A_4951 = arith.cmpf oge, %get3A_4926, %ge3A_4950 : vector<8x512xf32>
    %sub3A_4952 = arith.constant 1.000000e+00 : f32
    %sub3A_4953 = vector.broadcast %sub3A_4952 : f32 to vector<8x512xf32>
    %sub3A_4954 = arith.subf %sub3A_4953, %div3A_4943 : vector<8x512xf32>
    %select_n3A_4955 = arith.select %ge3A_4951, %div3A_4943, %sub3A_4954 : vector<8x512xi1>, vector<8x512xf32>
    %jit3A_4956 = arith.constant 0.000000e+00 : f32
    %broadcast_in_dim3A_4957 = vector.shape_cast %get3A_1 : vector<8x1xf32> to vector<8x1xf32>
    %broadcast_in_dim3A_4958 = vector.broadcast %broadcast_in_dim3A_4957 : vector<8x1xf32> to vector<8x512xf32>
    %broadcast_in_dim3A_4959 = vector.broadcast %jit3A_4956 : f32 to vector<8x512xf32>
    %select_n3A_4960 = arith.select %gt3A_4932, %broadcast_in_dim3A_4958, %broadcast_in_dim3A_4959 : vector<8x512xi1>, vector<8x512xf32>
    %sub3A_4961 = vector.broadcast %get3A_1 : vector<8x1xf32> to vector<8x512xf32>
    %sub3A_4962 = arith.subf %sub3A_4961, %select_n3A_4955 : vector<8x512xf32>
    %abs3A_4963 = math.absf %sub3A_4962 : vector<8x512xf32>
    %select_n3A_4964 = arith.select %gt3A_4932, %abs3A_4963, %select_n3A_4955 : vector<8x512xi1>, vector<8x512xf32>
    %mul3A_4965 = arith.mulf %get3A_4926, %select_n3A_4960 : vector<8x512xf32>
    %sub3A_4966 = arith.subf %add3A_4948, %mul3A_4965 : vector<8x512xf32>
    %sqrt3A_4967 = math.sqrt %select_n3A_4964 : vector<8x512xf32>
    %mul3A_4968 = arith.mulf %select_n3A_4964, %sqrt3A_4967 : vector<8x512xf32>
    %mul3A_4969 = arith.mulf %sub3A_4966, %mul3A_4968 : vector<8x512xf32>
    %add3A_4970 = arith.addf %add3A_4923, %mul3A_4969 : vector<8x512xf32>
    %get3A_4971 = arith.constant 0 : index
    %get3A_4972 = arith.constant 54272 : index
    %get3A_4973 = vector.load %arg2[%get3A_4971, %get3A_4972] : memref<8x57344xf32, #tpu.memory_space<vmem>>, vector<8x512xf32>
    %get3A_4974 = arith.constant 0 : index
    %get3A_4975 = arith.constant 54272 : index
    %get3A_4976 = vector.load %arg3[%get3A_4974, %get3A_4975] : memref<8x57344xi32, #tpu.memory_space<vmem>>, vector<8x512xi32>
    %gt3A_4977 = arith.constant 0 : i32
    %gt3A_4978 = vector.broadcast %gt3A_4977 : i32 to vector<8x512xi32>
    %gt3A_4979 = arith.cmpi sgt, %get3A_4976, %gt3A_4978 : vector<8x512xi32>
    %abs3A_4980 = math.absf %get3A_4973 : vector<8x512xf32>
    %neg3A_4981 = arith.constant 0.000000e+00 : f32
    %neg3A_4982 = vector.broadcast %neg3A_4981 : f32 to vector<8x512xf32>
    %neg3A_4983 = arith.subf %neg3A_4982, %abs3A_4980 : vector<8x512xf32>
    %exp3A_4984 = math.exp %neg3A_4983 : vector<8x512xf32>
    %add3A_4985 = arith.constant 1.000000e+00 : f32
    %add3A_4986 = vector.broadcast %add3A_4985 : f32 to vector<8x512xf32>
    %add3A_4987 = arith.addf %add3A_4986, %exp3A_4984 : vector<8x512xf32>
    %div3A_4988 = arith.constant 1.000000e+00 : f32
    %div3A_4989 = vector.broadcast %div3A_4988 : f32 to vector<8x512xf32>
    %div3A_4990 = arith.divf %div3A_4989, %add3A_4987 : vector<8x512xf32>
    %max3A_4991 = arith.constant 0.000000e+00 : f32
    %max3A_4992 = vector.broadcast %max3A_4991 : f32 to vector<8x512xf32>
    %max3A_4993 = arith.maximumf %get3A_4973, %max3A_4992 : vector<8x512xf32>
    %log1p3A_4994 = math.log1p %exp3A_4984 : vector<8x512xf32>
    %add3A_4995 = arith.addf %max3A_4993, %log1p3A_4994 : vector<8x512xf32>
    %ge3A_4996 = arith.constant 0.000000e+00 : f32
    %ge3A_4997 = vector.broadcast %ge3A_4996 : f32 to vector<8x512xf32>
    %ge3A_4998 = arith.cmpf oge, %get3A_4973, %ge3A_4997 : vector<8x512xf32>
    %sub3A_4999 = arith.constant 1.000000e+00 : f32
    %sub3A_5000 = vector.broadcast %sub3A_4999 : f32 to vector<8x512xf32>
    %sub3A_5001 = arith.subf %sub3A_5000, %div3A_4990 : vector<8x512xf32>
    %select_n3A_5002 = arith.select %ge3A_4998, %div3A_4990, %sub3A_5001 : vector<8x512xi1>, vector<8x512xf32>
    %jit3A_5003 = arith.constant 0.000000e+00 : f32
    %broadcast_in_dim3A_5004 = vector.shape_cast %get3A_1 : vector<8x1xf32> to vector<8x1xf32>
    %broadcast_in_dim3A_5005 = vector.broadcast %broadcast_in_dim3A_5004 : vector<8x1xf32> to vector<8x512xf32>
    %broadcast_in_dim3A_5006 = vector.broadcast %jit3A_5003 : f32 to vector<8x512xf32>
    %select_n3A_5007 = arith.select %gt3A_4979, %broadcast_in_dim3A_5005, %broadcast_in_dim3A_5006 : vector<8x512xi1>, vector<8x512xf32>
    %sub3A_5008 = vector.broadcast %get3A_1 : vector<8x1xf32> to vector<8x512xf32>
    %sub3A_5009 = arith.subf %sub3A_5008, %select_n3A_5002 : vector<8x512xf32>
    %abs3A_5010 = math.absf %sub3A_5009 : vector<8x512xf32>
    %select_n3A_5011 = arith.select %gt3A_4979, %abs3A_5010, %select_n3A_5002 : vector<8x512xi1>, vector<8x512xf32>
    %mul3A_5012 = arith.mulf %get3A_4973, %select_n3A_5007 : vector<8x512xf32>
    %sub3A_5013 = arith.subf %add3A_4995, %mul3A_5012 : vector<8x512xf32>
    %sqrt3A_5014 = math.sqrt %select_n3A_5011 : vector<8x512xf32>
    %mul3A_5015 = arith.mulf %select_n3A_5011, %sqrt3A_5014 : vector<8x512xf32>
    %mul3A_5016 = arith.mulf %sub3A_5013, %mul3A_5015 : vector<8x512xf32>
    %add3A_5017 = arith.addf %add3A_4970, %mul3A_5016 : vector<8x512xf32>
    %get3A_5018 = arith.constant 0 : index
    %get3A_5019 = arith.constant 54784 : index
    %get3A_5020 = vector.load %arg2[%get3A_5018, %get3A_5019] : memref<8x57344xf32, #tpu.memory_space<vmem>>, vector<8x512xf32>
    %get3A_5021 = arith.constant 0 : index
    %get3A_5022 = arith.constant 54784 : index
    %get3A_5023 = vector.load %arg3[%get3A_5021, %get3A_5022] : memref<8x57344xi32, #tpu.memory_space<vmem>>, vector<8x512xi32>
    %gt3A_5024 = arith.constant 0 : i32
    %gt3A_5025 = vector.broadcast %gt3A_5024 : i32 to vector<8x512xi32>
    %gt3A_5026 = arith.cmpi sgt, %get3A_5023, %gt3A_5025 : vector<8x512xi32>
    %abs3A_5027 = math.absf %get3A_5020 : vector<8x512xf32>
    %neg3A_5028 = arith.constant 0.000000e+00 : f32
    %neg3A_5029 = vector.broadcast %neg3A_5028 : f32 to vector<8x512xf32>
    %neg3A_5030 = arith.subf %neg3A_5029, %abs3A_5027 : vector<8x512xf32>
    %exp3A_5031 = math.exp %neg3A_5030 : vector<8x512xf32>
    %add3A_5032 = arith.constant 1.000000e+00 : f32
    %add3A_5033 = vector.broadcast %add3A_5032 : f32 to vector<8x512xf32>
    %add3A_5034 = arith.addf %add3A_5033, %exp3A_5031 : vector<8x512xf32>
    %div3A_5035 = arith.constant 1.000000e+00 : f32
    %div3A_5036 = vector.broadcast %div3A_5035 : f32 to vector<8x512xf32>
    %div3A_5037 = arith.divf %div3A_5036, %add3A_5034 : vector<8x512xf32>
    %max3A_5038 = arith.constant 0.000000e+00 : f32
    %max3A_5039 = vector.broadcast %max3A_5038 : f32 to vector<8x512xf32>
    %max3A_5040 = arith.maximumf %get3A_5020, %max3A_5039 : vector<8x512xf32>
    %log1p3A_5041 = math.log1p %exp3A_5031 : vector<8x512xf32>
    %add3A_5042 = arith.addf %max3A_5040, %log1p3A_5041 : vector<8x512xf32>
    %ge3A_5043 = arith.constant 0.000000e+00 : f32
    %ge3A_5044 = vector.broadcast %ge3A_5043 : f32 to vector<8x512xf32>
    %ge3A_5045 = arith.cmpf oge, %get3A_5020, %ge3A_5044 : vector<8x512xf32>
    %sub3A_5046 = arith.constant 1.000000e+00 : f32
    %sub3A_5047 = vector.broadcast %sub3A_5046 : f32 to vector<8x512xf32>
    %sub3A_5048 = arith.subf %sub3A_5047, %div3A_5037 : vector<8x512xf32>
    %select_n3A_5049 = arith.select %ge3A_5045, %div3A_5037, %sub3A_5048 : vector<8x512xi1>, vector<8x512xf32>
    %jit3A_5050 = arith.constant 0.000000e+00 : f32
    %broadcast_in_dim3A_5051 = vector.shape_cast %get3A_1 : vector<8x1xf32> to vector<8x1xf32>
    %broadcast_in_dim3A_5052 = vector.broadcast %broadcast_in_dim3A_5051 : vector<8x1xf32> to vector<8x512xf32>
    %broadcast_in_dim3A_5053 = vector.broadcast %jit3A_5050 : f32 to vector<8x512xf32>
    %select_n3A_5054 = arith.select %gt3A_5026, %broadcast_in_dim3A_5052, %broadcast_in_dim3A_5053 : vector<8x512xi1>, vector<8x512xf32>
    %sub3A_5055 = vector.broadcast %get3A_1 : vector<8x1xf32> to vector<8x512xf32>
    %sub3A_5056 = arith.subf %sub3A_5055, %select_n3A_5049 : vector<8x512xf32>
    %abs3A_5057 = math.absf %sub3A_5056 : vector<8x512xf32>
    %select_n3A_5058 = arith.select %gt3A_5026, %abs3A_5057, %select_n3A_5049 : vector<8x512xi1>, vector<8x512xf32>
    %mul3A_5059 = arith.mulf %get3A_5020, %select_n3A_5054 : vector<8x512xf32>
    %sub3A_5060 = arith.subf %add3A_5042, %mul3A_5059 : vector<8x512xf32>
    %sqrt3A_5061 = math.sqrt %select_n3A_5058 : vector<8x512xf32>
    %mul3A_5062 = arith.mulf %select_n3A_5058, %sqrt3A_5061 : vector<8x512xf32>
    %mul3A_5063 = arith.mulf %sub3A_5060, %mul3A_5062 : vector<8x512xf32>
    %add3A_5064 = arith.addf %add3A_5017, %mul3A_5063 : vector<8x512xf32>
    %get3A_5065 = arith.constant 0 : index
    %get3A_5066 = arith.constant 55296 : index
    %get3A_5067 = vector.load %arg2[%get3A_5065, %get3A_5066] : memref<8x57344xf32, #tpu.memory_space<vmem>>, vector<8x512xf32>
    %get3A_5068 = arith.constant 0 : index
    %get3A_5069 = arith.constant 55296 : index
    %get3A_5070 = vector.load %arg3[%get3A_5068, %get3A_5069] : memref<8x57344xi32, #tpu.memory_space<vmem>>, vector<8x512xi32>
    %gt3A_5071 = arith.constant 0 : i32
    %gt3A_5072 = vector.broadcast %gt3A_5071 : i32 to vector<8x512xi32>
    %gt3A_5073 = arith.cmpi sgt, %get3A_5070, %gt3A_5072 : vector<8x512xi32>
    %abs3A_5074 = math.absf %get3A_5067 : vector<8x512xf32>
    %neg3A_5075 = arith.constant 0.000000e+00 : f32
    %neg3A_5076 = vector.broadcast %neg3A_5075 : f32 to vector<8x512xf32>
    %neg3A_5077 = arith.subf %neg3A_5076, %abs3A_5074 : vector<8x512xf32>
    %exp3A_5078 = math.exp %neg3A_5077 : vector<8x512xf32>
    %add3A_5079 = arith.constant 1.000000e+00 : f32
    %add3A_5080 = vector.broadcast %add3A_5079 : f32 to vector<8x512xf32>
    %add3A_5081 = arith.addf %add3A_5080, %exp3A_5078 : vector<8x512xf32>
    %div3A_5082 = arith.constant 1.000000e+00 : f32
    %div3A_5083 = vector.broadcast %div3A_5082 : f32 to vector<8x512xf32>
    %div3A_5084 = arith.divf %div3A_5083, %add3A_5081 : vector<8x512xf32>
    %max3A_5085 = arith.constant 0.000000e+00 : f32
    %max3A_5086 = vector.broadcast %max3A_5085 : f32 to vector<8x512xf32>
    %max3A_5087 = arith.maximumf %get3A_5067, %max3A_5086 : vector<8x512xf32>
    %log1p3A_5088 = math.log1p %exp3A_5078 : vector<8x512xf32>
    %add3A_5089 = arith.addf %max3A_5087, %log1p3A_5088 : vector<8x512xf32>
    %ge3A_5090 = arith.constant 0.000000e+00 : f32
    %ge3A_5091 = vector.broadcast %ge3A_5090 : f32 to vector<8x512xf32>
    %ge3A_5092 = arith.cmpf oge, %get3A_5067, %ge3A_5091 : vector<8x512xf32>
    %sub3A_5093 = arith.constant 1.000000e+00 : f32
    %sub3A_5094 = vector.broadcast %sub3A_5093 : f32 to vector<8x512xf32>
    %sub3A_5095 = arith.subf %sub3A_5094, %div3A_5084 : vector<8x512xf32>
    %select_n3A_5096 = arith.select %ge3A_5092, %div3A_5084, %sub3A_5095 : vector<8x512xi1>, vector<8x512xf32>
    %jit3A_5097 = arith.constant 0.000000e+00 : f32
    %broadcast_in_dim3A_5098 = vector.shape_cast %get3A_1 : vector<8x1xf32> to vector<8x1xf32>
    %broadcast_in_dim3A_5099 = vector.broadcast %broadcast_in_dim3A_5098 : vector<8x1xf32> to vector<8x512xf32>
    %broadcast_in_dim3A_5100 = vector.broadcast %jit3A_5097 : f32 to vector<8x512xf32>
    %select_n3A_5101 = arith.select %gt3A_5073, %broadcast_in_dim3A_5099, %broadcast_in_dim3A_5100 : vector<8x512xi1>, vector<8x512xf32>
    %sub3A_5102 = vector.broadcast %get3A_1 : vector<8x1xf32> to vector<8x512xf32>
    %sub3A_5103 = arith.subf %sub3A_5102, %select_n3A_5096 : vector<8x512xf32>
    %abs3A_5104 = math.absf %sub3A_5103 : vector<8x512xf32>
    %select_n3A_5105 = arith.select %gt3A_5073, %abs3A_5104, %select_n3A_5096 : vector<8x512xi1>, vector<8x512xf32>
    %mul3A_5106 = arith.mulf %get3A_5067, %select_n3A_5101 : vector<8x512xf32>
    %sub3A_5107 = arith.subf %add3A_5089, %mul3A_5106 : vector<8x512xf32>
    %sqrt3A_5108 = math.sqrt %select_n3A_5105 : vector<8x512xf32>
    %mul3A_5109 = arith.mulf %select_n3A_5105, %sqrt3A_5108 : vector<8x512xf32>
    %mul3A_5110 = arith.mulf %sub3A_5107, %mul3A_5109 : vector<8x512xf32>
    %add3A_5111 = arith.addf %add3A_5064, %mul3A_5110 : vector<8x512xf32>
    %get3A_5112 = arith.constant 0 : index
    %get3A_5113 = arith.constant 55808 : index
    %get3A_5114 = vector.load %arg2[%get3A_5112, %get3A_5113] : memref<8x57344xf32, #tpu.memory_space<vmem>>, vector<8x512xf32>
    %get3A_5115 = arith.constant 0 : index
    %get3A_5116 = arith.constant 55808 : index
    %get3A_5117 = vector.load %arg3[%get3A_5115, %get3A_5116] : memref<8x57344xi32, #tpu.memory_space<vmem>>, vector<8x512xi32>
    %gt3A_5118 = arith.constant 0 : i32
    %gt3A_5119 = vector.broadcast %gt3A_5118 : i32 to vector<8x512xi32>
    %gt3A_5120 = arith.cmpi sgt, %get3A_5117, %gt3A_5119 : vector<8x512xi32>
    %abs3A_5121 = math.absf %get3A_5114 : vector<8x512xf32>
    %neg3A_5122 = arith.constant 0.000000e+00 : f32
    %neg3A_5123 = vector.broadcast %neg3A_5122 : f32 to vector<8x512xf32>
    %neg3A_5124 = arith.subf %neg3A_5123, %abs3A_5121 : vector<8x512xf32>
    %exp3A_5125 = math.exp %neg3A_5124 : vector<8x512xf32>
    %add3A_5126 = arith.constant 1.000000e+00 : f32
    %add3A_5127 = vector.broadcast %add3A_5126 : f32 to vector<8x512xf32>
    %add3A_5128 = arith.addf %add3A_5127, %exp3A_5125 : vector<8x512xf32>
    %div3A_5129 = arith.constant 1.000000e+00 : f32
    %div3A_5130 = vector.broadcast %div3A_5129 : f32 to vector<8x512xf32>
    %div3A_5131 = arith.divf %div3A_5130, %add3A_5128 : vector<8x512xf32>
    %max3A_5132 = arith.constant 0.000000e+00 : f32
    %max3A_5133 = vector.broadcast %max3A_5132 : f32 to vector<8x512xf32>
    %max3A_5134 = arith.maximumf %get3A_5114, %max3A_5133 : vector<8x512xf32>
    %log1p3A_5135 = math.log1p %exp3A_5125 : vector<8x512xf32>
    %add3A_5136 = arith.addf %max3A_5134, %log1p3A_5135 : vector<8x512xf32>
    %ge3A_5137 = arith.constant 0.000000e+00 : f32
    %ge3A_5138 = vector.broadcast %ge3A_5137 : f32 to vector<8x512xf32>
    %ge3A_5139 = arith.cmpf oge, %get3A_5114, %ge3A_5138 : vector<8x512xf32>
    %sub3A_5140 = arith.constant 1.000000e+00 : f32
    %sub3A_5141 = vector.broadcast %sub3A_5140 : f32 to vector<8x512xf32>
    %sub3A_5142 = arith.subf %sub3A_5141, %div3A_5131 : vector<8x512xf32>
    %select_n3A_5143 = arith.select %ge3A_5139, %div3A_5131, %sub3A_5142 : vector<8x512xi1>, vector<8x512xf32>
    %jit3A_5144 = arith.constant 0.000000e+00 : f32
    %broadcast_in_dim3A_5145 = vector.shape_cast %get3A_1 : vector<8x1xf32> to vector<8x1xf32>
    %broadcast_in_dim3A_5146 = vector.broadcast %broadcast_in_dim3A_5145 : vector<8x1xf32> to vector<8x512xf32>
    %broadcast_in_dim3A_5147 = vector.broadcast %jit3A_5144 : f32 to vector<8x512xf32>
    %select_n3A_5148 = arith.select %gt3A_5120, %broadcast_in_dim3A_5146, %broadcast_in_dim3A_5147 : vector<8x512xi1>, vector<8x512xf32>
    %sub3A_5149 = vector.broadcast %get3A_1 : vector<8x1xf32> to vector<8x512xf32>
    %sub3A_5150 = arith.subf %sub3A_5149, %select_n3A_5143 : vector<8x512xf32>
    %abs3A_5151 = math.absf %sub3A_5150 : vector<8x512xf32>
    %select_n3A_5152 = arith.select %gt3A_5120, %abs3A_5151, %select_n3A_5143 : vector<8x512xi1>, vector<8x512xf32>
    %mul3A_5153 = arith.mulf %get3A_5114, %select_n3A_5148 : vector<8x512xf32>
    %sub3A_5154 = arith.subf %add3A_5136, %mul3A_5153 : vector<8x512xf32>
    %sqrt3A_5155 = math.sqrt %select_n3A_5152 : vector<8x512xf32>
    %mul3A_5156 = arith.mulf %select_n3A_5152, %sqrt3A_5155 : vector<8x512xf32>
    %mul3A_5157 = arith.mulf %sub3A_5154, %mul3A_5156 : vector<8x512xf32>
    %add3A_5158 = arith.addf %add3A_5111, %mul3A_5157 : vector<8x512xf32>
    %get3A_5159 = arith.constant 0 : index
    %get3A_5160 = arith.constant 56320 : index
    %get3A_5161 = vector.load %arg2[%get3A_5159, %get3A_5160] : memref<8x57344xf32, #tpu.memory_space<vmem>>, vector<8x512xf32>
    %get3A_5162 = arith.constant 0 : index
    %get3A_5163 = arith.constant 56320 : index
    %get3A_5164 = vector.load %arg3[%get3A_5162, %get3A_5163] : memref<8x57344xi32, #tpu.memory_space<vmem>>, vector<8x512xi32>
    %gt3A_5165 = arith.constant 0 : i32
    %gt3A_5166 = vector.broadcast %gt3A_5165 : i32 to vector<8x512xi32>
    %gt3A_5167 = arith.cmpi sgt, %get3A_5164, %gt3A_5166 : vector<8x512xi32>
    %abs3A_5168 = math.absf %get3A_5161 : vector<8x512xf32>
    %neg3A_5169 = arith.constant 0.000000e+00 : f32
    %neg3A_5170 = vector.broadcast %neg3A_5169 : f32 to vector<8x512xf32>
    %neg3A_5171 = arith.subf %neg3A_5170, %abs3A_5168 : vector<8x512xf32>
    %exp3A_5172 = math.exp %neg3A_5171 : vector<8x512xf32>
    %add3A_5173 = arith.constant 1.000000e+00 : f32
    %add3A_5174 = vector.broadcast %add3A_5173 : f32 to vector<8x512xf32>
    %add3A_5175 = arith.addf %add3A_5174, %exp3A_5172 : vector<8x512xf32>
    %div3A_5176 = arith.constant 1.000000e+00 : f32
    %div3A_5177 = vector.broadcast %div3A_5176 : f32 to vector<8x512xf32>
    %div3A_5178 = arith.divf %div3A_5177, %add3A_5175 : vector<8x512xf32>
    %max3A_5179 = arith.constant 0.000000e+00 : f32
    %max3A_5180 = vector.broadcast %max3A_5179 : f32 to vector<8x512xf32>
    %max3A_5181 = arith.maximumf %get3A_5161, %max3A_5180 : vector<8x512xf32>
    %log1p3A_5182 = math.log1p %exp3A_5172 : vector<8x512xf32>
    %add3A_5183 = arith.addf %max3A_5181, %log1p3A_5182 : vector<8x512xf32>
    %ge3A_5184 = arith.constant 0.000000e+00 : f32
    %ge3A_5185 = vector.broadcast %ge3A_5184 : f32 to vector<8x512xf32>
    %ge3A_5186 = arith.cmpf oge, %get3A_5161, %ge3A_5185 : vector<8x512xf32>
    %sub3A_5187 = arith.constant 1.000000e+00 : f32
    %sub3A_5188 = vector.broadcast %sub3A_5187 : f32 to vector<8x512xf32>
    %sub3A_5189 = arith.subf %sub3A_5188, %div3A_5178 : vector<8x512xf32>
    %select_n3A_5190 = arith.select %ge3A_5186, %div3A_5178, %sub3A_5189 : vector<8x512xi1>, vector<8x512xf32>
    %jit3A_5191 = arith.constant 0.000000e+00 : f32
    %broadcast_in_dim3A_5192 = vector.shape_cast %get3A_1 : vector<8x1xf32> to vector<8x1xf32>
    %broadcast_in_dim3A_5193 = vector.broadcast %broadcast_in_dim3A_5192 : vector<8x1xf32> to vector<8x512xf32>
    %broadcast_in_dim3A_5194 = vector.broadcast %jit3A_5191 : f32 to vector<8x512xf32>
    %select_n3A_5195 = arith.select %gt3A_5167, %broadcast_in_dim3A_5193, %broadcast_in_dim3A_5194 : vector<8x512xi1>, vector<8x512xf32>
    %sub3A_5196 = vector.broadcast %get3A_1 : vector<8x1xf32> to vector<8x512xf32>
    %sub3A_5197 = arith.subf %sub3A_5196, %select_n3A_5190 : vector<8x512xf32>
    %abs3A_5198 = math.absf %sub3A_5197 : vector<8x512xf32>
    %select_n3A_5199 = arith.select %gt3A_5167, %abs3A_5198, %select_n3A_5190 : vector<8x512xi1>, vector<8x512xf32>
    %mul3A_5200 = arith.mulf %get3A_5161, %select_n3A_5195 : vector<8x512xf32>
    %sub3A_5201 = arith.subf %add3A_5183, %mul3A_5200 : vector<8x512xf32>
    %sqrt3A_5202 = math.sqrt %select_n3A_5199 : vector<8x512xf32>
    %mul3A_5203 = arith.mulf %select_n3A_5199, %sqrt3A_5202 : vector<8x512xf32>
    %mul3A_5204 = arith.mulf %sub3A_5201, %mul3A_5203 : vector<8x512xf32>
    %add3A_5205 = arith.addf %add3A_5158, %mul3A_5204 : vector<8x512xf32>
    %get3A_5206 = arith.constant 0 : index
    %get3A_5207 = arith.constant 56832 : index
    %get3A_5208 = vector.load %arg2[%get3A_5206, %get3A_5207] : memref<8x57344xf32, #tpu.memory_space<vmem>>, vector<8x512xf32>
    %get3A_5209 = arith.constant 0 : index
    %get3A_5210 = arith.constant 56832 : index
    %get3A_5211 = vector.load %arg3[%get3A_5209, %get3A_5210] : memref<8x57344xi32, #tpu.memory_space<vmem>>, vector<8x512xi32>
    %gt3A_5212 = arith.constant 0 : i32
    %gt3A_5213 = vector.broadcast %gt3A_5212 : i32 to vector<8x512xi32>
    %gt3A_5214 = arith.cmpi sgt, %get3A_5211, %gt3A_5213 : vector<8x512xi32>
    %abs3A_5215 = math.absf %get3A_5208 : vector<8x512xf32>
    %neg3A_5216 = arith.constant 0.000000e+00 : f32
    %neg3A_5217 = vector.broadcast %neg3A_5216 : f32 to vector<8x512xf32>
    %neg3A_5218 = arith.subf %neg3A_5217, %abs3A_5215 : vector<8x512xf32>
    %exp3A_5219 = math.exp %neg3A_5218 : vector<8x512xf32>
    %add3A_5220 = arith.constant 1.000000e+00 : f32
    %add3A_5221 = vector.broadcast %add3A_5220 : f32 to vector<8x512xf32>
    %add3A_5222 = arith.addf %add3A_5221, %exp3A_5219 : vector<8x512xf32>
    %div3A_5223 = arith.constant 1.000000e+00 : f32
    %div3A_5224 = vector.broadcast %div3A_5223 : f32 to vector<8x512xf32>
    %div3A_5225 = arith.divf %div3A_5224, %add3A_5222 : vector<8x512xf32>
    %max3A_5226 = arith.constant 0.000000e+00 : f32
    %max3A_5227 = vector.broadcast %max3A_5226 : f32 to vector<8x512xf32>
    %max3A_5228 = arith.maximumf %get3A_5208, %max3A_5227 : vector<8x512xf32>
    %log1p3A_5229 = math.log1p %exp3A_5219 : vector<8x512xf32>
    %add3A_5230 = arith.addf %max3A_5228, %log1p3A_5229 : vector<8x512xf32>
    %ge3A_5231 = arith.constant 0.000000e+00 : f32
    %ge3A_5232 = vector.broadcast %ge3A_5231 : f32 to vector<8x512xf32>
    %ge3A_5233 = arith.cmpf oge, %get3A_5208, %ge3A_5232 : vector<8x512xf32>
    %sub3A_5234 = arith.constant 1.000000e+00 : f32
    %sub3A_5235 = vector.broadcast %sub3A_5234 : f32 to vector<8x512xf32>
    %sub3A_5236 = arith.subf %sub3A_5235, %div3A_5225 : vector<8x512xf32>
    %select_n3A_5237 = arith.select %ge3A_5233, %div3A_5225, %sub3A_5236 : vector<8x512xi1>, vector<8x512xf32>
    %jit3A_5238 = arith.constant 0.000000e+00 : f32
    %broadcast_in_dim3A_5239 = vector.shape_cast %get3A_1 : vector<8x1xf32> to vector<8x1xf32>
    %broadcast_in_dim3A_5240 = vector.broadcast %broadcast_in_dim3A_5239 : vector<8x1xf32> to vector<8x512xf32>
    %broadcast_in_dim3A_5241 = vector.broadcast %jit3A_5238 : f32 to vector<8x512xf32>
    %select_n3A_5242 = arith.select %gt3A_5214, %broadcast_in_dim3A_5240, %broadcast_in_dim3A_5241 : vector<8x512xi1>, vector<8x512xf32>
    %sub3A_5243 = vector.broadcast %get3A_1 : vector<8x1xf32> to vector<8x512xf32>
    %sub3A_5244 = arith.subf %sub3A_5243, %select_n3A_5237 : vector<8x512xf32>
    %abs3A_5245 = math.absf %sub3A_5244 : vector<8x512xf32>
    %select_n3A_5246 = arith.select %gt3A_5214, %abs3A_5245, %select_n3A_5237 : vector<8x512xi1>, vector<8x512xf32>
    %mul3A_5247 = arith.mulf %get3A_5208, %select_n3A_5242 : vector<8x512xf32>
    %sub3A_5248 = arith.subf %add3A_5230, %mul3A_5247 : vector<8x512xf32>
    %sqrt3A_5249 = math.sqrt %select_n3A_5246 : vector<8x512xf32>
    %mul3A_5250 = arith.mulf %select_n3A_5246, %sqrt3A_5249 : vector<8x512xf32>
    %mul3A_5251 = arith.mulf %sub3A_5248, %mul3A_5250 : vector<8x512xf32>
    %add3A_5252 = arith.addf %add3A_5205, %mul3A_5251 : vector<8x512xf32>
    %eq3A = arith.constant 0 : i32
    %eq3A_5253 = arith.cmpi eq, %arg0, %eq3A : i32
    %convert_element_type3A = arith.extui %eq3A_5253 : i1 to i32
    %cond3A = arith.constant 0 : i32
    %cond3A_5254 = arith.cmpi ne, %convert_element_type3A, %cond3A : i32
    scf.if %cond3A_5254 {
      %swap3A_5265 = arith.constant 0.000000e+00 : f32
      %swap3A_5266 = arith.constant 0 : index
      %swap3A_5267 = arith.constant 0 : index
      %swap3A_5268 = memref.load %arg4[%swap3A_5266, %swap3A_5267] : memref<1x1xf32, #tpu.memory_space<smem>>
      memref.store %swap3A_5265, %arg4[%swap3A_5266, %swap3A_5267] : memref<1x1xf32, #tpu.memory_space<smem>>
    } else {
    }
    %get3A_5255 = arith.constant 0 : index
    %get3A_5256 = arith.constant 0 : index
    %get3A_5257 = memref.load %arg4[%get3A_5255, %get3A_5256] : memref<1x1xf32, #tpu.memory_space<smem>>
    %reduce_sum3A = vector.shape_cast %add3A_5252 : vector<8x512xf32> to vector<1x8x512xf32>
    %reduce_sum3A_5258 = arith.constant dense<0.000000e+00> : vector<1xf32>
    %reduce_sum3A_5259 = vector.multi_reduction <add>, %reduce_sum3A, %reduce_sum3A_5258 [1, 2] : vector<1x8x512xf32> to vector<1xf32>
    %reduce_sum3A_5260 = vector.shape_cast %reduce_sum3A_5259 : vector<1xf32> to vector<1x1x1xf32>
    %reduce_sum3A_5261 = vector.extract %reduce_sum3A_5260[0, 0, 0] : f32 from vector<1x1x1xf32>
    %add3A_5262 = arith.addf %get3A_5257, %reduce_sum3A_5261 : f32
    %swap3A = arith.constant 0 : index
    %swap3A_5263 = arith.constant 0 : index
    %swap3A_5264 = memref.load %arg4[%swap3A, %swap3A_5263] : memref<1x1xf32, #tpu.memory_space<smem>>
    memref.store %add3A_5262, %arg4[%swap3A, %swap3A_5263] : memref<1x1xf32, #tpu.memory_space<smem>>
    return
  }
  func.func @transform_0(%arg0: i32) -> (i32, i32) {
    %c0_i32 = arith.constant 0 : i32
    %c0_i32_0 = arith.constant 0 : i32
    return %arg0, %c0_i32 : i32, i32
  }
  func.func @transform_1(%arg0: i32) -> (i32, i32) {
    %c0_i32 = arith.constant 0 : i32
    %c0_i32_0 = arith.constant 0 : i32
    return %arg0, %c0_i32 : i32, i32
  }
  func.func @transform_2(%arg0: i32) -> (i32, i32) {
    %c0_i32 = arith.constant 0 : i32
    %c0_i32_0 = arith.constant 0 : i32
    return %arg0, %c0_i32 : i32, i32
  }
  func.func @transform_3(%arg0: i32) -> (i32, i32) {
    %c0_i32 = arith.constant 0 : i32
    %c0_i32_0 = arith.constant 0 : i32
    %c0_i32_1 = arith.constant 0 : i32
    return %c0_i32, %c0_i32_0 : i32, i32
  }
}

</mosaic_0001>

<sc_bundles>
// kernel: kernel.4.cloned.1.call-start
scs
__scs_entry_jumppad:
0x0: {  	(pc) =	sbr.rel $0x88, $3  }
0x1: {  	(tag) =	ssettag $0x0;
	lr =	simm.s32 $0x1  }
0x2: {  	[smem:$0x3F9E] =	sst lr;
	_ =	strace $0xD0000000  }
0x3: {  	_ = 	snop  }
0x4: {  	_ = 	snop  }
0x5: {  	_ = 	snop  }
0x6: {  	_ = 	snop  }
0x7: {  	_ = 	snop  }
__scs_overlays_trampoline_lowered:
0x8: {  	[smem:$0x3FAD] =	sst s0  }
0x9: {  	[smem:$0x3FAE] =	sst s1  }
0xa: {  	[smem:$0x3FAF] =	sst s2  }
0xb: {  	[smem:$0x3FB0] =	sst s3  }
0xc: {  	[smem:$0x3FB1] =	sst s4  }
0xd: {  	[smem:$0x3FB2] =	sst s5  }
0xe: {  	[smem:$0x3FB3] =	sst s6  }
0xf: {  	[smem:$0x3FB4] =	sst s7  }
0x10: {  	[smem:$0x3FB5] =	sst s8  }
0x11: {  	[smem:$0x3FB6] =	sst s9;
	s0 =	simm.s32 @!p0 $0x0  }
0x12: {  	s1 =	sld [smem:$0x3F9C];
	s0 =	simm.s32 @p0 $0x1  }
0x13: {  	[smem:$0x3FB7] =	sst s0;
	s0 =	simm.s32 @!p1 $0x0  }
0x14: {  	s2 =	sld [smem:$0x3F9B];
	s0 =	simm.s32 @p1 $0x1  }
0x15: {  	[smem:$0x3FB8] =	sst s0;
	s0 =	simm.s32 @!p2 $0x0  }
0x16: {  	s3 =	sld [smem:$0x3FDB];
	s0 =	simm.s32 @p2 $0x1  }
0x17: {  	s4 =	simm.s32 $0x1BF5;
	[smem:$0x3FBA] =	sst s0  }
0x18: {  	s0 =	sld [smem:$0x3F9D];
	_ =	swait.ge [sflag:s4], $0x0  }
0x19: {  	s7 =	sld [smem:$0x3F9E]  }
0x1a: {  	s8 =	sadd.s32 $0xFFFFE003, lr  }
0x1b: {  	s9 =	sadd.s32 $0xFFFFFEF7, lr;
	s5 =	simm.s32 $0xFFFFFFFF;
	p2 =	slt.u32 s8, $0xFFFFF086  }
0x1c: {  	p1 =	slt.u32 s9, $0xF7A;
	s5 =	simm.s32 @!p2 $0x0  }
0x1d: {  	s5 =	simm.s32 @p1 $0x1;
	p0 =	seq.s32 s7, s2  }
0x1e: {  	s7 =	smul.u32 @!p0 $0xF7A, s2;
	p2 =	seq.s32 @!p0 s5, $0x0  }
0x1f: {  	s9 =	smul.u32 $0xF7A, s1;
	s8 =	simm.s32 @!p0 $0x1BF5;
	p2 =	por !p2, p0  }
0x20: {  	[sflag:s8] =	ssyncset.s32 @!p0 $0xFFFFF086;
	s6 =	sadd.s32 @!p0 s3, s7;
	s7 =	simm.s32 @!p0 $0x108  }
0x21: {  	s3 =	sadd.s32 s3, s9;
	s6 =	sadd.s32 @!p0 $0x88, s6;
	s7 =	simm.s32 @p2 $0x1082  }
0x22: {  	[simem:s7], [sflag:s8] =	dma.local @!p0 [hbm:s6], $0xF7A  }
0x23: {  	s9 =	sor.u32 $0xD0000000, s2;
	s6 =	simm.s32 $0x108;
	_ =	swait.ge @!p0 [sflag:s8], $0x0  }
0x24: {  	s3 =	sadd.s32 $0x88, s3;
	s6 =	simm.s32 @!p1 $0x1082;
	[sflag:s4] =	ssyncset.s32 $0xFFFFF086  }
0x25: {  	[simem:s6], [sflag:s4] =	dma.local [hbm:s3], $0xF7A  }
0x26: {  	[smem:$0x3F9E] =	sst s1;
	(tag) =	ssettag s2;
	_ =	strace s9  }
0x27: {  	s1 =	sld [smem:$0x3FAE]  }
0x28: {  	s2 =	sld [smem:$0x3FAF]  }
0x29: {  	s4 =	sld [smem:$0x3FB1]  }
0x2a: {  	p0 =	seq.s32 s5, $0x0;
	s5 =	sld [smem:$0x3FB2]  }
0x2b: {  	s6 =	sld [smem:$0x3FB3]  }
0x2c: {  	s7 =	sld [smem:$0x3FB4]  }
0x2d: {  	s3 =	simm.s32 $0x108;
	s8 =	sld [smem:$0x3FB5]  }
0x2e: {  	s3 =	simm.s32 @!p0 $0x1082;
	s9 =	sld [smem:$0x3FB6]  }
0x2f: {  	lr =	sadd.s32 s0, s3;
	s0 =	sld [smem:$0x3FAD]  }
0x30: {  	s3 =	sld [smem:$0x3FB0]  }
0x31: {  	[smem:$0x3FB9] =	sst s10  }
0x32: {  	s10 =	sld [smem:$0x3FB7];
	_ =	sdelay $0x3  }
0x33: {  	p0 =	seq.s32 s10, $0x1;
	s10 =	sld [smem:$0x3FB9];
	_ =	sdelay $0x3  }
0x34: {  	[smem:$0x3FB9] =	sst s10  }
0x35: {  	s10 =	sld [smem:$0x3FB8];
	_ =	sdelay $0x3  }
0x36: {  	p1 =	seq.s32 s10, $0x1;
	s10 =	sld [smem:$0x3FB9];
	_ =	sdelay $0x3  }
0x37: {  	[smem:$0x3FB9] =	sst s10  }
0x38: {  	s10 =	sld [smem:$0x3FBA]  }
0x39: {  	_ = 	snop;
	(pc) =	sbr.ind lr, $3  }
0x3a: {  	_ = 	snop  }
0x3b: {  	_ = 	snop  }
0x3c: {  	p2 =	seq.s32 s10, $0x1;
	s10 =	sld [smem:$0x3FB9]  }
0x3d: {  	_ =	shalt  }
0x3e: {  	_ =	shalt  }
0x3f: {  	_ =	shalt  }
0x40: {  	_ =	shalt  }
0x41: {  	_ =	shalt  }
0x42: {  	_ =	shalt  }
0x43: {  	_ =	shalt  }
0x44: {  	_ =	shalt  }
0x45: {  	_ =	shalt  }
0x46: {  	_ =	shalt  }
0x47: {  	_ =	shalt  }
0x48: {  	_ =	shalt  }
0x49: {  	_ =	shalt  }
0x4a: {  	_ =	shalt  }
0x4b: {  	_ =	shalt  }
0x4c: {  	_ =	shalt  }
0x4d: {  	_ =	shalt  }
0x4e: {  	_ =	shalt  }
0x4f: {  	_ =	shalt  }
0x50: {  	_ =	shalt  }
0x51: {  	_ =	shalt  }
0x52: {  	_ =	shalt  }
0x53: {  	_ =	shalt  }
0x54: {  	_ =	shalt  }
0x55: {  	_ =	shalt  }
0x56: {  	_ =	shalt  }
0x57: {  	_ =	shalt  }
0x58: {  	_ =	shalt  }
0x59: {  	_ =	shalt  }
0x5a: {  	_ =	shalt  }
0x5b: {  	_ =	shalt  }
0x5c: {  	_ =	shalt  }
0x5d: {  	_ =	shalt  }
0x5e: {  	_ =	shalt  }
0x5f: {  	_ =	shalt  }
0x60: {  	_ =	shalt  }
0x61: {  	_ =	shalt  }
0x62: {  	_ =	shalt  }
0x63: {  	_ =	shalt  }
0x64: {  	_ =	shalt  }
0x65: {  	_ =	shalt  }
0x66: {  	_ =	shalt  }
0x67: {  	_ =	shalt  }
0x68: {  	_ =	shalt  }
0x69: {  	_ =	shalt  }
0x6a: {  	_ =	shalt  }
0x6b: {  	_ =	shalt  }
0x6c: {  	_ =	shalt  }
0x6d: {  	_ =	shalt  }
0x6e: {  	_ =	shalt  }
0x6f: {  	_ =	shalt  }
0x70: {  	_ =	shalt  }
0x71: {  	_ =	shalt  }
0x72: {  	_ =	shalt  }
0x73: {  	_ =	shalt  }
0x74: {  	_ =	shalt  }
0x75: {  	_ =	shalt  }
0x76: {  	_ =	shalt  }
0x77: {  	_ =	shalt  }
0x78: {  	_ =	shalt  }
0x79: {  	_ =	shalt  }
0x7a: {  	_ =	shalt  }
0x7b: {  	_ =	shalt  }
0x7c: {  	_ =	shalt  }
0x7d: {  	_ =	shalt  }
0x7e: {  	_ =	shalt  }
0x7f: {  	_ =	shalt  }
0x80: {  	_ =	shalt  }
0x81: {  	_ =	shalt  }
0x82: {  	_ =	shalt  }
0x83: {  	_ =	shalt  }
0x84: {  	_ =	shalt  }
0x85: {  	_ =	shalt  }
0x86: {  	_ =	shalt  }
0x87: {  	_ =	shalt  }
.Lfunc_end0:
.L_simem_size_0:
called_computation_lowered:
.L_overlay_start_0:
0x88: {  	s2 =	sld [smem:$0x3FD9]  }
0x89: {  	s3 =	sld [smem:$0x3FFE];
	_ =	sdelay $0x1  }
0x8a: {  	s1 =	srdreg.scid  }
0x8b: {  	s0 =	sand.u32 $0x1, s1  }
0x8c: {  	s16 =	sshll.u32 s0, $0xA;
	s2 =	sadd.s32 s3, s2  }
0x8d: {  	s2 =	sadd.s32 s2, s16  }
0x8e: {  	[smem:$0x3FC5] =	sst s2  }
0x8f: {  	_ = 	snop  }
0x90: {  	(tm) =	ssettm $0x1  }
0x91: {  	s17 =	sld [smem:$0x3FFB];
	_ =	sdelay $0x3  }
0x92: {  	_ =	strace s17  }
0x93: {  	s2 =	sld [smem:$0x3FFC];
	_ =	sdelay $0x3  }
0x94: {  	_ =	strace s2  }
0x95: {  	s2 =	sld [smem:$0x3FFD];
	_ =	sdelay $0x3  }
0x96: {  	_ =	strace s2  }
0x97: {  	_ =	strace $0x8FFFFFFF  }
0x98: {  	s18 =	sld [smem:$0x3FDB];
	_ =	sdelay $0x1  }
0x99: {  	s19 =	simm.s32 $_scs_section_size  }
0x9a: {  	s4 =	simm.s32 $_size__tile_overlayer_lowered;
	s5 =	simm.s32 $_tile_overlayer_lowered  }
0x9b: {  	s22 =	simm.s32 $0x1BFF;
	s21 =	sshll.u32 s5, $0x1;
	s2 =	sadd.s32 s19, s18  }
0x9c: {  	s6 =	simm.s32 $0x0;
	s20 =	sshll.u32 s4, $0x1;
	s4 =	sadd.s32 s21, s2  }
0x9d: {  	[timem:s6], [sflag:s22] =	dma.local [hbm:s4], s20  }
0x9e: {  	_ =	swait.ge [sflag:s22], s20  }
0x9f: {  	s3 =	ssub.s32 $0x0, s20;
	[sflag:s22] =	ssyncset.done $0x0  }
0xa0: {  	[sflag:s22] =	ssyncadd.s32 s3;
	_ =	sdelay $0x1  }
0xa1: {  	s23 =	simm.s32 $0x1B8B  }
0xa2: {  	_ =	swait.ge [sflag:s23], $0x1  }
0xa3: {  	[sflag:s23] =	ssyncset.done $0x0  }
0xa4: {  	s25 =	simm.s32 $0x1B8E;
	s24 =	sld [smem:$0x3FFE];
	[sflag:s23] =	ssyncadd.s32 $0xFFFFFFFF  }
0xa5: {  	s26 =	simm.s32 $execute0_lowered;
	[smem:$0x3FD2] =	sst s25  }
0xa6: {  	s4 =	sshll.u32 s26, $0x1;
	_ =	strace $0x80000046;
	[dreg:$0x1] =	wrdreg $0xFFFFFFFF  }
0xa7: {  	s28 =	simm.s32 $_size_execute0_lowered;
	s2 =	sadd.s32 s2, s4;
	[dreg:$0x0] =	wrdreg $0x0  }
0xa8: {  	s4 =	sshll.u32 s28, $0x1;
	[dreg:$0x2] =	wrdreg s2  }
0xa9: {  	[dreg:$0x3] =	wrdreg s4  }
0xaa: {  	[dreg:$0x4] =	wrdreg $0xC0  }
0xab: {  	_ =	task [dreg:s6], $0x5FFFF  }
0xac: {  	[dreg:$0x1] =	wrdreg $0xFFFFFFFF  }
0xad: {  	[dreg:$0x0] =	wrdreg $0x60  }
0xae: {  	[dreg:$0x2] =	wrdreg s24  }
0xaf: {  	[dreg:$0x3] =	wrdreg $0x9  }
0xb0: {  	_ =	task.clear_ibuf [dreg:s6], $0x4FFFF;
	_ =	strace $0x90000046  }
0xb1: {  	s29 =	simm.s32 $0x9;
	_ =	strace $0x80000048  }
0xb2: {  	_ =	swait.ge [sflag:s29], $0x1  }
0xb3: {  	[sflag:s29] =	ssyncadd.s32 $0xFFFFFFFF  }
0xb4: {  	_ =	strace $0x90000048  }
0xb5: {  	_ =	sfence  }
0xb6: {  	s30 =	sld [smem:$0x0];
	_ =	sdelay $0x2  }
0xb7: {  	s31 =	sshll.u32 s1, $0xD;
	s1 =	sshrl.u32 s1, $0x2  }
0xb8: {  	s3 =	sand.u32 $0x4000, s31;
	s1 =	sadd.s32 s1, s30  }
0xb9: {  	s0 =	sor.u32 s3, s0;
	s1 =	sshll.u32 s1, $0x11  }
0xba: {  	s0 =	sor.u32 s1, s0  }
0xbb: {  	s0 =	sadd.s32 $0x8F2B, s0  }
0xbc: {  	[sflag:s0] =	ssyncadd.remote.s32 $0x1  }
0xbd: {  	_ =	sfence.sel $0xFFFF  }
0xbe: {  	[dreg:$0x0] =	wrdreg $0xFFFFFFFF;
	(pc) =	sbr.abs _section_cstart, $3  }
0xbf: {  	[dreg:$0x1] =	wrdreg $0xFFFFFFFF  }
0xc0: {  	_ =	task.clear_ibuf [dreg:s6], $0x2FFFF;
	_ =	strace $0x9FFFFFFF  }
0xc1: {  	(tm) =	ssettm $0x7FFFFFFF  }
tec
execute0_lowered:
.L_overlay_start_1:
0x0: {  	(tag) =	ssettag $0x1  }
0x1: {  	s1 =	srdreg.scid  }
0x2: {  	s0 =	stileid.u32;
	s4 =	rddreg [dreg:$0x0];
	s2 =	simm.s32 $0x0  }
0x3: {  	s10 =	simm.s32 $0x800;
	s11 =	simm.s32 $0x10000;
	s12 =	simm.s32 $0x5000  }
0x4: {  	s13 =	simm.s32 $0x1;
	s14 =	simm.s32 $0x2;
	s15 =	simm.s32 $0xC800  }
0x5: {  	s3 =	sand.u32 $0x1, s1;
	s5 =	sshll.u32 s0, $0x1;
	s1 =	rddreg [dreg:$0x1]  }
0x6: {  	s16 =	simm.s32 $0x0;
	[smem:$0x7FF] =	sst s2;
	s5 =	sor.u32 s3, s5  }
0x7: {  	_ =	strace $0x80000047;
	s7 =	ssub.s32 $0x2, s3;
	s3 =	sadd.s32 $0x28400, s4  }
0x8: {  	s6 =	sshll.u32 s5, $0x8;
	s5 =	sshll.u32 s5, $0x1;
	s8 =	sshrl.u32 s7, $0x1  }
0x9: {  	s6 =	sadd.s32 s6, s4;
	s9 =	sadd.s32 s5, s4;
	s7 =	ssub.s32 s7, s8  }
0xa: {  	s8 =	simm.s32 $0xA000;
	s4 =	sadd.s32 $0x400, s6;
	s5 =	sadd.s32 $0x14400, s6  }
0xb: {  	s6 =	sadd.s32 $0x28A00, s9;
	s7 =	smax.u32 s7, $0x1;
	s9 =	simm.s32 $0x3  }
.LBB2_1:
0xc: {  	[tilespmem:s8], [sflag:$0x3] =	stream.linear.gather [hbm4b:s3+s2], $0x2800, $0x38;
	[tilespmem:$0xC880] =	vst v63  }
0xd: {  	_ =	swait.ge [sflag:s9], $0x2800  }
0xe: {  	[sflag:s9] =	ssyncset.done $0x0  }
0xf: {  	[sflag:s9] =	ssyncadd.s32 $0xFFFFD800  }
0x10: {  	[tilespmem:s2], [sflag:$0x1] =	stream.strided.gather [hbm4b:s4+s10], $0x5000, s11, s10, $0x38;
	[tilespmem:$0xC880] =	vst v63  }
0x11: {  	_ = 	snop  }
0x12: {  	[tilespmem:s12], [sflag:$0x2] =	stream.strided.gather [hbm4b:s5+s10], $0x5000, s11, s10, $0x38;
	[tilespmem:$0xC880] =	vst v63  }
0x13: {  	_ =	swait.ge [sflag:s13], $0x5000  }
0x14: {  	[sflag:s13] =	ssyncset.done $0x0  }
0x15: {  	[sflag:s13] =	ssyncadd.s32 $0xFFFFB000  }
0x16: {  	_ =	swait.ge [sflag:s14], $0x5000  }
0x17: {  	[sflag:s14] =	ssyncset.done $0x0  }
0x18: {  	v5 =	vimm.f32 $0.0e+00;
	s17 =	simm.s32 $0x0;
	[sflag:s14] =	ssyncadd.s32 $0xFFFFB000  }
.LBB2_2:
0x19: {  	s21 =	sshll.u32 s17, $0x7;
	s18 =	sshll.u32 s17, $0x8  }
0x1a: {  	s20 =	simm.s32 $0x0;
	s18 =	sand.u32 $0x7800, s18;
	s19 =	sand.u32 $0x380, s21  }
0x1b: {  	s25 =	sand.u32 $0x40, s20;
	s18 =	sor.u32 s18, s19  }
0x1c: {  	s20 =	sand.u32 $0x400, s20;
	s19 =	sor.u32 s25, s18  }
0x1d: {  	s22 =	sor.u32 s20, s19  }
0x1e: {  	v12 =	vld [tilespmem:s22+$0x0];
	s19 =	sor.u32 $0x30, s22  }
0x1f: {  	s20 =	sor.u32 $0x20, s22;
	v8 =	vld [tilespmem:s19+$0x0]  }
0x20: {  	v10 =	vld [tilespmem:s20+$0x0]  }
0x21: {  	s26 =	sor.u32 $0x10, s22  }
0x22: {  	v11 =	vld [tilespmem:s26+$0x0]  }
0x23: {  	v0 =	vand.u32 $0x7FFFFFFF, v12  }
0x24: {  	s28 =	simm.s32 $0x40;
	v4 =	vld [tilespmem:s22+$0x5030];
	v1 =	vand.u32 $0x7FFFFFFF, v8;
	v0 =	vsub.f32 $0.0e+00, v0  }
0x25: {  	v9 =	vld [tilespmem:s22+$0x5010];
	s19 =	sand.u32 $0x40, s28;
	s20 =	simm.s32 $0x200;
	v2 =	vand.u32 $0x7FFFFFFF, v10;
	v1 =	vsub.f32 $0.0e+00, v1  }
0x26: {  	v13 =	vld [tilespmem:s22+$0x5000];
	s23 =	sand.u32 $0x400, s20;
	s19 =	sor.u32 s19, s18;
	v2 =	vsub.f32 $0.0e+00, v2;
	v0 =	vmul.f32 $1.442695020e+00, v0  }
0x27: {  	v6 =	vld [tilespmem:s22+$0x5020];
	s19 =	sor.u32 s23, s19;
	v3 =	vand.u32 $0x7FFFFFFF, v11;
	v7 =	vmul.f32 $1.442695020e+00, v1  }
0x28: {  	s30 =	sor.u32 $0x20, s19;
	v3 =	vsub.f32 $0.0e+00, v3;
	v14 =	vmul.f32 $1.442695020e+00, v2;
	(erf) = vpow2.f32 v0  }
0x29: {  	vm0 =	vgt.s32 v4, $0x0;
	v4 =	vld [tilespmem:s30+$0x0];
	(erf) = vpow2.f32 v7  }
0x2a: {  	s21 =	sand.u32 $0x3FFFFF80, s21;
	v2 =	vld [tilespmem:s19+$0x0];
	v0 =	vmul.f32 $1.442695020e+00, v3;
	(erf) = vpow2.f32 v14  }
0x2b: {  	s29 =	sor.u32 $0x30, s19;
	vm3 =	vgt.s32 v13, $0x0;
	vm1 =	vgt.s32 v9, $0x0;
	v1 =	vld [tilespmem:s21+$0xA000]  }
0x2c: {  	vm2 =	vgt.s32 v6, $0x0;
	vm4 =	vge.f32 v12, $0.0e+00;
	v3 =	vld [tilespmem:s29+$0x0];
	(erf) = vpow2.f32 v0  }
0x2d: {  	v9 =	vmax.f32 v10, $0.0e+00;
	v6 =	vmax.f32 v8, $0.0e+00;
	vm5 =	vge.f32 v10, $0.0e+00  }
0x2e: {  	vm6 =	vge.f32 v8, $0.0e+00;
	vm7 =	vge.f32 v11, $0.0e+00;
	v20 =	vand.u32 $0x7FFFFFFF, v4  }
0x2f: {  	v7 =	vmax.f32 v12, $0.0e+00;
	v14 =	vmax.f32 v11, $0.0e+00;
	v13 =	vand.u32 $0x7FFFFFFF, v2  }
0x30: {  	v15 =	vnsel vm0, $0x0, v1;
	v16 =	vnsel vm1, $0x0, v1;
	v17 =	vnsel vm2, $0x0, v1  }
0x31: {  	v18 =	vnsel vm3, $0x0, v1;
	v21 =	vand.u32 $0x7FFFFFFF, v3;
	v10 =	vmul.f32 v17, v10;
	v19 =	vpop (erf)  }
0x32: {  	v8 =	vmul.f32 v15, v8;
	v11 =	vmul.f32 v16, v11;
	v13 =	vsub.f32 $0.0e+00, v13;
	v22 =	vpop (erf)  }
0x33: {  	v21 =	vsub.f32 $0.0e+00, v21;
	v15 =	vadd.f32 $1.000000000e+00, v19;
	v17 =	vmul.f32 $1.702961140e-02, v19;
	v25 =	vpop (erf)  }
0x34: {  	v23 =	vadd.f32 $1.000000000e+00, v22;
	v26 =	vmul.f32 $1.702961140e-02, v22;
	v16 =	vmul.f32 $1.702961140e-02, v25  }
0x35: {  	v27 =	vpop (erf);
	v29 =	vadd.f32 $1.000000000e+00, v25;
	(erf) = vrcp.f32 v15;
	v15 =	vsub.f32 $8.152318000e-02, v17  }
0x36: {  	v28 =	vmul.f32 $1.702961140e-02, v27;
	v17 =	vadd.f32 $1.000000000e+00, v27;
	v16 =	vsub.f32 $8.152318000e-02, v16  }
0x37: {  	(erf) = vrcp.f32 v23;
	v23 =	vsub.f32 $8.152318000e-02, v26;
	v15 =	vmul.f32 v15, v19  }
0x38: {  	(erf) = vrcp.f32 v29;
	v26 =	vsub.f32 $8.152318000e-02, v28;
	v16 =	vmul.f32 v16, v25  }
0x39: {  	(erf) = vrcp.f32 v17;
	v17 =	vmul.f32 v23, v22;
	v15 =	vadd.f32 $-1.890195460e-01, v15  }
0x3a: {  	v28 =	vmul.f32 v18, v12;
	v23 =	vmul.f32 v26, v27;
	v12 =	vadd.f32 $-1.890195460e-01, v16  }
0x3b: {  	v20 =	vsub.f32 $0.0e+00, v20;
	v16 =	vadd.f32 $-1.890195460e-01, v17;
	v15 =	vmul.f32 v15, v19  }
0x3c: {  	v17 =	vmul.f32 $1.442695020e+00, v13;
	v18 =	vadd.f32 $-1.890195460e-01, v23;
	v23 =	vmul.f32 v12, v25  }
0x3d: {  	v13 =	vmul.f32 $1.442695020e+00, v21;
	v16 =	vmul.f32 v16, v22;
	v15 =	vadd.f32 $3.150412740e-01, v15  }
0x3e: {  	v12 =	vmul.f32 $1.442695020e+00, v20;
	v18 =	vmul.f32 v18, v27;
	v21 =	vpop (erf);
	v20 =	vadd.f32 $3.150412740e-01, v23  }
0x3f: {  	v16 =	vadd.f32 $3.150412740e-01, v16;
	v15 =	vmul.f32 v15, v19;
	v26 =	vsub.f32 $1.000000000e+00, v21  }
0x40: {  	(erf) = vpow2.f32 v17;
	v18 =	vadd.f32 $3.150412740e-01, v18;
	v23 =	vpop (erf);
	v20 =	vmul.f32 v20, v25  }
0x41: {  	v16 =	vmul.f32 v16, v22;
	v15 =	vadd.f32 $-4.972033200e-01, v15;
	v17 =	vsel vm4, v21, v26;
	v29 =	vpop (erf)  }
0x42: {  	v30 =	vsub.f32 $1.000000000e+00, v23;
	v18 =	vmul.f32 v18, v27;
	v33 =	vsub.f32 $1.000000000e+00, v29  }
0x43: {  	v31 =	vpop (erf);
	v16 =	vadd.f32 $-4.972033200e-01, v16;
	v20 =	vadd.f32 $-4.972033200e-01, v20;
	v15 =	vmul.f32 v15, v19  }
0x44: {  	v32 =	vsub.f32 $1.000000000e+00, v31;
	v18 =	vadd.f32 $-4.972033200e-01, v18;
	v23 =	vsel vm6, v23, v30  }
0x45: {  	v26 =	vsel vm5, v29, v33;
	v29 =	vsub.f32 v1, v17;
	v30 =	vsub.f32 v1, v23  }
0x46: {  	v16 =	vmul.f32 v16, v22;
	v20 =	vmul.f32 v20, v25;
	v15 =	vadd.f32 $9.998325700e-01, v15  }
0x47: {  	v21 =	vsel vm7, v31, v32;
	v56 =	vsub.f32 v1, v26;
	v18 =	vmul.f32 v18, v27  }
0x48: {  	v31 =	vsub.f32 v1, v21;
	v29 =	vand.u32 $0x7FFFFFFF, v29;
	v20 =	vadd.f32 $9.998325700e-01, v20  }
0x49: {  	v15 =	vmul.f32 v15, v19;
	v17 =	vsel vm3, v29, v17;
	v29 =	vand.u32 $0x7FFFFFFF, v30  }
0x4a: {  	v32 =	vand.u32 $0x7FFFFFFF, v56;
	v57 =	vmul.f32 v17, v17;
	v31 =	vand.u32 $0x7FFFFFFF, v31  }
0x4b: {  	v29 =	vsel vm0, v29, v23;
	v34 =	vmul.f32 $5.000000000e-01, v17;
	v26 =	vsel vm2, v32, v26  }
0x4c: {  	v23 =	vshra.s32 v17, $0x1;
	v21 =	vsel vm1, v31, v21;
	v17 =	vmul.f32 v26, v26  }
0x4d: {  	v19 =	vsub.s32 $0x5F3759DF, v23;
	v35 =	vshra.s32 v26, $0x1;
	v26 =	vmul.f32 $5.000000000e-01, v26  }
0x4e: {  	v58 =	vadd.f32 $9.998325700e-01, v16;
	v23 =	vmul.f32 v21, v21;
	v59 =	vmul.f32 v19, v34  }
0x4f: {  	v60 =	vshra.s32 v21, $0x1;
	v21 =	vmul.f32 $5.000000000e-01, v21;
	v35 =	vsub.s32 $0x5F3759DF, v35  }
0x50: {  	s31 =	sor.u32 $0x10, s19;
	v16 =	vmul.f32 v29, v29;
	v32 =	vsub.s32 $0x5F3759DF, v60;
	v37 =	vmul.f32 v35, v26  }
0x51: {  	v0 =	vld [tilespmem:s31+$0x0];
	v39 =	vadd.f32 $9.998325700e-01, v18;
	v31 =	vmul.f32 v19, v59;
	v36 =	vmul.f32 v32, v21  }
0x52: {  	v38 =	vshra.s32 v29, $0x1;
	v29 =	vmul.f32 $5.000000000e-01, v29;
	v18 =	vmul.f32 v35, v37  }
0x53: {  	v38 =	vsub.s32 $0x5F3759DF, v38;
	v31 =	vsub.f32 $1.500000000e+00, v31;
	v36 =	vmul.f32 v32, v36  }
0x54: {  	v33 =	vmul.f32 v58, v22;
	v61 =	vmul.f32 v38, v29;
	v22 =	vsub.f32 $1.500000000e+00, v18  }
0x55: {  	v20 =	vmul.f32 v20, v25;
	v31 =	vmul.f32 v19, v31;
	v19 =	vsub.f32 $1.500000000e+00, v36  }
0x56: {  	v24 =	vand.u32 $0x7FFFFFFF, v0;
	v25 =	vmul.f32 v38, v61;
	v22 =	vmul.f32 v35, v22  }
0x57: {  	v18 =	vsub.f32 $0.0e+00, v24;
	v24 =	vmul.f32 v31, v34;
	v32 =	vmul.f32 v32, v19  }
0x58: {  	v25 =	vsub.f32 $1.500000000e+00, v25;
	v26 =	vmul.f32 v22, v26  }
0x59: {  	v15 =	vadd.f32 $1.693662630e-06, v15;
	v24 =	vmul.f32 v24, v31;
	v62 =	vmul.f32 v32, v21  }
0x5a: {  	v27 =	vmul.f32 v39, v27;
	v19 =	vadd.f32 $1.693662630e-06, v33;
	v21 =	vmul.f32 v38, v25  }
0x5b: {  	v26 =	vmul.f32 v26, v22;
	v25 =	vsub.f32 $1.500000000e+00, v24;
	v63 =	vmul.f32 v62, v32  }
0x5c: {  	v24 =	vadd.f32 $1.693662630e-06, v20;
	v20 =	vadd.f32 $1.693662630e-06, v27;
	v27 =	vmul.f32 v21, v29  }
0x5d: {  	v29 =	vadd.f32 v15, v7;
	v31 =	vmul.f32 v25, v31;
	v33 =	vsub.f32 $1.500000000e+00, v63  }
0x5e: {  	v15 =	vsub.f32 $1.500000000e+00, v26;
	v14 =	vadd.f32 v20, v14;
	v26 =	vmul.f32 v27, v21  }
0x5f: {  	s21 =	simm.s32 $0x80;
	v7 =	vpop (erf);
	v25 =	vsub.f32 v29, v28;
	v27 =	vmul.f32 v31, v57;
	v20 =	vmul.f32 v33, v32  }
.LBB2_3:
0x60: {  	p0 =	sne.s32 s21, $0xC0;
	v28 =	vld [tilespmem:s19+$0x5030];
	v9 =	vadd.f32 v24, v9;
	v15 =	vmul.f32 v15, v22;
	v22 =	vsub.f32 $1.500000000e+00, v26  }
0x61: {  	s22 =	sand.u32 $0x40, s21;
	s20 =	sadd.s32 $0x200, s20;
	v11 =	vsub.f32 v14, v11;
	v24 =	vld [tilespmem:s19+$0x5020];
	v25 =	vmul.f32 v27, v25;
	v14 =	vmul.f32 v20, v23  }
0x62: {  	v6 =	vadd.f32 v19, v6;
	s23 =	sand.u32 $0x400, s20;
	s22 =	sor.u32 s22, s18;
	v20 =	vld [tilespmem:s19+$0x5010];
	v9 =	vsub.f32 v9, v10;
	v10 =	vmul.f32 v22, v21  }
0x63: {  	v19 =	vld [tilespmem:s19+$0x5000];
	s19 =	sor.u32 s23, s22;
	v5 =	vadd.f32 v25, v5;
	v11 =	vmul.f32 v14, v11;
	v14 =	vmul.f32 v15, v17  }
0x64: {  	v6 =	vsub.f32 v6, v8;
	v15 =	vmul.f32 $1.442695020e+00, v18;
	v17 =	vld [tilespmem:s19+$0x0];
	(erf) = vpow2.f32 v13  }
0x65: {  	v5 =	vadd.f32 v11, v5;
	v8 =	vmul.f32 v14, v9;
	v9 =	vmul.f32 v10, v16  }
0x66: {  	s22 =	sor.u32 $0x30, s19;
	v14 =	vmax.f32 v2, $0.0e+00;
	vm0 =	vgt.s32 v28, $0x0;
	(erf) = vpow2.f32 v12  }
0x67: {  	s23 =	sor.u32 $0x20, s19;
	v11 =	vld [tilespmem:s22+$0x0];
	(erf) = vpow2.f32 v15;
	v5 =	vadd.f32 v8, v5;
	v6 =	vmul.f32 v9, v6  }
0x68: {  	vm2 =	vgt.s32 v24, $0x0;
	s22 =	sor.u32 $0x10, s19;
	vm1 =	vgt.s32 v20, $0x0;
	v12 =	vld [tilespmem:s23+$0x0];
	vm3 =	vgt.s32 v19, $0x0  }
0x69: {  	vm4 =	vge.f32 v2, $0.0e+00;
	v13 =	vand.u32 $0x7FFFFFFF, v17;
	v16 =	vld [tilespmem:s22+$0x0];
	v5 =	vadd.f32 v6, v5  }
0x6a: {  	v9 =	vmax.f32 v4, $0.0e+00;
	v8 =	vnsel vm0, $0x0, v1;
	v6 =	vmax.f32 v3, $0.0e+00  }
0x6b: {  	v15 =	vmax.f32 v0, $0.0e+00;
	v10 =	vnsel vm2, $0x0, v1;
	v20 =	vnsel vm1, $0x0, v1  }
0x6c: {  	vm5 =	vge.f32 v4, $0.0e+00;
	vm6 =	vge.f32 v3, $0.0e+00;
	v23 =	vnsel vm3, $0x0, v1  }
0x6d: {  	vm7 =	vge.f32 v0, $0.0e+00;
	v25 =	vand.u32 $0x7FFFFFFF, v11;
	v24 =	vand.u32 $0x7FFFFFFF, v12;
	v19 =	vpop (erf)  }
0x6e: {  	v10 =	vmul.f32 v10, v4;
	v8 =	vmul.f32 v8, v3;
	v3 =	vmovc v11;
	v4 =	vmovc v12;
	v18 =	vand.u32 $0x7FFFFFFF, v16  }
0x6f: {  	v26 =	vmul.f32 $1.702961140e-02, v7;
	v11 =	vmul.f32 v20, v0;
	v12 =	vadd.f32 $1.000000000e+00, v7;
	v22 =	vpop (erf)  }
0x70: {  	v27 =	vadd.f32 $1.000000000e+00, v19;
	v28 =	vmul.f32 $1.702961140e-02, v19;
	v20 =	vmul.f32 $1.702961140e-02, v22;
	v21 =	vpop (erf)  }
0x71: {  	v0 =	vmovc v16;
	v30 =	vadd.f32 $1.000000000e+00, v22;
	v29 =	vmul.f32 $1.702961140e-02, v21;
	(erf) = vrcp.f32 v12  }
0x72: {  	v12 =	vsub.f32 $8.152318000e-02, v26;
	v16 =	vadd.f32 $1.000000000e+00, v21;
	(erf) = vrcp.f32 v27  }
0x73: {  	v26 =	vsub.f32 $8.152318000e-02, v28;
	v20 =	vsub.f32 $8.152318000e-02, v20;
	(erf) = vrcp.f32 v30  }
0x74: {  	v12 =	vmul.f32 v12, v7;
	v27 =	vsub.f32 $8.152318000e-02, v29;
	(erf) = vrcp.f32 v16  }
0x75: {  	v13 =	vsub.f32 $0.0e+00, v13;
	v26 =	vmul.f32 v26, v19;
	v16 =	vmul.f32 v20, v22  }
0x76: {  	v25 =	vsub.f32 $0.0e+00, v25;
	v12 =	vadd.f32 $-1.890195460e-01, v12;
	v27 =	vmul.f32 v27, v21  }
0x77: {  	v20 =	vmul.f32 v23, v2;
	v2 =	vmovc v17;
	v23 =	vadd.f32 $-1.890195460e-01, v26;
	v16 =	vadd.f32 $-1.890195460e-01, v16  }
0x78: {  	v17 =	vmul.f32 $1.442695020e+00, v13;
	v12 =	vmul.f32 v12, v7;
	v26 =	vadd.f32 $-1.890195460e-01, v27  }
0x79: {  	v28 =	vsub.f32 $0.0e+00, v24;
	v23 =	vmul.f32 v23, v19;
	v16 =	vmul.f32 v16, v22  }
0x7a: {  	v13 =	vmul.f32 $1.442695020e+00, v25;
	v25 =	vadd.f32 $3.150412740e-01, v12;
	v26 =	vmul.f32 v26, v21;
	v27 =	vpop (erf)  }
0x7b: {  	v12 =	vmul.f32 $1.442695020e+00, v28;
	v23 =	vadd.f32 $3.150412740e-01, v23;
	v16 =	vadd.f32 $3.150412740e-01, v16;
	v24 =	vpop (erf)  }
0x7c: {  	v25 =	vmul.f32 v25, v7;
	v28 =	vsub.f32 $1.000000000e+00, v27;
	v26 =	vadd.f32 $3.150412740e-01, v26;
	v29 =	vpop (erf)  }
0x7d: {  	v23 =	vmul.f32 v23, v19;
	v16 =	vmul.f32 v16, v22;
	v30 =	vsub.f32 $1.000000000e+00, v24;
	v31 =	vpop (erf)  }
0x7e: {  	v26 =	vmul.f32 v26, v21;
	v33 =	vsub.f32 $1.000000000e+00, v29;
	v32 =	vsub.f32 $1.000000000e+00, v31  }
0x7f: {  	v23 =	vadd.f32 $-4.972033200e-01, v23;
	(erf) = vpow2.f32 v17;
	v17 =	vadd.f32 $-4.972033200e-01, v25  }
0x80: {  	v16 =	vadd.f32 $-4.972033200e-01, v16;
	v25 =	vsel vm4, v27, v28;
	v26 =	vadd.f32 $-4.972033200e-01, v26  }
0x81: {  	v24 =	vsel vm6, v24, v30;
	v28 =	vsel vm5, v29, v33;
	v27 =	vsel vm7, v31, v32  }
0x82: {  	v30 =	vsub.f32 v1, v24;
	v29 =	vsub.f32 v1, v25;
	v17 =	vmul.f32 v17, v7  }
0x83: {  	v23 =	vmul.f32 v23, v19;
	v32 =	vsub.f32 v1, v28;
	v31 =	vsub.f32 v1, v27  }
0x84: {  	v16 =	vmul.f32 v16, v22;
	v26 =	vmul.f32 v26, v21;
	v29 =	vand.u32 $0x7FFFFFFF, v29  }
0x85: {  	v33 =	vadd.f32 $9.998325700e-01, v17;
	v17 =	vsel vm3, v29, v25;
	v25 =	vand.u32 $0x7FFFFFFF, v30  }
0x86: {  	v30 =	vand.u32 $0x7FFFFFFF, v31;
	v31 =	vand.u32 $0x7FFFFFFF, v32;
	v29 =	vmul.f32 v17, v17  }
0x87: {  	v34 =	vadd.f32 $9.998325700e-01, v23;
	v32 =	vadd.f32 $9.998325700e-01, v16;
	v24 =	vsel vm0, v25, v24  }
0x88: {  	v35 =	vmul.f32 $5.000000000e-01, v17;
	v27 =	vsel vm1, v30, v27;
	v28 =	vsel vm2, v31, v28;
	v25 =	vpop (erf)  }
0x89: {  	v23 =	vshra.s32 v17, $0x1;
	v17 =	vmul.f32 v28, v28;
	v16 =	vmul.f32 v24, v24  }
0x8a: {  	v30 =	vmul.f32 v33, v7;
	v31 =	vsub.s32 $0x5F3759DF, v23;
	v23 =	vmul.f32 v27, v27;
	v7 =	vmovc v25  }
0x8b: {  	v33 =	vshra.s32 v27, $0x1;
	v27 =	vmul.f32 $5.000000000e-01, v27;
	v25 =	vmul.f32 v31, v35  }
0x8c: {  	v36 =	vshra.s32 v28, $0x1;
	v28 =	vmul.f32 $5.000000000e-01, v28;
	v33 =	vsub.s32 $0x5F3759DF, v33  }
0x8d: {  	v36 =	vsub.s32 $0x5F3759DF, v36;
	v37 =	vmul.f32 v33, v27;
	v25 =	vmul.f32 v31, v25  }
0x8e: {  	v39 =	vshra.s32 v24, $0x1;
	v40 =	vmul.f32 $5.000000000e-01, v24;
	v38 =	vmul.f32 v36, v28  }
0x8f: {  	v24 =	vsub.f32 $1.500000000e+00, v25;
	v25 =	vmul.f32 v33, v37;
	v37 =	vsub.s32 $0x5F3759DF, v39  }
0x90: {  	v26 =	vadd.f32 $9.998325700e-01, v26;
	v38 =	vmul.f32 v36, v38;
	v39 =	vmul.f32 v37, v40  }
0x91: {  	v19 =	vmul.f32 v34, v19;
	v31 =	vmul.f32 v31, v24;
	v24 =	vsub.f32 $1.500000000e+00, v25  }
0x92: {  	v25 =	vmul.f32 v32, v22;
	v22 =	vsub.f32 $1.500000000e+00, v38;
	v32 =	vmul.f32 v37, v39  }
0x93: {  	v18 =	vsub.f32 $0.0e+00, v18;
	v34 =	vmul.f32 v31, v35;
	v33 =	vmul.f32 v33, v24  }
0x94: {  	v26 =	vmul.f32 v26, v21;
	v22 =	vmul.f32 v36, v22;
	v21 =	vsub.f32 $1.500000000e+00, v32  }
0x95: {  	v30 =	vadd.f32 $1.693662630e-06, v30;
	v24 =	vmul.f32 v34, v31;
	v27 =	vmul.f32 v33, v27  }
0x96: {  	v19 =	vadd.f32 $1.693662630e-06, v19;
	v28 =	vmul.f32 v22, v28;
	v21 =	vmul.f32 v37, v21  }
.Ltmp0:
0x97: {  	v32 =	vsub.f32 $1.500000000e+00, v24;
	v27 =	vmul.f32 v27, v33;
	v24 =	vadd.f32 $1.693662630e-06, v25;
	(pc) =	sbr.rel @p0 .LBB2_3-.Ltmp0, $4  }
0x98: {  	v25 =	vadd.f32 $1.693662630e-06, v26;
	v26 =	vmul.f32 v28, v22;
	v28 =	vmul.f32 v21, v40  }
0x99: {  	v30 =	vadd.f32 v30, v14;
	v31 =	vmul.f32 v32, v31;
	v32 =	vsub.f32 $1.500000000e+00, v27  }
0x9a: {  	v14 =	vadd.f32 v25, v15;
	v15 =	vsub.f32 $1.500000000e+00, v26;
	v26 =	vmul.f32 v28, v21  }
0x9b: {  	s21 =	sadd.s32 $0x40, s21;
	v25 =	vsub.f32 v30, v20;
	v27 =	vmul.f32 v31, v29;
	v20 =	vmul.f32 v32, v33  }
0x9c: {  	v26 =	vsub.f32 $1.500000000e+00, v26;
	v9 =	vadd.f32 v24, v9;
	v15 =	vmul.f32 v15, v22  }
0x9d: {  	v11 =	vsub.f32 v14, v11;
	v38 =	vmul.f32 $1.442695020e+00, v18;
	(erf) = vpow2.f32 v13  }
0x9e: {  	v34 =	vld [tilespmem:s19+$0x5030];
	v6 =	vadd.f32 v19, v6;
	vm4 =	vge.f32 v2, $0.0e+00;
	v46 =	vadd.f32 $1.000000000e+00, v7  }
0x9f: {  	v37 =	vld [tilespmem:s19+$0x5020];
	v47 =	vmul.f32 $1.702961140e-02, v7;
	vm5 =	vge.f32 v4, $0.0e+00;
	vm6 =	vge.f32 v3, $0.0e+00  }
0xa0: {  	v39 =	vld [tilespmem:s19+$0x5010];
	vm7 =	vge.f32 v0, $0.0e+00;
	v33 =	vmul.f32 v27, v25;
	v35 =	vmul.f32 v20, v23  }
0xa1: {  	v40 =	vld [tilespmem:s19+$0x5000];
	(erf) = vpow2.f32 v12;
	v36 =	vmul.f32 v26, v21;
	v9 =	vsub.f32 v9, v10  }
0xa2: {  	v41 =	vmul.f32 v15, v17;
	(erf) = vpow2.f32 v38;
	v6 =	vsub.f32 v6, v8  }
0xa3: {  	v53 =	vsub.f32 $8.152318000e-02, v47;
	v11 =	vmul.f32 v35, v11;
	v5 =	vadd.f32 v33, v5  }
0xa4: {  	v8 =	vmax.f32 v2, $0.0e+00;
	v9 =	vmul.f32 v41, v9;
	v42 =	vmul.f32 v36, v16  }
0xa5: {  	v14 =	vmul.f32 v53, v7;
	v5 =	vadd.f32 v11, v5;
	vm0 =	vgt.s32 v34, $0x0  }
0xa6: {  	vm3 =	vgt.s32 v40, $0x0;
	vm1 =	vgt.s32 v39, $0x0;
	vm2 =	vgt.s32 v37, $0x0  }
0xa7: {  	v6 =	vmul.f32 v42, v6;
	v43 =	vnsel vm0, $0x0, v1;
	v14 =	vadd.f32 $-1.890195460e-01, v14  }
0xa8: {  	v45 =	vnsel vm2, $0x0, v1;
	v57 =	vnsel vm3, $0x0, v1;
	v5 =	vadd.f32 v9, v5  }
0xa9: {  	v9 =	vmax.f32 v4, $0.0e+00;
	v4 =	vmul.f32 v45, v4;
	v58 =	vmul.f32 v14, v7;
	v12 =	vpop (erf)  }
0xaa: {  	v44 =	vnsel vm1, $0x0, v1;
	v63 =	vmul.f32 v57, v2;
	(erf) = vrcp.f32 v46;
	v16 =	vpop (erf)  }
0xab: {  	v49 =	vadd.f32 $1.000000000e+00, v12;
	v50 =	vmul.f32 $1.702961140e-02, v12;
	v60 =	vadd.f32 $3.150412740e-01, v58;
	v20 =	vpop (erf)  }
0xac: {  	v48 =	vmul.f32 $1.702961140e-02, v16;
	v52 =	vadd.f32 $1.000000000e+00, v16;
	v51 =	vmul.f32 $1.702961140e-02, v20  }
0xad: {  	v54 =	vadd.f32 $1.000000000e+00, v20;
	(erf) = vrcp.f32 v49;
	v55 =	vsub.f32 $8.152318000e-02, v50  }
0xae: {  	v10 =	vmul.f32 v60, v7;
	v17 =	vsub.f32 $8.152318000e-02, v48;
	(erf) = vrcp.f32 v52  }
0xaf: {  	v56 =	vsub.f32 $8.152318000e-02, v51;
	(erf) = vrcp.f32 v54;
	v18 =	vmul.f32 v55, v12  }
0xb0: {  	v11 =	vmul.f32 v44, v0;
	v10 =	vadd.f32 $-4.972033200e-01, v10;
	v17 =	vmul.f32 v17, v16  }
0xb1: {  	v5 =	vadd.f32 v6, v5;
	v19 =	vmul.f32 v56, v20;
	v18 =	vadd.f32 $-1.890195460e-01, v18  }
0xb2: {  	v6 =	vmax.f32 v3, $0.0e+00;
	v10 =	vmul.f32 v10, v7;
	v17 =	vadd.f32 $-1.890195460e-01, v17  }
0xb3: {  	v3 =	vmul.f32 v43, v3;
	v59 =	vadd.f32 $-1.890195460e-01, v19;
	v18 =	vmul.f32 v18, v12;
	v62 =	vpop (erf)  }
0xb4: {  	v10 =	vadd.f32 $9.998325700e-01, v10;
	v17 =	vmul.f32 v17, v16;
	v32 =	vsub.f32 $1.000000000e+00, v62  }
0xb5: {  	v54 =	vmax.f32 v0, $0.0e+00;
	v61 =	vmul.f32 v59, v20;
	v30 =	vadd.f32 $3.150412740e-01, v18  }
0xb6: {  	v7 =	vmul.f32 v10, v7;
	v29 =	vadd.f32 $3.150412740e-01, v17;
	v31 =	vpop (erf);
	v14 =	vsel vm4, v62, v32  }
0xb7: {  	v13 =	vadd.f32 $3.150412740e-01, v61;
	v33 =	vpop (erf);
	v17 =	vmul.f32 v30, v12;
	v34 =	vsub.f32 $1.000000000e+00, v31  }
0xb8: {  	v39 =	vsub.f32 v1, v14;
	v7 =	vadd.f32 $1.693662630e-06, v7;
	v15 =	vmul.f32 v29, v16;
	v35 =	vpop (erf)  }
0xb9: {  	v37 =	vsub.f32 $1.000000000e+00, v33;
	v13 =	vmul.f32 v13, v20;
	v36 =	vsub.f32 $1.000000000e+00, v35  }
0xba: {  	v17 =	vadd.f32 $-4.972033200e-01, v17;
	v18 =	vsel vm6, v31, v34;
	v22 =	vand.u32 $0x7FFFFFFF, v39  }
0xbb: {  	v15 =	vadd.f32 $-4.972033200e-01, v15;
	v21 =	vsel vm5, v33, v37;
	v40 =	vsub.f32 v1, v18  }
0xbc: {  	v14 =	vsel vm3, v22, v14;
	v13 =	vadd.f32 $-4.972033200e-01, v13;
	v38 =	vsel vm7, v35, v36  }
0xbd: {  	v41 =	vsub.f32 v1, v21;
	v17 =	vmul.f32 v17, v12;
	v43 =	vmul.f32 v14, v14  }
0xbe: {  	v44 =	vmul.f32 $5.000000000e-01, v14;
	v14 =	vshra.s32 v14, $0x1;
	v24 =	vsub.f32 v1, v38  }
0xbf: {  	v15 =	vmul.f32 v15, v16;
	v42 =	vand.u32 $0x7FFFFFFF, v40;
	v46 =	vsub.s32 $0x5F3759DF, v14  }
0xc0: {  	v13 =	vmul.f32 v13, v20;
	v1 =	vand.u32 $0x7FFFFFFF, v41;
	v18 =	vsel vm0, v42, v18  }
0xc1: {  	v48 =	vmul.f32 v46, v44;
	v24 =	vand.u32 $0x7FFFFFFF, v24;
	v1 =	vsel vm2, v1, v21  }
0xc2: {  	v45 =	vmul.f32 v18, v18;
	v19 =	vsel vm1, v24, v38;
	v21 =	vmul.f32 v1, v1  }
0xc3: {  	v47 =	vmul.f32 v19, v19;
	v49 =	vshra.s32 v19, $0x1;
	v19 =	vmul.f32 $5.000000000e-01, v19  }
0xc4: {  	v50 =	vshra.s32 v1, $0x1;
	v1 =	vmul.f32 $5.000000000e-01, v1;
	v26 =	vsub.s32 $0x5F3759DF, v49  }
0xc5: {  	v25 =	vmul.f32 v46, v48;
	v27 =	vsub.s32 $0x5F3759DF, v50;
	v28 =	vmul.f32 v26, v19  }
0xc6: {  	v30 =	vshra.s32 v18, $0x1;
	v18 =	vmul.f32 $5.000000000e-01, v18;
	v29 =	vmul.f32 v27, v1  }
0xc7: {  	v30 =	vsub.s32 $0x5F3759DF, v30;
	v25 =	vsub.f32 $1.500000000e+00, v25;
	v28 =	vmul.f32 v26, v28  }
0xc8: {  	v17 =	vadd.f32 $9.998325700e-01, v17;
	v31 =	vmul.f32 v30, v18;
	v29 =	vmul.f32 v27, v29  }
0xc9: {  	v15 =	vadd.f32 $9.998325700e-01, v15;
	v10 =	vmul.f32 v46, v25;
	v51 =	vsub.f32 $1.500000000e+00, v28  }
0xca: {  	v12 =	vmul.f32 v17, v12;
	v53 =	vmul.f32 v30, v31;
	v52 =	vsub.f32 $1.500000000e+00, v29  }
0xcb: {  	v7 =	vadd.f32 v7, v8;
	v22 =	vmul.f32 v10, v44;
	v25 =	vmul.f32 v26, v51  }
0xcc: {  	v15 =	vmul.f32 v15, v16;
	v17 =	vsub.f32 $1.500000000e+00, v53;
	v16 =	vmul.f32 v27, v52  }
0xcd: {  	v13 =	vadd.f32 $9.998325700e-01, v13;
	v55 =	vmul.f32 v22, v10;
	v19 =	vmul.f32 v25, v19  }
0xce: {  	v2 =	vsub.f32 v7, v63;
	v17 =	vmul.f32 v30, v17;
	v1 =	vmul.f32 v16, v1  }
0xcf: {  	v13 =	vmul.f32 v13, v20;
	v20 =	vsub.f32 $1.500000000e+00, v55;
	v19 =	vmul.f32 v19, v25  }
0xd0: {  	v12 =	vadd.f32 $1.693662630e-06, v12;
	v18 =	vmul.f32 v17, v18;
	v1 =	vmul.f32 v1, v16  }
0xd1: {  	v13 =	vadd.f32 $1.693662630e-06, v13;
	v56 =	vmul.f32 v20, v10;
	v57 =	vsub.f32 $1.500000000e+00, v19  }
0xd2: {  	v15 =	vadd.f32 $1.693662630e-06, v15;
	v58 =	vmul.f32 v18, v17;
	v1 =	vsub.f32 $1.500000000e+00, v1  }
0xd3: {  	v0 =	vadd.f32 v13, v54;
	v7 =	vmul.f32 v56, v43;
	v59 =	vmul.f32 v57, v25  }
0xd4: {  	v9 =	vadd.f32 v15, v9;
	v60 =	vsub.f32 $1.500000000e+00, v58;
	v1 =	vmul.f32 v1, v16  }
0xd5: {  	v0 =	vsub.f32 v0, v11;
	v2 =	vmul.f32 v7, v2;
	v7 =	vmul.f32 v59, v47  }
0xd6: {  	v6 =	vadd.f32 v12, v6;
	v4 =	vsub.f32 v9, v4;
	v61 =	vmul.f32 v60, v17  }
0xd7: {  	s17 =	sadd.s32 $0x1, s17;
	v2 =	vadd.f32 v2, v5;
	v1 =	vmul.f32 v1, v21;
	v0 =	vmul.f32 v7, v0  }
0xd8: {  	p0 =	sne.s32 s17, $0x50;
	v3 =	vsub.f32 v6, v3  }
.Ltmp1:
0xd9: {  	v62 =	vmul.f32 v61, v45;
	v1 =	vmul.f32 v1, v4;
	v0 =	vadd.f32 v0, v2;
	(pc) =	sbr.rel @p0 .LBB2_2-.Ltmp1, $3  }
0xda: {  	_ = 	snop  }
0xdb: {  	v63 =	vmul.f32 v62, v3;
	v0 =	vadd.f32 v1, v0;
	_ =	sdelay $0x1  }
0xdc: {  	v5 =	vadd.f32 v63, v0  }
0xdd: {  	s16 =	sadd.s32 $0x1, s16  }
0xde: {  	p0 =	sne.s32 s16, s7  }
.Ltmp2:
0xdf: {  	[tilespmem:$0xC800] =	vst v5;
	(pc) =	sbr.rel @p0 .LBB2_1-.Ltmp2, $4  }
0xe0: {  	[hbm4b:s6+s2] =	stream.linear.scatter [tilespmem:s15], [sflag:$0x3], $0x10, $0x38;
	[tilespmem:$0xC880] =	vst v63  }
0xe1: {  	_ =	swait.ge [sflag:s9], $0x10  }
0xe2: {  	[sflag:s9] =	ssyncset.done $0x0  }
0xe3: {  	[sflag:s9] =	ssyncadd.s32 $0xFFFFFFF0  }
0xe4: {  	_ =	sfence.sel $0x180000  }
0xe5: {  	[bflag:$0x0] =	sbarrier.arrive $0xFFFF  }
0xe6: {  	p0 =	sne.s32 s0, $0x0;
	_ =	strace $0x90000047  }
0xe7: {  	s0 =	sadd.s32 @!p0 $0x100000, s1;
	[bflag:$0x2] =	sbarrier.arrive $0xFFFF  }
0xe8: {  	[sflag:s0] =	ssyncadd.tile.s32 @!p0 $0x1;
	_ =	shalt  }
.Lfunc_end2:
_tile_overlayer_lowered:
.L_overlay_start_2:
0xe9: {  	(tag) =	ssettag $0x2  }
0xea: {  	s0 =	rddreg [dreg:$0x0];
	s2 =	stileid.u32  }
0xeb: {  	s1 =	rddreg [dreg:$0x1];
	p0 =	sne.s32 s2, $0x0  }
0xec: {  	s3 =	rddreg [dreg:$0x2];
	[bflag:$0x3] =	sbarrier.arrive $0xFFFF;
	s2 =	simm.s32 @!p0 $0x1C03  }
0xed: {  	[timem:s3], [sflag:s2] =	dma.local @!p0 [hbm:s0], s1  }
0xee: {  	s0 =	simm.s32 @!p0 $0x3  }
0xef: {  	_ =	swait.ge @!p0 [sflag:s0], s1  }
0xf0: {  	s1 =	ssub.s32 @!p0 $0x0, s1;
	[sflag:s0] =	ssyncset.done @!p0 $0x0  }
0xf1: {  	[sflag:s0] =	ssyncadd.s32 @!p0 s1  }
0xf2: {  	[bflag:$0x3] =	sbarrier.arrive $0xFFFF  }
0xf3: {  	_ =	shalt  }

</sc_bundles>
